<compile_context>
chip_gen: v7x
topology: tpu7x:2x2x1
jax: 0.10.2.dev20260603
libtpu: 0.0.44.dev20260713+nightly
codegen_flags: <defaults>
</compile_context>

<pallas_src>
import jax
import jax.numpy as jnp
from jax import lax
from jax.experimental import pallas as pl
from jax.experimental.pallas import tpu as pltpu
from jax.experimental.pallas import tpu_sc as plsc

N = 10000
E = 320000
D = 128
H = 4
HD = D // H
NEG_SLOPE = 0.2
EPS = 1e-10

NC = 2
NS = 16
NW = NC * NS
C = 128
EPW = E // NW
NFULL = EPW // C
TAIL = EPW - NFULL * C
ACCW = 144
ROWS_PER_TILE = N // NS


def _prep_body(x_ref, w_ref, b_ref, qm_ref, hid_ref, al_ref):
    h = lax.dot_general(x_ref[...], w_ref[...], (((1,), (1,)), ((), ())),
                        precision=jax.lax.Precision.HIGHEST,
                        preferred_element_type=jnp.float32) + b_ref[...]
    hid_ref[...] = h
    al_ref[...] = jnp.dot(h, qm_ref[...], precision=jax.lax.Precision.HIGHEST,
                          preferred_element_type=jnp.float32)


def _prep(x, w, b2, qm):
    blk = 2000
    return pl.pallas_call(
        _prep_body,
        grid=(N // blk,),
        in_specs=[
            pl.BlockSpec((blk, D), lambda i: (i, 0)),
            pl.BlockSpec((D, D), lambda i: (0, 0)),
            pl.BlockSpec((1, D), lambda i: (0, 0)),
            pl.BlockSpec((D, 16), lambda i: (0, 0)),
        ],
        out_specs=[
            pl.BlockSpec((blk, D), lambda i: (i, 0)),
            pl.BlockSpec((blk, 16), lambda i: (i, 0)),
        ],
        out_shape=[
            jax.ShapeDtypeStruct((N, D), jnp.float32),
            jax.ShapeDtypeStruct((N, 16), jnp.float32),
        ],
    )(x, w, b2, qm)


def _edge_block(nedge, base, ei_hbm, ew_hbm, alpha_hbm, hid_hbm,
                src_v, dst_v, ew_v, asrc_v, adst_v, hid_v, v_v, acc,
                sem0, sem1, sem2, iota):
    if nedge == C:
        sdst, ddst, edst = src_v, dst_v, ew_v
    else:
        sdst = src_v.at[pl.ds(0, nedge)]
        ddst = dst_v.at[pl.ds(0, nedge)]
        edst = ew_v.at[pl.ds(0, nedge)]
    cp0 = pltpu.async_copy(ei_hbm.at[pl.ds(base, nedge)], sdst, sem0)
    cp1 = pltpu.async_copy(ei_hbm.at[pl.ds(E + base, nedge)], ddst, sem1)
    cp2 = pltpu.async_copy(ew_hbm.at[pl.ds(base, nedge)], edst, sem2)
    cp0.wait()
    cp1.wait()
    cp2.wait()
    g0 = pltpu.async_copy(alpha_hbm.at[src_v], asrc_v, sem0)
    g1 = pltpu.async_copy(alpha_hbm.at[dst_v], adst_v, sem1)
    g2 = pltpu.async_copy(hid_hbm.at[src_v], hid_v, sem2)
    g0.wait()
    g1.wait()

    for g in range(nedge // 16):
        idx0 = iota + g * 16
        ew16 = ew_v[pl.ds(g * 16, 16)]
        for h in range(H):
            a_i = plsc.load_gather(asrc_v, [idx0, iota * 0 + h])
            a_o = plsc.load_gather(adst_v, [idx0, iota * 0 + (4 + h)])
            w = a_i + a_o
            w = jnp.where(w >= 0.0, w, NEG_SLOPE * w)
            att = jnp.exp(jnp.minimum(w, 60.0)) * ew16
            plsc.store_scatter(v_v, [idx0, iota * 0 + (D + h)], att)

    g2.wait()

    def _erow(e, carry2):
        att_row = v_v[e, pl.ds(D, 16)]
        for j in range(D // 16):
            sc = att_row[j // 2]
            v_v[e, pl.ds(j * 16, 16)] = hid_v[e, pl.ds(j * 16, 16)] * sc
        return carry2
    lax.fori_loop(0, nedge, _erow, 0, unroll=4)

    pltpu.sync_copy(v_v, acc.at[dst_v], add=True)


def _sc_body(ei_hbm, ew_hbm, alpha_hbm, hid_hbm, out_hbm,
             src_v, dst_v, ew_v, asrc_v, adst_v, hid_v, v_v, acc,
             sem0, sem1, sem2):
    c = lax.axis_index("c")
    s = lax.axis_index("s")
    wid = s * NC + c
    iota = lax.iota(jnp.int32, 16)
    zero16 = jnp.zeros((16,), jnp.float32)

    def _zrow(r, carry):
        for cc in range(ACCW // 16):
            v_v[r, pl.ds(cc * 16, 16)] = zero16
        return carry
    lax.fori_loop(0, C, _zrow, 0)

    base_r = s * ROWS_PER_TILE
    for off, sz in [(0, 128), (128, 128), (256, 128), (384, 128), (512, 113)]:
        pltpu.sync_copy(v_v.at[pl.ds(0, sz)], acc.at[pl.ds(base_r + off, sz)])

    cnt16 = jnp.where(iota == H, 1.0, 0.0)
    def _crow(r, carry):
        v_v[r, pl.ds(D, 16)] = cnt16
        return carry
    lax.fori_loop(0, C, _crow, 0)
    plsc.subcore_barrier()

    ebase = wid * EPW

    def _chunk(k, carry):
        _edge_block(C, ebase + k * C, ei_hbm, ew_hbm, alpha_hbm, hid_hbm,
                    src_v, dst_v, ew_v, asrc_v, adst_v, hid_v, v_v, acc,
                    sem0, sem1, sem2, iota)
        return carry
    lax.fori_loop(0, NFULL, _chunk, 0)

    def _ztail(r, carry):
        for cc in range(ACCW // 16):
            v_v[r, pl.ds(cc * 16, 16)] = zero16
        return carry
    lax.fori_loop(TAIL, C, _ztail, 0)
    _edge_block(TAIL, ebase + NFULL * C, ei_hbm, ew_hbm, alpha_hbm, hid_hbm,
                src_v, dst_v, ew_v, asrc_v, adst_v, hid_v, v_v, acc,
                sem0, sem1, sem2, iota)

    plsc.subcore_barrier()
    for off, sz in [(0, 128), (128, 128), (256, 128), (384, 128), (512, 113)]:
        pltpu.sync_copy(acc.at[pl.ds(base_r + off, sz)],
                        out_hbm.at[c, pl.ds(base_r + off, sz)])


def _edges_sc(edge_index, edge_weight, alpha16, hidden):
    fn = pl.kernel(
        _sc_body,
        out_type=jax.ShapeDtypeStruct((NC, N, ACCW), jnp.float32),
        mesh=plsc.VectorSubcoreMesh(core_axis_name="c", subcore_axis_name="s",
                                    num_cores=NC, num_subcores=NS),
        compiler_params=pltpu.CompilerParams(use_tc_tiling_on_sc=False,
                                             needs_layout_passes=False),
        scratch_types=[
            pltpu.VMEM((C,), jnp.int32),
            pltpu.VMEM((C,), jnp.int32),
            pltpu.VMEM((C,), jnp.float32),
            pltpu.VMEM((C, 16), jnp.float32),
            pltpu.VMEM((C, 16), jnp.float32),
            pltpu.VMEM((C, D), jnp.float32),
            pltpu.VMEM((C, ACCW), jnp.float32),
            pltpu.VMEM_SHARED((N, ACCW), jnp.float32),
            pltpu.SemaphoreType.DMA,
            pltpu.SemaphoreType.DMA,
            pltpu.SemaphoreType.DMA,
        ],
    )
    return fn(edge_index.reshape(2 * E), edge_weight, alpha16, hidden)


def _comb_body(a0_ref, a1_ref, al_ref, hid_ref, psum_ref, p_ref, p5_ref,
               p3_ref, out_ref):
    hi = jax.lax.Precision.HIGHEST
    a = a0_ref[0] + a1_ref[0]
    aw = jnp.dot(al_ref[...], psum_ref[...], precision=hi,
                 preferred_element_type=jnp.float32)
    aw = jnp.where(aw >= 0.0, aw, NEG_SLOPE * aw)
    aself = jnp.exp(jnp.minimum(aw, 60.0))
    ap = jnp.dot(aself, p_ref[...], precision=hi,
                 preferred_element_type=jnp.float32)
    num = jnp.dot(a, p5_ref[...], precision=hi,
                  preferred_element_type=jnp.float32) + ap * hid_ref[...]
    den = jnp.dot(a, p3_ref[...], precision=hi,
                  preferred_element_type=jnp.float32) + ap + EPS
    out_ref[...] = jnp.maximum(num / den, 0.0)


def _combine(acc, alpha16, hidden, psum, p, p5, p3):
    blk = 2000
    return pl.pallas_call(
        _comb_body,
        grid=(N // blk,),
        in_specs=[
            pl.BlockSpec((1, blk, ACCW), lambda i: (0, i, 0)),
            pl.BlockSpec((1, blk, ACCW), lambda i: (1, i, 0)),
            pl.BlockSpec((blk, 16), lambda i: (i, 0)),
            pl.BlockSpec((blk, D), lambda i: (i, 0)),
            pl.BlockSpec((16, 4), lambda i: (0, 0)),
            pl.BlockSpec((4, D), lambda i: (0, 0)),
            pl.BlockSpec((ACCW, D), lambda i: (0, 0)),
            pl.BlockSpec((ACCW, D), lambda i: (0, 0)),
        ],
        out_specs=pl.BlockSpec((blk, D), lambda i: (i, 0)),
        out_shape=jax.ShapeDtypeStruct((N, D), jnp.float32),
    )(acc, acc, alpha16, hidden, psum, p, p5, p3)


def kernel(x, edge_index, edge_weight, W, b, query):
    f32 = jnp.float32

    qr = query.reshape(H, HD, 2)
    q_in_flat = qr[:, :, 0].reshape(D, 1)
    q_out_flat = qr[:, :, 1].reshape(D, 1)
    row_h = jax.lax.broadcasted_iota(jnp.int32, (D, 16), 0) // HD
    col = jax.lax.broadcasted_iota(jnp.int32, (D, 16), 1)
    qm = (q_in_flat * (col == row_h).astype(f32)
          + q_out_flat * (col == row_h + H).astype(f32))

    pr = jax.lax.broadcasted_iota(jnp.int32, (H, D), 0)
    pc = jax.lax.broadcasted_iota(jnp.int32, (H, D), 1)
    p = (pc // HD == pr).astype(f32)
    sr = jax.lax.broadcasted_iota(jnp.int32, (16, H), 0)
    sc = jax.lax.broadcasted_iota(jnp.int32, (16, H), 1)
    psum = ((sr == sc) | (sr == sc + H)).astype(f32)
    r5 = jax.lax.broadcasted_iota(jnp.int32, (ACCW, D), 0)
    c5 = jax.lax.broadcasted_iota(jnp.int32, (ACCW, D), 1)
    p5 = (r5 == c5).astype(f32)
    p3 = (((r5 >= D) & (r5 < D + H) & (c5 // HD == r5 - D)).astype(f32)
          + (r5 == D + H).astype(f32) * EPS)

    hidden, alpha16 = _prep(x, W, b.reshape(1, D), qm)
    acc = _edges_sc(edge_index, edge_weight.astype(f32), alpha16, hidden)
    return _combine(acc, alpha16, hidden, psum, p, p5, p3)

# --- scband reference (transcript-rebuilt; emitter-appended) ---
"""Pipeline reference for scband-graph-attention-conv-5669356834163 (READ-ONLY COPY).

The authoritative reference and input builder live on the scoring server;
editing this copy changes nothing except your own understanding.
"""

import jax, jax.numpy as jnp
import numpy as np

N = 10000
E = 320000
D_IN = 128
D_OUT = 128
H = 4
NEG_SLOPE = 0.2
EPS = 1e-10


def _segment_mean(data, ids, n):
    s = jax.ops.segment_sum(data, ids, num_segments=n)
    c = jax.ops.segment_sum(jnp.ones((ids.shape[0], 1), data.dtype), ids, num_segments=n)
    return s / jnp.maximum(c, 1.0)


def setup_inputs(seed: int = 0) -> dict:
    key = jax.random.key(seed)
    k1, k2, k3, k4 = jax.random.split(key, 4)
    x = jax.random.normal(k1, (N, D_IN), dtype=jnp.float32)
    edge_index = jax.random.randint(k2, (2, E), 0, N, dtype=jnp.int32)
    edge_weight = jnp.ones((E,), dtype=jnp.float32)
    # learned params: nn.Linear(D_IN, D_OUT) weight/bias + attention query
    W = jax.random.normal(k3, (D_OUT, D_IN), dtype=jnp.float32) * (1.0 / np.sqrt(D_IN))
    b = jnp.zeros((D_OUT,), dtype=jnp.float32)
    query = jax.random.normal(k4, (H, 2 * D_OUT // H), dtype=jnp.float32) * (1.0 / np.sqrt(2 * D_OUT // H))
    return {"x": x, "edge_index": edge_index, "edge_weight": edge_weight, "W": W, "b": b, "query": query}


def reference(x, edge_index, edge_weight, W, b, query):
    n = x.shape[0]
    ar = jnp.arange(n, dtype=edge_index.dtype)
    node_in = jnp.concatenate([edge_index[0], ar])
    node_out = jnp.concatenate([edge_index[1], ar])
    ew = jnp.concatenate([edge_weight, jnp.ones((n,), x.dtype)])[:, None]
    # message
    hidden = x @ W.T + b
    key_pair = jnp.stack([hidden[node_in], hidden[node_out]], axis=-1)  # [M, D_OUT, 2]
    key_r = key_pair.reshape(-1, H, 2 * D_OUT // H)
    w = jnp.einsum('hd,nhd->nh', query, key_r)
    w = jnp.where(w >= 0, w, NEG_SLOPE * w)  # leaky_relu
    wmax = jax.ops.segment_max(w, node_out, num_segments=n)
    w = w - wmax[node_out]
    attention = jnp.exp(w) * ew
    normalizer = _segment_mean(attention, node_out, n)[node_out]
    attention = attention / (normalizer + EPS)
    value = hidden[node_in].reshape(-1, H, D_OUT // H)
    message = (attention[..., None] * value).reshape(-1, D_OUT)
    # aggregate
    update = _segment_mean(message, node_out, n)
    # combine (no batch_norm, relu activation)
    return jax.nn.relu(update)

if __name__ == "__main__":
    import jax
    _d = setup_inputs()
    print(jax.jit(kernel)(*tuple(_d.values())))

</pallas_src>

<mosaic_0001>
#map = affine_map<(d0, d1) -> (0)>
#map1 = affine_map<(d0, d1) -> (0, 0)>
#map2 = affine_map<(d0, d1) -> (0, 0, 0)>
module attributes {stable_mosaic.version = 14 : i64} {
  func.func @_sc_body(%arg0: i32, %arg1: i32, %arg2: memref<640000xi32, #tpu.memory_space<hbm>>, %arg3: memref<320000xf32, #tpu.memory_space<hbm>>, %arg4: memref<10000x16xf32, #tpu.memory_space<hbm>>, %arg5: memref<10000x128xf32, #tpu.memory_space<hbm>>, %arg6: memref<2x10000x144xf32, #tpu.memory_space<hbm>>, %arg7: memref<128xi32, #tpu.memory_space<vmem>>, %arg8: memref<128xi32, #tpu.memory_space<vmem>>, %arg9: memref<128xf32, #tpu.memory_space<vmem>>, %arg10: memref<128x16xf32, #tpu.memory_space<vmem>>, %arg11: memref<128x16xf32, #tpu.memory_space<vmem>>, %arg12: memref<128x128xf32, #tpu.memory_space<vmem>>, %arg13: memref<128x144xf32, #tpu.memory_space<vmem>>, %arg14: memref<10000x144xf32, #tpu.memory_space<vmem_shared>>, %arg15: memref<!tpu.dma_semaphore, #tpu.memory_space<semaphore_mem>>, %arg16: memref<!tpu.dma_semaphore, #tpu.memory_space<semaphore_mem>>, %arg17: memref<!tpu.dma_semaphore, #tpu.memory_space<semaphore_mem>>) attributes {dimension_semantics = [#tpu.dimension_semantics<core_parallel>, #tpu.dimension_semantics<subcore_parallel>], iteration_bounds = array<i64: 2, 16>, scalar_prefetch = 0 : i64, scratch_operands = 11 : i64, tpu.core_type = #tpu.core_type<sc_vector_subcore>, window_params = [{transform_indices = #map}, {transform_indices = #map}, {transform_indices = #map1}, {transform_indices = #map1}, {transform_indices = #map2}]} {
    %mul3A = arith.constant 2 : i32
    %mul3A_0 = arith.muli %arg1, %mul3A : i32
    %add3A = arith.addi %mul3A_0, %arg0 : i32
    %iota3A = tpu.iota {dimensions = array<i32: 0>} : vector<16xi32>
    %broadcast_in_dim3A = arith.constant 0.000000e+00 : f32
    %broadcast_in_dim3A_1 = vector.broadcast %broadcast_in_dim3A : f32 to vector<16xf32>
    %scan3A = arith.constant 0 : i32
    %scan3A_2 = arith.constant 0 : i32
    %scan3A_3 = arith.constant 128 : i32
    %scan3A_4 = arith.addi %scan3A_2, %scan3A_3 : i32
    %scan3A_5 = arith.constant 1 : i32
    scf.for %scan3A_259 = %scan3A_2 to %scan3A_4 step %scan3A_5  : i32 {
      %swap3A = arith.index_cast %scan3A_259 : i32 to index
      %swap3A_260 = arith.constant 0 : index
      %swap3A_261 = tpu.vector_load %arg13[%swap3A, %swap3A_260] {strides = array<i32>} : memref<128x144xf32, #tpu.memory_space<vmem>>, vector<16xf32>,
      tpu.vector_store %arg13[%swap3A, %swap3A_260], %broadcast_in_dim3A_1 {strides = array<i32>} : memref<128x144xf32, #tpu.memory_space<vmem>>, vector<16xf32>,
      %swap3A_262 = arith.index_cast %scan3A_259 : i32 to index
      %swap3A_263 = arith.constant 16 : index
      %swap3A_264 = tpu.vector_load %arg13[%swap3A_262, %swap3A_263] {strides = array<i32>} : memref<128x144xf32, #tpu.memory_space<vmem>>, vector<16xf32>,
      tpu.vector_store %arg13[%swap3A_262, %swap3A_263], %broadcast_in_dim3A_1 {strides = array<i32>} : memref<128x144xf32, #tpu.memory_space<vmem>>, vector<16xf32>,
      %swap3A_265 = arith.index_cast %scan3A_259 : i32 to index
      %swap3A_266 = arith.constant 32 : index
      %swap3A_267 = tpu.vector_load %arg13[%swap3A_265, %swap3A_266] {strides = array<i32>} : memref<128x144xf32, #tpu.memory_space<vmem>>, vector<16xf32>,
      tpu.vector_store %arg13[%swap3A_265, %swap3A_266], %broadcast_in_dim3A_1 {strides = array<i32>} : memref<128x144xf32, #tpu.memory_space<vmem>>, vector<16xf32>,
      %swap3A_268 = arith.index_cast %scan3A_259 : i32 to index
      %swap3A_269 = arith.constant 48 : index
      %swap3A_270 = tpu.vector_load %arg13[%swap3A_268, %swap3A_269] {strides = array<i32>} : memref<128x144xf32, #tpu.memory_space<vmem>>, vector<16xf32>,
      tpu.vector_store %arg13[%swap3A_268, %swap3A_269], %broadcast_in_dim3A_1 {strides = array<i32>} : memref<128x144xf32, #tpu.memory_space<vmem>>, vector<16xf32>,
      %swap3A_271 = arith.index_cast %scan3A_259 : i32 to index
      %swap3A_272 = arith.constant 64 : index
      %swap3A_273 = tpu.vector_load %arg13[%swap3A_271, %swap3A_272] {strides = array<i32>} : memref<128x144xf32, #tpu.memory_space<vmem>>, vector<16xf32>,
      tpu.vector_store %arg13[%swap3A_271, %swap3A_272], %broadcast_in_dim3A_1 {strides = array<i32>} : memref<128x144xf32, #tpu.memory_space<vmem>>, vector<16xf32>,
      %swap3A_274 = arith.index_cast %scan3A_259 : i32 to index
      %swap3A_275 = arith.constant 80 : index
      %swap3A_276 = tpu.vector_load %arg13[%swap3A_274, %swap3A_275] {strides = array<i32>} : memref<128x144xf32, #tpu.memory_space<vmem>>, vector<16xf32>,
      tpu.vector_store %arg13[%swap3A_274, %swap3A_275], %broadcast_in_dim3A_1 {strides = array<i32>} : memref<128x144xf32, #tpu.memory_space<vmem>>, vector<16xf32>,
      %swap3A_277 = arith.index_cast %scan3A_259 : i32 to index
      %swap3A_278 = arith.constant 96 : index
      %swap3A_279 = tpu.vector_load %arg13[%swap3A_277, %swap3A_278] {strides = array<i32>} : memref<128x144xf32, #tpu.memory_space<vmem>>, vector<16xf32>,
      tpu.vector_store %arg13[%swap3A_277, %swap3A_278], %broadcast_in_dim3A_1 {strides = array<i32>} : memref<128x144xf32, #tpu.memory_space<vmem>>, vector<16xf32>,
      %swap3A_280 = arith.index_cast %scan3A_259 : i32 to index
      %swap3A_281 = arith.constant 112 : index
      %swap3A_282 = tpu.vector_load %arg13[%swap3A_280, %swap3A_281] {strides = array<i32>} : memref<128x144xf32, #tpu.memory_space<vmem>>, vector<16xf32>,
      tpu.vector_store %arg13[%swap3A_280, %swap3A_281], %broadcast_in_dim3A_1 {strides = array<i32>} : memref<128x144xf32, #tpu.memory_space<vmem>>, vector<16xf32>,
      %swap3A_283 = arith.index_cast %scan3A_259 : i32 to index
      %swap3A_284 = arith.constant 128 : index
      %swap3A_285 = tpu.vector_load %arg13[%swap3A_283, %swap3A_284] {strides = array<i32>} : memref<128x144xf32, #tpu.memory_space<vmem>>, vector<16xf32>,
      tpu.vector_store %arg13[%swap3A_283, %swap3A_284], %broadcast_in_dim3A_1 {strides = array<i32>} : memref<128x144xf32, #tpu.memory_space<vmem>>, vector<16xf32>,
    }
    %scan3A_6 = arith.constant 128 : i32
    %mul3A_7 = arith.constant 625 : i32
    %mul3A_8 = arith.muli %arg1, %mul3A_7 : i32
    %add3A_9 = arith.constant 0 : i32
    %add3A_10 = arith.addi %mul3A_8, %add3A_9 : i32
    "tpu.region"() ({
      %run_scoped3A = tpu.sem_alloc : memref<!tpu.dma_semaphore, #tpu.memory_space<semaphore_mem>>
      %dma_start3A_259 = arith.constant 0 : i32
      %dma_start3A_260 = arith.constant 0 : i32
      %dma_start3A_261 = tpu.memref_slice %arg13[%dma_start3A_259, %dma_start3A_260] : memref<128x144xf32, #tpu.memory_space<vmem>> -> memref<128x144xf32, #tpu.memory_space<vmem>>
      %dma_start3A_262 = arith.constant 0 : i32
      %dma_start3A_263 = tpu.memref_slice %arg14[%add3A_10, %dma_start3A_262] : memref<10000x144xf32, #tpu.memory_space<vmem_shared>> -> memref<128x144xf32, #tpu.memory_space<vmem_shared>>
      %dma_start3A_264 = arith.constant 0 : i32
      %dma_start3A_265 = tpu.memref_slice %arg14[%add3A_10, %dma_start3A_264] : memref<10000x144xf32, #tpu.memory_space<vmem_shared>> -> memref<128x144xf32, #tpu.memory_space<vmem_shared>>
      %dma_start3A_266 = arith.constant 0 : i32
      %dma_start3A_267 = arith.constant 0 : i32
      %dma_start3A_268 = tpu.memref_slice %arg13[%dma_start3A_266, %dma_start3A_267] : memref<128x144xf32, #tpu.memory_space<vmem>> -> memref<128x144xf32, #tpu.memory_space<vmem>>
      tpu.enqueue_dma source(%dma_start3A_268 : memref<128x144xf32, #tpu.memory_space<vmem>>) target(%dma_start3A_265 : memref<128x144xf32, #tpu.memory_space<vmem_shared>>) target_semaphore(%run_scoped3A : memref<!tpu.dma_semaphore, #tpu.memory_space<semaphore_mem>>)
      %dma_wait3A_269 = arith.constant 0 : i32
      %dma_wait3A_270 = arith.constant 0 : i32
      %dma_wait3A_271 = tpu.memref_slice %arg13[%dma_wait3A_269, %dma_wait3A_270] : memref<128x144xf32, #tpu.memory_space<vmem>> -> memref<128x144xf32, #tpu.memory_space<vmem>>
      %dma_wait3A_272 = arith.constant 0 : i32
      %dma_wait3A_273 = tpu.memref_slice %arg14[%add3A_10, %dma_wait3A_272] : memref<10000x144xf32, #tpu.memory_space<vmem_shared>> -> memref<128x144xf32, #tpu.memory_space<vmem_shared>>
      %dma_wait3A_274 = arith.constant 0 : i32
      %dma_wait3A_275 = tpu.memref_slice %arg14[%add3A_10, %dma_wait3A_274] : memref<10000x144xf32, #tpu.memory_space<vmem_shared>> -> memref<128x144xf32, #tpu.memory_space<vmem_shared>>
      %dma_wait3A_276 = arith.constant 0 : i32
      %dma_wait3A_277 = arith.constant 0 : i32
      %dma_wait3A_278 = tpu.memref_slice %arg13[%dma_wait3A_276, %dma_wait3A_277] : memref<128x144xf32, #tpu.memory_space<vmem>> -> memref<128x144xf32, #tpu.memory_space<vmem>>
      tpu.wait_dma2 semaphore(%run_scoped3A : memref<!tpu.dma_semaphore, #tpu.memory_space<semaphore_mem>>) src(%dma_wait3A_278 : memref<128x144xf32, #tpu.memory_space<vmem>>) dst(%dma_wait3A_275 : memref<128x144xf32, #tpu.memory_space<vmem_shared>>)
      tpu.yield
    }) : () -> ()
    %add3A_11 = arith.constant 128 : i32
    %add3A_12 = arith.addi %mul3A_8, %add3A_11 : i32
    "tpu.region"() ({
      %run_scoped3A = tpu.sem_alloc : memref<!tpu.dma_semaphore, #tpu.memory_space<semaphore_mem>>
      %dma_start3A_259 = arith.constant 0 : i32
      %dma_start3A_260 = arith.constant 0 : i32
      %dma_start3A_261 = tpu.memref_slice %arg13[%dma_start3A_259, %dma_start3A_260] : memref<128x144xf32, #tpu.memory_space<vmem>> -> memref<128x144xf32, #tpu.memory_space<vmem>>
      %dma_start3A_262 = arith.constant 0 : i32
      %dma_start3A_263 = tpu.memref_slice %arg14[%add3A_12, %dma_start3A_262] : memref<10000x144xf32, #tpu.memory_space<vmem_shared>> -> memref<128x144xf32, #tpu.memory_space<vmem_shared>>
      %dma_start3A_264 = arith.constant 0 : i32
      %dma_start3A_265 = tpu.memref_slice %arg14[%add3A_12, %dma_start3A_264] : memref<10000x144xf32, #tpu.memory_space<vmem_shared>> -> memref<128x144xf32, #tpu.memory_space<vmem_shared>>
      %dma_start3A_266 = arith.constant 0 : i32
      %dma_start3A_267 = arith.constant 0 : i32
      %dma_start3A_268 = tpu.memref_slice %arg13[%dma_start3A_266, %dma_start3A_267] : memref<128x144xf32, #tpu.memory_space<vmem>> -> memref<128x144xf32, #tpu.memory_space<vmem>>
      tpu.enqueue_dma source(%dma_start3A_268 : memref<128x144xf32, #tpu.memory_space<vmem>>) target(%dma_start3A_265 : memref<128x144xf32, #tpu.memory_space<vmem_shared>>) target_semaphore(%run_scoped3A : memref<!tpu.dma_semaphore, #tpu.memory_space<semaphore_mem>>)
      %dma_wait3A_269 = arith.constant 0 : i32
      %dma_wait3A_270 = arith.constant 0 : i32
      %dma_wait3A_271 = tpu.memref_slice %arg13[%dma_wait3A_269, %dma_wait3A_270] : memref<128x144xf32, #tpu.memory_space<vmem>> -> memref<128x144xf32, #tpu.memory_space<vmem>>
      %dma_wait3A_272 = arith.constant 0 : i32
      %dma_wait3A_273 = tpu.memref_slice %arg14[%add3A_12, %dma_wait3A_272] : memref<10000x144xf32, #tpu.memory_space<vmem_shared>> -> memref<128x144xf32, #tpu.memory_space<vmem_shared>>
      %dma_wait3A_274 = arith.constant 0 : i32
      %dma_wait3A_275 = tpu.memref_slice %arg14[%add3A_12, %dma_wait3A_274] : memref<10000x144xf32, #tpu.memory_space<vmem_shared>> -> memref<128x144xf32, #tpu.memory_space<vmem_shared>>
      %dma_wait3A_276 = arith.constant 0 : i32
      %dma_wait3A_277 = arith.constant 0 : i32
      %dma_wait3A_278 = tpu.memref_slice %arg13[%dma_wait3A_276, %dma_wait3A_277] : memref<128x144xf32, #tpu.memory_space<vmem>> -> memref<128x144xf32, #tpu.memory_space<vmem>>
      tpu.wait_dma2 semaphore(%run_scoped3A : memref<!tpu.dma_semaphore, #tpu.memory_space<semaphore_mem>>) src(%dma_wait3A_278 : memref<128x144xf32, #tpu.memory_space<vmem>>) dst(%dma_wait3A_275 : memref<128x144xf32, #tpu.memory_space<vmem_shared>>)
      tpu.yield
    }) : () -> ()
    %add3A_13 = arith.constant 256 : i32
    %add3A_14 = arith.addi %mul3A_8, %add3A_13 : i32
    "tpu.region"() ({
      %run_scoped3A = tpu.sem_alloc : memref<!tpu.dma_semaphore, #tpu.memory_space<semaphore_mem>>
      %dma_start3A_259 = arith.constant 0 : i32
      %dma_start3A_260 = arith.constant 0 : i32
      %dma_start3A_261 = tpu.memref_slice %arg13[%dma_start3A_259, %dma_start3A_260] : memref<128x144xf32, #tpu.memory_space<vmem>> -> memref<128x144xf32, #tpu.memory_space<vmem>>
      %dma_start3A_262 = arith.constant 0 : i32
      %dma_start3A_263 = tpu.memref_slice %arg14[%add3A_14, %dma_start3A_262] : memref<10000x144xf32, #tpu.memory_space<vmem_shared>> -> memref<128x144xf32, #tpu.memory_space<vmem_shared>>
      %dma_start3A_264 = arith.constant 0 : i32
      %dma_start3A_265 = tpu.memref_slice %arg14[%add3A_14, %dma_start3A_264] : memref<10000x144xf32, #tpu.memory_space<vmem_shared>> -> memref<128x144xf32, #tpu.memory_space<vmem_shared>>
      %dma_start3A_266 = arith.constant 0 : i32
      %dma_start3A_267 = arith.constant 0 : i32
      %dma_start3A_268 = tpu.memref_slice %arg13[%dma_start3A_266, %dma_start3A_267] : memref<128x144xf32, #tpu.memory_space<vmem>> -> memref<128x144xf32, #tpu.memory_space<vmem>>
      tpu.enqueue_dma source(%dma_start3A_268 : memref<128x144xf32, #tpu.memory_space<vmem>>) target(%dma_start3A_265 : memref<128x144xf32, #tpu.memory_space<vmem_shared>>) target_semaphore(%run_scoped3A : memref<!tpu.dma_semaphore, #tpu.memory_space<semaphore_mem>>)
      %dma_wait3A_269 = arith.constant 0 : i32
      %dma_wait3A_270 = arith.constant 0 : i32
      %dma_wait3A_271 = tpu.memref_slice %arg13[%dma_wait3A_269, %dma_wait3A_270] : memref<128x144xf32, #tpu.memory_space<vmem>> -> memref<128x144xf32, #tpu.memory_space<vmem>>
      %dma_wait3A_272 = arith.constant 0 : i32
      %dma_wait3A_273 = tpu.memref_slice %arg14[%add3A_14, %dma_wait3A_272] : memref<10000x144xf32, #tpu.memory_space<vmem_shared>> -> memref<128x144xf32, #tpu.memory_space<vmem_shared>>
      %dma_wait3A_274 = arith.constant 0 : i32
      %dma_wait3A_275 = tpu.memref_slice %arg14[%add3A_14, %dma_wait3A_274] : memref<10000x144xf32, #tpu.memory_space<vmem_shared>> -> memref<128x144xf32, #tpu.memory_space<vmem_shared>>
      %dma_wait3A_276 = arith.constant 0 : i32
      %dma_wait3A_277 = arith.constant 0 : i32
      %dma_wait3A_278 = tpu.memref_slice %arg13[%dma_wait3A_276, %dma_wait3A_277] : memref<128x144xf32, #tpu.memory_space<vmem>> -> memref<128x144xf32, #tpu.memory_space<vmem>>
      tpu.wait_dma2 semaphore(%run_scoped3A : memref<!tpu.dma_semaphore, #tpu.memory_space<semaphore_mem>>) src(%dma_wait3A_278 : memref<128x144xf32, #tpu.memory_space<vmem>>) dst(%dma_wait3A_275 : memref<128x144xf32, #tpu.memory_space<vmem_shared>>)
      tpu.yield
    }) : () -> ()
    %add3A_15 = arith.constant 384 : i32
    %add3A_16 = arith.addi %mul3A_8, %add3A_15 : i32
    "tpu.region"() ({
      %run_scoped3A = tpu.sem_alloc : memref<!tpu.dma_semaphore, #tpu.memory_space<semaphore_mem>>
      %dma_start3A_259 = arith.constant 0 : i32
      %dma_start3A_260 = arith.constant 0 : i32
      %dma_start3A_261 = tpu.memref_slice %arg13[%dma_start3A_259, %dma_start3A_260] : memref<128x144xf32, #tpu.memory_space<vmem>> -> memref<128x144xf32, #tpu.memory_space<vmem>>
      %dma_start3A_262 = arith.constant 0 : i32
      %dma_start3A_263 = tpu.memref_slice %arg14[%add3A_16, %dma_start3A_262] : memref<10000x144xf32, #tpu.memory_space<vmem_shared>> -> memref<128x144xf32, #tpu.memory_space<vmem_shared>>
      %dma_start3A_264 = arith.constant 0 : i32
      %dma_start3A_265 = tpu.memref_slice %arg14[%add3A_16, %dma_start3A_264] : memref<10000x144xf32, #tpu.memory_space<vmem_shared>> -> memref<128x144xf32, #tpu.memory_space<vmem_shared>>
      %dma_start3A_266 = arith.constant 0 : i32
      %dma_start3A_267 = arith.constant 0 : i32
      %dma_start3A_268 = tpu.memref_slice %arg13[%dma_start3A_266, %dma_start3A_267] : memref<128x144xf32, #tpu.memory_space<vmem>> -> memref<128x144xf32, #tpu.memory_space<vmem>>
      tpu.enqueue_dma source(%dma_start3A_268 : memref<128x144xf32, #tpu.memory_space<vmem>>) target(%dma_start3A_265 : memref<128x144xf32, #tpu.memory_space<vmem_shared>>) target_semaphore(%run_scoped3A : memref<!tpu.dma_semaphore, #tpu.memory_space<semaphore_mem>>)
      %dma_wait3A_269 = arith.constant 0 : i32
      %dma_wait3A_270 = arith.constant 0 : i32
      %dma_wait3A_271 = tpu.memref_slice %arg13[%dma_wait3A_269, %dma_wait3A_270] : memref<128x144xf32, #tpu.memory_space<vmem>> -> memref<128x144xf32, #tpu.memory_space<vmem>>
      %dma_wait3A_272 = arith.constant 0 : i32
      %dma_wait3A_273 = tpu.memref_slice %arg14[%add3A_16, %dma_wait3A_272] : memref<10000x144xf32, #tpu.memory_space<vmem_shared>> -> memref<128x144xf32, #tpu.memory_space<vmem_shared>>
      %dma_wait3A_274 = arith.constant 0 : i32
      %dma_wait3A_275 = tpu.memref_slice %arg14[%add3A_16, %dma_wait3A_274] : memref<10000x144xf32, #tpu.memory_space<vmem_shared>> -> memref<128x144xf32, #tpu.memory_space<vmem_shared>>
      %dma_wait3A_276 = arith.constant 0 : i32
      %dma_wait3A_277 = arith.constant 0 : i32
      %dma_wait3A_278 = tpu.memref_slice %arg13[%dma_wait3A_276, %dma_wait3A_277] : memref<128x144xf32, #tpu.memory_space<vmem>> -> memref<128x144xf32, #tpu.memory_space<vmem>>
      tpu.wait_dma2 semaphore(%run_scoped3A : memref<!tpu.dma_semaphore, #tpu.memory_space<semaphore_mem>>) src(%dma_wait3A_278 : memref<128x144xf32, #tpu.memory_space<vmem>>) dst(%dma_wait3A_275 : memref<128x144xf32, #tpu.memory_space<vmem_shared>>)
      tpu.yield
    }) : () -> ()
    %add3A_17 = arith.constant 512 : i32
    %add3A_18 = arith.addi %mul3A_8, %add3A_17 : i32
    "tpu.region"() ({
      %run_scoped3A = tpu.sem_alloc : memref<!tpu.dma_semaphore, #tpu.memory_space<semaphore_mem>>
      %dma_start3A_259 = arith.constant 0 : i32
      %dma_start3A_260 = arith.constant 0 : i32
      %dma_start3A_261 = tpu.memref_slice %arg13[%dma_start3A_259, %dma_start3A_260] : memref<128x144xf32, #tpu.memory_space<vmem>> -> memref<113x144xf32, #tpu.memory_space<vmem>>
      %dma_start3A_262 = arith.constant 0 : i32
      %dma_start3A_263 = tpu.memref_slice %arg14[%add3A_18, %dma_start3A_262] : memref<10000x144xf32, #tpu.memory_space<vmem_shared>> -> memref<113x144xf32, #tpu.memory_space<vmem_shared>>
      %dma_start3A_264 = arith.constant 0 : i32
      %dma_start3A_265 = tpu.memref_slice %arg14[%add3A_18, %dma_start3A_264] : memref<10000x144xf32, #tpu.memory_space<vmem_shared>> -> memref<113x144xf32, #tpu.memory_space<vmem_shared>>
      %dma_start3A_266 = arith.constant 0 : i32
      %dma_start3A_267 = arith.constant 0 : i32
      %dma_start3A_268 = tpu.memref_slice %arg13[%dma_start3A_266, %dma_start3A_267] : memref<128x144xf32, #tpu.memory_space<vmem>> -> memref<113x144xf32, #tpu.memory_space<vmem>>
      tpu.enqueue_dma source(%dma_start3A_268 : memref<113x144xf32, #tpu.memory_space<vmem>>) target(%dma_start3A_265 : memref<113x144xf32, #tpu.memory_space<vmem_shared>>) target_semaphore(%run_scoped3A : memref<!tpu.dma_semaphore, #tpu.memory_space<semaphore_mem>>)
      %dma_wait3A_269 = arith.constant 0 : i32
      %dma_wait3A_270 = arith.constant 0 : i32
      %dma_wait3A_271 = tpu.memref_slice %arg13[%dma_wait3A_269, %dma_wait3A_270] : memref<128x144xf32, #tpu.memory_space<vmem>> -> memref<113x144xf32, #tpu.memory_space<vmem>>
      %dma_wait3A_272 = arith.constant 0 : i32
      %dma_wait3A_273 = tpu.memref_slice %arg14[%add3A_18, %dma_wait3A_272] : memref<10000x144xf32, #tpu.memory_space<vmem_shared>> -> memref<113x144xf32, #tpu.memory_space<vmem_shared>>
      %dma_wait3A_274 = arith.constant 0 : i32
      %dma_wait3A_275 = tpu.memref_slice %arg14[%add3A_18, %dma_wait3A_274] : memref<10000x144xf32, #tpu.memory_space<vmem_shared>> -> memref<113x144xf32, #tpu.memory_space<vmem_shared>>
      %dma_wait3A_276 = arith.constant 0 : i32
      %dma_wait3A_277 = arith.constant 0 : i32
      %dma_wait3A_278 = tpu.memref_slice %arg13[%dma_wait3A_276, %dma_wait3A_277] : memref<128x144xf32, #tpu.memory_space<vmem>> -> memref<113x144xf32, #tpu.memory_space<vmem>>
      tpu.wait_dma2 semaphore(%run_scoped3A : memref<!tpu.dma_semaphore, #tpu.memory_space<semaphore_mem>>) src(%dma_wait3A_278 : memref<113x144xf32, #tpu.memory_space<vmem>>) dst(%dma_wait3A_275 : memref<113x144xf32, #tpu.memory_space<vmem_shared>>)
      tpu.yield
    }) : () -> ()
    %eq3A = arith.constant 4 : i32
    %eq3A_19 = vector.broadcast %eq3A : i32 to vector<16xi32>
    %eq3A_20 = arith.cmpi eq, %iota3A, %eq3A_19 : vector<16xi32>
    %jit3A = arith.constant 1.000000e+00 : f32
    %jit3A_21 = arith.constant 0.000000e+00 : f32
    %broadcast_in_dim3A_22 = vector.broadcast %jit3A : f32 to vector<16xf32>
    %broadcast_in_dim3A_23 = vector.broadcast %jit3A_21 : f32 to vector<16xf32>
    %select_n3A = arith.select %eq3A_20, %broadcast_in_dim3A_22, %broadcast_in_dim3A_23 : vector<16xi1>, vector<16xf32>
    %scan3A_24 = arith.constant 0 : i32
    %scan3A_25 = arith.constant 0 : i32
    %scan3A_26 = arith.constant 128 : i32
    %scan3A_27 = arith.addi %scan3A_25, %scan3A_26 : i32
    %scan3A_28 = arith.constant 1 : i32
    scf.for %scan3A_259 = %scan3A_25 to %scan3A_27 step %scan3A_28  : i32 {
      %swap3A = arith.index_cast %scan3A_259 : i32 to index
      %swap3A_260 = arith.constant 128 : index
      %swap3A_261 = tpu.vector_load %arg13[%swap3A, %swap3A_260] {strides = array<i32>} : memref<128x144xf32, #tpu.memory_space<vmem>>, vector<16xf32>,
      tpu.vector_store %arg13[%swap3A, %swap3A_260], %select_n3A {strides = array<i32>} : memref<128x144xf32, #tpu.memory_space<vmem>>, vector<16xf32>,
    }
    %scan3A_29 = arith.constant 128 : i32
    %barrier3A = arith.constant 0 : index
    tpu.barrier barrier_id(%barrier3A)
    %mul3A_30 = arith.constant 10000 : i32
    %mul3A_31 = arith.muli %add3A, %mul3A_30 : i32
    %scan3A_32 = arith.constant 0 : i32
    %scan3A_33 = arith.constant 0 : i32
    %scan3A_34 = arith.constant 78 : i32
    %scan3A_35 = arith.addi %scan3A_33, %scan3A_34 : i32
    %scan3A_36 = arith.constant 1 : i32
    scf.for %scan3A_259 = %scan3A_33 to %scan3A_35 step %scan3A_36  : i32 {
      %mul3A_260 = arith.constant 128 : i32
      %mul3A_261 = arith.muli %scan3A_259, %mul3A_260 : i32
      %add3A_262 = arith.addi %mul3A_31, %mul3A_261 : i32
      %dma_start3A_263 = tpu.memref_slice %arg2[%add3A_262] : memref<640000xi32, #tpu.memory_space<hbm>> -> memref<128xi32, #tpu.memory_space<hbm>>
      %dma_start3A_264 = tpu.memref_slice %arg2[%add3A_262] : memref<640000xi32, #tpu.memory_space<hbm>> -> memref<128xi32, #tpu.memory_space<hbm>>
      tpu.enqueue_dma source(%dma_start3A_264 : memref<128xi32, #tpu.memory_space<hbm>>) target(%arg7 : memref<128xi32, #tpu.memory_space<vmem>>) target_semaphore(%arg15 : memref<!tpu.dma_semaphore, #tpu.memory_space<semaphore_mem>>)
      %add3A_265 = arith.constant 320000 : i32
      %add3A_266 = arith.addi %add3A_265, %add3A_262 : i32
      %dma_start3A_267 = tpu.memref_slice %arg2[%add3A_266] : memref<640000xi32, #tpu.memory_space<hbm>> -> memref<128xi32, #tpu.memory_space<hbm>>
      %dma_start3A_268 = tpu.memref_slice %arg2[%add3A_266] : memref<640000xi32, #tpu.memory_space<hbm>> -> memref<128xi32, #tpu.memory_space<hbm>>
      tpu.enqueue_dma source(%dma_start3A_268 : memref<128xi32, #tpu.memory_space<hbm>>) target(%arg8 : memref<128xi32, #tpu.memory_space<vmem>>) target_semaphore(%arg16 : memref<!tpu.dma_semaphore, #tpu.memory_space<semaphore_mem>>)
      %dma_start3A_269 = tpu.memref_slice %arg3[%add3A_262] : memref<320000xf32, #tpu.memory_space<hbm>> -> memref<128xf32, #tpu.memory_space<hbm>>
      %dma_start3A_270 = tpu.memref_slice %arg3[%add3A_262] : memref<320000xf32, #tpu.memory_space<hbm>> -> memref<128xf32, #tpu.memory_space<hbm>>
      tpu.enqueue_dma source(%dma_start3A_270 : memref<128xf32, #tpu.memory_space<hbm>>) target(%arg9 : memref<128xf32, #tpu.memory_space<vmem>>) target_semaphore(%arg17 : memref<!tpu.dma_semaphore, #tpu.memory_space<semaphore_mem>>)
      %dma_wait3A_271 = tpu.memref_slice %arg2[%add3A_262] : memref<640000xi32, #tpu.memory_space<hbm>> -> memref<128xi32, #tpu.memory_space<hbm>>
      %dma_wait3A_272 = tpu.memref_slice %arg2[%add3A_262] : memref<640000xi32, #tpu.memory_space<hbm>> -> memref<128xi32, #tpu.memory_space<hbm>>
      tpu.wait_dma2 semaphore(%arg15 : memref<!tpu.dma_semaphore, #tpu.memory_space<semaphore_mem>>) src(%dma_wait3A_272 : memref<128xi32, #tpu.memory_space<hbm>>) dst(%arg7 : memref<128xi32, #tpu.memory_space<vmem>>)
      %dma_wait3A_273 = tpu.memref_slice %arg2[%add3A_266] : memref<640000xi32, #tpu.memory_space<hbm>> -> memref<128xi32, #tpu.memory_space<hbm>>
      %dma_wait3A_274 = tpu.memref_slice %arg2[%add3A_266] : memref<640000xi32, #tpu.memory_space<hbm>> -> memref<128xi32, #tpu.memory_space<hbm>>
      tpu.wait_dma2 semaphore(%arg16 : memref<!tpu.dma_semaphore, #tpu.memory_space<semaphore_mem>>) src(%dma_wait3A_274 : memref<128xi32, #tpu.memory_space<hbm>>) dst(%arg8 : memref<128xi32, #tpu.memory_space<vmem>>)
      %dma_wait3A_275 = tpu.memref_slice %arg3[%add3A_262] : memref<320000xf32, #tpu.memory_space<hbm>> -> memref<128xf32, #tpu.memory_space<hbm>>
      %dma_wait3A_276 = tpu.memref_slice %arg3[%add3A_262] : memref<320000xf32, #tpu.memory_space<hbm>> -> memref<128xf32, #tpu.memory_space<hbm>>
      tpu.wait_dma2 semaphore(%arg17 : memref<!tpu.dma_semaphore, #tpu.memory_space<semaphore_mem>>) src(%dma_wait3A_276 : memref<128xf32, #tpu.memory_space<hbm>>) dst(%arg9 : memref<128xf32, #tpu.memory_space<vmem>>)
      %dma_start3A_277 = arith.constant 0 : i32
      %dma_start3A_278 = arith.constant 0 : i32
      %dma_start3A_279 = tpu.memref_slice %arg4[%dma_start3A_277, %dma_start3A_278] : memref<10000x16xf32, #tpu.memory_space<hbm>> -> memref<10000x16xf32, #tpu.memory_space<hbm>>
      tpu.enqueue_indirect_dma source(%dma_start3A_279 : memref<10000x16xf32, #tpu.memory_space<hbm>>) target(%arg10 : memref<128x16xf32, #tpu.memory_space<vmem>>) offsets(%arg7 : memref<128xi32, #tpu.memory_space<vmem>>) semaphore(%arg15 : memref<!tpu.dma_semaphore, #tpu.memory_space<semaphore_mem>>)
      %dma_start3A_280 = arith.constant 0 : i32
      %dma_start3A_281 = arith.constant 0 : i32
      %dma_start3A_282 = tpu.memref_slice %arg4[%dma_start3A_280, %dma_start3A_281] : memref<10000x16xf32, #tpu.memory_space<hbm>> -> memref<10000x16xf32, #tpu.memory_space<hbm>>
      tpu.enqueue_indirect_dma source(%dma_start3A_282 : memref<10000x16xf32, #tpu.memory_space<hbm>>) target(%arg11 : memref<128x16xf32, #tpu.memory_space<vmem>>) offsets(%arg8 : memref<128xi32, #tpu.memory_space<vmem>>) semaphore(%arg16 : memref<!tpu.dma_semaphore, #tpu.memory_space<semaphore_mem>>)
      %dma_start3A_283 = arith.constant 0 : i32
      %dma_start3A_284 = arith.constant 0 : i32
      %dma_start3A_285 = tpu.memref_slice %arg5[%dma_start3A_283, %dma_start3A_284] : memref<10000x128xf32, #tpu.memory_space<hbm>> -> memref<10000x128xf32, #tpu.memory_space<hbm>>
      tpu.enqueue_indirect_dma source(%dma_start3A_285 : memref<10000x128xf32, #tpu.memory_space<hbm>>) target(%arg12 : memref<128x128xf32, #tpu.memory_space<vmem>>) offsets(%arg7 : memref<128xi32, #tpu.memory_space<vmem>>) semaphore(%arg17 : memref<!tpu.dma_semaphore, #tpu.memory_space<semaphore_mem>>)
      %dma_wait3A_286 = arith.constant 0 : i32
      %dma_wait3A_287 = arith.constant 0 : i32
      %dma_wait3A_288 = tpu.memref_slice %arg4[%dma_wait3A_286, %dma_wait3A_287] : memref<10000x16xf32, #tpu.memory_space<hbm>> -> memref<10000x16xf32, #tpu.memory_space<hbm>>
      tpu.wait_indirect_dma semaphore(%arg15 : memref<!tpu.dma_semaphore, #tpu.memory_space<semaphore_mem>>) src(%dma_wait3A_288 : memref<10000x16xf32, #tpu.memory_space<hbm>>) dst(%arg10 : memref<128x16xf32, #tpu.memory_space<vmem>>)
      %dma_wait3A_289 = arith.constant 0 : i32
      %dma_wait3A_290 = arith.constant 0 : i32
      %dma_wait3A_291 = tpu.memref_slice %arg4[%dma_wait3A_289, %dma_wait3A_290] : memref<10000x16xf32, #tpu.memory_space<hbm>> -> memref<10000x16xf32, #tpu.memory_space<hbm>>
      tpu.wait_indirect_dma semaphore(%arg16 : memref<!tpu.dma_semaphore, #tpu.memory_space<semaphore_mem>>) src(%dma_wait3A_291 : memref<10000x16xf32, #tpu.memory_space<hbm>>) dst(%arg11 : memref<128x16xf32, #tpu.memory_space<vmem>>)
      %add3A_292 = arith.constant 0 : i32
      %add3A_293 = vector.broadcast %add3A_292 : i32 to vector<16xi32>
      %add3A_294 = arith.addi %iota3A, %add3A_293 : vector<16xi32>
      %get3A_295 = arith.constant 0 : index
      %get3A_296 = tpu.vector_load %arg9[%get3A_295] {strides = array<i32>} : memref<128xf32, #tpu.memory_space<vmem>>, vector<16xf32>,
      %mul3A_297 = arith.constant 0 : i32
      %mul3A_298 = vector.broadcast %mul3A_297 : i32 to vector<16xi32>
      %mul3A_299 = arith.muli %iota3A, %mul3A_298 : vector<16xi32>
      %add3A_300 = arith.constant 0 : i32
      %add3A_301 = vector.broadcast %add3A_300 : i32 to vector<16xi32>
      %add3A_302 = arith.addi %mul3A_299, %add3A_301 : vector<16xi32>
      %gather3A_303 = tpu.vector_load_idx %arg10[%add3A_294, %add3A_302] : memref<128x16xf32, #tpu.memory_space<vmem>>[vector<16xi32>, vector<16xi32>], vector<16xf32>,
      %mul3A_304 = arith.constant 0 : i32
      %mul3A_305 = vector.broadcast %mul3A_304 : i32 to vector<16xi32>
      %mul3A_306 = arith.muli %iota3A, %mul3A_305 : vector<16xi32>
      %add3A_307 = arith.constant 4 : i32
      %add3A_308 = vector.broadcast %add3A_307 : i32 to vector<16xi32>
      %add3A_309 = arith.addi %mul3A_306, %add3A_308 : vector<16xi32>
      %gather3A_310 = tpu.vector_load_idx %arg11[%add3A_294, %add3A_309] : memref<128x16xf32, #tpu.memory_space<vmem>>[vector<16xi32>, vector<16xi32>], vector<16xf32>,
      %add3A_311 = arith.addf %gather3A_303, %gather3A_310 : vector<16xf32>
      %ge3A_312 = arith.constant 0.000000e+00 : f32
      %ge3A_313 = vector.broadcast %ge3A_312 : f32 to vector<16xf32>
      %ge3A_314 = arith.cmpf oge, %add3A_311, %ge3A_313 : vector<16xf32>
      %mul3A_315 = arith.constant 2.000000e-01 : f32
      %mul3A_316 = vector.broadcast %mul3A_315 : f32 to vector<16xf32>
      %mul3A_317 = arith.mulf %mul3A_316, %add3A_311 : vector<16xf32>
      %select_n3A_318 = arith.select %ge3A_314, %add3A_311, %mul3A_317 : vector<16xi1>, vector<16xf32>
      %min3A_319 = arith.constant 6.000000e+01 : f32
      %min3A_320 = vector.broadcast %min3A_319 : f32 to vector<16xf32>
      %min3A_321 = arith.minimumf %select_n3A_318, %min3A_320 : vector<16xf32>
      %exp3A_322 = math.exp %min3A_321 : vector<16xf32>
      %mul3A_323 = arith.mulf %exp3A_322, %get3A_296 : vector<16xf32>
      %mul3A_324 = arith.constant 0 : i32
      %mul3A_325 = vector.broadcast %mul3A_324 : i32 to vector<16xi32>
      %mul3A_326 = arith.muli %iota3A, %mul3A_325 : vector<16xi32>
      %add3A_327 = arith.constant 128 : i32
      %add3A_328 = vector.broadcast %add3A_327 : i32 to vector<16xi32>
      %add3A_329 = arith.addi %mul3A_326, %add3A_328 : vector<16xi32>
      tpu.vector_store_idx %arg13[%add3A_294, %add3A_329], %mul3A_323 : memref<128x144xf32, #tpu.memory_space<vmem>>[vector<16xi32>, vector<16xi32>], vector<16xf32>,
      %mul3A_330 = arith.constant 0 : i32
      %mul3A_331 = vector.broadcast %mul3A_330 : i32 to vector<16xi32>
      %mul3A_332 = arith.muli %iota3A, %mul3A_331 : vector<16xi32>
      %add3A_333 = arith.constant 1 : i32
      %add3A_334 = vector.broadcast %add3A_333 : i32 to vector<16xi32>
      %add3A_335 = arith.addi %mul3A_332, %add3A_334 : vector<16xi32>
      %gather3A_336 = tpu.vector_load_idx %arg10[%add3A_294, %add3A_335] : memref<128x16xf32, #tpu.memory_space<vmem>>[vector<16xi32>, vector<16xi32>], vector<16xf32>,
      %mul3A_337 = arith.constant 0 : i32
      %mul3A_338 = vector.broadcast %mul3A_337 : i32 to vector<16xi32>
      %mul3A_339 = arith.muli %iota3A, %mul3A_338 : vector<16xi32>
      %add3A_340 = arith.constant 5 : i32
      %add3A_341 = vector.broadcast %add3A_340 : i32 to vector<16xi32>
      %add3A_342 = arith.addi %mul3A_339, %add3A_341 : vector<16xi32>
      %gather3A_343 = tpu.vector_load_idx %arg11[%add3A_294, %add3A_342] : memref<128x16xf32, #tpu.memory_space<vmem>>[vector<16xi32>, vector<16xi32>], vector<16xf32>,
      %add3A_344 = arith.addf %gather3A_336, %gather3A_343 : vector<16xf32>
      %ge3A_345 = arith.constant 0.000000e+00 : f32
      %ge3A_346 = vector.broadcast %ge3A_345 : f32 to vector<16xf32>
      %ge3A_347 = arith.cmpf oge, %add3A_344, %ge3A_346 : vector<16xf32>
      %mul3A_348 = arith.constant 2.000000e-01 : f32
      %mul3A_349 = vector.broadcast %mul3A_348 : f32 to vector<16xf32>
      %mul3A_350 = arith.mulf %mul3A_349, %add3A_344 : vector<16xf32>
      %select_n3A_351 = arith.select %ge3A_347, %add3A_344, %mul3A_350 : vector<16xi1>, vector<16xf32>
      %min3A_352 = arith.constant 6.000000e+01 : f32
      %min3A_353 = vector.broadcast %min3A_352 : f32 to vector<16xf32>
      %min3A_354 = arith.minimumf %select_n3A_351, %min3A_353 : vector<16xf32>
      %exp3A_355 = math.exp %min3A_354 : vector<16xf32>
      %mul3A_356 = arith.mulf %exp3A_355, %get3A_296 : vector<16xf32>
      %mul3A_357 = arith.constant 0 : i32
      %mul3A_358 = vector.broadcast %mul3A_357 : i32 to vector<16xi32>
      %mul3A_359 = arith.muli %iota3A, %mul3A_358 : vector<16xi32>
      %add3A_360 = arith.constant 129 : i32
      %add3A_361 = vector.broadcast %add3A_360 : i32 to vector<16xi32>
      %add3A_362 = arith.addi %mul3A_359, %add3A_361 : vector<16xi32>
      tpu.vector_store_idx %arg13[%add3A_294, %add3A_362], %mul3A_356 : memref<128x144xf32, #tpu.memory_space<vmem>>[vector<16xi32>, vector<16xi32>], vector<16xf32>,
      %mul3A_363 = arith.constant 0 : i32
      %mul3A_364 = vector.broadcast %mul3A_363 : i32 to vector<16xi32>
      %mul3A_365 = arith.muli %iota3A, %mul3A_364 : vector<16xi32>
      %add3A_366 = arith.constant 2 : i32
      %add3A_367 = vector.broadcast %add3A_366 : i32 to vector<16xi32>
      %add3A_368 = arith.addi %mul3A_365, %add3A_367 : vector<16xi32>
      %gather3A_369 = tpu.vector_load_idx %arg10[%add3A_294, %add3A_368] : memref<128x16xf32, #tpu.memory_space<vmem>>[vector<16xi32>, vector<16xi32>], vector<16xf32>,
      %mul3A_370 = arith.constant 0 : i32
      %mul3A_371 = vector.broadcast %mul3A_370 : i32 to vector<16xi32>
      %mul3A_372 = arith.muli %iota3A, %mul3A_371 : vector<16xi32>
      %add3A_373 = arith.constant 6 : i32
      %add3A_374 = vector.broadcast %add3A_373 : i32 to vector<16xi32>
      %add3A_375 = arith.addi %mul3A_372, %add3A_374 : vector<16xi32>
      %gather3A_376 = tpu.vector_load_idx %arg11[%add3A_294, %add3A_375] : memref<128x16xf32, #tpu.memory_space<vmem>>[vector<16xi32>, vector<16xi32>], vector<16xf32>,
      %add3A_377 = arith.addf %gather3A_369, %gather3A_376 : vector<16xf32>
      %ge3A_378 = arith.constant 0.000000e+00 : f32
      %ge3A_379 = vector.broadcast %ge3A_378 : f32 to vector<16xf32>
      %ge3A_380 = arith.cmpf oge, %add3A_377, %ge3A_379 : vector<16xf32>
      %mul3A_381 = arith.constant 2.000000e-01 : f32
      %mul3A_382 = vector.broadcast %mul3A_381 : f32 to vector<16xf32>
      %mul3A_383 = arith.mulf %mul3A_382, %add3A_377 : vector<16xf32>
      %select_n3A_384 = arith.select %ge3A_380, %add3A_377, %mul3A_383 : vector<16xi1>, vector<16xf32>
      %min3A_385 = arith.constant 6.000000e+01 : f32
      %min3A_386 = vector.broadcast %min3A_385 : f32 to vector<16xf32>
      %min3A_387 = arith.minimumf %select_n3A_384, %min3A_386 : vector<16xf32>
      %exp3A_388 = math.exp %min3A_387 : vector<16xf32>
      %mul3A_389 = arith.mulf %exp3A_388, %get3A_296 : vector<16xf32>
      %mul3A_390 = arith.constant 0 : i32
      %mul3A_391 = vector.broadcast %mul3A_390 : i32 to vector<16xi32>
      %mul3A_392 = arith.muli %iota3A, %mul3A_391 : vector<16xi32>
      %add3A_393 = arith.constant 130 : i32
      %add3A_394 = vector.broadcast %add3A_393 : i32 to vector<16xi32>
      %add3A_395 = arith.addi %mul3A_392, %add3A_394 : vector<16xi32>
      tpu.vector_store_idx %arg13[%add3A_294, %add3A_395], %mul3A_389 : memref<128x144xf32, #tpu.memory_space<vmem>>[vector<16xi32>, vector<16xi32>], vector<16xf32>,
      %mul3A_396 = arith.constant 0 : i32
      %mul3A_397 = vector.broadcast %mul3A_396 : i32 to vector<16xi32>
      %mul3A_398 = arith.muli %iota3A, %mul3A_397 : vector<16xi32>
      %add3A_399 = arith.constant 3 : i32
      %add3A_400 = vector.broadcast %add3A_399 : i32 to vector<16xi32>
      %add3A_401 = arith.addi %mul3A_398, %add3A_400 : vector<16xi32>
      %gather3A_402 = tpu.vector_load_idx %arg10[%add3A_294, %add3A_401] : memref<128x16xf32, #tpu.memory_space<vmem>>[vector<16xi32>, vector<16xi32>], vector<16xf32>,
      %mul3A_403 = arith.constant 0 : i32
      %mul3A_404 = vector.broadcast %mul3A_403 : i32 to vector<16xi32>
      %mul3A_405 = arith.muli %iota3A, %mul3A_404 : vector<16xi32>
      %add3A_406 = arith.constant 7 : i32
      %add3A_407 = vector.broadcast %add3A_406 : i32 to vector<16xi32>
      %add3A_408 = arith.addi %mul3A_405, %add3A_407 : vector<16xi32>
      %gather3A_409 = tpu.vector_load_idx %arg11[%add3A_294, %add3A_408] : memref<128x16xf32, #tpu.memory_space<vmem>>[vector<16xi32>, vector<16xi32>], vector<16xf32>,
      %add3A_410 = arith.addf %gather3A_402, %gather3A_409 : vector<16xf32>
      %ge3A_411 = arith.constant 0.000000e+00 : f32
      %ge3A_412 = vector.broadcast %ge3A_411 : f32 to vector<16xf32>
      %ge3A_413 = arith.cmpf oge, %add3A_410, %ge3A_412 : vector<16xf32>
      %mul3A_414 = arith.constant 2.000000e-01 : f32
      %mul3A_415 = vector.broadcast %mul3A_414 : f32 to vector<16xf32>
      %mul3A_416 = arith.mulf %mul3A_415, %add3A_410 : vector<16xf32>
      %select_n3A_417 = arith.select %ge3A_413, %add3A_410, %mul3A_416 : vector<16xi1>, vector<16xf32>
      %min3A_418 = arith.constant 6.000000e+01 : f32
      %min3A_419 = vector.broadcast %min3A_418 : f32 to vector<16xf32>
      %min3A_420 = arith.minimumf %select_n3A_417, %min3A_419 : vector<16xf32>
      %exp3A_421 = math.exp %min3A_420 : vector<16xf32>
      %mul3A_422 = arith.mulf %exp3A_421, %get3A_296 : vector<16xf32>
      %mul3A_423 = arith.constant 0 : i32
      %mul3A_424 = vector.broadcast %mul3A_423 : i32 to vector<16xi32>
      %mul3A_425 = arith.muli %iota3A, %mul3A_424 : vector<16xi32>
      %add3A_426 = arith.constant 131 : i32
      %add3A_427 = vector.broadcast %add3A_426 : i32 to vector<16xi32>
      %add3A_428 = arith.addi %mul3A_425, %add3A_427 : vector<16xi32>
      tpu.vector_store_idx %arg13[%add3A_294, %add3A_428], %mul3A_422 : memref<128x144xf32, #tpu.memory_space<vmem>>[vector<16xi32>, vector<16xi32>], vector<16xf32>,
      %add3A_429 = arith.constant 16 : i32
      %add3A_430 = vector.broadcast %add3A_429 : i32 to vector<16xi32>
      %add3A_431 = arith.addi %iota3A, %add3A_430 : vector<16xi32>
      %get3A_432 = arith.constant 16 : index
      %get3A_433 = tpu.vector_load %arg9[%get3A_432] {strides = array<i32>} : memref<128xf32, #tpu.memory_space<vmem>>, vector<16xf32>,
      %mul3A_434 = arith.constant 0 : i32
      %mul3A_435 = vector.broadcast %mul3A_434 : i32 to vector<16xi32>
      %mul3A_436 = arith.muli %iota3A, %mul3A_435 : vector<16xi32>
      %add3A_437 = arith.constant 0 : i32
      %add3A_438 = vector.broadcast %add3A_437 : i32 to vector<16xi32>
      %add3A_439 = arith.addi %mul3A_436, %add3A_438 : vector<16xi32>
      %gather3A_440 = tpu.vector_load_idx %arg10[%add3A_431, %add3A_439] : memref<128x16xf32, #tpu.memory_space<vmem>>[vector<16xi32>, vector<16xi32>], vector<16xf32>,
      %mul3A_441 = arith.constant 0 : i32
      %mul3A_442 = vector.broadcast %mul3A_441 : i32 to vector<16xi32>
      %mul3A_443 = arith.muli %iota3A, %mul3A_442 : vector<16xi32>
      %add3A_444 = arith.constant 4 : i32
      %add3A_445 = vector.broadcast %add3A_444 : i32 to vector<16xi32>
      %add3A_446 = arith.addi %mul3A_443, %add3A_445 : vector<16xi32>
      %gather3A_447 = tpu.vector_load_idx %arg11[%add3A_431, %add3A_446] : memref<128x16xf32, #tpu.memory_space<vmem>>[vector<16xi32>, vector<16xi32>], vector<16xf32>,
      %add3A_448 = arith.addf %gather3A_440, %gather3A_447 : vector<16xf32>
      %ge3A_449 = arith.constant 0.000000e+00 : f32
      %ge3A_450 = vector.broadcast %ge3A_449 : f32 to vector<16xf32>
      %ge3A_451 = arith.cmpf oge, %add3A_448, %ge3A_450 : vector<16xf32>
      %mul3A_452 = arith.constant 2.000000e-01 : f32
      %mul3A_453 = vector.broadcast %mul3A_452 : f32 to vector<16xf32>
      %mul3A_454 = arith.mulf %mul3A_453, %add3A_448 : vector<16xf32>
      %select_n3A_455 = arith.select %ge3A_451, %add3A_448, %mul3A_454 : vector<16xi1>, vector<16xf32>
      %min3A_456 = arith.constant 6.000000e+01 : f32
      %min3A_457 = vector.broadcast %min3A_456 : f32 to vector<16xf32>
      %min3A_458 = arith.minimumf %select_n3A_455, %min3A_457 : vector<16xf32>
      %exp3A_459 = math.exp %min3A_458 : vector<16xf32>
      %mul3A_460 = arith.mulf %exp3A_459, %get3A_433 : vector<16xf32>
      %mul3A_461 = arith.constant 0 : i32
      %mul3A_462 = vector.broadcast %mul3A_461 : i32 to vector<16xi32>
      %mul3A_463 = arith.muli %iota3A, %mul3A_462 : vector<16xi32>
      %add3A_464 = arith.constant 128 : i32
      %add3A_465 = vector.broadcast %add3A_464 : i32 to vector<16xi32>
      %add3A_466 = arith.addi %mul3A_463, %add3A_465 : vector<16xi32>
      tpu.vector_store_idx %arg13[%add3A_431, %add3A_466], %mul3A_460 : memref<128x144xf32, #tpu.memory_space<vmem>>[vector<16xi32>, vector<16xi32>], vector<16xf32>,
      %mul3A_467 = arith.constant 0 : i32
      %mul3A_468 = vector.broadcast %mul3A_467 : i32 to vector<16xi32>
      %mul3A_469 = arith.muli %iota3A, %mul3A_468 : vector<16xi32>
      %add3A_470 = arith.constant 1 : i32
      %add3A_471 = vector.broadcast %add3A_470 : i32 to vector<16xi32>
      %add3A_472 = arith.addi %mul3A_469, %add3A_471 : vector<16xi32>
      %gather3A_473 = tpu.vector_load_idx %arg10[%add3A_431, %add3A_472] : memref<128x16xf32, #tpu.memory_space<vmem>>[vector<16xi32>, vector<16xi32>], vector<16xf32>,
      %mul3A_474 = arith.constant 0 : i32
      %mul3A_475 = vector.broadcast %mul3A_474 : i32 to vector<16xi32>
      %mul3A_476 = arith.muli %iota3A, %mul3A_475 : vector<16xi32>
      %add3A_477 = arith.constant 5 : i32
      %add3A_478 = vector.broadcast %add3A_477 : i32 to vector<16xi32>
      %add3A_479 = arith.addi %mul3A_476, %add3A_478 : vector<16xi32>
      %gather3A_480 = tpu.vector_load_idx %arg11[%add3A_431, %add3A_479] : memref<128x16xf32, #tpu.memory_space<vmem>>[vector<16xi32>, vector<16xi32>], vector<16xf32>,
      %add3A_481 = arith.addf %gather3A_473, %gather3A_480 : vector<16xf32>
      %ge3A_482 = arith.constant 0.000000e+00 : f32
      %ge3A_483 = vector.broadcast %ge3A_482 : f32 to vector<16xf32>
      %ge3A_484 = arith.cmpf oge, %add3A_481, %ge3A_483 : vector<16xf32>
      %mul3A_485 = arith.constant 2.000000e-01 : f32
      %mul3A_486 = vector.broadcast %mul3A_485 : f32 to vector<16xf32>
      %mul3A_487 = arith.mulf %mul3A_486, %add3A_481 : vector<16xf32>
      %select_n3A_488 = arith.select %ge3A_484, %add3A_481, %mul3A_487 : vector<16xi1>, vector<16xf32>
      %min3A_489 = arith.constant 6.000000e+01 : f32
      %min3A_490 = vector.broadcast %min3A_489 : f32 to vector<16xf32>
      %min3A_491 = arith.minimumf %select_n3A_488, %min3A_490 : vector<16xf32>
      %exp3A_492 = math.exp %min3A_491 : vector<16xf32>
      %mul3A_493 = arith.mulf %exp3A_492, %get3A_433 : vector<16xf32>
      %mul3A_494 = arith.constant 0 : i32
      %mul3A_495 = vector.broadcast %mul3A_494 : i32 to vector<16xi32>
      %mul3A_496 = arith.muli %iota3A, %mul3A_495 : vector<16xi32>
      %add3A_497 = arith.constant 129 : i32
      %add3A_498 = vector.broadcast %add3A_497 : i32 to vector<16xi32>
      %add3A_499 = arith.addi %mul3A_496, %add3A_498 : vector<16xi32>
      tpu.vector_store_idx %arg13[%add3A_431, %add3A_499], %mul3A_493 : memref<128x144xf32, #tpu.memory_space<vmem>>[vector<16xi32>, vector<16xi32>], vector<16xf32>,
      %mul3A_500 = arith.constant 0 : i32
      %mul3A_501 = vector.broadcast %mul3A_500 : i32 to vector<16xi32>
      %mul3A_502 = arith.muli %iota3A, %mul3A_501 : vector<16xi32>
      %add3A_503 = arith.constant 2 : i32
      %add3A_504 = vector.broadcast %add3A_503 : i32 to vector<16xi32>
      %add3A_505 = arith.addi %mul3A_502, %add3A_504 : vector<16xi32>
      %gather3A_506 = tpu.vector_load_idx %arg10[%add3A_431, %add3A_505] : memref<128x16xf32, #tpu.memory_space<vmem>>[vector<16xi32>, vector<16xi32>], vector<16xf32>,
      %mul3A_507 = arith.constant 0 : i32
      %mul3A_508 = vector.broadcast %mul3A_507 : i32 to vector<16xi32>
      %mul3A_509 = arith.muli %iota3A, %mul3A_508 : vector<16xi32>
      %add3A_510 = arith.constant 6 : i32
      %add3A_511 = vector.broadcast %add3A_510 : i32 to vector<16xi32>
      %add3A_512 = arith.addi %mul3A_509, %add3A_511 : vector<16xi32>
      %gather3A_513 = tpu.vector_load_idx %arg11[%add3A_431, %add3A_512] : memref<128x16xf32, #tpu.memory_space<vmem>>[vector<16xi32>, vector<16xi32>], vector<16xf32>,
      %add3A_514 = arith.addf %gather3A_506, %gather3A_513 : vector<16xf32>
      %ge3A_515 = arith.constant 0.000000e+00 : f32
      %ge3A_516 = vector.broadcast %ge3A_515 : f32 to vector<16xf32>
      %ge3A_517 = arith.cmpf oge, %add3A_514, %ge3A_516 : vector<16xf32>
      %mul3A_518 = arith.constant 2.000000e-01 : f32
      %mul3A_519 = vector.broadcast %mul3A_518 : f32 to vector<16xf32>
      %mul3A_520 = arith.mulf %mul3A_519, %add3A_514 : vector<16xf32>
      %select_n3A_521 = arith.select %ge3A_517, %add3A_514, %mul3A_520 : vector<16xi1>, vector<16xf32>
      %min3A_522 = arith.constant 6.000000e+01 : f32
      %min3A_523 = vector.broadcast %min3A_522 : f32 to vector<16xf32>
      %min3A_524 = arith.minimumf %select_n3A_521, %min3A_523 : vector<16xf32>
      %exp3A_525 = math.exp %min3A_524 : vector<16xf32>
      %mul3A_526 = arith.mulf %exp3A_525, %get3A_433 : vector<16xf32>
      %mul3A_527 = arith.constant 0 : i32
      %mul3A_528 = vector.broadcast %mul3A_527 : i32 to vector<16xi32>
      %mul3A_529 = arith.muli %iota3A, %mul3A_528 : vector<16xi32>
      %add3A_530 = arith.constant 130 : i32
      %add3A_531 = vector.broadcast %add3A_530 : i32 to vector<16xi32>
      %add3A_532 = arith.addi %mul3A_529, %add3A_531 : vector<16xi32>
      tpu.vector_store_idx %arg13[%add3A_431, %add3A_532], %mul3A_526 : memref<128x144xf32, #tpu.memory_space<vmem>>[vector<16xi32>, vector<16xi32>], vector<16xf32>,
      %mul3A_533 = arith.constant 0 : i32
      %mul3A_534 = vector.broadcast %mul3A_533 : i32 to vector<16xi32>
      %mul3A_535 = arith.muli %iota3A, %mul3A_534 : vector<16xi32>
      %add3A_536 = arith.constant 3 : i32
      %add3A_537 = vector.broadcast %add3A_536 : i32 to vector<16xi32>
      %add3A_538 = arith.addi %mul3A_535, %add3A_537 : vector<16xi32>
      %gather3A_539 = tpu.vector_load_idx %arg10[%add3A_431, %add3A_538] : memref<128x16xf32, #tpu.memory_space<vmem>>[vector<16xi32>, vector<16xi32>], vector<16xf32>,
      %mul3A_540 = arith.constant 0 : i32
      %mul3A_541 = vector.broadcast %mul3A_540 : i32 to vector<16xi32>
      %mul3A_542 = arith.muli %iota3A, %mul3A_541 : vector<16xi32>
      %add3A_543 = arith.constant 7 : i32
      %add3A_544 = vector.broadcast %add3A_543 : i32 to vector<16xi32>
      %add3A_545 = arith.addi %mul3A_542, %add3A_544 : vector<16xi32>
      %gather3A_546 = tpu.vector_load_idx %arg11[%add3A_431, %add3A_545] : memref<128x16xf32, #tpu.memory_space<vmem>>[vector<16xi32>, vector<16xi32>], vector<16xf32>,
      %add3A_547 = arith.addf %gather3A_539, %gather3A_546 : vector<16xf32>
      %ge3A_548 = arith.constant 0.000000e+00 : f32
      %ge3A_549 = vector.broadcast %ge3A_548 : f32 to vector<16xf32>
      %ge3A_550 = arith.cmpf oge, %add3A_547, %ge3A_549 : vector<16xf32>
      %mul3A_551 = arith.constant 2.000000e-01 : f32
      %mul3A_552 = vector.broadcast %mul3A_551 : f32 to vector<16xf32>
      %mul3A_553 = arith.mulf %mul3A_552, %add3A_547 : vector<16xf32>
      %select_n3A_554 = arith.select %ge3A_550, %add3A_547, %mul3A_553 : vector<16xi1>, vector<16xf32>
      %min3A_555 = arith.constant 6.000000e+01 : f32
      %min3A_556 = vector.broadcast %min3A_555 : f32 to vector<16xf32>
      %min3A_557 = arith.minimumf %select_n3A_554, %min3A_556 : vector<16xf32>
      %exp3A_558 = math.exp %min3A_557 : vector<16xf32>
      %mul3A_559 = arith.mulf %exp3A_558, %get3A_433 : vector<16xf32>
      %mul3A_560 = arith.constant 0 : i32
      %mul3A_561 = vector.broadcast %mul3A_560 : i32 to vector<16xi32>
      %mul3A_562 = arith.muli %iota3A, %mul3A_561 : vector<16xi32>
      %add3A_563 = arith.constant 131 : i32
      %add3A_564 = vector.broadcast %add3A_563 : i32 to vector<16xi32>
      %add3A_565 = arith.addi %mul3A_562, %add3A_564 : vector<16xi32>
      tpu.vector_store_idx %arg13[%add3A_431, %add3A_565], %mul3A_559 : memref<128x144xf32, #tpu.memory_space<vmem>>[vector<16xi32>, vector<16xi32>], vector<16xf32>,
      %add3A_566 = arith.constant 32 : i32
      %add3A_567 = vector.broadcast %add3A_566 : i32 to vector<16xi32>
      %add3A_568 = arith.addi %iota3A, %add3A_567 : vector<16xi32>
      %get3A_569 = arith.constant 32 : index
      %get3A_570 = tpu.vector_load %arg9[%get3A_569] {strides = array<i32>} : memref<128xf32, #tpu.memory_space<vmem>>, vector<16xf32>,
      %mul3A_571 = arith.constant 0 : i32
      %mul3A_572 = vector.broadcast %mul3A_571 : i32 to vector<16xi32>
      %mul3A_573 = arith.muli %iota3A, %mul3A_572 : vector<16xi32>
      %add3A_574 = arith.constant 0 : i32
      %add3A_575 = vector.broadcast %add3A_574 : i32 to vector<16xi32>
      %add3A_576 = arith.addi %mul3A_573, %add3A_575 : vector<16xi32>
      %gather3A_577 = tpu.vector_load_idx %arg10[%add3A_568, %add3A_576] : memref<128x16xf32, #tpu.memory_space<vmem>>[vector<16xi32>, vector<16xi32>], vector<16xf32>,
      %mul3A_578 = arith.constant 0 : i32
      %mul3A_579 = vector.broadcast %mul3A_578 : i32 to vector<16xi32>
      %mul3A_580 = arith.muli %iota3A, %mul3A_579 : vector<16xi32>
      %add3A_581 = arith.constant 4 : i32
      %add3A_582 = vector.broadcast %add3A_581 : i32 to vector<16xi32>
      %add3A_583 = arith.addi %mul3A_580, %add3A_582 : vector<16xi32>
      %gather3A_584 = tpu.vector_load_idx %arg11[%add3A_568, %add3A_583] : memref<128x16xf32, #tpu.memory_space<vmem>>[vector<16xi32>, vector<16xi32>], vector<16xf32>,
      %add3A_585 = arith.addf %gather3A_577, %gather3A_584 : vector<16xf32>
      %ge3A_586 = arith.constant 0.000000e+00 : f32
      %ge3A_587 = vector.broadcast %ge3A_586 : f32 to vector<16xf32>
      %ge3A_588 = arith.cmpf oge, %add3A_585, %ge3A_587 : vector<16xf32>
      %mul3A_589 = arith.constant 2.000000e-01 : f32
      %mul3A_590 = vector.broadcast %mul3A_589 : f32 to vector<16xf32>
      %mul3A_591 = arith.mulf %mul3A_590, %add3A_585 : vector<16xf32>
      %select_n3A_592 = arith.select %ge3A_588, %add3A_585, %mul3A_591 : vector<16xi1>, vector<16xf32>
      %min3A_593 = arith.constant 6.000000e+01 : f32
      %min3A_594 = vector.broadcast %min3A_593 : f32 to vector<16xf32>
      %min3A_595 = arith.minimumf %select_n3A_592, %min3A_594 : vector<16xf32>
      %exp3A_596 = math.exp %min3A_595 : vector<16xf32>
      %mul3A_597 = arith.mulf %exp3A_596, %get3A_570 : vector<16xf32>
      %mul3A_598 = arith.constant 0 : i32
      %mul3A_599 = vector.broadcast %mul3A_598 : i32 to vector<16xi32>
      %mul3A_600 = arith.muli %iota3A, %mul3A_599 : vector<16xi32>
      %add3A_601 = arith.constant 128 : i32
      %add3A_602 = vector.broadcast %add3A_601 : i32 to vector<16xi32>
      %add3A_603 = arith.addi %mul3A_600, %add3A_602 : vector<16xi32>
      tpu.vector_store_idx %arg13[%add3A_568, %add3A_603], %mul3A_597 : memref<128x144xf32, #tpu.memory_space<vmem>>[vector<16xi32>, vector<16xi32>], vector<16xf32>,
      %mul3A_604 = arith.constant 0 : i32
      %mul3A_605 = vector.broadcast %mul3A_604 : i32 to vector<16xi32>
      %mul3A_606 = arith.muli %iota3A, %mul3A_605 : vector<16xi32>
      %add3A_607 = arith.constant 1 : i32
      %add3A_608 = vector.broadcast %add3A_607 : i32 to vector<16xi32>
      %add3A_609 = arith.addi %mul3A_606, %add3A_608 : vector<16xi32>
      %gather3A_610 = tpu.vector_load_idx %arg10[%add3A_568, %add3A_609] : memref<128x16xf32, #tpu.memory_space<vmem>>[vector<16xi32>, vector<16xi32>], vector<16xf32>,
      %mul3A_611 = arith.constant 0 : i32
      %mul3A_612 = vector.broadcast %mul3A_611 : i32 to vector<16xi32>
      %mul3A_613 = arith.muli %iota3A, %mul3A_612 : vector<16xi32>
      %add3A_614 = arith.constant 5 : i32
      %add3A_615 = vector.broadcast %add3A_614 : i32 to vector<16xi32>
      %add3A_616 = arith.addi %mul3A_613, %add3A_615 : vector<16xi32>
      %gather3A_617 = tpu.vector_load_idx %arg11[%add3A_568, %add3A_616] : memref<128x16xf32, #tpu.memory_space<vmem>>[vector<16xi32>, vector<16xi32>], vector<16xf32>,
      %add3A_618 = arith.addf %gather3A_610, %gather3A_617 : vector<16xf32>
      %ge3A_619 = arith.constant 0.000000e+00 : f32
      %ge3A_620 = vector.broadcast %ge3A_619 : f32 to vector<16xf32>
      %ge3A_621 = arith.cmpf oge, %add3A_618, %ge3A_620 : vector<16xf32>
      %mul3A_622 = arith.constant 2.000000e-01 : f32
      %mul3A_623 = vector.broadcast %mul3A_622 : f32 to vector<16xf32>
      %mul3A_624 = arith.mulf %mul3A_623, %add3A_618 : vector<16xf32>
      %select_n3A_625 = arith.select %ge3A_621, %add3A_618, %mul3A_624 : vector<16xi1>, vector<16xf32>
      %min3A_626 = arith.constant 6.000000e+01 : f32
      %min3A_627 = vector.broadcast %min3A_626 : f32 to vector<16xf32>
      %min3A_628 = arith.minimumf %select_n3A_625, %min3A_627 : vector<16xf32>
      %exp3A_629 = math.exp %min3A_628 : vector<16xf32>
      %mul3A_630 = arith.mulf %exp3A_629, %get3A_570 : vector<16xf32>
      %mul3A_631 = arith.constant 0 : i32
      %mul3A_632 = vector.broadcast %mul3A_631 : i32 to vector<16xi32>
      %mul3A_633 = arith.muli %iota3A, %mul3A_632 : vector<16xi32>
      %add3A_634 = arith.constant 129 : i32
      %add3A_635 = vector.broadcast %add3A_634 : i32 to vector<16xi32>
      %add3A_636 = arith.addi %mul3A_633, %add3A_635 : vector<16xi32>
      tpu.vector_store_idx %arg13[%add3A_568, %add3A_636], %mul3A_630 : memref<128x144xf32, #tpu.memory_space<vmem>>[vector<16xi32>, vector<16xi32>], vector<16xf32>,
      %mul3A_637 = arith.constant 0 : i32
      %mul3A_638 = vector.broadcast %mul3A_637 : i32 to vector<16xi32>
      %mul3A_639 = arith.muli %iota3A, %mul3A_638 : vector<16xi32>
      %add3A_640 = arith.constant 2 : i32
      %add3A_641 = vector.broadcast %add3A_640 : i32 to vector<16xi32>
      %add3A_642 = arith.addi %mul3A_639, %add3A_641 : vector<16xi32>
      %gather3A_643 = tpu.vector_load_idx %arg10[%add3A_568, %add3A_642] : memref<128x16xf32, #tpu.memory_space<vmem>>[vector<16xi32>, vector<16xi32>], vector<16xf32>,
      %mul3A_644 = arith.constant 0 : i32
      %mul3A_645 = vector.broadcast %mul3A_644 : i32 to vector<16xi32>
      %mul3A_646 = arith.muli %iota3A, %mul3A_645 : vector<16xi32>
      %add3A_647 = arith.constant 6 : i32
      %add3A_648 = vector.broadcast %add3A_647 : i32 to vector<16xi32>
      %add3A_649 = arith.addi %mul3A_646, %add3A_648 : vector<16xi32>
      %gather3A_650 = tpu.vector_load_idx %arg11[%add3A_568, %add3A_649] : memref<128x16xf32, #tpu.memory_space<vmem>>[vector<16xi32>, vector<16xi32>], vector<16xf32>,
      %add3A_651 = arith.addf %gather3A_643, %gather3A_650 : vector<16xf32>
      %ge3A_652 = arith.constant 0.000000e+00 : f32
      %ge3A_653 = vector.broadcast %ge3A_652 : f32 to vector<16xf32>
      %ge3A_654 = arith.cmpf oge, %add3A_651, %ge3A_653 : vector<16xf32>
      %mul3A_655 = arith.constant 2.000000e-01 : f32
      %mul3A_656 = vector.broadcast %mul3A_655 : f32 to vector<16xf32>
      %mul3A_657 = arith.mulf %mul3A_656, %add3A_651 : vector<16xf32>
      %select_n3A_658 = arith.select %ge3A_654, %add3A_651, %mul3A_657 : vector<16xi1>, vector<16xf32>
      %min3A_659 = arith.constant 6.000000e+01 : f32
      %min3A_660 = vector.broadcast %min3A_659 : f32 to vector<16xf32>
      %min3A_661 = arith.minimumf %select_n3A_658, %min3A_660 : vector<16xf32>
      %exp3A_662 = math.exp %min3A_661 : vector<16xf32>
      %mul3A_663 = arith.mulf %exp3A_662, %get3A_570 : vector<16xf32>
      %mul3A_664 = arith.constant 0 : i32
      %mul3A_665 = vector.broadcast %mul3A_664 : i32 to vector<16xi32>
      %mul3A_666 = arith.muli %iota3A, %mul3A_665 : vector<16xi32>
      %add3A_667 = arith.constant 130 : i32
      %add3A_668 = vector.broadcast %add3A_667 : i32 to vector<16xi32>
      %add3A_669 = arith.addi %mul3A_666, %add3A_668 : vector<16xi32>
      tpu.vector_store_idx %arg13[%add3A_568, %add3A_669], %mul3A_663 : memref<128x144xf32, #tpu.memory_space<vmem>>[vector<16xi32>, vector<16xi32>], vector<16xf32>,
      %mul3A_670 = arith.constant 0 : i32
      %mul3A_671 = vector.broadcast %mul3A_670 : i32 to vector<16xi32>
      %mul3A_672 = arith.muli %iota3A, %mul3A_671 : vector<16xi32>
      %add3A_673 = arith.constant 3 : i32
      %add3A_674 = vector.broadcast %add3A_673 : i32 to vector<16xi32>
      %add3A_675 = arith.addi %mul3A_672, %add3A_674 : vector<16xi32>
      %gather3A_676 = tpu.vector_load_idx %arg10[%add3A_568, %add3A_675] : memref<128x16xf32, #tpu.memory_space<vmem>>[vector<16xi32>, vector<16xi32>], vector<16xf32>,
      %mul3A_677 = arith.constant 0 : i32
      %mul3A_678 = vector.broadcast %mul3A_677 : i32 to vector<16xi32>
      %mul3A_679 = arith.muli %iota3A, %mul3A_678 : vector<16xi32>
      %add3A_680 = arith.constant 7 : i32
      %add3A_681 = vector.broadcast %add3A_680 : i32 to vector<16xi32>
      %add3A_682 = arith.addi %mul3A_679, %add3A_681 : vector<16xi32>
      %gather3A_683 = tpu.vector_load_idx %arg11[%add3A_568, %add3A_682] : memref<128x16xf32, #tpu.memory_space<vmem>>[vector<16xi32>, vector<16xi32>], vector<16xf32>,
      %add3A_684 = arith.addf %gather3A_676, %gather3A_683 : vector<16xf32>
      %ge3A_685 = arith.constant 0.000000e+00 : f32
      %ge3A_686 = vector.broadcast %ge3A_685 : f32 to vector<16xf32>
      %ge3A_687 = arith.cmpf oge, %add3A_684, %ge3A_686 : vector<16xf32>
      %mul3A_688 = arith.constant 2.000000e-01 : f32
      %mul3A_689 = vector.broadcast %mul3A_688 : f32 to vector<16xf32>
      %mul3A_690 = arith.mulf %mul3A_689, %add3A_684 : vector<16xf32>
      %select_n3A_691 = arith.select %ge3A_687, %add3A_684, %mul3A_690 : vector<16xi1>, vector<16xf32>
      %min3A_692 = arith.constant 6.000000e+01 : f32
      %min3A_693 = vector.broadcast %min3A_692 : f32 to vector<16xf32>
      %min3A_694 = arith.minimumf %select_n3A_691, %min3A_693 : vector<16xf32>
      %exp3A_695 = math.exp %min3A_694 : vector<16xf32>
      %mul3A_696 = arith.mulf %exp3A_695, %get3A_570 : vector<16xf32>
      %mul3A_697 = arith.constant 0 : i32
      %mul3A_698 = vector.broadcast %mul3A_697 : i32 to vector<16xi32>
      %mul3A_699 = arith.muli %iota3A, %mul3A_698 : vector<16xi32>
      %add3A_700 = arith.constant 131 : i32
      %add3A_701 = vector.broadcast %add3A_700 : i32 to vector<16xi32>
      %add3A_702 = arith.addi %mul3A_699, %add3A_701 : vector<16xi32>
      tpu.vector_store_idx %arg13[%add3A_568, %add3A_702], %mul3A_696 : memref<128x144xf32, #tpu.memory_space<vmem>>[vector<16xi32>, vector<16xi32>], vector<16xf32>,
      %add3A_703 = arith.constant 48 : i32
      %add3A_704 = vector.broadcast %add3A_703 : i32 to vector<16xi32>
      %add3A_705 = arith.addi %iota3A, %add3A_704 : vector<16xi32>
      %get3A_706 = arith.constant 48 : index
      %get3A_707 = tpu.vector_load %arg9[%get3A_706] {strides = array<i32>} : memref<128xf32, #tpu.memory_space<vmem>>, vector<16xf32>,
      %mul3A_708 = arith.constant 0 : i32
      %mul3A_709 = vector.broadcast %mul3A_708 : i32 to vector<16xi32>
      %mul3A_710 = arith.muli %iota3A, %mul3A_709 : vector<16xi32>
      %add3A_711 = arith.constant 0 : i32
      %add3A_712 = vector.broadcast %add3A_711 : i32 to vector<16xi32>
      %add3A_713 = arith.addi %mul3A_710, %add3A_712 : vector<16xi32>
      %gather3A_714 = tpu.vector_load_idx %arg10[%add3A_705, %add3A_713] : memref<128x16xf32, #tpu.memory_space<vmem>>[vector<16xi32>, vector<16xi32>], vector<16xf32>,
      %mul3A_715 = arith.constant 0 : i32
      %mul3A_716 = vector.broadcast %mul3A_715 : i32 to vector<16xi32>
      %mul3A_717 = arith.muli %iota3A, %mul3A_716 : vector<16xi32>
      %add3A_718 = arith.constant 4 : i32
      %add3A_719 = vector.broadcast %add3A_718 : i32 to vector<16xi32>
      %add3A_720 = arith.addi %mul3A_717, %add3A_719 : vector<16xi32>
      %gather3A_721 = tpu.vector_load_idx %arg11[%add3A_705, %add3A_720] : memref<128x16xf32, #tpu.memory_space<vmem>>[vector<16xi32>, vector<16xi32>], vector<16xf32>,
      %add3A_722 = arith.addf %gather3A_714, %gather3A_721 : vector<16xf32>
      %ge3A_723 = arith.constant 0.000000e+00 : f32
      %ge3A_724 = vector.broadcast %ge3A_723 : f32 to vector<16xf32>
      %ge3A_725 = arith.cmpf oge, %add3A_722, %ge3A_724 : vector<16xf32>
      %mul3A_726 = arith.constant 2.000000e-01 : f32
      %mul3A_727 = vector.broadcast %mul3A_726 : f32 to vector<16xf32>
      %mul3A_728 = arith.mulf %mul3A_727, %add3A_722 : vector<16xf32>
      %select_n3A_729 = arith.select %ge3A_725, %add3A_722, %mul3A_728 : vector<16xi1>, vector<16xf32>
      %min3A_730 = arith.constant 6.000000e+01 : f32
      %min3A_731 = vector.broadcast %min3A_730 : f32 to vector<16xf32>
      %min3A_732 = arith.minimumf %select_n3A_729, %min3A_731 : vector<16xf32>
      %exp3A_733 = math.exp %min3A_732 : vector<16xf32>
      %mul3A_734 = arith.mulf %exp3A_733, %get3A_707 : vector<16xf32>
      %mul3A_735 = arith.constant 0 : i32
      %mul3A_736 = vector.broadcast %mul3A_735 : i32 to vector<16xi32>
      %mul3A_737 = arith.muli %iota3A, %mul3A_736 : vector<16xi32>
      %add3A_738 = arith.constant 128 : i32
      %add3A_739 = vector.broadcast %add3A_738 : i32 to vector<16xi32>
      %add3A_740 = arith.addi %mul3A_737, %add3A_739 : vector<16xi32>
      tpu.vector_store_idx %arg13[%add3A_705, %add3A_740], %mul3A_734 : memref<128x144xf32, #tpu.memory_space<vmem>>[vector<16xi32>, vector<16xi32>], vector<16xf32>,
      %mul3A_741 = arith.constant 0 : i32
      %mul3A_742 = vector.broadcast %mul3A_741 : i32 to vector<16xi32>
      %mul3A_743 = arith.muli %iota3A, %mul3A_742 : vector<16xi32>
      %add3A_744 = arith.constant 1 : i32
      %add3A_745 = vector.broadcast %add3A_744 : i32 to vector<16xi32>
      %add3A_746 = arith.addi %mul3A_743, %add3A_745 : vector<16xi32>
      %gather3A_747 = tpu.vector_load_idx %arg10[%add3A_705, %add3A_746] : memref<128x16xf32, #tpu.memory_space<vmem>>[vector<16xi32>, vector<16xi32>], vector<16xf32>,
      %mul3A_748 = arith.constant 0 : i32
      %mul3A_749 = vector.broadcast %mul3A_748 : i32 to vector<16xi32>
      %mul3A_750 = arith.muli %iota3A, %mul3A_749 : vector<16xi32>
      %add3A_751 = arith.constant 5 : i32
      %add3A_752 = vector.broadcast %add3A_751 : i32 to vector<16xi32>
      %add3A_753 = arith.addi %mul3A_750, %add3A_752 : vector<16xi32>
      %gather3A_754 = tpu.vector_load_idx %arg11[%add3A_705, %add3A_753] : memref<128x16xf32, #tpu.memory_space<vmem>>[vector<16xi32>, vector<16xi32>], vector<16xf32>,
      %add3A_755 = arith.addf %gather3A_747, %gather3A_754 : vector<16xf32>
      %ge3A_756 = arith.constant 0.000000e+00 : f32
      %ge3A_757 = vector.broadcast %ge3A_756 : f32 to vector<16xf32>
      %ge3A_758 = arith.cmpf oge, %add3A_755, %ge3A_757 : vector<16xf32>
      %mul3A_759 = arith.constant 2.000000e-01 : f32
      %mul3A_760 = vector.broadcast %mul3A_759 : f32 to vector<16xf32>
      %mul3A_761 = arith.mulf %mul3A_760, %add3A_755 : vector<16xf32>
      %select_n3A_762 = arith.select %ge3A_758, %add3A_755, %mul3A_761 : vector<16xi1>, vector<16xf32>
      %min3A_763 = arith.constant 6.000000e+01 : f32
      %min3A_764 = vector.broadcast %min3A_763 : f32 to vector<16xf32>
      %min3A_765 = arith.minimumf %select_n3A_762, %min3A_764 : vector<16xf32>
      %exp3A_766 = math.exp %min3A_765 : vector<16xf32>
      %mul3A_767 = arith.mulf %exp3A_766, %get3A_707 : vector<16xf32>
      %mul3A_768 = arith.constant 0 : i32
      %mul3A_769 = vector.broadcast %mul3A_768 : i32 to vector<16xi32>
      %mul3A_770 = arith.muli %iota3A, %mul3A_769 : vector<16xi32>
      %add3A_771 = arith.constant 129 : i32
      %add3A_772 = vector.broadcast %add3A_771 : i32 to vector<16xi32>
      %add3A_773 = arith.addi %mul3A_770, %add3A_772 : vector<16xi32>
      tpu.vector_store_idx %arg13[%add3A_705, %add3A_773], %mul3A_767 : memref<128x144xf32, #tpu.memory_space<vmem>>[vector<16xi32>, vector<16xi32>], vector<16xf32>,
      %mul3A_774 = arith.constant 0 : i32
      %mul3A_775 = vector.broadcast %mul3A_774 : i32 to vector<16xi32>
      %mul3A_776 = arith.muli %iota3A, %mul3A_775 : vector<16xi32>
      %add3A_777 = arith.constant 2 : i32
      %add3A_778 = vector.broadcast %add3A_777 : i32 to vector<16xi32>
      %add3A_779 = arith.addi %mul3A_776, %add3A_778 : vector<16xi32>
      %gather3A_780 = tpu.vector_load_idx %arg10[%add3A_705, %add3A_779] : memref<128x16xf32, #tpu.memory_space<vmem>>[vector<16xi32>, vector<16xi32>], vector<16xf32>,
      %mul3A_781 = arith.constant 0 : i32
      %mul3A_782 = vector.broadcast %mul3A_781 : i32 to vector<16xi32>
      %mul3A_783 = arith.muli %iota3A, %mul3A_782 : vector<16xi32>
      %add3A_784 = arith.constant 6 : i32
      %add3A_785 = vector.broadcast %add3A_784 : i32 to vector<16xi32>
      %add3A_786 = arith.addi %mul3A_783, %add3A_785 : vector<16xi32>
      %gather3A_787 = tpu.vector_load_idx %arg11[%add3A_705, %add3A_786] : memref<128x16xf32, #tpu.memory_space<vmem>>[vector<16xi32>, vector<16xi32>], vector<16xf32>,
      %add3A_788 = arith.addf %gather3A_780, %gather3A_787 : vector<16xf32>
      %ge3A_789 = arith.constant 0.000000e+00 : f32
      %ge3A_790 = vector.broadcast %ge3A_789 : f32 to vector<16xf32>
      %ge3A_791 = arith.cmpf oge, %add3A_788, %ge3A_790 : vector<16xf32>
      %mul3A_792 = arith.constant 2.000000e-01 : f32
      %mul3A_793 = vector.broadcast %mul3A_792 : f32 to vector<16xf32>
      %mul3A_794 = arith.mulf %mul3A_793, %add3A_788 : vector<16xf32>
      %select_n3A_795 = arith.select %ge3A_791, %add3A_788, %mul3A_794 : vector<16xi1>, vector<16xf32>
      %min3A_796 = arith.constant 6.000000e+01 : f32
      %min3A_797 = vector.broadcast %min3A_796 : f32 to vector<16xf32>
      %min3A_798 = arith.minimumf %select_n3A_795, %min3A_797 : vector<16xf32>
      %exp3A_799 = math.exp %min3A_798 : vector<16xf32>
      %mul3A_800 = arith.mulf %exp3A_799, %get3A_707 : vector<16xf32>
      %mul3A_801 = arith.constant 0 : i32
      %mul3A_802 = vector.broadcast %mul3A_801 : i32 to vector<16xi32>
      %mul3A_803 = arith.muli %iota3A, %mul3A_802 : vector<16xi32>
      %add3A_804 = arith.constant 130 : i32
      %add3A_805 = vector.broadcast %add3A_804 : i32 to vector<16xi32>
      %add3A_806 = arith.addi %mul3A_803, %add3A_805 : vector<16xi32>
      tpu.vector_store_idx %arg13[%add3A_705, %add3A_806], %mul3A_800 : memref<128x144xf32, #tpu.memory_space<vmem>>[vector<16xi32>, vector<16xi32>], vector<16xf32>,
      %mul3A_807 = arith.constant 0 : i32
      %mul3A_808 = vector.broadcast %mul3A_807 : i32 to vector<16xi32>
      %mul3A_809 = arith.muli %iota3A, %mul3A_808 : vector<16xi32>
      %add3A_810 = arith.constant 3 : i32
      %add3A_811 = vector.broadcast %add3A_810 : i32 to vector<16xi32>
      %add3A_812 = arith.addi %mul3A_809, %add3A_811 : vector<16xi32>
      %gather3A_813 = tpu.vector_load_idx %arg10[%add3A_705, %add3A_812] : memref<128x16xf32, #tpu.memory_space<vmem>>[vector<16xi32>, vector<16xi32>], vector<16xf32>,
      %mul3A_814 = arith.constant 0 : i32
      %mul3A_815 = vector.broadcast %mul3A_814 : i32 to vector<16xi32>
      %mul3A_816 = arith.muli %iota3A, %mul3A_815 : vector<16xi32>
      %add3A_817 = arith.constant 7 : i32
      %add3A_818 = vector.broadcast %add3A_817 : i32 to vector<16xi32>
      %add3A_819 = arith.addi %mul3A_816, %add3A_818 : vector<16xi32>
      %gather3A_820 = tpu.vector_load_idx %arg11[%add3A_705, %add3A_819] : memref<128x16xf32, #tpu.memory_space<vmem>>[vector<16xi32>, vector<16xi32>], vector<16xf32>,
      %add3A_821 = arith.addf %gather3A_813, %gather3A_820 : vector<16xf32>
      %ge3A_822 = arith.constant 0.000000e+00 : f32
      %ge3A_823 = vector.broadcast %ge3A_822 : f32 to vector<16xf32>
      %ge3A_824 = arith.cmpf oge, %add3A_821, %ge3A_823 : vector<16xf32>
      %mul3A_825 = arith.constant 2.000000e-01 : f32
      %mul3A_826 = vector.broadcast %mul3A_825 : f32 to vector<16xf32>
      %mul3A_827 = arith.mulf %mul3A_826, %add3A_821 : vector<16xf32>
      %select_n3A_828 = arith.select %ge3A_824, %add3A_821, %mul3A_827 : vector<16xi1>, vector<16xf32>
      %min3A_829 = arith.constant 6.000000e+01 : f32
      %min3A_830 = vector.broadcast %min3A_829 : f32 to vector<16xf32>
      %min3A_831 = arith.minimumf %select_n3A_828, %min3A_830 : vector<16xf32>
      %exp3A_832 = math.exp %min3A_831 : vector<16xf32>
      %mul3A_833 = arith.mulf %exp3A_832, %get3A_707 : vector<16xf32>
      %mul3A_834 = arith.constant 0 : i32
      %mul3A_835 = vector.broadcast %mul3A_834 : i32 to vector<16xi32>
      %mul3A_836 = arith.muli %iota3A, %mul3A_835 : vector<16xi32>
      %add3A_837 = arith.constant 131 : i32
      %add3A_838 = vector.broadcast %add3A_837 : i32 to vector<16xi32>
      %add3A_839 = arith.addi %mul3A_836, %add3A_838 : vector<16xi32>
      tpu.vector_store_idx %arg13[%add3A_705, %add3A_839], %mul3A_833 : memref<128x144xf32, #tpu.memory_space<vmem>>[vector<16xi32>, vector<16xi32>], vector<16xf32>,
      %add3A_840 = arith.constant 64 : i32
      %add3A_841 = vector.broadcast %add3A_840 : i32 to vector<16xi32>
      %add3A_842 = arith.addi %iota3A, %add3A_841 : vector<16xi32>
      %get3A_843 = arith.constant 64 : index
      %get3A_844 = tpu.vector_load %arg9[%get3A_843] {strides = array<i32>} : memref<128xf32, #tpu.memory_space<vmem>>, vector<16xf32>,
      %mul3A_845 = arith.constant 0 : i32
      %mul3A_846 = vector.broadcast %mul3A_845 : i32 to vector<16xi32>
      %mul3A_847 = arith.muli %iota3A, %mul3A_846 : vector<16xi32>
      %add3A_848 = arith.constant 0 : i32
      %add3A_849 = vector.broadcast %add3A_848 : i32 to vector<16xi32>
      %add3A_850 = arith.addi %mul3A_847, %add3A_849 : vector<16xi32>
      %gather3A_851 = tpu.vector_load_idx %arg10[%add3A_842, %add3A_850] : memref<128x16xf32, #tpu.memory_space<vmem>>[vector<16xi32>, vector<16xi32>], vector<16xf32>,
      %mul3A_852 = arith.constant 0 : i32
      %mul3A_853 = vector.broadcast %mul3A_852 : i32 to vector<16xi32>
      %mul3A_854 = arith.muli %iota3A, %mul3A_853 : vector<16xi32>
      %add3A_855 = arith.constant 4 : i32
      %add3A_856 = vector.broadcast %add3A_855 : i32 to vector<16xi32>
      %add3A_857 = arith.addi %mul3A_854, %add3A_856 : vector<16xi32>
      %gather3A_858 = tpu.vector_load_idx %arg11[%add3A_842, %add3A_857] : memref<128x16xf32, #tpu.memory_space<vmem>>[vector<16xi32>, vector<16xi32>], vector<16xf32>,
      %add3A_859 = arith.addf %gather3A_851, %gather3A_858 : vector<16xf32>
      %ge3A_860 = arith.constant 0.000000e+00 : f32
      %ge3A_861 = vector.broadcast %ge3A_860 : f32 to vector<16xf32>
      %ge3A_862 = arith.cmpf oge, %add3A_859, %ge3A_861 : vector<16xf32>
      %mul3A_863 = arith.constant 2.000000e-01 : f32
      %mul3A_864 = vector.broadcast %mul3A_863 : f32 to vector<16xf32>
      %mul3A_865 = arith.mulf %mul3A_864, %add3A_859 : vector<16xf32>
      %select_n3A_866 = arith.select %ge3A_862, %add3A_859, %mul3A_865 : vector<16xi1>, vector<16xf32>
      %min3A_867 = arith.constant 6.000000e+01 : f32
      %min3A_868 = vector.broadcast %min3A_867 : f32 to vector<16xf32>
      %min3A_869 = arith.minimumf %select_n3A_866, %min3A_868 : vector<16xf32>
      %exp3A_870 = math.exp %min3A_869 : vector<16xf32>
      %mul3A_871 = arith.mulf %exp3A_870, %get3A_844 : vector<16xf32>
      %mul3A_872 = arith.constant 0 : i32
      %mul3A_873 = vector.broadcast %mul3A_872 : i32 to vector<16xi32>
      %mul3A_874 = arith.muli %iota3A, %mul3A_873 : vector<16xi32>
      %add3A_875 = arith.constant 128 : i32
      %add3A_876 = vector.broadcast %add3A_875 : i32 to vector<16xi32>
      %add3A_877 = arith.addi %mul3A_874, %add3A_876 : vector<16xi32>
      tpu.vector_store_idx %arg13[%add3A_842, %add3A_877], %mul3A_871 : memref<128x144xf32, #tpu.memory_space<vmem>>[vector<16xi32>, vector<16xi32>], vector<16xf32>,
      %mul3A_878 = arith.constant 0 : i32
      %mul3A_879 = vector.broadcast %mul3A_878 : i32 to vector<16xi32>
      %mul3A_880 = arith.muli %iota3A, %mul3A_879 : vector<16xi32>
      %add3A_881 = arith.constant 1 : i32
      %add3A_882 = vector.broadcast %add3A_881 : i32 to vector<16xi32>
      %add3A_883 = arith.addi %mul3A_880, %add3A_882 : vector<16xi32>
      %gather3A_884 = tpu.vector_load_idx %arg10[%add3A_842, %add3A_883] : memref<128x16xf32, #tpu.memory_space<vmem>>[vector<16xi32>, vector<16xi32>], vector<16xf32>,
      %mul3A_885 = arith.constant 0 : i32
      %mul3A_886 = vector.broadcast %mul3A_885 : i32 to vector<16xi32>
      %mul3A_887 = arith.muli %iota3A, %mul3A_886 : vector<16xi32>
      %add3A_888 = arith.constant 5 : i32
      %add3A_889 = vector.broadcast %add3A_888 : i32 to vector<16xi32>
      %add3A_890 = arith.addi %mul3A_887, %add3A_889 : vector<16xi32>
      %gather3A_891 = tpu.vector_load_idx %arg11[%add3A_842, %add3A_890] : memref<128x16xf32, #tpu.memory_space<vmem>>[vector<16xi32>, vector<16xi32>], vector<16xf32>,
      %add3A_892 = arith.addf %gather3A_884, %gather3A_891 : vector<16xf32>
      %ge3A_893 = arith.constant 0.000000e+00 : f32
      %ge3A_894 = vector.broadcast %ge3A_893 : f32 to vector<16xf32>
      %ge3A_895 = arith.cmpf oge, %add3A_892, %ge3A_894 : vector<16xf32>
      %mul3A_896 = arith.constant 2.000000e-01 : f32
      %mul3A_897 = vector.broadcast %mul3A_896 : f32 to vector<16xf32>
      %mul3A_898 = arith.mulf %mul3A_897, %add3A_892 : vector<16xf32>
      %select_n3A_899 = arith.select %ge3A_895, %add3A_892, %mul3A_898 : vector<16xi1>, vector<16xf32>
      %min3A_900 = arith.constant 6.000000e+01 : f32
      %min3A_901 = vector.broadcast %min3A_900 : f32 to vector<16xf32>
      %min3A_902 = arith.minimumf %select_n3A_899, %min3A_901 : vector<16xf32>
      %exp3A_903 = math.exp %min3A_902 : vector<16xf32>
      %mul3A_904 = arith.mulf %exp3A_903, %get3A_844 : vector<16xf32>
      %mul3A_905 = arith.constant 0 : i32
      %mul3A_906 = vector.broadcast %mul3A_905 : i32 to vector<16xi32>
      %mul3A_907 = arith.muli %iota3A, %mul3A_906 : vector<16xi32>
      %add3A_908 = arith.constant 129 : i32
      %add3A_909 = vector.broadcast %add3A_908 : i32 to vector<16xi32>
      %add3A_910 = arith.addi %mul3A_907, %add3A_909 : vector<16xi32>
      tpu.vector_store_idx %arg13[%add3A_842, %add3A_910], %mul3A_904 : memref<128x144xf32, #tpu.memory_space<vmem>>[vector<16xi32>, vector<16xi32>], vector<16xf32>,
      %mul3A_911 = arith.constant 0 : i32
      %mul3A_912 = vector.broadcast %mul3A_911 : i32 to vector<16xi32>
      %mul3A_913 = arith.muli %iota3A, %mul3A_912 : vector<16xi32>
      %add3A_914 = arith.constant 2 : i32
      %add3A_915 = vector.broadcast %add3A_914 : i32 to vector<16xi32>
      %add3A_916 = arith.addi %mul3A_913, %add3A_915 : vector<16xi32>
      %gather3A_917 = tpu.vector_load_idx %arg10[%add3A_842, %add3A_916] : memref<128x16xf32, #tpu.memory_space<vmem>>[vector<16xi32>, vector<16xi32>], vector<16xf32>,
      %mul3A_918 = arith.constant 0 : i32
      %mul3A_919 = vector.broadcast %mul3A_918 : i32 to vector<16xi32>
      %mul3A_920 = arith.muli %iota3A, %mul3A_919 : vector<16xi32>
      %add3A_921 = arith.constant 6 : i32
      %add3A_922 = vector.broadcast %add3A_921 : i32 to vector<16xi32>
      %add3A_923 = arith.addi %mul3A_920, %add3A_922 : vector<16xi32>
      %gather3A_924 = tpu.vector_load_idx %arg11[%add3A_842, %add3A_923] : memref<128x16xf32, #tpu.memory_space<vmem>>[vector<16xi32>, vector<16xi32>], vector<16xf32>,
      %add3A_925 = arith.addf %gather3A_917, %gather3A_924 : vector<16xf32>
      %ge3A_926 = arith.constant 0.000000e+00 : f32
      %ge3A_927 = vector.broadcast %ge3A_926 : f32 to vector<16xf32>
      %ge3A_928 = arith.cmpf oge, %add3A_925, %ge3A_927 : vector<16xf32>
      %mul3A_929 = arith.constant 2.000000e-01 : f32
      %mul3A_930 = vector.broadcast %mul3A_929 : f32 to vector<16xf32>
      %mul3A_931 = arith.mulf %mul3A_930, %add3A_925 : vector<16xf32>
      %select_n3A_932 = arith.select %ge3A_928, %add3A_925, %mul3A_931 : vector<16xi1>, vector<16xf32>
      %min3A_933 = arith.constant 6.000000e+01 : f32
      %min3A_934 = vector.broadcast %min3A_933 : f32 to vector<16xf32>
      %min3A_935 = arith.minimumf %select_n3A_932, %min3A_934 : vector<16xf32>
      %exp3A_936 = math.exp %min3A_935 : vector<16xf32>
      %mul3A_937 = arith.mulf %exp3A_936, %get3A_844 : vector<16xf32>
      %mul3A_938 = arith.constant 0 : i32
      %mul3A_939 = vector.broadcast %mul3A_938 : i32 to vector<16xi32>
      %mul3A_940 = arith.muli %iota3A, %mul3A_939 : vector<16xi32>
      %add3A_941 = arith.constant 130 : i32
      %add3A_942 = vector.broadcast %add3A_941 : i32 to vector<16xi32>
      %add3A_943 = arith.addi %mul3A_940, %add3A_942 : vector<16xi32>
      tpu.vector_store_idx %arg13[%add3A_842, %add3A_943], %mul3A_937 : memref<128x144xf32, #tpu.memory_space<vmem>>[vector<16xi32>, vector<16xi32>], vector<16xf32>,
      %mul3A_944 = arith.constant 0 : i32
      %mul3A_945 = vector.broadcast %mul3A_944 : i32 to vector<16xi32>
      %mul3A_946 = arith.muli %iota3A, %mul3A_945 : vector<16xi32>
      %add3A_947 = arith.constant 3 : i32
      %add3A_948 = vector.broadcast %add3A_947 : i32 to vector<16xi32>
      %add3A_949 = arith.addi %mul3A_946, %add3A_948 : vector<16xi32>
      %gather3A_950 = tpu.vector_load_idx %arg10[%add3A_842, %add3A_949] : memref<128x16xf32, #tpu.memory_space<vmem>>[vector<16xi32>, vector<16xi32>], vector<16xf32>,
      %mul3A_951 = arith.constant 0 : i32
      %mul3A_952 = vector.broadcast %mul3A_951 : i32 to vector<16xi32>
      %mul3A_953 = arith.muli %iota3A, %mul3A_952 : vector<16xi32>
      %add3A_954 = arith.constant 7 : i32
      %add3A_955 = vector.broadcast %add3A_954 : i32 to vector<16xi32>
      %add3A_956 = arith.addi %mul3A_953, %add3A_955 : vector<16xi32>
      %gather3A_957 = tpu.vector_load_idx %arg11[%add3A_842, %add3A_956] : memref<128x16xf32, #tpu.memory_space<vmem>>[vector<16xi32>, vector<16xi32>], vector<16xf32>,
      %add3A_958 = arith.addf %gather3A_950, %gather3A_957 : vector<16xf32>
      %ge3A_959 = arith.constant 0.000000e+00 : f32
      %ge3A_960 = vector.broadcast %ge3A_959 : f32 to vector<16xf32>
      %ge3A_961 = arith.cmpf oge, %add3A_958, %ge3A_960 : vector<16xf32>
      %mul3A_962 = arith.constant 2.000000e-01 : f32
      %mul3A_963 = vector.broadcast %mul3A_962 : f32 to vector<16xf32>
      %mul3A_964 = arith.mulf %mul3A_963, %add3A_958 : vector<16xf32>
      %select_n3A_965 = arith.select %ge3A_961, %add3A_958, %mul3A_964 : vector<16xi1>, vector<16xf32>
      %min3A_966 = arith.constant 6.000000e+01 : f32
      %min3A_967 = vector.broadcast %min3A_966 : f32 to vector<16xf32>
      %min3A_968 = arith.minimumf %select_n3A_965, %min3A_967 : vector<16xf32>
      %exp3A_969 = math.exp %min3A_968 : vector<16xf32>
      %mul3A_970 = arith.mulf %exp3A_969, %get3A_844 : vector<16xf32>
      %mul3A_971 = arith.constant 0 : i32
      %mul3A_972 = vector.broadcast %mul3A_971 : i32 to vector<16xi32>
      %mul3A_973 = arith.muli %iota3A, %mul3A_972 : vector<16xi32>
      %add3A_974 = arith.constant 131 : i32
      %add3A_975 = vector.broadcast %add3A_974 : i32 to vector<16xi32>
      %add3A_976 = arith.addi %mul3A_973, %add3A_975 : vector<16xi32>
      tpu.vector_store_idx %arg13[%add3A_842, %add3A_976], %mul3A_970 : memref<128x144xf32, #tpu.memory_space<vmem>>[vector<16xi32>, vector<16xi32>], vector<16xf32>,
      %add3A_977 = arith.constant 80 : i32
      %add3A_978 = vector.broadcast %add3A_977 : i32 to vector<16xi32>
      %add3A_979 = arith.addi %iota3A, %add3A_978 : vector<16xi32>
      %get3A_980 = arith.constant 80 : index
      %get3A_981 = tpu.vector_load %arg9[%get3A_980] {strides = array<i32>} : memref<128xf32, #tpu.memory_space<vmem>>, vector<16xf32>,
      %mul3A_982 = arith.constant 0 : i32
      %mul3A_983 = vector.broadcast %mul3A_982 : i32 to vector<16xi32>
      %mul3A_984 = arith.muli %iota3A, %mul3A_983 : vector<16xi32>
      %add3A_985 = arith.constant 0 : i32
      %add3A_986 = vector.broadcast %add3A_985 : i32 to vector<16xi32>
      %add3A_987 = arith.addi %mul3A_984, %add3A_986 : vector<16xi32>
      %gather3A_988 = tpu.vector_load_idx %arg10[%add3A_979, %add3A_987] : memref<128x16xf32, #tpu.memory_space<vmem>>[vector<16xi32>, vector<16xi32>], vector<16xf32>,
      %mul3A_989 = arith.constant 0 : i32
      %mul3A_990 = vector.broadcast %mul3A_989 : i32 to vector<16xi32>
      %mul3A_991 = arith.muli %iota3A, %mul3A_990 : vector<16xi32>
      %add3A_992 = arith.constant 4 : i32
      %add3A_993 = vector.broadcast %add3A_992 : i32 to vector<16xi32>
      %add3A_994 = arith.addi %mul3A_991, %add3A_993 : vector<16xi32>
      %gather3A_995 = tpu.vector_load_idx %arg11[%add3A_979, %add3A_994] : memref<128x16xf32, #tpu.memory_space<vmem>>[vector<16xi32>, vector<16xi32>], vector<16xf32>,
      %add3A_996 = arith.addf %gather3A_988, %gather3A_995 : vector<16xf32>
      %ge3A_997 = arith.constant 0.000000e+00 : f32
      %ge3A_998 = vector.broadcast %ge3A_997 : f32 to vector<16xf32>
      %ge3A_999 = arith.cmpf oge, %add3A_996, %ge3A_998 : vector<16xf32>
      %mul3A_1000 = arith.constant 2.000000e-01 : f32
      %mul3A_1001 = vector.broadcast %mul3A_1000 : f32 to vector<16xf32>
      %mul3A_1002 = arith.mulf %mul3A_1001, %add3A_996 : vector<16xf32>
      %select_n3A_1003 = arith.select %ge3A_999, %add3A_996, %mul3A_1002 : vector<16xi1>, vector<16xf32>
      %min3A_1004 = arith.constant 6.000000e+01 : f32
      %min3A_1005 = vector.broadcast %min3A_1004 : f32 to vector<16xf32>
      %min3A_1006 = arith.minimumf %select_n3A_1003, %min3A_1005 : vector<16xf32>
      %exp3A_1007 = math.exp %min3A_1006 : vector<16xf32>
      %mul3A_1008 = arith.mulf %exp3A_1007, %get3A_981 : vector<16xf32>
      %mul3A_1009 = arith.constant 0 : i32
      %mul3A_1010 = vector.broadcast %mul3A_1009 : i32 to vector<16xi32>
      %mul3A_1011 = arith.muli %iota3A, %mul3A_1010 : vector<16xi32>
      %add3A_1012 = arith.constant 128 : i32
      %add3A_1013 = vector.broadcast %add3A_1012 : i32 to vector<16xi32>
      %add3A_1014 = arith.addi %mul3A_1011, %add3A_1013 : vector<16xi32>
      tpu.vector_store_idx %arg13[%add3A_979, %add3A_1014], %mul3A_1008 : memref<128x144xf32, #tpu.memory_space<vmem>>[vector<16xi32>, vector<16xi32>], vector<16xf32>,
      %mul3A_1015 = arith.constant 0 : i32
      %mul3A_1016 = vector.broadcast %mul3A_1015 : i32 to vector<16xi32>
      %mul3A_1017 = arith.muli %iota3A, %mul3A_1016 : vector<16xi32>
      %add3A_1018 = arith.constant 1 : i32
      %add3A_1019 = vector.broadcast %add3A_1018 : i32 to vector<16xi32>
      %add3A_1020 = arith.addi %mul3A_1017, %add3A_1019 : vector<16xi32>
      %gather3A_1021 = tpu.vector_load_idx %arg10[%add3A_979, %add3A_1020] : memref<128x16xf32, #tpu.memory_space<vmem>>[vector<16xi32>, vector<16xi32>], vector<16xf32>,
      %mul3A_1022 = arith.constant 0 : i32
      %mul3A_1023 = vector.broadcast %mul3A_1022 : i32 to vector<16xi32>
      %mul3A_1024 = arith.muli %iota3A, %mul3A_1023 : vector<16xi32>
      %add3A_1025 = arith.constant 5 : i32
      %add3A_1026 = vector.broadcast %add3A_1025 : i32 to vector<16xi32>
      %add3A_1027 = arith.addi %mul3A_1024, %add3A_1026 : vector<16xi32>
      %gather3A_1028 = tpu.vector_load_idx %arg11[%add3A_979, %add3A_1027] : memref<128x16xf32, #tpu.memory_space<vmem>>[vector<16xi32>, vector<16xi32>], vector<16xf32>,
      %add3A_1029 = arith.addf %gather3A_1021, %gather3A_1028 : vector<16xf32>
      %ge3A_1030 = arith.constant 0.000000e+00 : f32
      %ge3A_1031 = vector.broadcast %ge3A_1030 : f32 to vector<16xf32>
      %ge3A_1032 = arith.cmpf oge, %add3A_1029, %ge3A_1031 : vector<16xf32>
      %mul3A_1033 = arith.constant 2.000000e-01 : f32
      %mul3A_1034 = vector.broadcast %mul3A_1033 : f32 to vector<16xf32>
      %mul3A_1035 = arith.mulf %mul3A_1034, %add3A_1029 : vector<16xf32>
      %select_n3A_1036 = arith.select %ge3A_1032, %add3A_1029, %mul3A_1035 : vector<16xi1>, vector<16xf32>
      %min3A_1037 = arith.constant 6.000000e+01 : f32
      %min3A_1038 = vector.broadcast %min3A_1037 : f32 to vector<16xf32>
      %min3A_1039 = arith.minimumf %select_n3A_1036, %min3A_1038 : vector<16xf32>
      %exp3A_1040 = math.exp %min3A_1039 : vector<16xf32>
      %mul3A_1041 = arith.mulf %exp3A_1040, %get3A_981 : vector<16xf32>
      %mul3A_1042 = arith.constant 0 : i32
      %mul3A_1043 = vector.broadcast %mul3A_1042 : i32 to vector<16xi32>
      %mul3A_1044 = arith.muli %iota3A, %mul3A_1043 : vector<16xi32>
      %add3A_1045 = arith.constant 129 : i32
      %add3A_1046 = vector.broadcast %add3A_1045 : i32 to vector<16xi32>
      %add3A_1047 = arith.addi %mul3A_1044, %add3A_1046 : vector<16xi32>
      tpu.vector_store_idx %arg13[%add3A_979, %add3A_1047], %mul3A_1041 : memref<128x144xf32, #tpu.memory_space<vmem>>[vector<16xi32>, vector<16xi32>], vector<16xf32>,
      %mul3A_1048 = arith.constant 0 : i32
      %mul3A_1049 = vector.broadcast %mul3A_1048 : i32 to vector<16xi32>
      %mul3A_1050 = arith.muli %iota3A, %mul3A_1049 : vector<16xi32>
      %add3A_1051 = arith.constant 2 : i32
      %add3A_1052 = vector.broadcast %add3A_1051 : i32 to vector<16xi32>
      %add3A_1053 = arith.addi %mul3A_1050, %add3A_1052 : vector<16xi32>
      %gather3A_1054 = tpu.vector_load_idx %arg10[%add3A_979, %add3A_1053] : memref<128x16xf32, #tpu.memory_space<vmem>>[vector<16xi32>, vector<16xi32>], vector<16xf32>,
      %mul3A_1055 = arith.constant 0 : i32
      %mul3A_1056 = vector.broadcast %mul3A_1055 : i32 to vector<16xi32>
      %mul3A_1057 = arith.muli %iota3A, %mul3A_1056 : vector<16xi32>
      %add3A_1058 = arith.constant 6 : i32
      %add3A_1059 = vector.broadcast %add3A_1058 : i32 to vector<16xi32>
      %add3A_1060 = arith.addi %mul3A_1057, %add3A_1059 : vector<16xi32>
      %gather3A_1061 = tpu.vector_load_idx %arg11[%add3A_979, %add3A_1060] : memref<128x16xf32, #tpu.memory_space<vmem>>[vector<16xi32>, vector<16xi32>], vector<16xf32>,
      %add3A_1062 = arith.addf %gather3A_1054, %gather3A_1061 : vector<16xf32>
      %ge3A_1063 = arith.constant 0.000000e+00 : f32
      %ge3A_1064 = vector.broadcast %ge3A_1063 : f32 to vector<16xf32>
      %ge3A_1065 = arith.cmpf oge, %add3A_1062, %ge3A_1064 : vector<16xf32>
      %mul3A_1066 = arith.constant 2.000000e-01 : f32
      %mul3A_1067 = vector.broadcast %mul3A_1066 : f32 to vector<16xf32>
      %mul3A_1068 = arith.mulf %mul3A_1067, %add3A_1062 : vector<16xf32>
      %select_n3A_1069 = arith.select %ge3A_1065, %add3A_1062, %mul3A_1068 : vector<16xi1>, vector<16xf32>
      %min3A_1070 = arith.constant 6.000000e+01 : f32
      %min3A_1071 = vector.broadcast %min3A_1070 : f32 to vector<16xf32>
      %min3A_1072 = arith.minimumf %select_n3A_1069, %min3A_1071 : vector<16xf32>
      %exp3A_1073 = math.exp %min3A_1072 : vector<16xf32>
      %mul3A_1074 = arith.mulf %exp3A_1073, %get3A_981 : vector<16xf32>
      %mul3A_1075 = arith.constant 0 : i32
      %mul3A_1076 = vector.broadcast %mul3A_1075 : i32 to vector<16xi32>
      %mul3A_1077 = arith.muli %iota3A, %mul3A_1076 : vector<16xi32>
      %add3A_1078 = arith.constant 130 : i32
      %add3A_1079 = vector.broadcast %add3A_1078 : i32 to vector<16xi32>
      %add3A_1080 = arith.addi %mul3A_1077, %add3A_1079 : vector<16xi32>
      tpu.vector_store_idx %arg13[%add3A_979, %add3A_1080], %mul3A_1074 : memref<128x144xf32, #tpu.memory_space<vmem>>[vector<16xi32>, vector<16xi32>], vector<16xf32>,
      %mul3A_1081 = arith.constant 0 : i32
      %mul3A_1082 = vector.broadcast %mul3A_1081 : i32 to vector<16xi32>
      %mul3A_1083 = arith.muli %iota3A, %mul3A_1082 : vector<16xi32>
      %add3A_1084 = arith.constant 3 : i32
      %add3A_1085 = vector.broadcast %add3A_1084 : i32 to vector<16xi32>
      %add3A_1086 = arith.addi %mul3A_1083, %add3A_1085 : vector<16xi32>
      %gather3A_1087 = tpu.vector_load_idx %arg10[%add3A_979, %add3A_1086] : memref<128x16xf32, #tpu.memory_space<vmem>>[vector<16xi32>, vector<16xi32>], vector<16xf32>,
      %mul3A_1088 = arith.constant 0 : i32
      %mul3A_1089 = vector.broadcast %mul3A_1088 : i32 to vector<16xi32>
      %mul3A_1090 = arith.muli %iota3A, %mul3A_1089 : vector<16xi32>
      %add3A_1091 = arith.constant 7 : i32
      %add3A_1092 = vector.broadcast %add3A_1091 : i32 to vector<16xi32>
      %add3A_1093 = arith.addi %mul3A_1090, %add3A_1092 : vector<16xi32>
      %gather3A_1094 = tpu.vector_load_idx %arg11[%add3A_979, %add3A_1093] : memref<128x16xf32, #tpu.memory_space<vmem>>[vector<16xi32>, vector<16xi32>], vector<16xf32>,
      %add3A_1095 = arith.addf %gather3A_1087, %gather3A_1094 : vector<16xf32>
      %ge3A_1096 = arith.constant 0.000000e+00 : f32
      %ge3A_1097 = vector.broadcast %ge3A_1096 : f32 to vector<16xf32>
      %ge3A_1098 = arith.cmpf oge, %add3A_1095, %ge3A_1097 : vector<16xf32>
      %mul3A_1099 = arith.constant 2.000000e-01 : f32
      %mul3A_1100 = vector.broadcast %mul3A_1099 : f32 to vector<16xf32>
      %mul3A_1101 = arith.mulf %mul3A_1100, %add3A_1095 : vector<16xf32>
      %select_n3A_1102 = arith.select %ge3A_1098, %add3A_1095, %mul3A_1101 : vector<16xi1>, vector<16xf32>
      %min3A_1103 = arith.constant 6.000000e+01 : f32
      %min3A_1104 = vector.broadcast %min3A_1103 : f32 to vector<16xf32>
      %min3A_1105 = arith.minimumf %select_n3A_1102, %min3A_1104 : vector<16xf32>
      %exp3A_1106 = math.exp %min3A_1105 : vector<16xf32>
      %mul3A_1107 = arith.mulf %exp3A_1106, %get3A_981 : vector<16xf32>
      %mul3A_1108 = arith.constant 0 : i32
      %mul3A_1109 = vector.broadcast %mul3A_1108 : i32 to vector<16xi32>
      %mul3A_1110 = arith.muli %iota3A, %mul3A_1109 : vector<16xi32>
      %add3A_1111 = arith.constant 131 : i32
      %add3A_1112 = vector.broadcast %add3A_1111 : i32 to vector<16xi32>
      %add3A_1113 = arith.addi %mul3A_1110, %add3A_1112 : vector<16xi32>
      tpu.vector_store_idx %arg13[%add3A_979, %add3A_1113], %mul3A_1107 : memref<128x144xf32, #tpu.memory_space<vmem>>[vector<16xi32>, vector<16xi32>], vector<16xf32>,
      %add3A_1114 = arith.constant 96 : i32
      %add3A_1115 = vector.broadcast %add3A_1114 : i32 to vector<16xi32>
      %add3A_1116 = arith.addi %iota3A, %add3A_1115 : vector<16xi32>
      %get3A_1117 = arith.constant 96 : index
      %get3A_1118 = tpu.vector_load %arg9[%get3A_1117] {strides = array<i32>} : memref<128xf32, #tpu.memory_space<vmem>>, vector<16xf32>,
      %mul3A_1119 = arith.constant 0 : i32
      %mul3A_1120 = vector.broadcast %mul3A_1119 : i32 to vector<16xi32>
      %mul3A_1121 = arith.muli %iota3A, %mul3A_1120 : vector<16xi32>
      %add3A_1122 = arith.constant 0 : i32
      %add3A_1123 = vector.broadcast %add3A_1122 : i32 to vector<16xi32>
      %add3A_1124 = arith.addi %mul3A_1121, %add3A_1123 : vector<16xi32>
      %gather3A_1125 = tpu.vector_load_idx %arg10[%add3A_1116, %add3A_1124] : memref<128x16xf32, #tpu.memory_space<vmem>>[vector<16xi32>, vector<16xi32>], vector<16xf32>,
      %mul3A_1126 = arith.constant 0 : i32
      %mul3A_1127 = vector.broadcast %mul3A_1126 : i32 to vector<16xi32>
      %mul3A_1128 = arith.muli %iota3A, %mul3A_1127 : vector<16xi32>
      %add3A_1129 = arith.constant 4 : i32
      %add3A_1130 = vector.broadcast %add3A_1129 : i32 to vector<16xi32>
      %add3A_1131 = arith.addi %mul3A_1128, %add3A_1130 : vector<16xi32>
      %gather3A_1132 = tpu.vector_load_idx %arg11[%add3A_1116, %add3A_1131] : memref<128x16xf32, #tpu.memory_space<vmem>>[vector<16xi32>, vector<16xi32>], vector<16xf32>,
      %add3A_1133 = arith.addf %gather3A_1125, %gather3A_1132 : vector<16xf32>
      %ge3A_1134 = arith.constant 0.000000e+00 : f32
      %ge3A_1135 = vector.broadcast %ge3A_1134 : f32 to vector<16xf32>
      %ge3A_1136 = arith.cmpf oge, %add3A_1133, %ge3A_1135 : vector<16xf32>
      %mul3A_1137 = arith.constant 2.000000e-01 : f32
      %mul3A_1138 = vector.broadcast %mul3A_1137 : f32 to vector<16xf32>
      %mul3A_1139 = arith.mulf %mul3A_1138, %add3A_1133 : vector<16xf32>
      %select_n3A_1140 = arith.select %ge3A_1136, %add3A_1133, %mul3A_1139 : vector<16xi1>, vector<16xf32>
      %min3A_1141 = arith.constant 6.000000e+01 : f32
      %min3A_1142 = vector.broadcast %min3A_1141 : f32 to vector<16xf32>
      %min3A_1143 = arith.minimumf %select_n3A_1140, %min3A_1142 : vector<16xf32>
      %exp3A_1144 = math.exp %min3A_1143 : vector<16xf32>
      %mul3A_1145 = arith.mulf %exp3A_1144, %get3A_1118 : vector<16xf32>
      %mul3A_1146 = arith.constant 0 : i32
      %mul3A_1147 = vector.broadcast %mul3A_1146 : i32 to vector<16xi32>
      %mul3A_1148 = arith.muli %iota3A, %mul3A_1147 : vector<16xi32>
      %add3A_1149 = arith.constant 128 : i32
      %add3A_1150 = vector.broadcast %add3A_1149 : i32 to vector<16xi32>
      %add3A_1151 = arith.addi %mul3A_1148, %add3A_1150 : vector<16xi32>
      tpu.vector_store_idx %arg13[%add3A_1116, %add3A_1151], %mul3A_1145 : memref<128x144xf32, #tpu.memory_space<vmem>>[vector<16xi32>, vector<16xi32>], vector<16xf32>,
      %mul3A_1152 = arith.constant 0 : i32
      %mul3A_1153 = vector.broadcast %mul3A_1152 : i32 to vector<16xi32>
      %mul3A_1154 = arith.muli %iota3A, %mul3A_1153 : vector<16xi32>
      %add3A_1155 = arith.constant 1 : i32
      %add3A_1156 = vector.broadcast %add3A_1155 : i32 to vector<16xi32>
      %add3A_1157 = arith.addi %mul3A_1154, %add3A_1156 : vector<16xi32>
      %gather3A_1158 = tpu.vector_load_idx %arg10[%add3A_1116, %add3A_1157] : memref<128x16xf32, #tpu.memory_space<vmem>>[vector<16xi32>, vector<16xi32>], vector<16xf32>,
      %mul3A_1159 = arith.constant 0 : i32
      %mul3A_1160 = vector.broadcast %mul3A_1159 : i32 to vector<16xi32>
      %mul3A_1161 = arith.muli %iota3A, %mul3A_1160 : vector<16xi32>
      %add3A_1162 = arith.constant 5 : i32
      %add3A_1163 = vector.broadcast %add3A_1162 : i32 to vector<16xi32>
      %add3A_1164 = arith.addi %mul3A_1161, %add3A_1163 : vector<16xi32>
      %gather3A_1165 = tpu.vector_load_idx %arg11[%add3A_1116, %add3A_1164] : memref<128x16xf32, #tpu.memory_space<vmem>>[vector<16xi32>, vector<16xi32>], vector<16xf32>,
      %add3A_1166 = arith.addf %gather3A_1158, %gather3A_1165 : vector<16xf32>
      %ge3A_1167 = arith.constant 0.000000e+00 : f32
      %ge3A_1168 = vector.broadcast %ge3A_1167 : f32 to vector<16xf32>
      %ge3A_1169 = arith.cmpf oge, %add3A_1166, %ge3A_1168 : vector<16xf32>
      %mul3A_1170 = arith.constant 2.000000e-01 : f32
      %mul3A_1171 = vector.broadcast %mul3A_1170 : f32 to vector<16xf32>
      %mul3A_1172 = arith.mulf %mul3A_1171, %add3A_1166 : vector<16xf32>
      %select_n3A_1173 = arith.select %ge3A_1169, %add3A_1166, %mul3A_1172 : vector<16xi1>, vector<16xf32>
      %min3A_1174 = arith.constant 6.000000e+01 : f32
      %min3A_1175 = vector.broadcast %min3A_1174 : f32 to vector<16xf32>
      %min3A_1176 = arith.minimumf %select_n3A_1173, %min3A_1175 : vector<16xf32>
      %exp3A_1177 = math.exp %min3A_1176 : vector<16xf32>
      %mul3A_1178 = arith.mulf %exp3A_1177, %get3A_1118 : vector<16xf32>
      %mul3A_1179 = arith.constant 0 : i32
      %mul3A_1180 = vector.broadcast %mul3A_1179 : i32 to vector<16xi32>
      %mul3A_1181 = arith.muli %iota3A, %mul3A_1180 : vector<16xi32>
      %add3A_1182 = arith.constant 129 : i32
      %add3A_1183 = vector.broadcast %add3A_1182 : i32 to vector<16xi32>
      %add3A_1184 = arith.addi %mul3A_1181, %add3A_1183 : vector<16xi32>
      tpu.vector_store_idx %arg13[%add3A_1116, %add3A_1184], %mul3A_1178 : memref<128x144xf32, #tpu.memory_space<vmem>>[vector<16xi32>, vector<16xi32>], vector<16xf32>,
      %mul3A_1185 = arith.constant 0 : i32
      %mul3A_1186 = vector.broadcast %mul3A_1185 : i32 to vector<16xi32>
      %mul3A_1187 = arith.muli %iota3A, %mul3A_1186 : vector<16xi32>
      %add3A_1188 = arith.constant 2 : i32
      %add3A_1189 = vector.broadcast %add3A_1188 : i32 to vector<16xi32>
      %add3A_1190 = arith.addi %mul3A_1187, %add3A_1189 : vector<16xi32>
      %gather3A_1191 = tpu.vector_load_idx %arg10[%add3A_1116, %add3A_1190] : memref<128x16xf32, #tpu.memory_space<vmem>>[vector<16xi32>, vector<16xi32>], vector<16xf32>,
      %mul3A_1192 = arith.constant 0 : i32
      %mul3A_1193 = vector.broadcast %mul3A_1192 : i32 to vector<16xi32>
      %mul3A_1194 = arith.muli %iota3A, %mul3A_1193 : vector<16xi32>
      %add3A_1195 = arith.constant 6 : i32
      %add3A_1196 = vector.broadcast %add3A_1195 : i32 to vector<16xi32>
      %add3A_1197 = arith.addi %mul3A_1194, %add3A_1196 : vector<16xi32>
      %gather3A_1198 = tpu.vector_load_idx %arg11[%add3A_1116, %add3A_1197] : memref<128x16xf32, #tpu.memory_space<vmem>>[vector<16xi32>, vector<16xi32>], vector<16xf32>,
      %add3A_1199 = arith.addf %gather3A_1191, %gather3A_1198 : vector<16xf32>
      %ge3A_1200 = arith.constant 0.000000e+00 : f32
      %ge3A_1201 = vector.broadcast %ge3A_1200 : f32 to vector<16xf32>
      %ge3A_1202 = arith.cmpf oge, %add3A_1199, %ge3A_1201 : vector<16xf32>
      %mul3A_1203 = arith.constant 2.000000e-01 : f32
      %mul3A_1204 = vector.broadcast %mul3A_1203 : f32 to vector<16xf32>
      %mul3A_1205 = arith.mulf %mul3A_1204, %add3A_1199 : vector<16xf32>
      %select_n3A_1206 = arith.select %ge3A_1202, %add3A_1199, %mul3A_1205 : vector<16xi1>, vector<16xf32>
      %min3A_1207 = arith.constant 6.000000e+01 : f32
      %min3A_1208 = vector.broadcast %min3A_1207 : f32 to vector<16xf32>
      %min3A_1209 = arith.minimumf %select_n3A_1206, %min3A_1208 : vector<16xf32>
      %exp3A_1210 = math.exp %min3A_1209 : vector<16xf32>
      %mul3A_1211 = arith.mulf %exp3A_1210, %get3A_1118 : vector<16xf32>
      %mul3A_1212 = arith.constant 0 : i32
      %mul3A_1213 = vector.broadcast %mul3A_1212 : i32 to vector<16xi32>
      %mul3A_1214 = arith.muli %iota3A, %mul3A_1213 : vector<16xi32>
      %add3A_1215 = arith.constant 130 : i32
      %add3A_1216 = vector.broadcast %add3A_1215 : i32 to vector<16xi32>
      %add3A_1217 = arith.addi %mul3A_1214, %add3A_1216 : vector<16xi32>
      tpu.vector_store_idx %arg13[%add3A_1116, %add3A_1217], %mul3A_1211 : memref<128x144xf32, #tpu.memory_space<vmem>>[vector<16xi32>, vector<16xi32>], vector<16xf32>,
      %mul3A_1218 = arith.constant 0 : i32
      %mul3A_1219 = vector.broadcast %mul3A_1218 : i32 to vector<16xi32>
      %mul3A_1220 = arith.muli %iota3A, %mul3A_1219 : vector<16xi32>
      %add3A_1221 = arith.constant 3 : i32
      %add3A_1222 = vector.broadcast %add3A_1221 : i32 to vector<16xi32>
      %add3A_1223 = arith.addi %mul3A_1220, %add3A_1222 : vector<16xi32>
      %gather3A_1224 = tpu.vector_load_idx %arg10[%add3A_1116, %add3A_1223] : memref<128x16xf32, #tpu.memory_space<vmem>>[vector<16xi32>, vector<16xi32>], vector<16xf32>,
      %mul3A_1225 = arith.constant 0 : i32
      %mul3A_1226 = vector.broadcast %mul3A_1225 : i32 to vector<16xi32>
      %mul3A_1227 = arith.muli %iota3A, %mul3A_1226 : vector<16xi32>
      %add3A_1228 = arith.constant 7 : i32
      %add3A_1229 = vector.broadcast %add3A_1228 : i32 to vector<16xi32>
      %add3A_1230 = arith.addi %mul3A_1227, %add3A_1229 : vector<16xi32>
      %gather3A_1231 = tpu.vector_load_idx %arg11[%add3A_1116, %add3A_1230] : memref<128x16xf32, #tpu.memory_space<vmem>>[vector<16xi32>, vector<16xi32>], vector<16xf32>,
      %add3A_1232 = arith.addf %gather3A_1224, %gather3A_1231 : vector<16xf32>
      %ge3A_1233 = arith.constant 0.000000e+00 : f32
      %ge3A_1234 = vector.broadcast %ge3A_1233 : f32 to vector<16xf32>
      %ge3A_1235 = arith.cmpf oge, %add3A_1232, %ge3A_1234 : vector<16xf32>
      %mul3A_1236 = arith.constant 2.000000e-01 : f32
      %mul3A_1237 = vector.broadcast %mul3A_1236 : f32 to vector<16xf32>
      %mul3A_1238 = arith.mulf %mul3A_1237, %add3A_1232 : vector<16xf32>
      %select_n3A_1239 = arith.select %ge3A_1235, %add3A_1232, %mul3A_1238 : vector<16xi1>, vector<16xf32>
      %min3A_1240 = arith.constant 6.000000e+01 : f32
      %min3A_1241 = vector.broadcast %min3A_1240 : f32 to vector<16xf32>
      %min3A_1242 = arith.minimumf %select_n3A_1239, %min3A_1241 : vector<16xf32>
      %exp3A_1243 = math.exp %min3A_1242 : vector<16xf32>
      %mul3A_1244 = arith.mulf %exp3A_1243, %get3A_1118 : vector<16xf32>
      %mul3A_1245 = arith.constant 0 : i32
      %mul3A_1246 = vector.broadcast %mul3A_1245 : i32 to vector<16xi32>
      %mul3A_1247 = arith.muli %iota3A, %mul3A_1246 : vector<16xi32>
      %add3A_1248 = arith.constant 131 : i32
      %add3A_1249 = vector.broadcast %add3A_1248 : i32 to vector<16xi32>
      %add3A_1250 = arith.addi %mul3A_1247, %add3A_1249 : vector<16xi32>
      tpu.vector_store_idx %arg13[%add3A_1116, %add3A_1250], %mul3A_1244 : memref<128x144xf32, #tpu.memory_space<vmem>>[vector<16xi32>, vector<16xi32>], vector<16xf32>,
      %add3A_1251 = arith.constant 112 : i32
      %add3A_1252 = vector.broadcast %add3A_1251 : i32 to vector<16xi32>
      %add3A_1253 = arith.addi %iota3A, %add3A_1252 : vector<16xi32>
      %get3A_1254 = arith.constant 112 : index
      %get3A_1255 = tpu.vector_load %arg9[%get3A_1254] {strides = array<i32>} : memref<128xf32, #tpu.memory_space<vmem>>, vector<16xf32>,
      %mul3A_1256 = arith.constant 0 : i32
      %mul3A_1257 = vector.broadcast %mul3A_1256 : i32 to vector<16xi32>
      %mul3A_1258 = arith.muli %iota3A, %mul3A_1257 : vector<16xi32>
      %add3A_1259 = arith.constant 0 : i32
      %add3A_1260 = vector.broadcast %add3A_1259 : i32 to vector<16xi32>
      %add3A_1261 = arith.addi %mul3A_1258, %add3A_1260 : vector<16xi32>
      %gather3A_1262 = tpu.vector_load_idx %arg10[%add3A_1253, %add3A_1261] : memref<128x16xf32, #tpu.memory_space<vmem>>[vector<16xi32>, vector<16xi32>], vector<16xf32>,
      %mul3A_1263 = arith.constant 0 : i32
      %mul3A_1264 = vector.broadcast %mul3A_1263 : i32 to vector<16xi32>
      %mul3A_1265 = arith.muli %iota3A, %mul3A_1264 : vector<16xi32>
      %add3A_1266 = arith.constant 4 : i32
      %add3A_1267 = vector.broadcast %add3A_1266 : i32 to vector<16xi32>
      %add3A_1268 = arith.addi %mul3A_1265, %add3A_1267 : vector<16xi32>
      %gather3A_1269 = tpu.vector_load_idx %arg11[%add3A_1253, %add3A_1268] : memref<128x16xf32, #tpu.memory_space<vmem>>[vector<16xi32>, vector<16xi32>], vector<16xf32>,
      %add3A_1270 = arith.addf %gather3A_1262, %gather3A_1269 : vector<16xf32>
      %ge3A_1271 = arith.constant 0.000000e+00 : f32
      %ge3A_1272 = vector.broadcast %ge3A_1271 : f32 to vector<16xf32>
      %ge3A_1273 = arith.cmpf oge, %add3A_1270, %ge3A_1272 : vector<16xf32>
      %mul3A_1274 = arith.constant 2.000000e-01 : f32
      %mul3A_1275 = vector.broadcast %mul3A_1274 : f32 to vector<16xf32>
      %mul3A_1276 = arith.mulf %mul3A_1275, %add3A_1270 : vector<16xf32>
      %select_n3A_1277 = arith.select %ge3A_1273, %add3A_1270, %mul3A_1276 : vector<16xi1>, vector<16xf32>
      %min3A_1278 = arith.constant 6.000000e+01 : f32
      %min3A_1279 = vector.broadcast %min3A_1278 : f32 to vector<16xf32>
      %min3A_1280 = arith.minimumf %select_n3A_1277, %min3A_1279 : vector<16xf32>
      %exp3A_1281 = math.exp %min3A_1280 : vector<16xf32>
      %mul3A_1282 = arith.mulf %exp3A_1281, %get3A_1255 : vector<16xf32>
      %mul3A_1283 = arith.constant 0 : i32
      %mul3A_1284 = vector.broadcast %mul3A_1283 : i32 to vector<16xi32>
      %mul3A_1285 = arith.muli %iota3A, %mul3A_1284 : vector<16xi32>
      %add3A_1286 = arith.constant 128 : i32
      %add3A_1287 = vector.broadcast %add3A_1286 : i32 to vector<16xi32>
      %add3A_1288 = arith.addi %mul3A_1285, %add3A_1287 : vector<16xi32>
      tpu.vector_store_idx %arg13[%add3A_1253, %add3A_1288], %mul3A_1282 : memref<128x144xf32, #tpu.memory_space<vmem>>[vector<16xi32>, vector<16xi32>], vector<16xf32>,
      %mul3A_1289 = arith.constant 0 : i32
      %mul3A_1290 = vector.broadcast %mul3A_1289 : i32 to vector<16xi32>
      %mul3A_1291 = arith.muli %iota3A, %mul3A_1290 : vector<16xi32>
      %add3A_1292 = arith.constant 1 : i32
      %add3A_1293 = vector.broadcast %add3A_1292 : i32 to vector<16xi32>
      %add3A_1294 = arith.addi %mul3A_1291, %add3A_1293 : vector<16xi32>
      %gather3A_1295 = tpu.vector_load_idx %arg10[%add3A_1253, %add3A_1294] : memref<128x16xf32, #tpu.memory_space<vmem>>[vector<16xi32>, vector<16xi32>], vector<16xf32>,
      %mul3A_1296 = arith.constant 0 : i32
      %mul3A_1297 = vector.broadcast %mul3A_1296 : i32 to vector<16xi32>
      %mul3A_1298 = arith.muli %iota3A, %mul3A_1297 : vector<16xi32>
      %add3A_1299 = arith.constant 5 : i32
      %add3A_1300 = vector.broadcast %add3A_1299 : i32 to vector<16xi32>
      %add3A_1301 = arith.addi %mul3A_1298, %add3A_1300 : vector<16xi32>
      %gather3A_1302 = tpu.vector_load_idx %arg11[%add3A_1253, %add3A_1301] : memref<128x16xf32, #tpu.memory_space<vmem>>[vector<16xi32>, vector<16xi32>], vector<16xf32>,
      %add3A_1303 = arith.addf %gather3A_1295, %gather3A_1302 : vector<16xf32>
      %ge3A_1304 = arith.constant 0.000000e+00 : f32
      %ge3A_1305 = vector.broadcast %ge3A_1304 : f32 to vector<16xf32>
      %ge3A_1306 = arith.cmpf oge, %add3A_1303, %ge3A_1305 : vector<16xf32>
      %mul3A_1307 = arith.constant 2.000000e-01 : f32
      %mul3A_1308 = vector.broadcast %mul3A_1307 : f32 to vector<16xf32>
      %mul3A_1309 = arith.mulf %mul3A_1308, %add3A_1303 : vector<16xf32>
      %select_n3A_1310 = arith.select %ge3A_1306, %add3A_1303, %mul3A_1309 : vector<16xi1>, vector<16xf32>
      %min3A_1311 = arith.constant 6.000000e+01 : f32
      %min3A_1312 = vector.broadcast %min3A_1311 : f32 to vector<16xf32>
      %min3A_1313 = arith.minimumf %select_n3A_1310, %min3A_1312 : vector<16xf32>
      %exp3A_1314 = math.exp %min3A_1313 : vector<16xf32>
      %mul3A_1315 = arith.mulf %exp3A_1314, %get3A_1255 : vector<16xf32>
      %mul3A_1316 = arith.constant 0 : i32
      %mul3A_1317 = vector.broadcast %mul3A_1316 : i32 to vector<16xi32>
      %mul3A_1318 = arith.muli %iota3A, %mul3A_1317 : vector<16xi32>
      %add3A_1319 = arith.constant 129 : i32
      %add3A_1320 = vector.broadcast %add3A_1319 : i32 to vector<16xi32>
      %add3A_1321 = arith.addi %mul3A_1318, %add3A_1320 : vector<16xi32>
      tpu.vector_store_idx %arg13[%add3A_1253, %add3A_1321], %mul3A_1315 : memref<128x144xf32, #tpu.memory_space<vmem>>[vector<16xi32>, vector<16xi32>], vector<16xf32>,
      %mul3A_1322 = arith.constant 0 : i32
      %mul3A_1323 = vector.broadcast %mul3A_1322 : i32 to vector<16xi32>
      %mul3A_1324 = arith.muli %iota3A, %mul3A_1323 : vector<16xi32>
      %add3A_1325 = arith.constant 2 : i32
      %add3A_1326 = vector.broadcast %add3A_1325 : i32 to vector<16xi32>
      %add3A_1327 = arith.addi %mul3A_1324, %add3A_1326 : vector<16xi32>
      %gather3A_1328 = tpu.vector_load_idx %arg10[%add3A_1253, %add3A_1327] : memref<128x16xf32, #tpu.memory_space<vmem>>[vector<16xi32>, vector<16xi32>], vector<16xf32>,
      %mul3A_1329 = arith.constant 0 : i32
      %mul3A_1330 = vector.broadcast %mul3A_1329 : i32 to vector<16xi32>
      %mul3A_1331 = arith.muli %iota3A, %mul3A_1330 : vector<16xi32>
      %add3A_1332 = arith.constant 6 : i32
      %add3A_1333 = vector.broadcast %add3A_1332 : i32 to vector<16xi32>
      %add3A_1334 = arith.addi %mul3A_1331, %add3A_1333 : vector<16xi32>
      %gather3A_1335 = tpu.vector_load_idx %arg11[%add3A_1253, %add3A_1334] : memref<128x16xf32, #tpu.memory_space<vmem>>[vector<16xi32>, vector<16xi32>], vector<16xf32>,
      %add3A_1336 = arith.addf %gather3A_1328, %gather3A_1335 : vector<16xf32>
      %ge3A_1337 = arith.constant 0.000000e+00 : f32
      %ge3A_1338 = vector.broadcast %ge3A_1337 : f32 to vector<16xf32>
      %ge3A_1339 = arith.cmpf oge, %add3A_1336, %ge3A_1338 : vector<16xf32>
      %mul3A_1340 = arith.constant 2.000000e-01 : f32
      %mul3A_1341 = vector.broadcast %mul3A_1340 : f32 to vector<16xf32>
      %mul3A_1342 = arith.mulf %mul3A_1341, %add3A_1336 : vector<16xf32>
      %select_n3A_1343 = arith.select %ge3A_1339, %add3A_1336, %mul3A_1342 : vector<16xi1>, vector<16xf32>
      %min3A_1344 = arith.constant 6.000000e+01 : f32
      %min3A_1345 = vector.broadcast %min3A_1344 : f32 to vector<16xf32>
      %min3A_1346 = arith.minimumf %select_n3A_1343, %min3A_1345 : vector<16xf32>
      %exp3A_1347 = math.exp %min3A_1346 : vector<16xf32>
      %mul3A_1348 = arith.mulf %exp3A_1347, %get3A_1255 : vector<16xf32>
      %mul3A_1349 = arith.constant 0 : i32
      %mul3A_1350 = vector.broadcast %mul3A_1349 : i32 to vector<16xi32>
      %mul3A_1351 = arith.muli %iota3A, %mul3A_1350 : vector<16xi32>
      %add3A_1352 = arith.constant 130 : i32
      %add3A_1353 = vector.broadcast %add3A_1352 : i32 to vector<16xi32>
      %add3A_1354 = arith.addi %mul3A_1351, %add3A_1353 : vector<16xi32>
      tpu.vector_store_idx %arg13[%add3A_1253, %add3A_1354], %mul3A_1348 : memref<128x144xf32, #tpu.memory_space<vmem>>[vector<16xi32>, vector<16xi32>], vector<16xf32>,
      %mul3A_1355 = arith.constant 0 : i32
      %mul3A_1356 = vector.broadcast %mul3A_1355 : i32 to vector<16xi32>
      %mul3A_1357 = arith.muli %iota3A, %mul3A_1356 : vector<16xi32>
      %add3A_1358 = arith.constant 3 : i32
      %add3A_1359 = vector.broadcast %add3A_1358 : i32 to vector<16xi32>
      %add3A_1360 = arith.addi %mul3A_1357, %add3A_1359 : vector<16xi32>
      %gather3A_1361 = tpu.vector_load_idx %arg10[%add3A_1253, %add3A_1360] : memref<128x16xf32, #tpu.memory_space<vmem>>[vector<16xi32>, vector<16xi32>], vector<16xf32>,
      %mul3A_1362 = arith.constant 0 : i32
      %mul3A_1363 = vector.broadcast %mul3A_1362 : i32 to vector<16xi32>
      %mul3A_1364 = arith.muli %iota3A, %mul3A_1363 : vector<16xi32>
      %add3A_1365 = arith.constant 7 : i32
      %add3A_1366 = vector.broadcast %add3A_1365 : i32 to vector<16xi32>
      %add3A_1367 = arith.addi %mul3A_1364, %add3A_1366 : vector<16xi32>
      %gather3A_1368 = tpu.vector_load_idx %arg11[%add3A_1253, %add3A_1367] : memref<128x16xf32, #tpu.memory_space<vmem>>[vector<16xi32>, vector<16xi32>], vector<16xf32>,
      %add3A_1369 = arith.addf %gather3A_1361, %gather3A_1368 : vector<16xf32>
      %ge3A_1370 = arith.constant 0.000000e+00 : f32
      %ge3A_1371 = vector.broadcast %ge3A_1370 : f32 to vector<16xf32>
      %ge3A_1372 = arith.cmpf oge, %add3A_1369, %ge3A_1371 : vector<16xf32>
      %mul3A_1373 = arith.constant 2.000000e-01 : f32
      %mul3A_1374 = vector.broadcast %mul3A_1373 : f32 to vector<16xf32>
      %mul3A_1375 = arith.mulf %mul3A_1374, %add3A_1369 : vector<16xf32>
      %select_n3A_1376 = arith.select %ge3A_1372, %add3A_1369, %mul3A_1375 : vector<16xi1>, vector<16xf32>
      %min3A_1377 = arith.constant 6.000000e+01 : f32
      %min3A_1378 = vector.broadcast %min3A_1377 : f32 to vector<16xf32>
      %min3A_1379 = arith.minimumf %select_n3A_1376, %min3A_1378 : vector<16xf32>
      %exp3A_1380 = math.exp %min3A_1379 : vector<16xf32>
      %mul3A_1381 = arith.mulf %exp3A_1380, %get3A_1255 : vector<16xf32>
      %mul3A_1382 = arith.constant 0 : i32
      %mul3A_1383 = vector.broadcast %mul3A_1382 : i32 to vector<16xi32>
      %mul3A_1384 = arith.muli %iota3A, %mul3A_1383 : vector<16xi32>
      %add3A_1385 = arith.constant 131 : i32
      %add3A_1386 = vector.broadcast %add3A_1385 : i32 to vector<16xi32>
      %add3A_1387 = arith.addi %mul3A_1384, %add3A_1386 : vector<16xi32>
      tpu.vector_store_idx %arg13[%add3A_1253, %add3A_1387], %mul3A_1381 : memref<128x144xf32, #tpu.memory_space<vmem>>[vector<16xi32>, vector<16xi32>], vector<16xf32>,
      %dma_wait3A_1388 = arith.constant 0 : i32
      %dma_wait3A_1389 = arith.constant 0 : i32
      %dma_wait3A_1390 = tpu.memref_slice %arg5[%dma_wait3A_1388, %dma_wait3A_1389] : memref<10000x128xf32, #tpu.memory_space<hbm>> -> memref<10000x128xf32, #tpu.memory_space<hbm>>
      tpu.wait_indirect_dma semaphore(%arg17 : memref<!tpu.dma_semaphore, #tpu.memory_space<semaphore_mem>>) src(%dma_wait3A_1390 : memref<10000x128xf32, #tpu.memory_space<hbm>>) dst(%arg12 : memref<128x128xf32, #tpu.memory_space<vmem>>)
      %scan3A_1391 = arith.constant 0 : i32
      %scan3A_1392 = arith.constant 0 : i32
      %scan3A_1393 = arith.constant 128 : i32
      %scan3A_1394 = arith.addi %scan3A_1392, %scan3A_1393 : i32
      %scan3A_1395 = arith.constant 4 : i32
      scf.for %scan3A_1397 = %scan3A_1392 to %scan3A_1394 step %scan3A_1395  : i32 {
        %get3A_1398 = arith.index_cast %scan3A_1397 : i32 to index
        %get3A_1399 = arith.constant 128 : index
        %get3A_1400 = tpu.vector_load %arg13[%get3A_1398, %get3A_1399] {strides = array<i32>} : memref<128x144xf32, #tpu.memory_space<vmem>>, vector<16xf32>,
        %slice3A = vector.extract_strided_slice %get3A_1400 {offsets = [0], sizes = [1], strides = [1]} : vector<16xf32> to vector<1xf32>
        %squeeze3A = vector.extract %slice3A[0] : f32 from vector<1xf32>
        %get3A_1401 = arith.index_cast %scan3A_1397 : i32 to index
        %get3A_1402 = arith.constant 0 : index
        %get3A_1403 = tpu.vector_load %arg12[%get3A_1401, %get3A_1402] {strides = array<i32>} : memref<128x128xf32, #tpu.memory_space<vmem>>, vector<16xf32>,
        %mul3A_1404 = vector.broadcast %squeeze3A : f32 to vector<16xf32>
        %mul3A_1405 = arith.mulf %get3A_1403, %mul3A_1404 : vector<16xf32>
        %swap3A = arith.index_cast %scan3A_1397 : i32 to index
        %swap3A_1406 = arith.constant 0 : index
        %swap3A_1407 = tpu.vector_load %arg13[%swap3A, %swap3A_1406] {strides = array<i32>} : memref<128x144xf32, #tpu.memory_space<vmem>>, vector<16xf32>,
        tpu.vector_store %arg13[%swap3A, %swap3A_1406], %mul3A_1405 {strides = array<i32>} : memref<128x144xf32, #tpu.memory_space<vmem>>, vector<16xf32>,
        %slice3A_1408 = vector.extract_strided_slice %get3A_1400 {offsets = [0], sizes = [1], strides = [1]} : vector<16xf32> to vector<1xf32>
        %squeeze3A_1409 = vector.extract %slice3A_1408[0] : f32 from vector<1xf32>
        %get3A_1410 = arith.index_cast %scan3A_1397 : i32 to index
        %get3A_1411 = arith.constant 16 : index
        %get3A_1412 = tpu.vector_load %arg12[%get3A_1410, %get3A_1411] {strides = array<i32>} : memref<128x128xf32, #tpu.memory_space<vmem>>, vector<16xf32>,
        %mul3A_1413 = vector.broadcast %squeeze3A_1409 : f32 to vector<16xf32>
        %mul3A_1414 = arith.mulf %get3A_1412, %mul3A_1413 : vector<16xf32>
        %swap3A_1415 = arith.index_cast %scan3A_1397 : i32 to index
        %swap3A_1416 = arith.constant 16 : index
        %swap3A_1417 = tpu.vector_load %arg13[%swap3A_1415, %swap3A_1416] {strides = array<i32>} : memref<128x144xf32, #tpu.memory_space<vmem>>, vector<16xf32>,
        tpu.vector_store %arg13[%swap3A_1415, %swap3A_1416], %mul3A_1414 {strides = array<i32>} : memref<128x144xf32, #tpu.memory_space<vmem>>, vector<16xf32>,
        %slice3A_1418 = vector.extract_strided_slice %get3A_1400 {offsets = [1], sizes = [1], strides = [1]} : vector<16xf32> to vector<1xf32>
        %squeeze3A_1419 = vector.extract %slice3A_1418[0] : f32 from vector<1xf32>
        %get3A_1420 = arith.index_cast %scan3A_1397 : i32 to index
        %get3A_1421 = arith.constant 32 : index
        %get3A_1422 = tpu.vector_load %arg12[%get3A_1420, %get3A_1421] {strides = array<i32>} : memref<128x128xf32, #tpu.memory_space<vmem>>, vector<16xf32>,
        %mul3A_1423 = vector.broadcast %squeeze3A_1419 : f32 to vector<16xf32>
        %mul3A_1424 = arith.mulf %get3A_1422, %mul3A_1423 : vector<16xf32>
        %swap3A_1425 = arith.index_cast %scan3A_1397 : i32 to index
        %swap3A_1426 = arith.constant 32 : index
        %swap3A_1427 = tpu.vector_load %arg13[%swap3A_1425, %swap3A_1426] {strides = array<i32>} : memref<128x144xf32, #tpu.memory_space<vmem>>, vector<16xf32>,
        tpu.vector_store %arg13[%swap3A_1425, %swap3A_1426], %mul3A_1424 {strides = array<i32>} : memref<128x144xf32, #tpu.memory_space<vmem>>, vector<16xf32>,
        %slice3A_1428 = vector.extract_strided_slice %get3A_1400 {offsets = [1], sizes = [1], strides = [1]} : vector<16xf32> to vector<1xf32>
        %squeeze3A_1429 = vector.extract %slice3A_1428[0] : f32 from vector<1xf32>
        %get3A_1430 = arith.index_cast %scan3A_1397 : i32 to index
        %get3A_1431 = arith.constant 48 : index
        %get3A_1432 = tpu.vector_load %arg12[%get3A_1430, %get3A_1431] {strides = array<i32>} : memref<128x128xf32, #tpu.memory_space<vmem>>, vector<16xf32>,
        %mul3A_1433 = vector.broadcast %squeeze3A_1429 : f32 to vector<16xf32>
        %mul3A_1434 = arith.mulf %get3A_1432, %mul3A_1433 : vector<16xf32>
        %swap3A_1435 = arith.index_cast %scan3A_1397 : i32 to index
        %swap3A_1436 = arith.constant 48 : index
        %swap3A_1437 = tpu.vector_load %arg13[%swap3A_1435, %swap3A_1436] {strides = array<i32>} : memref<128x144xf32, #tpu.memory_space<vmem>>, vector<16xf32>,
        tpu.vector_store %arg13[%swap3A_1435, %swap3A_1436], %mul3A_1434 {strides = array<i32>} : memref<128x144xf32, #tpu.memory_space<vmem>>, vector<16xf32>,
        %slice3A_1438 = vector.extract_strided_slice %get3A_1400 {offsets = [2], sizes = [1], strides = [1]} : vector<16xf32> to vector<1xf32>
        %squeeze3A_1439 = vector.extract %slice3A_1438[0] : f32 from vector<1xf32>
        %get3A_1440 = arith.index_cast %scan3A_1397 : i32 to index
        %get3A_1441 = arith.constant 64 : index
        %get3A_1442 = tpu.vector_load %arg12[%get3A_1440, %get3A_1441] {strides = array<i32>} : memref<128x128xf32, #tpu.memory_space<vmem>>, vector<16xf32>,
        %mul3A_1443 = vector.broadcast %squeeze3A_1439 : f32 to vector<16xf32>
        %mul3A_1444 = arith.mulf %get3A_1442, %mul3A_1443 : vector<16xf32>
        %swap3A_1445 = arith.index_cast %scan3A_1397 : i32 to index
        %swap3A_1446 = arith.constant 64 : index
        %swap3A_1447 = tpu.vector_load %arg13[%swap3A_1445, %swap3A_1446] {strides = array<i32>} : memref<128x144xf32, #tpu.memory_space<vmem>>, vector<16xf32>,
        tpu.vector_store %arg13[%swap3A_1445, %swap3A_1446], %mul3A_1444 {strides = array<i32>} : memref<128x144xf32, #tpu.memory_space<vmem>>, vector<16xf32>,
        %slice3A_1448 = vector.extract_strided_slice %get3A_1400 {offsets = [2], sizes = [1], strides = [1]} : vector<16xf32> to vector<1xf32>
        %squeeze3A_1449 = vector.extract %slice3A_1448[0] : f32 from vector<1xf32>
        %get3A_1450 = arith.index_cast %scan3A_1397 : i32 to index
        %get3A_1451 = arith.constant 80 : index
        %get3A_1452 = tpu.vector_load %arg12[%get3A_1450, %get3A_1451] {strides = array<i32>} : memref<128x128xf32, #tpu.memory_space<vmem>>, vector<16xf32>,
        %mul3A_1453 = vector.broadcast %squeeze3A_1449 : f32 to vector<16xf32>
        %mul3A_1454 = arith.mulf %get3A_1452, %mul3A_1453 : vector<16xf32>
        %swap3A_1455 = arith.index_cast %scan3A_1397 : i32 to index
        %swap3A_1456 = arith.constant 80 : index
        %swap3A_1457 = tpu.vector_load %arg13[%swap3A_1455, %swap3A_1456] {strides = array<i32>} : memref<128x144xf32, #tpu.memory_space<vmem>>, vector<16xf32>,
        tpu.vector_store %arg13[%swap3A_1455, %swap3A_1456], %mul3A_1454 {strides = array<i32>} : memref<128x144xf32, #tpu.memory_space<vmem>>, vector<16xf32>,
        %slice3A_1458 = vector.extract_strided_slice %get3A_1400 {offsets = [3], sizes = [1], strides = [1]} : vector<16xf32> to vector<1xf32>
        %squeeze3A_1459 = vector.extract %slice3A_1458[0] : f32 from vector<1xf32>
        %get3A_1460 = arith.index_cast %scan3A_1397 : i32 to index
        %get3A_1461 = arith.constant 96 : index
        %get3A_1462 = tpu.vector_load %arg12[%get3A_1460, %get3A_1461] {strides = array<i32>} : memref<128x128xf32, #tpu.memory_space<vmem>>, vector<16xf32>,
        %mul3A_1463 = vector.broadcast %squeeze3A_1459 : f32 to vector<16xf32>
        %mul3A_1464 = arith.mulf %get3A_1462, %mul3A_1463 : vector<16xf32>
        %swap3A_1465 = arith.index_cast %scan3A_1397 : i32 to index
        %swap3A_1466 = arith.constant 96 : index
        %swap3A_1467 = tpu.vector_load %arg13[%swap3A_1465, %swap3A_1466] {strides = array<i32>} : memref<128x144xf32, #tpu.memory_space<vmem>>, vector<16xf32>,
        tpu.vector_store %arg13[%swap3A_1465, %swap3A_1466], %mul3A_1464 {strides = array<i32>} : memref<128x144xf32, #tpu.memory_space<vmem>>, vector<16xf32>,
        %slice3A_1468 = vector.extract_strided_slice %get3A_1400 {offsets = [3], sizes = [1], strides = [1]} : vector<16xf32> to vector<1xf32>
        %squeeze3A_1469 = vector.extract %slice3A_1468[0] : f32 from vector<1xf32>
        %get3A_1470 = arith.index_cast %scan3A_1397 : i32 to index
        %get3A_1471 = arith.constant 112 : index
        %get3A_1472 = tpu.vector_load %arg12[%get3A_1470, %get3A_1471] {strides = array<i32>} : memref<128x128xf32, #tpu.memory_space<vmem>>, vector<16xf32>,
        %mul3A_1473 = vector.broadcast %squeeze3A_1469 : f32 to vector<16xf32>
        %mul3A_1474 = arith.mulf %get3A_1472, %mul3A_1473 : vector<16xf32>
        %swap3A_1475 = arith.index_cast %scan3A_1397 : i32 to index
        %swap3A_1476 = arith.constant 112 : index
        %swap3A_1477 = tpu.vector_load %arg13[%swap3A_1475, %swap3A_1476] {strides = array<i32>} : memref<128x144xf32, #tpu.memory_space<vmem>>, vector<16xf32>,
        tpu.vector_store %arg13[%swap3A_1475, %swap3A_1476], %mul3A_1474 {strides = array<i32>} : memref<128x144xf32, #tpu.memory_space<vmem>>, vector<16xf32>,
        %scan3A_1478 = arith.constant 1 : i32
        %scan3A_1479 = arith.addi %scan3A_1397, %scan3A_1478 : i32
        %get3A_1480 = arith.index_cast %scan3A_1479 : i32 to index
        %get3A_1481 = arith.constant 128 : index
        %get3A_1482 = tpu.vector_load %arg13[%get3A_1480, %get3A_1481] {strides = array<i32>} : memref<128x144xf32, #tpu.memory_space<vmem>>, vector<16xf32>,
        %slice3A_1483 = vector.extract_strided_slice %get3A_1482 {offsets = [0], sizes = [1], strides = [1]} : vector<16xf32> to vector<1xf32>
        %squeeze3A_1484 = vector.extract %slice3A_1483[0] : f32 from vector<1xf32>
        %get3A_1485 = arith.index_cast %scan3A_1479 : i32 to index
        %get3A_1486 = arith.constant 0 : index
        %get3A_1487 = tpu.vector_load %arg12[%get3A_1485, %get3A_1486] {strides = array<i32>} : memref<128x128xf32, #tpu.memory_space<vmem>>, vector<16xf32>,
        %mul3A_1488 = vector.broadcast %squeeze3A_1484 : f32 to vector<16xf32>
        %mul3A_1489 = arith.mulf %get3A_1487, %mul3A_1488 : vector<16xf32>
        %swap3A_1490 = arith.index_cast %scan3A_1479 : i32 to index
        %swap3A_1491 = arith.constant 0 : index
        %swap3A_1492 = tpu.vector_load %arg13[%swap3A_1490, %swap3A_1491] {strides = array<i32>} : memref<128x144xf32, #tpu.memory_space<vmem>>, vector<16xf32>,
        tpu.vector_store %arg13[%swap3A_1490, %swap3A_1491], %mul3A_1489 {strides = array<i32>} : memref<128x144xf32, #tpu.memory_space<vmem>>, vector<16xf32>,
        %slice3A_1493 = vector.extract_strided_slice %get3A_1482 {offsets = [0], sizes = [1], strides = [1]} : vector<16xf32> to vector<1xf32>
        %squeeze3A_1494 = vector.extract %slice3A_1493[0] : f32 from vector<1xf32>
        %get3A_1495 = arith.index_cast %scan3A_1479 : i32 to index
        %get3A_1496 = arith.constant 16 : index
        %get3A_1497 = tpu.vector_load %arg12[%get3A_1495, %get3A_1496] {strides = array<i32>} : memref<128x128xf32, #tpu.memory_space<vmem>>, vector<16xf32>,
        %mul3A_1498 = vector.broadcast %squeeze3A_1494 : f32 to vector<16xf32>
        %mul3A_1499 = arith.mulf %get3A_1497, %mul3A_1498 : vector<16xf32>
        %swap3A_1500 = arith.index_cast %scan3A_1479 : i32 to index
        %swap3A_1501 = arith.constant 16 : index
        %swap3A_1502 = tpu.vector_load %arg13[%swap3A_1500, %swap3A_1501] {strides = array<i32>} : memref<128x144xf32, #tpu.memory_space<vmem>>, vector<16xf32>,
        tpu.vector_store %arg13[%swap3A_1500, %swap3A_1501], %mul3A_1499 {strides = array<i32>} : memref<128x144xf32, #tpu.memory_space<vmem>>, vector<16xf32>,
        %slice3A_1503 = vector.extract_strided_slice %get3A_1482 {offsets = [1], sizes = [1], strides = [1]} : vector<16xf32> to vector<1xf32>
        %squeeze3A_1504 = vector.extract %slice3A_1503[0] : f32 from vector<1xf32>
        %get3A_1505 = arith.index_cast %scan3A_1479 : i32 to index
        %get3A_1506 = arith.constant 32 : index
        %get3A_1507 = tpu.vector_load %arg12[%get3A_1505, %get3A_1506] {strides = array<i32>} : memref<128x128xf32, #tpu.memory_space<vmem>>, vector<16xf32>,
        %mul3A_1508 = vector.broadcast %squeeze3A_1504 : f32 to vector<16xf32>
        %mul3A_1509 = arith.mulf %get3A_1507, %mul3A_1508 : vector<16xf32>
        %swap3A_1510 = arith.index_cast %scan3A_1479 : i32 to index
        %swap3A_1511 = arith.constant 32 : index
        %swap3A_1512 = tpu.vector_load %arg13[%swap3A_1510, %swap3A_1511] {strides = array<i32>} : memref<128x144xf32, #tpu.memory_space<vmem>>, vector<16xf32>,
        tpu.vector_store %arg13[%swap3A_1510, %swap3A_1511], %mul3A_1509 {strides = array<i32>} : memref<128x144xf32, #tpu.memory_space<vmem>>, vector<16xf32>,
        %slice3A_1513 = vector.extract_strided_slice %get3A_1482 {offsets = [1], sizes = [1], strides = [1]} : vector<16xf32> to vector<1xf32>
        %squeeze3A_1514 = vector.extract %slice3A_1513[0] : f32 from vector<1xf32>
        %get3A_1515 = arith.index_cast %scan3A_1479 : i32 to index
        %get3A_1516 = arith.constant 48 : index
        %get3A_1517 = tpu.vector_load %arg12[%get3A_1515, %get3A_1516] {strides = array<i32>} : memref<128x128xf32, #tpu.memory_space<vmem>>, vector<16xf32>,
        %mul3A_1518 = vector.broadcast %squeeze3A_1514 : f32 to vector<16xf32>
        %mul3A_1519 = arith.mulf %get3A_1517, %mul3A_1518 : vector<16xf32>
        %swap3A_1520 = arith.index_cast %scan3A_1479 : i32 to index
        %swap3A_1521 = arith.constant 48 : index
        %swap3A_1522 = tpu.vector_load %arg13[%swap3A_1520, %swap3A_1521] {strides = array<i32>} : memref<128x144xf32, #tpu.memory_space<vmem>>, vector<16xf32>,
        tpu.vector_store %arg13[%swap3A_1520, %swap3A_1521], %mul3A_1519 {strides = array<i32>} : memref<128x144xf32, #tpu.memory_space<vmem>>, vector<16xf32>,
        %slice3A_1523 = vector.extract_strided_slice %get3A_1482 {offsets = [2], sizes = [1], strides = [1]} : vector<16xf32> to vector<1xf32>
        %squeeze3A_1524 = vector.extract %slice3A_1523[0] : f32 from vector<1xf32>
        %get3A_1525 = arith.index_cast %scan3A_1479 : i32 to index
        %get3A_1526 = arith.constant 64 : index
        %get3A_1527 = tpu.vector_load %arg12[%get3A_1525, %get3A_1526] {strides = array<i32>} : memref<128x128xf32, #tpu.memory_space<vmem>>, vector<16xf32>,
        %mul3A_1528 = vector.broadcast %squeeze3A_1524 : f32 to vector<16xf32>
        %mul3A_1529 = arith.mulf %get3A_1527, %mul3A_1528 : vector<16xf32>
        %swap3A_1530 = arith.index_cast %scan3A_1479 : i32 to index
        %swap3A_1531 = arith.constant 64 : index
        %swap3A_1532 = tpu.vector_load %arg13[%swap3A_1530, %swap3A_1531] {strides = array<i32>} : memref<128x144xf32, #tpu.memory_space<vmem>>, vector<16xf32>,
        tpu.vector_store %arg13[%swap3A_1530, %swap3A_1531], %mul3A_1529 {strides = array<i32>} : memref<128x144xf32, #tpu.memory_space<vmem>>, vector<16xf32>,
        %slice3A_1533 = vector.extract_strided_slice %get3A_1482 {offsets = [2], sizes = [1], strides = [1]} : vector<16xf32> to vector<1xf32>
        %squeeze3A_1534 = vector.extract %slice3A_1533[0] : f32 from vector<1xf32>
        %get3A_1535 = arith.index_cast %scan3A_1479 : i32 to index
        %get3A_1536 = arith.constant 80 : index
        %get3A_1537 = tpu.vector_load %arg12[%get3A_1535, %get3A_1536] {strides = array<i32>} : memref<128x128xf32, #tpu.memory_space<vmem>>, vector<16xf32>,
        %mul3A_1538 = vector.broadcast %squeeze3A_1534 : f32 to vector<16xf32>
        %mul3A_1539 = arith.mulf %get3A_1537, %mul3A_1538 : vector<16xf32>
        %swap3A_1540 = arith.index_cast %scan3A_1479 : i32 to index
        %swap3A_1541 = arith.constant 80 : index
        %swap3A_1542 = tpu.vector_load %arg13[%swap3A_1540, %swap3A_1541] {strides = array<i32>} : memref<128x144xf32, #tpu.memory_space<vmem>>, vector<16xf32>,
        tpu.vector_store %arg13[%swap3A_1540, %swap3A_1541], %mul3A_1539 {strides = array<i32>} : memref<128x144xf32, #tpu.memory_space<vmem>>, vector<16xf32>,
        %slice3A_1543 = vector.extract_strided_slice %get3A_1482 {offsets = [3], sizes = [1], strides = [1]} : vector<16xf32> to vector<1xf32>
        %squeeze3A_1544 = vector.extract %slice3A_1543[0] : f32 from vector<1xf32>
        %get3A_1545 = arith.index_cast %scan3A_1479 : i32 to index
        %get3A_1546 = arith.constant 96 : index
        %get3A_1547 = tpu.vector_load %arg12[%get3A_1545, %get3A_1546] {strides = array<i32>} : memref<128x128xf32, #tpu.memory_space<vmem>>, vector<16xf32>,
        %mul3A_1548 = vector.broadcast %squeeze3A_1544 : f32 to vector<16xf32>
        %mul3A_1549 = arith.mulf %get3A_1547, %mul3A_1548 : vector<16xf32>
        %swap3A_1550 = arith.index_cast %scan3A_1479 : i32 to index
        %swap3A_1551 = arith.constant 96 : index
        %swap3A_1552 = tpu.vector_load %arg13[%swap3A_1550, %swap3A_1551] {strides = array<i32>} : memref<128x144xf32, #tpu.memory_space<vmem>>, vector<16xf32>,
        tpu.vector_store %arg13[%swap3A_1550, %swap3A_1551], %mul3A_1549 {strides = array<i32>} : memref<128x144xf32, #tpu.memory_space<vmem>>, vector<16xf32>,
        %slice3A_1553 = vector.extract_strided_slice %get3A_1482 {offsets = [3], sizes = [1], strides = [1]} : vector<16xf32> to vector<1xf32>
        %squeeze3A_1554 = vector.extract %slice3A_1553[0] : f32 from vector<1xf32>
        %get3A_1555 = arith.index_cast %scan3A_1479 : i32 to index
        %get3A_1556 = arith.constant 112 : index
        %get3A_1557 = tpu.vector_load %arg12[%get3A_1555, %get3A_1556] {strides = array<i32>} : memref<128x128xf32, #tpu.memory_space<vmem>>, vector<16xf32>,
        %mul3A_1558 = vector.broadcast %squeeze3A_1554 : f32 to vector<16xf32>
        %mul3A_1559 = arith.mulf %get3A_1557, %mul3A_1558 : vector<16xf32>
        %swap3A_1560 = arith.index_cast %scan3A_1479 : i32 to index
        %swap3A_1561 = arith.constant 112 : index
        %swap3A_1562 = tpu.vector_load %arg13[%swap3A_1560, %swap3A_1561] {strides = array<i32>} : memref<128x144xf32, #tpu.memory_space<vmem>>, vector<16xf32>,
        tpu.vector_store %arg13[%swap3A_1560, %swap3A_1561], %mul3A_1559 {strides = array<i32>} : memref<128x144xf32, #tpu.memory_space<vmem>>, vector<16xf32>,
        %scan3A_1563 = arith.constant 2 : i32
        %scan3A_1564 = arith.addi %scan3A_1397, %scan3A_1563 : i32
        %get3A_1565 = arith.index_cast %scan3A_1564 : i32 to index
        %get3A_1566 = arith.constant 128 : index
        %get3A_1567 = tpu.vector_load %arg13[%get3A_1565, %get3A_1566] {strides = array<i32>} : memref<128x144xf32, #tpu.memory_space<vmem>>, vector<16xf32>,
        %slice3A_1568 = vector.extract_strided_slice %get3A_1567 {offsets = [0], sizes = [1], strides = [1]} : vector<16xf32> to vector<1xf32>
        %squeeze3A_1569 = vector.extract %slice3A_1568[0] : f32 from vector<1xf32>
        %get3A_1570 = arith.index_cast %scan3A_1564 : i32 to index
        %get3A_1571 = arith.constant 0 : index
        %get3A_1572 = tpu.vector_load %arg12[%get3A_1570, %get3A_1571] {strides = array<i32>} : memref<128x128xf32, #tpu.memory_space<vmem>>, vector<16xf32>,
        %mul3A_1573 = vector.broadcast %squeeze3A_1569 : f32 to vector<16xf32>
        %mul3A_1574 = arith.mulf %get3A_1572, %mul3A_1573 : vector<16xf32>
        %swap3A_1575 = arith.index_cast %scan3A_1564 : i32 to index
        %swap3A_1576 = arith.constant 0 : index
        %swap3A_1577 = tpu.vector_load %arg13[%swap3A_1575, %swap3A_1576] {strides = array<i32>} : memref<128x144xf32, #tpu.memory_space<vmem>>, vector<16xf32>,
        tpu.vector_store %arg13[%swap3A_1575, %swap3A_1576], %mul3A_1574 {strides = array<i32>} : memref<128x144xf32, #tpu.memory_space<vmem>>, vector<16xf32>,
        %slice3A_1578 = vector.extract_strided_slice %get3A_1567 {offsets = [0], sizes = [1], strides = [1]} : vector<16xf32> to vector<1xf32>
        %squeeze3A_1579 = vector.extract %slice3A_1578[0] : f32 from vector<1xf32>
        %get3A_1580 = arith.index_cast %scan3A_1564 : i32 to index
        %get3A_1581 = arith.constant 16 : index
        %get3A_1582 = tpu.vector_load %arg12[%get3A_1580, %get3A_1581] {strides = array<i32>} : memref<128x128xf32, #tpu.memory_space<vmem>>, vector<16xf32>,
        %mul3A_1583 = vector.broadcast %squeeze3A_1579 : f32 to vector<16xf32>
        %mul3A_1584 = arith.mulf %get3A_1582, %mul3A_1583 : vector<16xf32>
        %swap3A_1585 = arith.index_cast %scan3A_1564 : i32 to index
        %swap3A_1586 = arith.constant 16 : index
        %swap3A_1587 = tpu.vector_load %arg13[%swap3A_1585, %swap3A_1586] {strides = array<i32>} : memref<128x144xf32, #tpu.memory_space<vmem>>, vector<16xf32>,
        tpu.vector_store %arg13[%swap3A_1585, %swap3A_1586], %mul3A_1584 {strides = array<i32>} : memref<128x144xf32, #tpu.memory_space<vmem>>, vector<16xf32>,
        %slice3A_1588 = vector.extract_strided_slice %get3A_1567 {offsets = [1], sizes = [1], strides = [1]} : vector<16xf32> to vector<1xf32>
        %squeeze3A_1589 = vector.extract %slice3A_1588[0] : f32 from vector<1xf32>
        %get3A_1590 = arith.index_cast %scan3A_1564 : i32 to index
        %get3A_1591 = arith.constant 32 : index
        %get3A_1592 = tpu.vector_load %arg12[%get3A_1590, %get3A_1591] {strides = array<i32>} : memref<128x128xf32, #tpu.memory_space<vmem>>, vector<16xf32>,
        %mul3A_1593 = vector.broadcast %squeeze3A_1589 : f32 to vector<16xf32>
        %mul3A_1594 = arith.mulf %get3A_1592, %mul3A_1593 : vector<16xf32>
        %swap3A_1595 = arith.index_cast %scan3A_1564 : i32 to index
        %swap3A_1596 = arith.constant 32 : index
        %swap3A_1597 = tpu.vector_load %arg13[%swap3A_1595, %swap3A_1596] {strides = array<i32>} : memref<128x144xf32, #tpu.memory_space<vmem>>, vector<16xf32>,
        tpu.vector_store %arg13[%swap3A_1595, %swap3A_1596], %mul3A_1594 {strides = array<i32>} : memref<128x144xf32, #tpu.memory_space<vmem>>, vector<16xf32>,
        %slice3A_1598 = vector.extract_strided_slice %get3A_1567 {offsets = [1], sizes = [1], strides = [1]} : vector<16xf32> to vector<1xf32>
        %squeeze3A_1599 = vector.extract %slice3A_1598[0] : f32 from vector<1xf32>
        %get3A_1600 = arith.index_cast %scan3A_1564 : i32 to index
        %get3A_1601 = arith.constant 48 : index
        %get3A_1602 = tpu.vector_load %arg12[%get3A_1600, %get3A_1601] {strides = array<i32>} : memref<128x128xf32, #tpu.memory_space<vmem>>, vector<16xf32>,
        %mul3A_1603 = vector.broadcast %squeeze3A_1599 : f32 to vector<16xf32>
        %mul3A_1604 = arith.mulf %get3A_1602, %mul3A_1603 : vector<16xf32>
        %swap3A_1605 = arith.index_cast %scan3A_1564 : i32 to index
        %swap3A_1606 = arith.constant 48 : index
        %swap3A_1607 = tpu.vector_load %arg13[%swap3A_1605, %swap3A_1606] {strides = array<i32>} : memref<128x144xf32, #tpu.memory_space<vmem>>, vector<16xf32>,
        tpu.vector_store %arg13[%swap3A_1605, %swap3A_1606], %mul3A_1604 {strides = array<i32>} : memref<128x144xf32, #tpu.memory_space<vmem>>, vector<16xf32>,
        %slice3A_1608 = vector.extract_strided_slice %get3A_1567 {offsets = [2], sizes = [1], strides = [1]} : vector<16xf32> to vector<1xf32>
        %squeeze3A_1609 = vector.extract %slice3A_1608[0] : f32 from vector<1xf32>
        %get3A_1610 = arith.index_cast %scan3A_1564 : i32 to index
        %get3A_1611 = arith.constant 64 : index
        %get3A_1612 = tpu.vector_load %arg12[%get3A_1610, %get3A_1611] {strides = array<i32>} : memref<128x128xf32, #tpu.memory_space<vmem>>, vector<16xf32>,
        %mul3A_1613 = vector.broadcast %squeeze3A_1609 : f32 to vector<16xf32>
        %mul3A_1614 = arith.mulf %get3A_1612, %mul3A_1613 : vector<16xf32>
        %swap3A_1615 = arith.index_cast %scan3A_1564 : i32 to index
        %swap3A_1616 = arith.constant 64 : index
        %swap3A_1617 = tpu.vector_load %arg13[%swap3A_1615, %swap3A_1616] {strides = array<i32>} : memref<128x144xf32, #tpu.memory_space<vmem>>, vector<16xf32>,
        tpu.vector_store %arg13[%swap3A_1615, %swap3A_1616], %mul3A_1614 {strides = array<i32>} : memref<128x144xf32, #tpu.memory_space<vmem>>, vector<16xf32>,
        %slice3A_1618 = vector.extract_strided_slice %get3A_1567 {offsets = [2], sizes = [1], strides = [1]} : vector<16xf32> to vector<1xf32>
        %squeeze3A_1619 = vector.extract %slice3A_1618[0] : f32 from vector<1xf32>
        %get3A_1620 = arith.index_cast %scan3A_1564 : i32 to index
        %get3A_1621 = arith.constant 80 : index
        %get3A_1622 = tpu.vector_load %arg12[%get3A_1620, %get3A_1621] {strides = array<i32>} : memref<128x128xf32, #tpu.memory_space<vmem>>, vector<16xf32>,
        %mul3A_1623 = vector.broadcast %squeeze3A_1619 : f32 to vector<16xf32>
        %mul3A_1624 = arith.mulf %get3A_1622, %mul3A_1623 : vector<16xf32>
        %swap3A_1625 = arith.index_cast %scan3A_1564 : i32 to index
        %swap3A_1626 = arith.constant 80 : index
        %swap3A_1627 = tpu.vector_load %arg13[%swap3A_1625, %swap3A_1626] {strides = array<i32>} : memref<128x144xf32, #tpu.memory_space<vmem>>, vector<16xf32>,
        tpu.vector_store %arg13[%swap3A_1625, %swap3A_1626], %mul3A_1624 {strides = array<i32>} : memref<128x144xf32, #tpu.memory_space<vmem>>, vector<16xf32>,
        %slice3A_1628 = vector.extract_strided_slice %get3A_1567 {offsets = [3], sizes = [1], strides = [1]} : vector<16xf32> to vector<1xf32>
        %squeeze3A_1629 = vector.extract %slice3A_1628[0] : f32 from vector<1xf32>
        %get3A_1630 = arith.index_cast %scan3A_1564 : i32 to index
        %get3A_1631 = arith.constant 96 : index
        %get3A_1632 = tpu.vector_load %arg12[%get3A_1630, %get3A_1631] {strides = array<i32>} : memref<128x128xf32, #tpu.memory_space<vmem>>, vector<16xf32>,
        %mul3A_1633 = vector.broadcast %squeeze3A_1629 : f32 to vector<16xf32>
        %mul3A_1634 = arith.mulf %get3A_1632, %mul3A_1633 : vector<16xf32>
        %swap3A_1635 = arith.index_cast %scan3A_1564 : i32 to index
        %swap3A_1636 = arith.constant 96 : index
        %swap3A_1637 = tpu.vector_load %arg13[%swap3A_1635, %swap3A_1636] {strides = array<i32>} : memref<128x144xf32, #tpu.memory_space<vmem>>, vector<16xf32>,
        tpu.vector_store %arg13[%swap3A_1635, %swap3A_1636], %mul3A_1634 {strides = array<i32>} : memref<128x144xf32, #tpu.memory_space<vmem>>, vector<16xf32>,
        %slice3A_1638 = vector.extract_strided_slice %get3A_1567 {offsets = [3], sizes = [1], strides = [1]} : vector<16xf32> to vector<1xf32>
        %squeeze3A_1639 = vector.extract %slice3A_1638[0] : f32 from vector<1xf32>
        %get3A_1640 = arith.index_cast %scan3A_1564 : i32 to index
        %get3A_1641 = arith.constant 112 : index
        %get3A_1642 = tpu.vector_load %arg12[%get3A_1640, %get3A_1641] {strides = array<i32>} : memref<128x128xf32, #tpu.memory_space<vmem>>, vector<16xf32>,
        %mul3A_1643 = vector.broadcast %squeeze3A_1639 : f32 to vector<16xf32>
        %mul3A_1644 = arith.mulf %get3A_1642, %mul3A_1643 : vector<16xf32>
        %swap3A_1645 = arith.index_cast %scan3A_1564 : i32 to index
        %swap3A_1646 = arith.constant 112 : index
        %swap3A_1647 = tpu.vector_load %arg13[%swap3A_1645, %swap3A_1646] {strides = array<i32>} : memref<128x144xf32, #tpu.memory_space<vmem>>, vector<16xf32>,
        tpu.vector_store %arg13[%swap3A_1645, %swap3A_1646], %mul3A_1644 {strides = array<i32>} : memref<128x144xf32, #tpu.memory_space<vmem>>, vector<16xf32>,
        %scan3A_1648 = arith.constant 3 : i32
        %scan3A_1649 = arith.addi %scan3A_1397, %scan3A_1648 : i32
        %get3A_1650 = arith.index_cast %scan3A_1649 : i32 to index
        %get3A_1651 = arith.constant 128 : index
        %get3A_1652 = tpu.vector_load %arg13[%get3A_1650, %get3A_1651] {strides = array<i32>} : memref<128x144xf32, #tpu.memory_space<vmem>>, vector<16xf32>,
        %slice3A_1653 = vector.extract_strided_slice %get3A_1652 {offsets = [0], sizes = [1], strides = [1]} : vector<16xf32> to vector<1xf32>
        %squeeze3A_1654 = vector.extract %slice3A_1653[0] : f32 from vector<1xf32>
        %get3A_1655 = arith.index_cast %scan3A_1649 : i32 to index
        %get3A_1656 = arith.constant 0 : index
        %get3A_1657 = tpu.vector_load %arg12[%get3A_1655, %get3A_1656] {strides = array<i32>} : memref<128x128xf32, #tpu.memory_space<vmem>>, vector<16xf32>,
        %mul3A_1658 = vector.broadcast %squeeze3A_1654 : f32 to vector<16xf32>
        %mul3A_1659 = arith.mulf %get3A_1657, %mul3A_1658 : vector<16xf32>
        %swap3A_1660 = arith.index_cast %scan3A_1649 : i32 to index
        %swap3A_1661 = arith.constant 0 : index
        %swap3A_1662 = tpu.vector_load %arg13[%swap3A_1660, %swap3A_1661] {strides = array<i32>} : memref<128x144xf32, #tpu.memory_space<vmem>>, vector<16xf32>,
        tpu.vector_store %arg13[%swap3A_1660, %swap3A_1661], %mul3A_1659 {strides = array<i32>} : memref<128x144xf32, #tpu.memory_space<vmem>>, vector<16xf32>,
        %slice3A_1663 = vector.extract_strided_slice %get3A_1652 {offsets = [0], sizes = [1], strides = [1]} : vector<16xf32> to vector<1xf32>
        %squeeze3A_1664 = vector.extract %slice3A_1663[0] : f32 from vector<1xf32>
        %get3A_1665 = arith.index_cast %scan3A_1649 : i32 to index
        %get3A_1666 = arith.constant 16 : index
        %get3A_1667 = tpu.vector_load %arg12[%get3A_1665, %get3A_1666] {strides = array<i32>} : memref<128x128xf32, #tpu.memory_space<vmem>>, vector<16xf32>,
        %mul3A_1668 = vector.broadcast %squeeze3A_1664 : f32 to vector<16xf32>
        %mul3A_1669 = arith.mulf %get3A_1667, %mul3A_1668 : vector<16xf32>
        %swap3A_1670 = arith.index_cast %scan3A_1649 : i32 to index
        %swap3A_1671 = arith.constant 16 : index
        %swap3A_1672 = tpu.vector_load %arg13[%swap3A_1670, %swap3A_1671] {strides = array<i32>} : memref<128x144xf32, #tpu.memory_space<vmem>>, vector<16xf32>,
        tpu.vector_store %arg13[%swap3A_1670, %swap3A_1671], %mul3A_1669 {strides = array<i32>} : memref<128x144xf32, #tpu.memory_space<vmem>>, vector<16xf32>,
        %slice3A_1673 = vector.extract_strided_slice %get3A_1652 {offsets = [1], sizes = [1], strides = [1]} : vector<16xf32> to vector<1xf32>
        %squeeze3A_1674 = vector.extract %slice3A_1673[0] : f32 from vector<1xf32>
        %get3A_1675 = arith.index_cast %scan3A_1649 : i32 to index
        %get3A_1676 = arith.constant 32 : index
        %get3A_1677 = tpu.vector_load %arg12[%get3A_1675, %get3A_1676] {strides = array<i32>} : memref<128x128xf32, #tpu.memory_space<vmem>>, vector<16xf32>,
        %mul3A_1678 = vector.broadcast %squeeze3A_1674 : f32 to vector<16xf32>
        %mul3A_1679 = arith.mulf %get3A_1677, %mul3A_1678 : vector<16xf32>
        %swap3A_1680 = arith.index_cast %scan3A_1649 : i32 to index
        %swap3A_1681 = arith.constant 32 : index
        %swap3A_1682 = tpu.vector_load %arg13[%swap3A_1680, %swap3A_1681] {strides = array<i32>} : memref<128x144xf32, #tpu.memory_space<vmem>>, vector<16xf32>,
        tpu.vector_store %arg13[%swap3A_1680, %swap3A_1681], %mul3A_1679 {strides = array<i32>} : memref<128x144xf32, #tpu.memory_space<vmem>>, vector<16xf32>,
        %slice3A_1683 = vector.extract_strided_slice %get3A_1652 {offsets = [1], sizes = [1], strides = [1]} : vector<16xf32> to vector<1xf32>
        %squeeze3A_1684 = vector.extract %slice3A_1683[0] : f32 from vector<1xf32>
        %get3A_1685 = arith.index_cast %scan3A_1649 : i32 to index
        %get3A_1686 = arith.constant 48 : index
        %get3A_1687 = tpu.vector_load %arg12[%get3A_1685, %get3A_1686] {strides = array<i32>} : memref<128x128xf32, #tpu.memory_space<vmem>>, vector<16xf32>,
        %mul3A_1688 = vector.broadcast %squeeze3A_1684 : f32 to vector<16xf32>
        %mul3A_1689 = arith.mulf %get3A_1687, %mul3A_1688 : vector<16xf32>
        %swap3A_1690 = arith.index_cast %scan3A_1649 : i32 to index
        %swap3A_1691 = arith.constant 48 : index
        %swap3A_1692 = tpu.vector_load %arg13[%swap3A_1690, %swap3A_1691] {strides = array<i32>} : memref<128x144xf32, #tpu.memory_space<vmem>>, vector<16xf32>,
        tpu.vector_store %arg13[%swap3A_1690, %swap3A_1691], %mul3A_1689 {strides = array<i32>} : memref<128x144xf32, #tpu.memory_space<vmem>>, vector<16xf32>,
        %slice3A_1693 = vector.extract_strided_slice %get3A_1652 {offsets = [2], sizes = [1], strides = [1]} : vector<16xf32> to vector<1xf32>
        %squeeze3A_1694 = vector.extract %slice3A_1693[0] : f32 from vector<1xf32>
        %get3A_1695 = arith.index_cast %scan3A_1649 : i32 to index
        %get3A_1696 = arith.constant 64 : index
        %get3A_1697 = tpu.vector_load %arg12[%get3A_1695, %get3A_1696] {strides = array<i32>} : memref<128x128xf32, #tpu.memory_space<vmem>>, vector<16xf32>,
        %mul3A_1698 = vector.broadcast %squeeze3A_1694 : f32 to vector<16xf32>
        %mul3A_1699 = arith.mulf %get3A_1697, %mul3A_1698 : vector<16xf32>
        %swap3A_1700 = arith.index_cast %scan3A_1649 : i32 to index
        %swap3A_1701 = arith.constant 64 : index
        %swap3A_1702 = tpu.vector_load %arg13[%swap3A_1700, %swap3A_1701] {strides = array<i32>} : memref<128x144xf32, #tpu.memory_space<vmem>>, vector<16xf32>,
        tpu.vector_store %arg13[%swap3A_1700, %swap3A_1701], %mul3A_1699 {strides = array<i32>} : memref<128x144xf32, #tpu.memory_space<vmem>>, vector<16xf32>,
        %slice3A_1703 = vector.extract_strided_slice %get3A_1652 {offsets = [2], sizes = [1], strides = [1]} : vector<16xf32> to vector<1xf32>
        %squeeze3A_1704 = vector.extract %slice3A_1703[0] : f32 from vector<1xf32>
        %get3A_1705 = arith.index_cast %scan3A_1649 : i32 to index
        %get3A_1706 = arith.constant 80 : index
        %get3A_1707 = tpu.vector_load %arg12[%get3A_1705, %get3A_1706] {strides = array<i32>} : memref<128x128xf32, #tpu.memory_space<vmem>>, vector<16xf32>,
        %mul3A_1708 = vector.broadcast %squeeze3A_1704 : f32 to vector<16xf32>
        %mul3A_1709 = arith.mulf %get3A_1707, %mul3A_1708 : vector<16xf32>
        %swap3A_1710 = arith.index_cast %scan3A_1649 : i32 to index
        %swap3A_1711 = arith.constant 80 : index
        %swap3A_1712 = tpu.vector_load %arg13[%swap3A_1710, %swap3A_1711] {strides = array<i32>} : memref<128x144xf32, #tpu.memory_space<vmem>>, vector<16xf32>,
        tpu.vector_store %arg13[%swap3A_1710, %swap3A_1711], %mul3A_1709 {strides = array<i32>} : memref<128x144xf32, #tpu.memory_space<vmem>>, vector<16xf32>,
        %slice3A_1713 = vector.extract_strided_slice %get3A_1652 {offsets = [3], sizes = [1], strides = [1]} : vector<16xf32> to vector<1xf32>
        %squeeze3A_1714 = vector.extract %slice3A_1713[0] : f32 from vector<1xf32>
        %get3A_1715 = arith.index_cast %scan3A_1649 : i32 to index
        %get3A_1716 = arith.constant 96 : index
        %get3A_1717 = tpu.vector_load %arg12[%get3A_1715, %get3A_1716] {strides = array<i32>} : memref<128x128xf32, #tpu.memory_space<vmem>>, vector<16xf32>,
        %mul3A_1718 = vector.broadcast %squeeze3A_1714 : f32 to vector<16xf32>
        %mul3A_1719 = arith.mulf %get3A_1717, %mul3A_1718 : vector<16xf32>
        %swap3A_1720 = arith.index_cast %scan3A_1649 : i32 to index
        %swap3A_1721 = arith.constant 96 : index
        %swap3A_1722 = tpu.vector_load %arg13[%swap3A_1720, %swap3A_1721] {strides = array<i32>} : memref<128x144xf32, #tpu.memory_space<vmem>>, vector<16xf32>,
        tpu.vector_store %arg13[%swap3A_1720, %swap3A_1721], %mul3A_1719 {strides = array<i32>} : memref<128x144xf32, #tpu.memory_space<vmem>>, vector<16xf32>,
        %slice3A_1723 = vector.extract_strided_slice %get3A_1652 {offsets = [3], sizes = [1], strides = [1]} : vector<16xf32> to vector<1xf32>
        %squeeze3A_1724 = vector.extract %slice3A_1723[0] : f32 from vector<1xf32>
        %get3A_1725 = arith.index_cast %scan3A_1649 : i32 to index
        %get3A_1726 = arith.constant 112 : index
        %get3A_1727 = tpu.vector_load %arg12[%get3A_1725, %get3A_1726] {strides = array<i32>} : memref<128x128xf32, #tpu.memory_space<vmem>>, vector<16xf32>,
        %mul3A_1728 = vector.broadcast %squeeze3A_1724 : f32 to vector<16xf32>
        %mul3A_1729 = arith.mulf %get3A_1727, %mul3A_1728 : vector<16xf32>
        %swap3A_1730 = arith.index_cast %scan3A_1649 : i32 to index
        %swap3A_1731 = arith.constant 112 : index
        %swap3A_1732 = tpu.vector_load %arg13[%swap3A_1730, %swap3A_1731] {strides = array<i32>} : memref<128x144xf32, #tpu.memory_space<vmem>>, vector<16xf32>,
        tpu.vector_store %arg13[%swap3A_1730, %swap3A_1731], %mul3A_1729 {strides = array<i32>} : memref<128x144xf32, #tpu.memory_space<vmem>>, vector<16xf32>,
      }
      %scan3A_1396 = arith.constant 128 : i32
      "tpu.region"() ({
        %run_scoped3A = tpu.sem_alloc : memref<!tpu.dma_semaphore, #tpu.memory_space<semaphore_mem>>
        %dma_start3A_1397 = arith.constant 0 : i32
        %dma_start3A_1398 = arith.constant 0 : i32
        %dma_start3A_1399 = tpu.memref_slice %arg14[%dma_start3A_1397, %dma_start3A_1398] : memref<10000x144xf32, #tpu.memory_space<vmem_shared>> -> memref<10000x144xf32, #tpu.memory_space<vmem_shared>>
        tpu.enqueue_indirect_dma source(%arg13 : memref<128x144xf32, #tpu.memory_space<vmem>>) target(%dma_start3A_1399 : memref<10000x144xf32, #tpu.memory_space<vmem_shared>>) offsets(%arg8 : memref<128xi32, #tpu.memory_space<vmem>>) semaphore(%run_scoped3A : memref<!tpu.dma_semaphore, #tpu.memory_space<semaphore_mem>>) {add = true}
        %dma_wait3A_1400 = arith.constant 0 : i32
        %dma_wait3A_1401 = arith.constant 0 : i32
        %dma_wait3A_1402 = tpu.memref_slice %arg14[%dma_wait3A_1400, %dma_wait3A_1401] : memref<10000x144xf32, #tpu.memory_space<vmem_shared>> -> memref<10000x144xf32, #tpu.memory_space<vmem_shared>>
        tpu.wait_indirect_dma semaphore(%run_scoped3A : memref<!tpu.dma_semaphore, #tpu.memory_space<semaphore_mem>>) src(%arg13 : memref<128x144xf32, #tpu.memory_space<vmem>>) dst(%dma_wait3A_1402 : memref<10000x144xf32, #tpu.memory_space<vmem_shared>>)
        tpu.yield
      }) : () -> ()
    }
    %scan3A_37 = arith.constant 78 : i32
    %scan3A_38 = arith.constant 0 : i32
    %scan3A_39 = arith.constant 16 : i32
    %scan3A_40 = arith.constant 112 : i32
    %scan3A_41 = arith.addi %scan3A_39, %scan3A_40 : i32
    %scan3A_42 = arith.constant 1 : i32
    scf.for %scan3A_259 = %scan3A_39 to %scan3A_41 step %scan3A_42  : i32 {
      %swap3A = arith.index_cast %scan3A_259 : i32 to index
      %swap3A_260 = arith.constant 0 : index
      %swap3A_261 = tpu.vector_load %arg13[%swap3A, %swap3A_260] {strides = array<i32>} : memref<128x144xf32, #tpu.memory_space<vmem>>, vector<16xf32>,
      tpu.vector_store %arg13[%swap3A, %swap3A_260], %broadcast_in_dim3A_1 {strides = array<i32>} : memref<128x144xf32, #tpu.memory_space<vmem>>, vector<16xf32>,
      %swap3A_262 = arith.index_cast %scan3A_259 : i32 to index
      %swap3A_263 = arith.constant 16 : index
      %swap3A_264 = tpu.vector_load %arg13[%swap3A_262, %swap3A_263] {strides = array<i32>} : memref<128x144xf32, #tpu.memory_space<vmem>>, vector<16xf32>,
      tpu.vector_store %arg13[%swap3A_262, %swap3A_263], %broadcast_in_dim3A_1 {strides = array<i32>} : memref<128x144xf32, #tpu.memory_space<vmem>>, vector<16xf32>,
      %swap3A_265 = arith.index_cast %scan3A_259 : i32 to index
      %swap3A_266 = arith.constant 32 : index
      %swap3A_267 = tpu.vector_load %arg13[%swap3A_265, %swap3A_266] {strides = array<i32>} : memref<128x144xf32, #tpu.memory_space<vmem>>, vector<16xf32>,
      tpu.vector_store %arg13[%swap3A_265, %swap3A_266], %broadcast_in_dim3A_1 {strides = array<i32>} : memref<128x144xf32, #tpu.memory_space<vmem>>, vector<16xf32>,
      %swap3A_268 = arith.index_cast %scan3A_259 : i32 to index
      %swap3A_269 = arith.constant 48 : index
      %swap3A_270 = tpu.vector_load %arg13[%swap3A_268, %swap3A_269] {strides = array<i32>} : memref<128x144xf32, #tpu.memory_space<vmem>>, vector<16xf32>,
      tpu.vector_store %arg13[%swap3A_268, %swap3A_269], %broadcast_in_dim3A_1 {strides = array<i32>} : memref<128x144xf32, #tpu.memory_space<vmem>>, vector<16xf32>,
      %swap3A_271 = arith.index_cast %scan3A_259 : i32 to index
      %swap3A_272 = arith.constant 64 : index
      %swap3A_273 = tpu.vector_load %arg13[%swap3A_271, %swap3A_272] {strides = array<i32>} : memref<128x144xf32, #tpu.memory_space<vmem>>, vector<16xf32>,
      tpu.vector_store %arg13[%swap3A_271, %swap3A_272], %broadcast_in_dim3A_1 {strides = array<i32>} : memref<128x144xf32, #tpu.memory_space<vmem>>, vector<16xf32>,
      %swap3A_274 = arith.index_cast %scan3A_259 : i32 to index
      %swap3A_275 = arith.constant 80 : index
      %swap3A_276 = tpu.vector_load %arg13[%swap3A_274, %swap3A_275] {strides = array<i32>} : memref<128x144xf32, #tpu.memory_space<vmem>>, vector<16xf32>,
      tpu.vector_store %arg13[%swap3A_274, %swap3A_275], %broadcast_in_dim3A_1 {strides = array<i32>} : memref<128x144xf32, #tpu.memory_space<vmem>>, vector<16xf32>,
      %swap3A_277 = arith.index_cast %scan3A_259 : i32 to index
      %swap3A_278 = arith.constant 96 : index
      %swap3A_279 = tpu.vector_load %arg13[%swap3A_277, %swap3A_278] {strides = array<i32>} : memref<128x144xf32, #tpu.memory_space<vmem>>, vector<16xf32>,
      tpu.vector_store %arg13[%swap3A_277, %swap3A_278], %broadcast_in_dim3A_1 {strides = array<i32>} : memref<128x144xf32, #tpu.memory_space<vmem>>, vector<16xf32>,
      %swap3A_280 = arith.index_cast %scan3A_259 : i32 to index
      %swap3A_281 = arith.constant 112 : index
      %swap3A_282 = tpu.vector_load %arg13[%swap3A_280, %swap3A_281] {strides = array<i32>} : memref<128x144xf32, #tpu.memory_space<vmem>>, vector<16xf32>,
      tpu.vector_store %arg13[%swap3A_280, %swap3A_281], %broadcast_in_dim3A_1 {strides = array<i32>} : memref<128x144xf32, #tpu.memory_space<vmem>>, vector<16xf32>,
      %swap3A_283 = arith.index_cast %scan3A_259 : i32 to index
      %swap3A_284 = arith.constant 128 : index
      %swap3A_285 = tpu.vector_load %arg13[%swap3A_283, %swap3A_284] {strides = array<i32>} : memref<128x144xf32, #tpu.memory_space<vmem>>, vector<16xf32>,
      tpu.vector_store %arg13[%swap3A_283, %swap3A_284], %broadcast_in_dim3A_1 {strides = array<i32>} : memref<128x144xf32, #tpu.memory_space<vmem>>, vector<16xf32>,
    }
    %scan3A_43 = arith.constant 112 : i32
    %add3A_44 = arith.constant 9984 : i32
    %add3A_45 = arith.addi %mul3A_31, %add3A_44 : i32
    %dma_start3A = arith.constant 0 : i32
    %dma_start3A_46 = tpu.memref_slice %arg7[%dma_start3A] : memref<128xi32, #tpu.memory_space<vmem>> -> memref<16xi32, #tpu.memory_space<vmem>>
    %dma_start3A_47 = tpu.memref_slice %arg2[%add3A_45] : memref<640000xi32, #tpu.memory_space<hbm>> -> memref<16xi32, #tpu.memory_space<hbm>>
    %dma_start3A_48 = arith.constant 0 : i32
    %dma_start3A_49 = tpu.memref_slice %arg7[%dma_start3A_48] : memref<128xi32, #tpu.memory_space<vmem>> -> memref<16xi32, #tpu.memory_space<vmem>>
    %dma_start3A_50 = tpu.memref_slice %arg2[%add3A_45] : memref<640000xi32, #tpu.memory_space<hbm>> -> memref<16xi32, #tpu.memory_space<hbm>>
    tpu.enqueue_dma source(%dma_start3A_50 : memref<16xi32, #tpu.memory_space<hbm>>) target(%dma_start3A_49 : memref<16xi32, #tpu.memory_space<vmem>>) target_semaphore(%arg15 : memref<!tpu.dma_semaphore, #tpu.memory_space<semaphore_mem>>)
    %add3A_51 = arith.constant 320000 : i32
    %add3A_52 = arith.addi %add3A_51, %add3A_45 : i32
    %dma_start3A_53 = arith.constant 0 : i32
    %dma_start3A_54 = tpu.memref_slice %arg8[%dma_start3A_53] : memref<128xi32, #tpu.memory_space<vmem>> -> memref<16xi32, #tpu.memory_space<vmem>>
    %dma_start3A_55 = tpu.memref_slice %arg2[%add3A_52] : memref<640000xi32, #tpu.memory_space<hbm>> -> memref<16xi32, #tpu.memory_space<hbm>>
    %dma_start3A_56 = arith.constant 0 : i32
    %dma_start3A_57 = tpu.memref_slice %arg8[%dma_start3A_56] : memref<128xi32, #tpu.memory_space<vmem>> -> memref<16xi32, #tpu.memory_space<vmem>>
    %dma_start3A_58 = tpu.memref_slice %arg2[%add3A_52] : memref<640000xi32, #tpu.memory_space<hbm>> -> memref<16xi32, #tpu.memory_space<hbm>>
    tpu.enqueue_dma source(%dma_start3A_58 : memref<16xi32, #tpu.memory_space<hbm>>) target(%dma_start3A_57 : memref<16xi32, #tpu.memory_space<vmem>>) target_semaphore(%arg16 : memref<!tpu.dma_semaphore, #tpu.memory_space<semaphore_mem>>)
    %dma_start3A_59 = arith.constant 0 : i32
    %dma_start3A_60 = tpu.memref_slice %arg9[%dma_start3A_59] : memref<128xf32, #tpu.memory_space<vmem>> -> memref<16xf32, #tpu.memory_space<vmem>>
    %dma_start3A_61 = tpu.memref_slice %arg3[%add3A_45] : memref<320000xf32, #tpu.memory_space<hbm>> -> memref<16xf32, #tpu.memory_space<hbm>>
    %dma_start3A_62 = arith.constant 0 : i32
    %dma_start3A_63 = tpu.memref_slice %arg9[%dma_start3A_62] : memref<128xf32, #tpu.memory_space<vmem>> -> memref<16xf32, #tpu.memory_space<vmem>>
    %dma_start3A_64 = tpu.memref_slice %arg3[%add3A_45] : memref<320000xf32, #tpu.memory_space<hbm>> -> memref<16xf32, #tpu.memory_space<hbm>>
    tpu.enqueue_dma source(%dma_start3A_64 : memref<16xf32, #tpu.memory_space<hbm>>) target(%dma_start3A_63 : memref<16xf32, #tpu.memory_space<vmem>>) target_semaphore(%arg17 : memref<!tpu.dma_semaphore, #tpu.memory_space<semaphore_mem>>)
    %dma_wait3A = arith.constant 0 : i32
    %dma_wait3A_65 = tpu.memref_slice %arg7[%dma_wait3A] : memref<128xi32, #tpu.memory_space<vmem>> -> memref<16xi32, #tpu.memory_space<vmem>>
    %dma_wait3A_66 = tpu.memref_slice %arg2[%add3A_45] : memref<640000xi32, #tpu.memory_space<hbm>> -> memref<16xi32, #tpu.memory_space<hbm>>
    %dma_wait3A_67 = arith.constant 0 : i32
    %dma_wait3A_68 = tpu.memref_slice %arg7[%dma_wait3A_67] : memref<128xi32, #tpu.memory_space<vmem>> -> memref<16xi32, #tpu.memory_space<vmem>>
    %dma_wait3A_69 = tpu.memref_slice %arg2[%add3A_45] : memref<640000xi32, #tpu.memory_space<hbm>> -> memref<16xi32, #tpu.memory_space<hbm>>
    tpu.wait_dma2 semaphore(%arg15 : memref<!tpu.dma_semaphore, #tpu.memory_space<semaphore_mem>>) src(%dma_wait3A_69 : memref<16xi32, #tpu.memory_space<hbm>>) dst(%dma_wait3A_68 : memref<16xi32, #tpu.memory_space<vmem>>)
    %dma_wait3A_70 = arith.constant 0 : i32
    %dma_wait3A_71 = tpu.memref_slice %arg8[%dma_wait3A_70] : memref<128xi32, #tpu.memory_space<vmem>> -> memref<16xi32, #tpu.memory_space<vmem>>
    %dma_wait3A_72 = tpu.memref_slice %arg2[%add3A_52] : memref<640000xi32, #tpu.memory_space<hbm>> -> memref<16xi32, #tpu.memory_space<hbm>>
    %dma_wait3A_73 = arith.constant 0 : i32
    %dma_wait3A_74 = tpu.memref_slice %arg8[%dma_wait3A_73] : memref<128xi32, #tpu.memory_space<vmem>> -> memref<16xi32, #tpu.memory_space<vmem>>
    %dma_wait3A_75 = tpu.memref_slice %arg2[%add3A_52] : memref<640000xi32, #tpu.memory_space<hbm>> -> memref<16xi32, #tpu.memory_space<hbm>>
    tpu.wait_dma2 semaphore(%arg16 : memref<!tpu.dma_semaphore, #tpu.memory_space<semaphore_mem>>) src(%dma_wait3A_75 : memref<16xi32, #tpu.memory_space<hbm>>) dst(%dma_wait3A_74 : memref<16xi32, #tpu.memory_space<vmem>>)
    %dma_wait3A_76 = arith.constant 0 : i32
    %dma_wait3A_77 = tpu.memref_slice %arg9[%dma_wait3A_76] : memref<128xf32, #tpu.memory_space<vmem>> -> memref<16xf32, #tpu.memory_space<vmem>>
    %dma_wait3A_78 = tpu.memref_slice %arg3[%add3A_45] : memref<320000xf32, #tpu.memory_space<hbm>> -> memref<16xf32, #tpu.memory_space<hbm>>
    %dma_wait3A_79 = arith.constant 0 : i32
    %dma_wait3A_80 = tpu.memref_slice %arg9[%dma_wait3A_79] : memref<128xf32, #tpu.memory_space<vmem>> -> memref<16xf32, #tpu.memory_space<vmem>>
    %dma_wait3A_81 = tpu.memref_slice %arg3[%add3A_45] : memref<320000xf32, #tpu.memory_space<hbm>> -> memref<16xf32, #tpu.memory_space<hbm>>
    tpu.wait_dma2 semaphore(%arg17 : memref<!tpu.dma_semaphore, #tpu.memory_space<semaphore_mem>>) src(%dma_wait3A_81 : memref<16xf32, #tpu.memory_space<hbm>>) dst(%dma_wait3A_80 : memref<16xf32, #tpu.memory_space<vmem>>)
    %dma_start3A_82 = arith.constant 0 : i32
    %dma_start3A_83 = arith.constant 0 : i32
    %dma_start3A_84 = tpu.memref_slice %arg4[%dma_start3A_82, %dma_start3A_83] : memref<10000x16xf32, #tpu.memory_space<hbm>> -> memref<10000x16xf32, #tpu.memory_space<hbm>>
    tpu.enqueue_indirect_dma source(%dma_start3A_84 : memref<10000x16xf32, #tpu.memory_space<hbm>>) target(%arg10 : memref<128x16xf32, #tpu.memory_space<vmem>>) offsets(%arg7 : memref<128xi32, #tpu.memory_space<vmem>>) semaphore(%arg15 : memref<!tpu.dma_semaphore, #tpu.memory_space<semaphore_mem>>)
    %dma_start3A_85 = arith.constant 0 : i32
    %dma_start3A_86 = arith.constant 0 : i32
    %dma_start3A_87 = tpu.memref_slice %arg4[%dma_start3A_85, %dma_start3A_86] : memref<10000x16xf32, #tpu.memory_space<hbm>> -> memref<10000x16xf32, #tpu.memory_space<hbm>>
    tpu.enqueue_indirect_dma source(%dma_start3A_87 : memref<10000x16xf32, #tpu.memory_space<hbm>>) target(%arg11 : memref<128x16xf32, #tpu.memory_space<vmem>>) offsets(%arg8 : memref<128xi32, #tpu.memory_space<vmem>>) semaphore(%arg16 : memref<!tpu.dma_semaphore, #tpu.memory_space<semaphore_mem>>)
    %dma_start3A_88 = arith.constant 0 : i32
    %dma_start3A_89 = arith.constant 0 : i32
    %dma_start3A_90 = tpu.memref_slice %arg5[%dma_start3A_88, %dma_start3A_89] : memref<10000x128xf32, #tpu.memory_space<hbm>> -> memref<10000x128xf32, #tpu.memory_space<hbm>>
    tpu.enqueue_indirect_dma source(%dma_start3A_90 : memref<10000x128xf32, #tpu.memory_space<hbm>>) target(%arg12 : memref<128x128xf32, #tpu.memory_space<vmem>>) offsets(%arg7 : memref<128xi32, #tpu.memory_space<vmem>>) semaphore(%arg17 : memref<!tpu.dma_semaphore, #tpu.memory_space<semaphore_mem>>)
    %dma_wait3A_91 = arith.constant 0 : i32
    %dma_wait3A_92 = arith.constant 0 : i32
    %dma_wait3A_93 = tpu.memref_slice %arg4[%dma_wait3A_91, %dma_wait3A_92] : memref<10000x16xf32, #tpu.memory_space<hbm>> -> memref<10000x16xf32, #tpu.memory_space<hbm>>
    tpu.wait_indirect_dma semaphore(%arg15 : memref<!tpu.dma_semaphore, #tpu.memory_space<semaphore_mem>>) src(%dma_wait3A_93 : memref<10000x16xf32, #tpu.memory_space<hbm>>) dst(%arg10 : memref<128x16xf32, #tpu.memory_space<vmem>>)
    %dma_wait3A_94 = arith.constant 0 : i32
    %dma_wait3A_95 = arith.constant 0 : i32
    %dma_wait3A_96 = tpu.memref_slice %arg4[%dma_wait3A_94, %dma_wait3A_95] : memref<10000x16xf32, #tpu.memory_space<hbm>> -> memref<10000x16xf32, #tpu.memory_space<hbm>>
    tpu.wait_indirect_dma semaphore(%arg16 : memref<!tpu.dma_semaphore, #tpu.memory_space<semaphore_mem>>) src(%dma_wait3A_96 : memref<10000x16xf32, #tpu.memory_space<hbm>>) dst(%arg11 : memref<128x16xf32, #tpu.memory_space<vmem>>)
    %add3A_97 = arith.constant 0 : i32
    %add3A_98 = vector.broadcast %add3A_97 : i32 to vector<16xi32>
    %add3A_99 = arith.addi %iota3A, %add3A_98 : vector<16xi32>
    %get3A = arith.constant 0 : index
    %get3A_100 = tpu.vector_load %arg9[%get3A] {strides = array<i32>} : memref<128xf32, #tpu.memory_space<vmem>>, vector<16xf32>,
    %mul3A_101 = arith.constant 0 : i32
    %mul3A_102 = vector.broadcast %mul3A_101 : i32 to vector<16xi32>
    %mul3A_103 = arith.muli %iota3A, %mul3A_102 : vector<16xi32>
    %add3A_104 = arith.constant 0 : i32
    %add3A_105 = vector.broadcast %add3A_104 : i32 to vector<16xi32>
    %add3A_106 = arith.addi %mul3A_103, %add3A_105 : vector<16xi32>
    %gather3A = tpu.vector_load_idx %arg10[%add3A_99, %add3A_106] : memref<128x16xf32, #tpu.memory_space<vmem>>[vector<16xi32>, vector<16xi32>], vector<16xf32>,
    %mul3A_107 = arith.constant 0 : i32
    %mul3A_108 = vector.broadcast %mul3A_107 : i32 to vector<16xi32>
    %mul3A_109 = arith.muli %iota3A, %mul3A_108 : vector<16xi32>
    %add3A_110 = arith.constant 4 : i32
    %add3A_111 = vector.broadcast %add3A_110 : i32 to vector<16xi32>
    %add3A_112 = arith.addi %mul3A_109, %add3A_111 : vector<16xi32>
    %gather3A_113 = tpu.vector_load_idx %arg11[%add3A_99, %add3A_112] : memref<128x16xf32, #tpu.memory_space<vmem>>[vector<16xi32>, vector<16xi32>], vector<16xf32>,
    %add3A_114 = arith.addf %gather3A, %gather3A_113 : vector<16xf32>
    %ge3A = arith.constant 0.000000e+00 : f32
    %ge3A_115 = vector.broadcast %ge3A : f32 to vector<16xf32>
    %ge3A_116 = arith.cmpf oge, %add3A_114, %ge3A_115 : vector<16xf32>
    %mul3A_117 = arith.constant 2.000000e-01 : f32
    %mul3A_118 = vector.broadcast %mul3A_117 : f32 to vector<16xf32>
    %mul3A_119 = arith.mulf %mul3A_118, %add3A_114 : vector<16xf32>
    %select_n3A_120 = arith.select %ge3A_116, %add3A_114, %mul3A_119 : vector<16xi1>, vector<16xf32>
    %min3A = arith.constant 6.000000e+01 : f32
    %min3A_121 = vector.broadcast %min3A : f32 to vector<16xf32>
    %min3A_122 = arith.minimumf %select_n3A_120, %min3A_121 : vector<16xf32>
    %exp3A = math.exp %min3A_122 : vector<16xf32>
    %mul3A_123 = arith.mulf %exp3A, %get3A_100 : vector<16xf32>
    %mul3A_124 = arith.constant 0 : i32
    %mul3A_125 = vector.broadcast %mul3A_124 : i32 to vector<16xi32>
    %mul3A_126 = arith.muli %iota3A, %mul3A_125 : vector<16xi32>
    %add3A_127 = arith.constant 128 : i32
    %add3A_128 = vector.broadcast %add3A_127 : i32 to vector<16xi32>
    %add3A_129 = arith.addi %mul3A_126, %add3A_128 : vector<16xi32>
    tpu.vector_store_idx %arg13[%add3A_99, %add3A_129], %mul3A_123 : memref<128x144xf32, #tpu.memory_space<vmem>>[vector<16xi32>, vector<16xi32>], vector<16xf32>,
    %mul3A_130 = arith.constant 0 : i32
    %mul3A_131 = vector.broadcast %mul3A_130 : i32 to vector<16xi32>
    %mul3A_132 = arith.muli %iota3A, %mul3A_131 : vector<16xi32>
    %add3A_133 = arith.constant 1 : i32
    %add3A_134 = vector.broadcast %add3A_133 : i32 to vector<16xi32>
    %add3A_135 = arith.addi %mul3A_132, %add3A_134 : vector<16xi32>
    %gather3A_136 = tpu.vector_load_idx %arg10[%add3A_99, %add3A_135] : memref<128x16xf32, #tpu.memory_space<vmem>>[vector<16xi32>, vector<16xi32>], vector<16xf32>,
    %mul3A_137 = arith.constant 0 : i32
    %mul3A_138 = vector.broadcast %mul3A_137 : i32 to vector<16xi32>
    %mul3A_139 = arith.muli %iota3A, %mul3A_138 : vector<16xi32>
    %add3A_140 = arith.constant 5 : i32
    %add3A_141 = vector.broadcast %add3A_140 : i32 to vector<16xi32>
    %add3A_142 = arith.addi %mul3A_139, %add3A_141 : vector<16xi32>
    %gather3A_143 = tpu.vector_load_idx %arg11[%add3A_99, %add3A_142] : memref<128x16xf32, #tpu.memory_space<vmem>>[vector<16xi32>, vector<16xi32>], vector<16xf32>,
    %add3A_144 = arith.addf %gather3A_136, %gather3A_143 : vector<16xf32>
    %ge3A_145 = arith.constant 0.000000e+00 : f32
    %ge3A_146 = vector.broadcast %ge3A_145 : f32 to vector<16xf32>
    %ge3A_147 = arith.cmpf oge, %add3A_144, %ge3A_146 : vector<16xf32>
    %mul3A_148 = arith.constant 2.000000e-01 : f32
    %mul3A_149 = vector.broadcast %mul3A_148 : f32 to vector<16xf32>
    %mul3A_150 = arith.mulf %mul3A_149, %add3A_144 : vector<16xf32>
    %select_n3A_151 = arith.select %ge3A_147, %add3A_144, %mul3A_150 : vector<16xi1>, vector<16xf32>
    %min3A_152 = arith.constant 6.000000e+01 : f32
    %min3A_153 = vector.broadcast %min3A_152 : f32 to vector<16xf32>
    %min3A_154 = arith.minimumf %select_n3A_151, %min3A_153 : vector<16xf32>
    %exp3A_155 = math.exp %min3A_154 : vector<16xf32>
    %mul3A_156 = arith.mulf %exp3A_155, %get3A_100 : vector<16xf32>
    %mul3A_157 = arith.constant 0 : i32
    %mul3A_158 = vector.broadcast %mul3A_157 : i32 to vector<16xi32>
    %mul3A_159 = arith.muli %iota3A, %mul3A_158 : vector<16xi32>
    %add3A_160 = arith.constant 129 : i32
    %add3A_161 = vector.broadcast %add3A_160 : i32 to vector<16xi32>
    %add3A_162 = arith.addi %mul3A_159, %add3A_161 : vector<16xi32>
    tpu.vector_store_idx %arg13[%add3A_99, %add3A_162], %mul3A_156 : memref<128x144xf32, #tpu.memory_space<vmem>>[vector<16xi32>, vector<16xi32>], vector<16xf32>,
    %mul3A_163 = arith.constant 0 : i32
    %mul3A_164 = vector.broadcast %mul3A_163 : i32 to vector<16xi32>
    %mul3A_165 = arith.muli %iota3A, %mul3A_164 : vector<16xi32>
    %add3A_166 = arith.constant 2 : i32
    %add3A_167 = vector.broadcast %add3A_166 : i32 to vector<16xi32>
    %add3A_168 = arith.addi %mul3A_165, %add3A_167 : vector<16xi32>
    %gather3A_169 = tpu.vector_load_idx %arg10[%add3A_99, %add3A_168] : memref<128x16xf32, #tpu.memory_space<vmem>>[vector<16xi32>, vector<16xi32>], vector<16xf32>,
    %mul3A_170 = arith.constant 0 : i32
    %mul3A_171 = vector.broadcast %mul3A_170 : i32 to vector<16xi32>
    %mul3A_172 = arith.muli %iota3A, %mul3A_171 : vector<16xi32>
    %add3A_173 = arith.constant 6 : i32
    %add3A_174 = vector.broadcast %add3A_173 : i32 to vector<16xi32>
    %add3A_175 = arith.addi %mul3A_172, %add3A_174 : vector<16xi32>
    %gather3A_176 = tpu.vector_load_idx %arg11[%add3A_99, %add3A_175] : memref<128x16xf32, #tpu.memory_space<vmem>>[vector<16xi32>, vector<16xi32>], vector<16xf32>,
    %add3A_177 = arith.addf %gather3A_169, %gather3A_176 : vector<16xf32>
    %ge3A_178 = arith.constant 0.000000e+00 : f32
    %ge3A_179 = vector.broadcast %ge3A_178 : f32 to vector<16xf32>
    %ge3A_180 = arith.cmpf oge, %add3A_177, %ge3A_179 : vector<16xf32>
    %mul3A_181 = arith.constant 2.000000e-01 : f32
    %mul3A_182 = vector.broadcast %mul3A_181 : f32 to vector<16xf32>
    %mul3A_183 = arith.mulf %mul3A_182, %add3A_177 : vector<16xf32>
    %select_n3A_184 = arith.select %ge3A_180, %add3A_177, %mul3A_183 : vector<16xi1>, vector<16xf32>
    %min3A_185 = arith.constant 6.000000e+01 : f32
    %min3A_186 = vector.broadcast %min3A_185 : f32 to vector<16xf32>
    %min3A_187 = arith.minimumf %select_n3A_184, %min3A_186 : vector<16xf32>
    %exp3A_188 = math.exp %min3A_187 : vector<16xf32>
    %mul3A_189 = arith.mulf %exp3A_188, %get3A_100 : vector<16xf32>
    %mul3A_190 = arith.constant 0 : i32
    %mul3A_191 = vector.broadcast %mul3A_190 : i32 to vector<16xi32>
    %mul3A_192 = arith.muli %iota3A, %mul3A_191 : vector<16xi32>
    %add3A_193 = arith.constant 130 : i32
    %add3A_194 = vector.broadcast %add3A_193 : i32 to vector<16xi32>
    %add3A_195 = arith.addi %mul3A_192, %add3A_194 : vector<16xi32>
    tpu.vector_store_idx %arg13[%add3A_99, %add3A_195], %mul3A_189 : memref<128x144xf32, #tpu.memory_space<vmem>>[vector<16xi32>, vector<16xi32>], vector<16xf32>,
    %mul3A_196 = arith.constant 0 : i32
    %mul3A_197 = vector.broadcast %mul3A_196 : i32 to vector<16xi32>
    %mul3A_198 = arith.muli %iota3A, %mul3A_197 : vector<16xi32>
    %add3A_199 = arith.constant 3 : i32
    %add3A_200 = vector.broadcast %add3A_199 : i32 to vector<16xi32>
    %add3A_201 = arith.addi %mul3A_198, %add3A_200 : vector<16xi32>
    %gather3A_202 = tpu.vector_load_idx %arg10[%add3A_99, %add3A_201] : memref<128x16xf32, #tpu.memory_space<vmem>>[vector<16xi32>, vector<16xi32>], vector<16xf32>,
    %mul3A_203 = arith.constant 0 : i32
    %mul3A_204 = vector.broadcast %mul3A_203 : i32 to vector<16xi32>
    %mul3A_205 = arith.muli %iota3A, %mul3A_204 : vector<16xi32>
    %add3A_206 = arith.constant 7 : i32
    %add3A_207 = vector.broadcast %add3A_206 : i32 to vector<16xi32>
    %add3A_208 = arith.addi %mul3A_205, %add3A_207 : vector<16xi32>
    %gather3A_209 = tpu.vector_load_idx %arg11[%add3A_99, %add3A_208] : memref<128x16xf32, #tpu.memory_space<vmem>>[vector<16xi32>, vector<16xi32>], vector<16xf32>,
    %add3A_210 = arith.addf %gather3A_202, %gather3A_209 : vector<16xf32>
    %ge3A_211 = arith.constant 0.000000e+00 : f32
    %ge3A_212 = vector.broadcast %ge3A_211 : f32 to vector<16xf32>
    %ge3A_213 = arith.cmpf oge, %add3A_210, %ge3A_212 : vector<16xf32>
    %mul3A_214 = arith.constant 2.000000e-01 : f32
    %mul3A_215 = vector.broadcast %mul3A_214 : f32 to vector<16xf32>
    %mul3A_216 = arith.mulf %mul3A_215, %add3A_210 : vector<16xf32>
    %select_n3A_217 = arith.select %ge3A_213, %add3A_210, %mul3A_216 : vector<16xi1>, vector<16xf32>
    %min3A_218 = arith.constant 6.000000e+01 : f32
    %min3A_219 = vector.broadcast %min3A_218 : f32 to vector<16xf32>
    %min3A_220 = arith.minimumf %select_n3A_217, %min3A_219 : vector<16xf32>
    %exp3A_221 = math.exp %min3A_220 : vector<16xf32>
    %mul3A_222 = arith.mulf %exp3A_221, %get3A_100 : vector<16xf32>
    %mul3A_223 = arith.constant 0 : i32
    %mul3A_224 = vector.broadcast %mul3A_223 : i32 to vector<16xi32>
    %mul3A_225 = arith.muli %iota3A, %mul3A_224 : vector<16xi32>
    %add3A_226 = arith.constant 131 : i32
    %add3A_227 = vector.broadcast %add3A_226 : i32 to vector<16xi32>
    %add3A_228 = arith.addi %mul3A_225, %add3A_227 : vector<16xi32>
    tpu.vector_store_idx %arg13[%add3A_99, %add3A_228], %mul3A_222 : memref<128x144xf32, #tpu.memory_space<vmem>>[vector<16xi32>, vector<16xi32>], vector<16xf32>,
    %dma_wait3A_229 = arith.constant 0 : i32
    %dma_wait3A_230 = arith.constant 0 : i32
    %dma_wait3A_231 = tpu.memref_slice %arg5[%dma_wait3A_229, %dma_wait3A_230] : memref<10000x128xf32, #tpu.memory_space<hbm>> -> memref<10000x128xf32, #tpu.memory_space<hbm>>
    tpu.wait_indirect_dma semaphore(%arg17 : memref<!tpu.dma_semaphore, #tpu.memory_space<semaphore_mem>>) src(%dma_wait3A_231 : memref<10000x128xf32, #tpu.memory_space<hbm>>) dst(%arg12 : memref<128x128xf32, #tpu.memory_space<vmem>>)
    %scan3A_232 = arith.constant 0 : i32
    %scan3A_233 = arith.constant 0 : i32
    %scan3A_234 = arith.constant 16 : i32
    %scan3A_235 = arith.addi %scan3A_233, %scan3A_234 : i32
    %scan3A_236 = arith.constant 4 : i32
    scf.for %scan3A_259 = %scan3A_233 to %scan3A_235 step %scan3A_236  : i32 {
      %get3A_260 = arith.index_cast %scan3A_259 : i32 to index
      %get3A_261 = arith.constant 128 : index
      %get3A_262 = tpu.vector_load %arg13[%get3A_260, %get3A_261] {strides = array<i32>} : memref<128x144xf32, #tpu.memory_space<vmem>>, vector<16xf32>,
      %slice3A = vector.extract_strided_slice %get3A_262 {offsets = [0], sizes = [1], strides = [1]} : vector<16xf32> to vector<1xf32>
      %squeeze3A = vector.extract %slice3A[0] : f32 from vector<1xf32>
      %get3A_263 = arith.index_cast %scan3A_259 : i32 to index
      %get3A_264 = arith.constant 0 : index
      %get3A_265 = tpu.vector_load %arg12[%get3A_263, %get3A_264] {strides = array<i32>} : memref<128x128xf32, #tpu.memory_space<vmem>>, vector<16xf32>,
      %mul3A_266 = vector.broadcast %squeeze3A : f32 to vector<16xf32>
      %mul3A_267 = arith.mulf %get3A_265, %mul3A_266 : vector<16xf32>
      %swap3A = arith.index_cast %scan3A_259 : i32 to index
      %swap3A_268 = arith.constant 0 : index
      %swap3A_269 = tpu.vector_load %arg13[%swap3A, %swap3A_268] {strides = array<i32>} : memref<128x144xf32, #tpu.memory_space<vmem>>, vector<16xf32>,
      tpu.vector_store %arg13[%swap3A, %swap3A_268], %mul3A_267 {strides = array<i32>} : memref<128x144xf32, #tpu.memory_space<vmem>>, vector<16xf32>,
      %slice3A_270 = vector.extract_strided_slice %get3A_262 {offsets = [0], sizes = [1], strides = [1]} : vector<16xf32> to vector<1xf32>
      %squeeze3A_271 = vector.extract %slice3A_270[0] : f32 from vector<1xf32>
      %get3A_272 = arith.index_cast %scan3A_259 : i32 to index
      %get3A_273 = arith.constant 16 : index
      %get3A_274 = tpu.vector_load %arg12[%get3A_272, %get3A_273] {strides = array<i32>} : memref<128x128xf32, #tpu.memory_space<vmem>>, vector<16xf32>,
      %mul3A_275 = vector.broadcast %squeeze3A_271 : f32 to vector<16xf32>
      %mul3A_276 = arith.mulf %get3A_274, %mul3A_275 : vector<16xf32>
      %swap3A_277 = arith.index_cast %scan3A_259 : i32 to index
      %swap3A_278 = arith.constant 16 : index
      %swap3A_279 = tpu.vector_load %arg13[%swap3A_277, %swap3A_278] {strides = array<i32>} : memref<128x144xf32, #tpu.memory_space<vmem>>, vector<16xf32>,
      tpu.vector_store %arg13[%swap3A_277, %swap3A_278], %mul3A_276 {strides = array<i32>} : memref<128x144xf32, #tpu.memory_space<vmem>>, vector<16xf32>,
      %slice3A_280 = vector.extract_strided_slice %get3A_262 {offsets = [1], sizes = [1], strides = [1]} : vector<16xf32> to vector<1xf32>
      %squeeze3A_281 = vector.extract %slice3A_280[0] : f32 from vector<1xf32>
      %get3A_282 = arith.index_cast %scan3A_259 : i32 to index
      %get3A_283 = arith.constant 32 : index
      %get3A_284 = tpu.vector_load %arg12[%get3A_282, %get3A_283] {strides = array<i32>} : memref<128x128xf32, #tpu.memory_space<vmem>>, vector<16xf32>,
      %mul3A_285 = vector.broadcast %squeeze3A_281 : f32 to vector<16xf32>
      %mul3A_286 = arith.mulf %get3A_284, %mul3A_285 : vector<16xf32>
      %swap3A_287 = arith.index_cast %scan3A_259 : i32 to index
      %swap3A_288 = arith.constant 32 : index
      %swap3A_289 = tpu.vector_load %arg13[%swap3A_287, %swap3A_288] {strides = array<i32>} : memref<128x144xf32, #tpu.memory_space<vmem>>, vector<16xf32>,
      tpu.vector_store %arg13[%swap3A_287, %swap3A_288], %mul3A_286 {strides = array<i32>} : memref<128x144xf32, #tpu.memory_space<vmem>>, vector<16xf32>,
      %slice3A_290 = vector.extract_strided_slice %get3A_262 {offsets = [1], sizes = [1], strides = [1]} : vector<16xf32> to vector<1xf32>
      %squeeze3A_291 = vector.extract %slice3A_290[0] : f32 from vector<1xf32>
      %get3A_292 = arith.index_cast %scan3A_259 : i32 to index
      %get3A_293 = arith.constant 48 : index
      %get3A_294 = tpu.vector_load %arg12[%get3A_292, %get3A_293] {strides = array<i32>} : memref<128x128xf32, #tpu.memory_space<vmem>>, vector<16xf32>,
      %mul3A_295 = vector.broadcast %squeeze3A_291 : f32 to vector<16xf32>
      %mul3A_296 = arith.mulf %get3A_294, %mul3A_295 : vector<16xf32>
      %swap3A_297 = arith.index_cast %scan3A_259 : i32 to index
      %swap3A_298 = arith.constant 48 : index
      %swap3A_299 = tpu.vector_load %arg13[%swap3A_297, %swap3A_298] {strides = array<i32>} : memref<128x144xf32, #tpu.memory_space<vmem>>, vector<16xf32>,
      tpu.vector_store %arg13[%swap3A_297, %swap3A_298], %mul3A_296 {strides = array<i32>} : memref<128x144xf32, #tpu.memory_space<vmem>>, vector<16xf32>,
      %slice3A_300 = vector.extract_strided_slice %get3A_262 {offsets = [2], sizes = [1], strides = [1]} : vector<16xf32> to vector<1xf32>
      %squeeze3A_301 = vector.extract %slice3A_300[0] : f32 from vector<1xf32>
      %get3A_302 = arith.index_cast %scan3A_259 : i32 to index
      %get3A_303 = arith.constant 64 : index
      %get3A_304 = tpu.vector_load %arg12[%get3A_302, %get3A_303] {strides = array<i32>} : memref<128x128xf32, #tpu.memory_space<vmem>>, vector<16xf32>,
      %mul3A_305 = vector.broadcast %squeeze3A_301 : f32 to vector<16xf32>
      %mul3A_306 = arith.mulf %get3A_304, %mul3A_305 : vector<16xf32>
      %swap3A_307 = arith.index_cast %scan3A_259 : i32 to index
      %swap3A_308 = arith.constant 64 : index
      %swap3A_309 = tpu.vector_load %arg13[%swap3A_307, %swap3A_308] {strides = array<i32>} : memref<128x144xf32, #tpu.memory_space<vmem>>, vector<16xf32>,
      tpu.vector_store %arg13[%swap3A_307, %swap3A_308], %mul3A_306 {strides = array<i32>} : memref<128x144xf32, #tpu.memory_space<vmem>>, vector<16xf32>,
      %slice3A_310 = vector.extract_strided_slice %get3A_262 {offsets = [2], sizes = [1], strides = [1]} : vector<16xf32> to vector<1xf32>
      %squeeze3A_311 = vector.extract %slice3A_310[0] : f32 from vector<1xf32>
      %get3A_312 = arith.index_cast %scan3A_259 : i32 to index
      %get3A_313 = arith.constant 80 : index
      %get3A_314 = tpu.vector_load %arg12[%get3A_312, %get3A_313] {strides = array<i32>} : memref<128x128xf32, #tpu.memory_space<vmem>>, vector<16xf32>,
      %mul3A_315 = vector.broadcast %squeeze3A_311 : f32 to vector<16xf32>
      %mul3A_316 = arith.mulf %get3A_314, %mul3A_315 : vector<16xf32>
      %swap3A_317 = arith.index_cast %scan3A_259 : i32 to index
      %swap3A_318 = arith.constant 80 : index
      %swap3A_319 = tpu.vector_load %arg13[%swap3A_317, %swap3A_318] {strides = array<i32>} : memref<128x144xf32, #tpu.memory_space<vmem>>, vector<16xf32>,
      tpu.vector_store %arg13[%swap3A_317, %swap3A_318], %mul3A_316 {strides = array<i32>} : memref<128x144xf32, #tpu.memory_space<vmem>>, vector<16xf32>,
      %slice3A_320 = vector.extract_strided_slice %get3A_262 {offsets = [3], sizes = [1], strides = [1]} : vector<16xf32> to vector<1xf32>
      %squeeze3A_321 = vector.extract %slice3A_320[0] : f32 from vector<1xf32>
      %get3A_322 = arith.index_cast %scan3A_259 : i32 to index
      %get3A_323 = arith.constant 96 : index
      %get3A_324 = tpu.vector_load %arg12[%get3A_322, %get3A_323] {strides = array<i32>} : memref<128x128xf32, #tpu.memory_space<vmem>>, vector<16xf32>,
      %mul3A_325 = vector.broadcast %squeeze3A_321 : f32 to vector<16xf32>
      %mul3A_326 = arith.mulf %get3A_324, %mul3A_325 : vector<16xf32>
      %swap3A_327 = arith.index_cast %scan3A_259 : i32 to index
      %swap3A_328 = arith.constant 96 : index
      %swap3A_329 = tpu.vector_load %arg13[%swap3A_327, %swap3A_328] {strides = array<i32>} : memref<128x144xf32, #tpu.memory_space<vmem>>, vector<16xf32>,
      tpu.vector_store %arg13[%swap3A_327, %swap3A_328], %mul3A_326 {strides = array<i32>} : memref<128x144xf32, #tpu.memory_space<vmem>>, vector<16xf32>,
      %slice3A_330 = vector.extract_strided_slice %get3A_262 {offsets = [3], sizes = [1], strides = [1]} : vector<16xf32> to vector<1xf32>
      %squeeze3A_331 = vector.extract %slice3A_330[0] : f32 from vector<1xf32>
      %get3A_332 = arith.index_cast %scan3A_259 : i32 to index
      %get3A_333 = arith.constant 112 : index
      %get3A_334 = tpu.vector_load %arg12[%get3A_332, %get3A_333] {strides = array<i32>} : memref<128x128xf32, #tpu.memory_space<vmem>>, vector<16xf32>,
      %mul3A_335 = vector.broadcast %squeeze3A_331 : f32 to vector<16xf32>
      %mul3A_336 = arith.mulf %get3A_334, %mul3A_335 : vector<16xf32>
      %swap3A_337 = arith.index_cast %scan3A_259 : i32 to index
      %swap3A_338 = arith.constant 112 : index
      %swap3A_339 = tpu.vector_load %arg13[%swap3A_337, %swap3A_338] {strides = array<i32>} : memref<128x144xf32, #tpu.memory_space<vmem>>, vector<16xf32>,
      tpu.vector_store %arg13[%swap3A_337, %swap3A_338], %mul3A_336 {strides = array<i32>} : memref<128x144xf32, #tpu.memory_space<vmem>>, vector<16xf32>,
      %scan3A_340 = arith.constant 1 : i32
      %scan3A_341 = arith.addi %scan3A_259, %scan3A_340 : i32
      %get3A_342 = arith.index_cast %scan3A_341 : i32 to index
      %get3A_343 = arith.constant 128 : index
      %get3A_344 = tpu.vector_load %arg13[%get3A_342, %get3A_343] {strides = array<i32>} : memref<128x144xf32, #tpu.memory_space<vmem>>, vector<16xf32>,
      %slice3A_345 = vector.extract_strided_slice %get3A_344 {offsets = [0], sizes = [1], strides = [1]} : vector<16xf32> to vector<1xf32>
      %squeeze3A_346 = vector.extract %slice3A_345[0] : f32 from vector<1xf32>
      %get3A_347 = arith.index_cast %scan3A_341 : i32 to index
      %get3A_348 = arith.constant 0 : index
      %get3A_349 = tpu.vector_load %arg12[%get3A_347, %get3A_348] {strides = array<i32>} : memref<128x128xf32, #tpu.memory_space<vmem>>, vector<16xf32>,
      %mul3A_350 = vector.broadcast %squeeze3A_346 : f32 to vector<16xf32>
      %mul3A_351 = arith.mulf %get3A_349, %mul3A_350 : vector<16xf32>
      %swap3A_352 = arith.index_cast %scan3A_341 : i32 to index
      %swap3A_353 = arith.constant 0 : index
      %swap3A_354 = tpu.vector_load %arg13[%swap3A_352, %swap3A_353] {strides = array<i32>} : memref<128x144xf32, #tpu.memory_space<vmem>>, vector<16xf32>,
      tpu.vector_store %arg13[%swap3A_352, %swap3A_353], %mul3A_351 {strides = array<i32>} : memref<128x144xf32, #tpu.memory_space<vmem>>, vector<16xf32>,
      %slice3A_355 = vector.extract_strided_slice %get3A_344 {offsets = [0], sizes = [1], strides = [1]} : vector<16xf32> to vector<1xf32>
      %squeeze3A_356 = vector.extract %slice3A_355[0] : f32 from vector<1xf32>
      %get3A_357 = arith.index_cast %scan3A_341 : i32 to index
      %get3A_358 = arith.constant 16 : index
      %get3A_359 = tpu.vector_load %arg12[%get3A_357, %get3A_358] {strides = array<i32>} : memref<128x128xf32, #tpu.memory_space<vmem>>, vector<16xf32>,
      %mul3A_360 = vector.broadcast %squeeze3A_356 : f32 to vector<16xf32>
      %mul3A_361 = arith.mulf %get3A_359, %mul3A_360 : vector<16xf32>
      %swap3A_362 = arith.index_cast %scan3A_341 : i32 to index
      %swap3A_363 = arith.constant 16 : index
      %swap3A_364 = tpu.vector_load %arg13[%swap3A_362, %swap3A_363] {strides = array<i32>} : memref<128x144xf32, #tpu.memory_space<vmem>>, vector<16xf32>,
      tpu.vector_store %arg13[%swap3A_362, %swap3A_363], %mul3A_361 {strides = array<i32>} : memref<128x144xf32, #tpu.memory_space<vmem>>, vector<16xf32>,
      %slice3A_365 = vector.extract_strided_slice %get3A_344 {offsets = [1], sizes = [1], strides = [1]} : vector<16xf32> to vector<1xf32>
      %squeeze3A_366 = vector.extract %slice3A_365[0] : f32 from vector<1xf32>
      %get3A_367 = arith.index_cast %scan3A_341 : i32 to index
      %get3A_368 = arith.constant 32 : index
      %get3A_369 = tpu.vector_load %arg12[%get3A_367, %get3A_368] {strides = array<i32>} : memref<128x128xf32, #tpu.memory_space<vmem>>, vector<16xf32>,
      %mul3A_370 = vector.broadcast %squeeze3A_366 : f32 to vector<16xf32>
      %mul3A_371 = arith.mulf %get3A_369, %mul3A_370 : vector<16xf32>
      %swap3A_372 = arith.index_cast %scan3A_341 : i32 to index
      %swap3A_373 = arith.constant 32 : index
      %swap3A_374 = tpu.vector_load %arg13[%swap3A_372, %swap3A_373] {strides = array<i32>} : memref<128x144xf32, #tpu.memory_space<vmem>>, vector<16xf32>,
      tpu.vector_store %arg13[%swap3A_372, %swap3A_373], %mul3A_371 {strides = array<i32>} : memref<128x144xf32, #tpu.memory_space<vmem>>, vector<16xf32>,
      %slice3A_375 = vector.extract_strided_slice %get3A_344 {offsets = [1], sizes = [1], strides = [1]} : vector<16xf32> to vector<1xf32>
      %squeeze3A_376 = vector.extract %slice3A_375[0] : f32 from vector<1xf32>
      %get3A_377 = arith.index_cast %scan3A_341 : i32 to index
      %get3A_378 = arith.constant 48 : index
      %get3A_379 = tpu.vector_load %arg12[%get3A_377, %get3A_378] {strides = array<i32>} : memref<128x128xf32, #tpu.memory_space<vmem>>, vector<16xf32>,
      %mul3A_380 = vector.broadcast %squeeze3A_376 : f32 to vector<16xf32>
      %mul3A_381 = arith.mulf %get3A_379, %mul3A_380 : vector<16xf32>
      %swap3A_382 = arith.index_cast %scan3A_341 : i32 to index
      %swap3A_383 = arith.constant 48 : index
      %swap3A_384 = tpu.vector_load %arg13[%swap3A_382, %swap3A_383] {strides = array<i32>} : memref<128x144xf32, #tpu.memory_space<vmem>>, vector<16xf32>,
      tpu.vector_store %arg13[%swap3A_382, %swap3A_383], %mul3A_381 {strides = array<i32>} : memref<128x144xf32, #tpu.memory_space<vmem>>, vector<16xf32>,
      %slice3A_385 = vector.extract_strided_slice %get3A_344 {offsets = [2], sizes = [1], strides = [1]} : vector<16xf32> to vector<1xf32>
      %squeeze3A_386 = vector.extract %slice3A_385[0] : f32 from vector<1xf32>
      %get3A_387 = arith.index_cast %scan3A_341 : i32 to index
      %get3A_388 = arith.constant 64 : index
      %get3A_389 = tpu.vector_load %arg12[%get3A_387, %get3A_388] {strides = array<i32>} : memref<128x128xf32, #tpu.memory_space<vmem>>, vector<16xf32>,
      %mul3A_390 = vector.broadcast %squeeze3A_386 : f32 to vector<16xf32>
      %mul3A_391 = arith.mulf %get3A_389, %mul3A_390 : vector<16xf32>
      %swap3A_392 = arith.index_cast %scan3A_341 : i32 to index
      %swap3A_393 = arith.constant 64 : index
      %swap3A_394 = tpu.vector_load %arg13[%swap3A_392, %swap3A_393] {strides = array<i32>} : memref<128x144xf32, #tpu.memory_space<vmem>>, vector<16xf32>,
      tpu.vector_store %arg13[%swap3A_392, %swap3A_393], %mul3A_391 {strides = array<i32>} : memref<128x144xf32, #tpu.memory_space<vmem>>, vector<16xf32>,
      %slice3A_395 = vector.extract_strided_slice %get3A_344 {offsets = [2], sizes = [1], strides = [1]} : vector<16xf32> to vector<1xf32>
      %squeeze3A_396 = vector.extract %slice3A_395[0] : f32 from vector<1xf32>
      %get3A_397 = arith.index_cast %scan3A_341 : i32 to index
      %get3A_398 = arith.constant 80 : index
      %get3A_399 = tpu.vector_load %arg12[%get3A_397, %get3A_398] {strides = array<i32>} : memref<128x128xf32, #tpu.memory_space<vmem>>, vector<16xf32>,
      %mul3A_400 = vector.broadcast %squeeze3A_396 : f32 to vector<16xf32>
      %mul3A_401 = arith.mulf %get3A_399, %mul3A_400 : vector<16xf32>
      %swap3A_402 = arith.index_cast %scan3A_341 : i32 to index
      %swap3A_403 = arith.constant 80 : index
      %swap3A_404 = tpu.vector_load %arg13[%swap3A_402, %swap3A_403] {strides = array<i32>} : memref<128x144xf32, #tpu.memory_space<vmem>>, vector<16xf32>,
      tpu.vector_store %arg13[%swap3A_402, %swap3A_403], %mul3A_401 {strides = array<i32>} : memref<128x144xf32, #tpu.memory_space<vmem>>, vector<16xf32>,
      %slice3A_405 = vector.extract_strided_slice %get3A_344 {offsets = [3], sizes = [1], strides = [1]} : vector<16xf32> to vector<1xf32>
      %squeeze3A_406 = vector.extract %slice3A_405[0] : f32 from vector<1xf32>
      %get3A_407 = arith.index_cast %scan3A_341 : i32 to index
      %get3A_408 = arith.constant 96 : index
      %get3A_409 = tpu.vector_load %arg12[%get3A_407, %get3A_408] {strides = array<i32>} : memref<128x128xf32, #tpu.memory_space<vmem>>, vector<16xf32>,
      %mul3A_410 = vector.broadcast %squeeze3A_406 : f32 to vector<16xf32>
      %mul3A_411 = arith.mulf %get3A_409, %mul3A_410 : vector<16xf32>
      %swap3A_412 = arith.index_cast %scan3A_341 : i32 to index
      %swap3A_413 = arith.constant 96 : index
      %swap3A_414 = tpu.vector_load %arg13[%swap3A_412, %swap3A_413] {strides = array<i32>} : memref<128x144xf32, #tpu.memory_space<vmem>>, vector<16xf32>,
      tpu.vector_store %arg13[%swap3A_412, %swap3A_413], %mul3A_411 {strides = array<i32>} : memref<128x144xf32, #tpu.memory_space<vmem>>, vector<16xf32>,
      %slice3A_415 = vector.extract_strided_slice %get3A_344 {offsets = [3], sizes = [1], strides = [1]} : vector<16xf32> to vector<1xf32>
      %squeeze3A_416 = vector.extract %slice3A_415[0] : f32 from vector<1xf32>
      %get3A_417 = arith.index_cast %scan3A_341 : i32 to index
      %get3A_418 = arith.constant 112 : index
      %get3A_419 = tpu.vector_load %arg12[%get3A_417, %get3A_418] {strides = array<i32>} : memref<128x128xf32, #tpu.memory_space<vmem>>, vector<16xf32>,
      %mul3A_420 = vector.broadcast %squeeze3A_416 : f32 to vector<16xf32>
      %mul3A_421 = arith.mulf %get3A_419, %mul3A_420 : vector<16xf32>
      %swap3A_422 = arith.index_cast %scan3A_341 : i32 to index
      %swap3A_423 = arith.constant 112 : index
      %swap3A_424 = tpu.vector_load %arg13[%swap3A_422, %swap3A_423] {strides = array<i32>} : memref<128x144xf32, #tpu.memory_space<vmem>>, vector<16xf32>,
      tpu.vector_store %arg13[%swap3A_422, %swap3A_423], %mul3A_421 {strides = array<i32>} : memref<128x144xf32, #tpu.memory_space<vmem>>, vector<16xf32>,
      %scan3A_425 = arith.constant 2 : i32
      %scan3A_426 = arith.addi %scan3A_259, %scan3A_425 : i32
      %get3A_427 = arith.index_cast %scan3A_426 : i32 to index
      %get3A_428 = arith.constant 128 : index
      %get3A_429 = tpu.vector_load %arg13[%get3A_427, %get3A_428] {strides = array<i32>} : memref<128x144xf32, #tpu.memory_space<vmem>>, vector<16xf32>,
      %slice3A_430 = vector.extract_strided_slice %get3A_429 {offsets = [0], sizes = [1], strides = [1]} : vector<16xf32> to vector<1xf32>
      %squeeze3A_431 = vector.extract %slice3A_430[0] : f32 from vector<1xf32>
      %get3A_432 = arith.index_cast %scan3A_426 : i32 to index
      %get3A_433 = arith.constant 0 : index
      %get3A_434 = tpu.vector_load %arg12[%get3A_432, %get3A_433] {strides = array<i32>} : memref<128x128xf32, #tpu.memory_space<vmem>>, vector<16xf32>,
      %mul3A_435 = vector.broadcast %squeeze3A_431 : f32 to vector<16xf32>
      %mul3A_436 = arith.mulf %get3A_434, %mul3A_435 : vector<16xf32>
      %swap3A_437 = arith.index_cast %scan3A_426 : i32 to index
      %swap3A_438 = arith.constant 0 : index
      %swap3A_439 = tpu.vector_load %arg13[%swap3A_437, %swap3A_438] {strides = array<i32>} : memref<128x144xf32, #tpu.memory_space<vmem>>, vector<16xf32>,
      tpu.vector_store %arg13[%swap3A_437, %swap3A_438], %mul3A_436 {strides = array<i32>} : memref<128x144xf32, #tpu.memory_space<vmem>>, vector<16xf32>,
      %slice3A_440 = vector.extract_strided_slice %get3A_429 {offsets = [0], sizes = [1], strides = [1]} : vector<16xf32> to vector<1xf32>
      %squeeze3A_441 = vector.extract %slice3A_440[0] : f32 from vector<1xf32>
      %get3A_442 = arith.index_cast %scan3A_426 : i32 to index
      %get3A_443 = arith.constant 16 : index
      %get3A_444 = tpu.vector_load %arg12[%get3A_442, %get3A_443] {strides = array<i32>} : memref<128x128xf32, #tpu.memory_space<vmem>>, vector<16xf32>,
      %mul3A_445 = vector.broadcast %squeeze3A_441 : f32 to vector<16xf32>
      %mul3A_446 = arith.mulf %get3A_444, %mul3A_445 : vector<16xf32>
      %swap3A_447 = arith.index_cast %scan3A_426 : i32 to index
      %swap3A_448 = arith.constant 16 : index
      %swap3A_449 = tpu.vector_load %arg13[%swap3A_447, %swap3A_448] {strides = array<i32>} : memref<128x144xf32, #tpu.memory_space<vmem>>, vector<16xf32>,
      tpu.vector_store %arg13[%swap3A_447, %swap3A_448], %mul3A_446 {strides = array<i32>} : memref<128x144xf32, #tpu.memory_space<vmem>>, vector<16xf32>,
      %slice3A_450 = vector.extract_strided_slice %get3A_429 {offsets = [1], sizes = [1], strides = [1]} : vector<16xf32> to vector<1xf32>
      %squeeze3A_451 = vector.extract %slice3A_450[0] : f32 from vector<1xf32>
      %get3A_452 = arith.index_cast %scan3A_426 : i32 to index
      %get3A_453 = arith.constant 32 : index
      %get3A_454 = tpu.vector_load %arg12[%get3A_452, %get3A_453] {strides = array<i32>} : memref<128x128xf32, #tpu.memory_space<vmem>>, vector<16xf32>,
      %mul3A_455 = vector.broadcast %squeeze3A_451 : f32 to vector<16xf32>
      %mul3A_456 = arith.mulf %get3A_454, %mul3A_455 : vector<16xf32>
      %swap3A_457 = arith.index_cast %scan3A_426 : i32 to index
      %swap3A_458 = arith.constant 32 : index
      %swap3A_459 = tpu.vector_load %arg13[%swap3A_457, %swap3A_458] {strides = array<i32>} : memref<128x144xf32, #tpu.memory_space<vmem>>, vector<16xf32>,
      tpu.vector_store %arg13[%swap3A_457, %swap3A_458], %mul3A_456 {strides = array<i32>} : memref<128x144xf32, #tpu.memory_space<vmem>>, vector<16xf32>,
      %slice3A_460 = vector.extract_strided_slice %get3A_429 {offsets = [1], sizes = [1], strides = [1]} : vector<16xf32> to vector<1xf32>
      %squeeze3A_461 = vector.extract %slice3A_460[0] : f32 from vector<1xf32>
      %get3A_462 = arith.index_cast %scan3A_426 : i32 to index
      %get3A_463 = arith.constant 48 : index
      %get3A_464 = tpu.vector_load %arg12[%get3A_462, %get3A_463] {strides = array<i32>} : memref<128x128xf32, #tpu.memory_space<vmem>>, vector<16xf32>,
      %mul3A_465 = vector.broadcast %squeeze3A_461 : f32 to vector<16xf32>
      %mul3A_466 = arith.mulf %get3A_464, %mul3A_465 : vector<16xf32>
      %swap3A_467 = arith.index_cast %scan3A_426 : i32 to index
      %swap3A_468 = arith.constant 48 : index
      %swap3A_469 = tpu.vector_load %arg13[%swap3A_467, %swap3A_468] {strides = array<i32>} : memref<128x144xf32, #tpu.memory_space<vmem>>, vector<16xf32>,
      tpu.vector_store %arg13[%swap3A_467, %swap3A_468], %mul3A_466 {strides = array<i32>} : memref<128x144xf32, #tpu.memory_space<vmem>>, vector<16xf32>,
      %slice3A_470 = vector.extract_strided_slice %get3A_429 {offsets = [2], sizes = [1], strides = [1]} : vector<16xf32> to vector<1xf32>
      %squeeze3A_471 = vector.extract %slice3A_470[0] : f32 from vector<1xf32>
      %get3A_472 = arith.index_cast %scan3A_426 : i32 to index
      %get3A_473 = arith.constant 64 : index
      %get3A_474 = tpu.vector_load %arg12[%get3A_472, %get3A_473] {strides = array<i32>} : memref<128x128xf32, #tpu.memory_space<vmem>>, vector<16xf32>,
      %mul3A_475 = vector.broadcast %squeeze3A_471 : f32 to vector<16xf32>
      %mul3A_476 = arith.mulf %get3A_474, %mul3A_475 : vector<16xf32>
      %swap3A_477 = arith.index_cast %scan3A_426 : i32 to index
      %swap3A_478 = arith.constant 64 : index
      %swap3A_479 = tpu.vector_load %arg13[%swap3A_477, %swap3A_478] {strides = array<i32>} : memref<128x144xf32, #tpu.memory_space<vmem>>, vector<16xf32>,
      tpu.vector_store %arg13[%swap3A_477, %swap3A_478], %mul3A_476 {strides = array<i32>} : memref<128x144xf32, #tpu.memory_space<vmem>>, vector<16xf32>,
      %slice3A_480 = vector.extract_strided_slice %get3A_429 {offsets = [2], sizes = [1], strides = [1]} : vector<16xf32> to vector<1xf32>
      %squeeze3A_481 = vector.extract %slice3A_480[0] : f32 from vector<1xf32>
      %get3A_482 = arith.index_cast %scan3A_426 : i32 to index
      %get3A_483 = arith.constant 80 : index
      %get3A_484 = tpu.vector_load %arg12[%get3A_482, %get3A_483] {strides = array<i32>} : memref<128x128xf32, #tpu.memory_space<vmem>>, vector<16xf32>,
      %mul3A_485 = vector.broadcast %squeeze3A_481 : f32 to vector<16xf32>
      %mul3A_486 = arith.mulf %get3A_484, %mul3A_485 : vector<16xf32>
      %swap3A_487 = arith.index_cast %scan3A_426 : i32 to index
      %swap3A_488 = arith.constant 80 : index
      %swap3A_489 = tpu.vector_load %arg13[%swap3A_487, %swap3A_488] {strides = array<i32>} : memref<128x144xf32, #tpu.memory_space<vmem>>, vector<16xf32>,
      tpu.vector_store %arg13[%swap3A_487, %swap3A_488], %mul3A_486 {strides = array<i32>} : memref<128x144xf32, #tpu.memory_space<vmem>>, vector<16xf32>,
      %slice3A_490 = vector.extract_strided_slice %get3A_429 {offsets = [3], sizes = [1], strides = [1]} : vector<16xf32> to vector<1xf32>
      %squeeze3A_491 = vector.extract %slice3A_490[0] : f32 from vector<1xf32>
      %get3A_492 = arith.index_cast %scan3A_426 : i32 to index
      %get3A_493 = arith.constant 96 : index
      %get3A_494 = tpu.vector_load %arg12[%get3A_492, %get3A_493] {strides = array<i32>} : memref<128x128xf32, #tpu.memory_space<vmem>>, vector<16xf32>,
      %mul3A_495 = vector.broadcast %squeeze3A_491 : f32 to vector<16xf32>
      %mul3A_496 = arith.mulf %get3A_494, %mul3A_495 : vector<16xf32>
      %swap3A_497 = arith.index_cast %scan3A_426 : i32 to index
      %swap3A_498 = arith.constant 96 : index
      %swap3A_499 = tpu.vector_load %arg13[%swap3A_497, %swap3A_498] {strides = array<i32>} : memref<128x144xf32, #tpu.memory_space<vmem>>, vector<16xf32>,
      tpu.vector_store %arg13[%swap3A_497, %swap3A_498], %mul3A_496 {strides = array<i32>} : memref<128x144xf32, #tpu.memory_space<vmem>>, vector<16xf32>,
      %slice3A_500 = vector.extract_strided_slice %get3A_429 {offsets = [3], sizes = [1], strides = [1]} : vector<16xf32> to vector<1xf32>
      %squeeze3A_501 = vector.extract %slice3A_500[0] : f32 from vector<1xf32>
      %get3A_502 = arith.index_cast %scan3A_426 : i32 to index
      %get3A_503 = arith.constant 112 : index
      %get3A_504 = tpu.vector_load %arg12[%get3A_502, %get3A_503] {strides = array<i32>} : memref<128x128xf32, #tpu.memory_space<vmem>>, vector<16xf32>,
      %mul3A_505 = vector.broadcast %squeeze3A_501 : f32 to vector<16xf32>
      %mul3A_506 = arith.mulf %get3A_504, %mul3A_505 : vector<16xf32>
      %swap3A_507 = arith.index_cast %scan3A_426 : i32 to index
      %swap3A_508 = arith.constant 112 : index
      %swap3A_509 = tpu.vector_load %arg13[%swap3A_507, %swap3A_508] {strides = array<i32>} : memref<128x144xf32, #tpu.memory_space<vmem>>, vector<16xf32>,
      tpu.vector_store %arg13[%swap3A_507, %swap3A_508], %mul3A_506 {strides = array<i32>} : memref<128x144xf32, #tpu.memory_space<vmem>>, vector<16xf32>,
      %scan3A_510 = arith.constant 3 : i32
      %scan3A_511 = arith.addi %scan3A_259, %scan3A_510 : i32
      %get3A_512 = arith.index_cast %scan3A_511 : i32 to index
      %get3A_513 = arith.constant 128 : index
      %get3A_514 = tpu.vector_load %arg13[%get3A_512, %get3A_513] {strides = array<i32>} : memref<128x144xf32, #tpu.memory_space<vmem>>, vector<16xf32>,
      %slice3A_515 = vector.extract_strided_slice %get3A_514 {offsets = [0], sizes = [1], strides = [1]} : vector<16xf32> to vector<1xf32>
      %squeeze3A_516 = vector.extract %slice3A_515[0] : f32 from vector<1xf32>
      %get3A_517 = arith.index_cast %scan3A_511 : i32 to index
      %get3A_518 = arith.constant 0 : index
      %get3A_519 = tpu.vector_load %arg12[%get3A_517, %get3A_518] {strides = array<i32>} : memref<128x128xf32, #tpu.memory_space<vmem>>, vector<16xf32>,
      %mul3A_520 = vector.broadcast %squeeze3A_516 : f32 to vector<16xf32>
      %mul3A_521 = arith.mulf %get3A_519, %mul3A_520 : vector<16xf32>
      %swap3A_522 = arith.index_cast %scan3A_511 : i32 to index
      %swap3A_523 = arith.constant 0 : index
      %swap3A_524 = tpu.vector_load %arg13[%swap3A_522, %swap3A_523] {strides = array<i32>} : memref<128x144xf32, #tpu.memory_space<vmem>>, vector<16xf32>,
      tpu.vector_store %arg13[%swap3A_522, %swap3A_523], %mul3A_521 {strides = array<i32>} : memref<128x144xf32, #tpu.memory_space<vmem>>, vector<16xf32>,
      %slice3A_525 = vector.extract_strided_slice %get3A_514 {offsets = [0], sizes = [1], strides = [1]} : vector<16xf32> to vector<1xf32>
      %squeeze3A_526 = vector.extract %slice3A_525[0] : f32 from vector<1xf32>
      %get3A_527 = arith.index_cast %scan3A_511 : i32 to index
      %get3A_528 = arith.constant 16 : index
      %get3A_529 = tpu.vector_load %arg12[%get3A_527, %get3A_528] {strides = array<i32>} : memref<128x128xf32, #tpu.memory_space<vmem>>, vector<16xf32>,
      %mul3A_530 = vector.broadcast %squeeze3A_526 : f32 to vector<16xf32>
      %mul3A_531 = arith.mulf %get3A_529, %mul3A_530 : vector<16xf32>
      %swap3A_532 = arith.index_cast %scan3A_511 : i32 to index
      %swap3A_533 = arith.constant 16 : index
      %swap3A_534 = tpu.vector_load %arg13[%swap3A_532, %swap3A_533] {strides = array<i32>} : memref<128x144xf32, #tpu.memory_space<vmem>>, vector<16xf32>,
      tpu.vector_store %arg13[%swap3A_532, %swap3A_533], %mul3A_531 {strides = array<i32>} : memref<128x144xf32, #tpu.memory_space<vmem>>, vector<16xf32>,
      %slice3A_535 = vector.extract_strided_slice %get3A_514 {offsets = [1], sizes = [1], strides = [1]} : vector<16xf32> to vector<1xf32>
      %squeeze3A_536 = vector.extract %slice3A_535[0] : f32 from vector<1xf32>
      %get3A_537 = arith.index_cast %scan3A_511 : i32 to index
      %get3A_538 = arith.constant 32 : index
      %get3A_539 = tpu.vector_load %arg12[%get3A_537, %get3A_538] {strides = array<i32>} : memref<128x128xf32, #tpu.memory_space<vmem>>, vector<16xf32>,
      %mul3A_540 = vector.broadcast %squeeze3A_536 : f32 to vector<16xf32>
      %mul3A_541 = arith.mulf %get3A_539, %mul3A_540 : vector<16xf32>
      %swap3A_542 = arith.index_cast %scan3A_511 : i32 to index
      %swap3A_543 = arith.constant 32 : index
      %swap3A_544 = tpu.vector_load %arg13[%swap3A_542, %swap3A_543] {strides = array<i32>} : memref<128x144xf32, #tpu.memory_space<vmem>>, vector<16xf32>,
      tpu.vector_store %arg13[%swap3A_542, %swap3A_543], %mul3A_541 {strides = array<i32>} : memref<128x144xf32, #tpu.memory_space<vmem>>, vector<16xf32>,
      %slice3A_545 = vector.extract_strided_slice %get3A_514 {offsets = [1], sizes = [1], strides = [1]} : vector<16xf32> to vector<1xf32>
      %squeeze3A_546 = vector.extract %slice3A_545[0] : f32 from vector<1xf32>
      %get3A_547 = arith.index_cast %scan3A_511 : i32 to index
      %get3A_548 = arith.constant 48 : index
      %get3A_549 = tpu.vector_load %arg12[%get3A_547, %get3A_548] {strides = array<i32>} : memref<128x128xf32, #tpu.memory_space<vmem>>, vector<16xf32>,
      %mul3A_550 = vector.broadcast %squeeze3A_546 : f32 to vector<16xf32>
      %mul3A_551 = arith.mulf %get3A_549, %mul3A_550 : vector<16xf32>
      %swap3A_552 = arith.index_cast %scan3A_511 : i32 to index
      %swap3A_553 = arith.constant 48 : index
      %swap3A_554 = tpu.vector_load %arg13[%swap3A_552, %swap3A_553] {strides = array<i32>} : memref<128x144xf32, #tpu.memory_space<vmem>>, vector<16xf32>,
      tpu.vector_store %arg13[%swap3A_552, %swap3A_553], %mul3A_551 {strides = array<i32>} : memref<128x144xf32, #tpu.memory_space<vmem>>, vector<16xf32>,
      %slice3A_555 = vector.extract_strided_slice %get3A_514 {offsets = [2], sizes = [1], strides = [1]} : vector<16xf32> to vector<1xf32>
      %squeeze3A_556 = vector.extract %slice3A_555[0] : f32 from vector<1xf32>
      %get3A_557 = arith.index_cast %scan3A_511 : i32 to index
      %get3A_558 = arith.constant 64 : index
      %get3A_559 = tpu.vector_load %arg12[%get3A_557, %get3A_558] {strides = array<i32>} : memref<128x128xf32, #tpu.memory_space<vmem>>, vector<16xf32>,
      %mul3A_560 = vector.broadcast %squeeze3A_556 : f32 to vector<16xf32>
      %mul3A_561 = arith.mulf %get3A_559, %mul3A_560 : vector<16xf32>
      %swap3A_562 = arith.index_cast %scan3A_511 : i32 to index
      %swap3A_563 = arith.constant 64 : index
      %swap3A_564 = tpu.vector_load %arg13[%swap3A_562, %swap3A_563] {strides = array<i32>} : memref<128x144xf32, #tpu.memory_space<vmem>>, vector<16xf32>,
      tpu.vector_store %arg13[%swap3A_562, %swap3A_563], %mul3A_561 {strides = array<i32>} : memref<128x144xf32, #tpu.memory_space<vmem>>, vector<16xf32>,
      %slice3A_565 = vector.extract_strided_slice %get3A_514 {offsets = [2], sizes = [1], strides = [1]} : vector<16xf32> to vector<1xf32>
      %squeeze3A_566 = vector.extract %slice3A_565[0] : f32 from vector<1xf32>
      %get3A_567 = arith.index_cast %scan3A_511 : i32 to index
      %get3A_568 = arith.constant 80 : index
      %get3A_569 = tpu.vector_load %arg12[%get3A_567, %get3A_568] {strides = array<i32>} : memref<128x128xf32, #tpu.memory_space<vmem>>, vector<16xf32>,
      %mul3A_570 = vector.broadcast %squeeze3A_566 : f32 to vector<16xf32>
      %mul3A_571 = arith.mulf %get3A_569, %mul3A_570 : vector<16xf32>
      %swap3A_572 = arith.index_cast %scan3A_511 : i32 to index
      %swap3A_573 = arith.constant 80 : index
      %swap3A_574 = tpu.vector_load %arg13[%swap3A_572, %swap3A_573] {strides = array<i32>} : memref<128x144xf32, #tpu.memory_space<vmem>>, vector<16xf32>,
      tpu.vector_store %arg13[%swap3A_572, %swap3A_573], %mul3A_571 {strides = array<i32>} : memref<128x144xf32, #tpu.memory_space<vmem>>, vector<16xf32>,
      %slice3A_575 = vector.extract_strided_slice %get3A_514 {offsets = [3], sizes = [1], strides = [1]} : vector<16xf32> to vector<1xf32>
      %squeeze3A_576 = vector.extract %slice3A_575[0] : f32 from vector<1xf32>
      %get3A_577 = arith.index_cast %scan3A_511 : i32 to index
      %get3A_578 = arith.constant 96 : index
      %get3A_579 = tpu.vector_load %arg12[%get3A_577, %get3A_578] {strides = array<i32>} : memref<128x128xf32, #tpu.memory_space<vmem>>, vector<16xf32>,
      %mul3A_580 = vector.broadcast %squeeze3A_576 : f32 to vector<16xf32>
      %mul3A_581 = arith.mulf %get3A_579, %mul3A_580 : vector<16xf32>
      %swap3A_582 = arith.index_cast %scan3A_511 : i32 to index
      %swap3A_583 = arith.constant 96 : index
      %swap3A_584 = tpu.vector_load %arg13[%swap3A_582, %swap3A_583] {strides = array<i32>} : memref<128x144xf32, #tpu.memory_space<vmem>>, vector<16xf32>,
      tpu.vector_store %arg13[%swap3A_582, %swap3A_583], %mul3A_581 {strides = array<i32>} : memref<128x144xf32, #tpu.memory_space<vmem>>, vector<16xf32>,
      %slice3A_585 = vector.extract_strided_slice %get3A_514 {offsets = [3], sizes = [1], strides = [1]} : vector<16xf32> to vector<1xf32>
      %squeeze3A_586 = vector.extract %slice3A_585[0] : f32 from vector<1xf32>
      %get3A_587 = arith.index_cast %scan3A_511 : i32 to index
      %get3A_588 = arith.constant 112 : index
      %get3A_589 = tpu.vector_load %arg12[%get3A_587, %get3A_588] {strides = array<i32>} : memref<128x128xf32, #tpu.memory_space<vmem>>, vector<16xf32>,
      %mul3A_590 = vector.broadcast %squeeze3A_586 : f32 to vector<16xf32>
      %mul3A_591 = arith.mulf %get3A_589, %mul3A_590 : vector<16xf32>
      %swap3A_592 = arith.index_cast %scan3A_511 : i32 to index
      %swap3A_593 = arith.constant 112 : index
      %swap3A_594 = tpu.vector_load %arg13[%swap3A_592, %swap3A_593] {strides = array<i32>} : memref<128x144xf32, #tpu.memory_space<vmem>>, vector<16xf32>,
      tpu.vector_store %arg13[%swap3A_592, %swap3A_593], %mul3A_591 {strides = array<i32>} : memref<128x144xf32, #tpu.memory_space<vmem>>, vector<16xf32>,
    }
    %scan3A_237 = arith.constant 16 : i32
    "tpu.region"() ({
      %run_scoped3A = tpu.sem_alloc : memref<!tpu.dma_semaphore, #tpu.memory_space<semaphore_mem>>
      %dma_start3A_259 = arith.constant 0 : i32
      %dma_start3A_260 = arith.constant 0 : i32
      %dma_start3A_261 = tpu.memref_slice %arg14[%dma_start3A_259, %dma_start3A_260] : memref<10000x144xf32, #tpu.memory_space<vmem_shared>> -> memref<10000x144xf32, #tpu.memory_space<vmem_shared>>
      tpu.enqueue_indirect_dma source(%arg13 : memref<128x144xf32, #tpu.memory_space<vmem>>) target(%dma_start3A_261 : memref<10000x144xf32, #tpu.memory_space<vmem_shared>>) offsets(%arg8 : memref<128xi32, #tpu.memory_space<vmem>>) semaphore(%run_scoped3A : memref<!tpu.dma_semaphore, #tpu.memory_space<semaphore_mem>>) {add = true}
      %dma_wait3A_262 = arith.constant 0 : i32
      %dma_wait3A_263 = arith.constant 0 : i32
      %dma_wait3A_264 = tpu.memref_slice %arg14[%dma_wait3A_262, %dma_wait3A_263] : memref<10000x144xf32, #tpu.memory_space<vmem_shared>> -> memref<10000x144xf32, #tpu.memory_space<vmem_shared>>
      tpu.wait_indirect_dma semaphore(%run_scoped3A : memref<!tpu.dma_semaphore, #tpu.memory_space<semaphore_mem>>) src(%arg13 : memref<128x144xf32, #tpu.memory_space<vmem>>) dst(%dma_wait3A_264 : memref<10000x144xf32, #tpu.memory_space<vmem_shared>>)
      tpu.yield
    }) : () -> ()
    %barrier3A_238 = arith.constant 0 : index
    tpu.barrier barrier_id(%barrier3A_238)
    %add3A_239 = arith.constant 0 : i32
    %add3A_240 = arith.addi %mul3A_8, %add3A_239 : i32
    %add3A_241 = arith.constant 0 : i32
    %add3A_242 = arith.addi %mul3A_8, %add3A_241 : i32
    "tpu.region"() ({
      %run_scoped3A = tpu.sem_alloc : memref<!tpu.dma_semaphore, #tpu.memory_space<semaphore_mem>>
      %dma_start3A_259 = arith.constant 0 : i32
      %dma_start3A_260 = tpu.memref_slice %arg6[%arg0, %add3A_242, %dma_start3A_259] : memref<2x10000x144xf32, #tpu.memory_space<hbm>> -> memref<1x128x144xf32, #tpu.memory_space<hbm>>
      %dma_start3A_261 = tpu.memref_squeeze %dma_start3A_260 : memref<1x128x144xf32, #tpu.memory_space<hbm>> -> memref<128x144xf32, #tpu.memory_space<hbm>>
      %dma_start3A_262 = arith.constant 0 : i32
      %dma_start3A_263 = tpu.memref_slice %arg14[%add3A_240, %dma_start3A_262] : memref<10000x144xf32, #tpu.memory_space<vmem_shared>> -> memref<128x144xf32, #tpu.memory_space<vmem_shared>>
      tpu.enqueue_dma source(%dma_start3A_263 : memref<128x144xf32, #tpu.memory_space<vmem_shared>>) target(%dma_start3A_261 : memref<128x144xf32, #tpu.memory_space<hbm>>) target_semaphore(%run_scoped3A : memref<!tpu.dma_semaphore, #tpu.memory_space<semaphore_mem>>)
      %dma_wait3A_264 = arith.constant 0 : i32
      %dma_wait3A_265 = tpu.memref_slice %arg6[%arg0, %add3A_242, %dma_wait3A_264] : memref<2x10000x144xf32, #tpu.memory_space<hbm>> -> memref<1x128x144xf32, #tpu.memory_space<hbm>>
      %dma_wait3A_266 = tpu.memref_squeeze %dma_wait3A_265 : memref<1x128x144xf32, #tpu.memory_space<hbm>> -> memref<128x144xf32, #tpu.memory_space<hbm>>
      %dma_wait3A_267 = arith.constant 0 : i32
      %dma_wait3A_268 = tpu.memref_slice %arg14[%add3A_240, %dma_wait3A_267] : memref<10000x144xf32, #tpu.memory_space<vmem_shared>> -> memref<128x144xf32, #tpu.memory_space<vmem_shared>>
      tpu.wait_dma2 semaphore(%run_scoped3A : memref<!tpu.dma_semaphore, #tpu.memory_space<semaphore_mem>>) src(%dma_wait3A_268 : memref<128x144xf32, #tpu.memory_space<vmem_shared>>) dst(%dma_wait3A_266 : memref<128x144xf32, #tpu.memory_space<hbm>>)
      tpu.yield
    }) : () -> ()
    %add3A_243 = arith.constant 128 : i32
    %add3A_244 = arith.addi %mul3A_8, %add3A_243 : i32
    %add3A_245 = arith.constant 128 : i32
    %add3A_246 = arith.addi %mul3A_8, %add3A_245 : i32
    "tpu.region"() ({
      %run_scoped3A = tpu.sem_alloc : memref<!tpu.dma_semaphore, #tpu.memory_space<semaphore_mem>>
      %dma_start3A_259 = arith.constant 0 : i32
      %dma_start3A_260 = tpu.memref_slice %arg6[%arg0, %add3A_246, %dma_start3A_259] : memref<2x10000x144xf32, #tpu.memory_space<hbm>> -> memref<1x128x144xf32, #tpu.memory_space<hbm>>
      %dma_start3A_261 = tpu.memref_squeeze %dma_start3A_260 : memref<1x128x144xf32, #tpu.memory_space<hbm>> -> memref<128x144xf32, #tpu.memory_space<hbm>>
      %dma_start3A_262 = arith.constant 0 : i32
      %dma_start3A_263 = tpu.memref_slice %arg14[%add3A_244, %dma_start3A_262] : memref<10000x144xf32, #tpu.memory_space<vmem_shared>> -> memref<128x144xf32, #tpu.memory_space<vmem_shared>>
      tpu.enqueue_dma source(%dma_start3A_263 : memref<128x144xf32, #tpu.memory_space<vmem_shared>>) target(%dma_start3A_261 : memref<128x144xf32, #tpu.memory_space<hbm>>) target_semaphore(%run_scoped3A : memref<!tpu.dma_semaphore, #tpu.memory_space<semaphore_mem>>)
      %dma_wait3A_264 = arith.constant 0 : i32
      %dma_wait3A_265 = tpu.memref_slice %arg6[%arg0, %add3A_246, %dma_wait3A_264] : memref<2x10000x144xf32, #tpu.memory_space<hbm>> -> memref<1x128x144xf32, #tpu.memory_space<hbm>>
      %dma_wait3A_266 = tpu.memref_squeeze %dma_wait3A_265 : memref<1x128x144xf32, #tpu.memory_space<hbm>> -> memref<128x144xf32, #tpu.memory_space<hbm>>
      %dma_wait3A_267 = arith.constant 0 : i32
      %dma_wait3A_268 = tpu.memref_slice %arg14[%add3A_244, %dma_wait3A_267] : memref<10000x144xf32, #tpu.memory_space<vmem_shared>> -> memref<128x144xf32, #tpu.memory_space<vmem_shared>>
      tpu.wait_dma2 semaphore(%run_scoped3A : memref<!tpu.dma_semaphore, #tpu.memory_space<semaphore_mem>>) src(%dma_wait3A_268 : memref<128x144xf32, #tpu.memory_space<vmem_shared>>) dst(%dma_wait3A_266 : memref<128x144xf32, #tpu.memory_space<hbm>>)
      tpu.yield
    }) : () -> ()
    %add3A_247 = arith.constant 256 : i32
    %add3A_248 = arith.addi %mul3A_8, %add3A_247 : i32
    %add3A_249 = arith.constant 256 : i32
    %add3A_250 = arith.addi %mul3A_8, %add3A_249 : i32
    "tpu.region"() ({
      %run_scoped3A = tpu.sem_alloc : memref<!tpu.dma_semaphore, #tpu.memory_space<semaphore_mem>>
      %dma_start3A_259 = arith.constant 0 : i32
      %dma_start3A_260 = tpu.memref_slice %arg6[%arg0, %add3A_250, %dma_start3A_259] : memref<2x10000x144xf32, #tpu.memory_space<hbm>> -> memref<1x128x144xf32, #tpu.memory_space<hbm>>
      %dma_start3A_261 = tpu.memref_squeeze %dma_start3A_260 : memref<1x128x144xf32, #tpu.memory_space<hbm>> -> memref<128x144xf32, #tpu.memory_space<hbm>>
      %dma_start3A_262 = arith.constant 0 : i32
      %dma_start3A_263 = tpu.memref_slice %arg14[%add3A_248, %dma_start3A_262] : memref<10000x144xf32, #tpu.memory_space<vmem_shared>> -> memref<128x144xf32, #tpu.memory_space<vmem_shared>>
      tpu.enqueue_dma source(%dma_start3A_263 : memref<128x144xf32, #tpu.memory_space<vmem_shared>>) target(%dma_start3A_261 : memref<128x144xf32, #tpu.memory_space<hbm>>) target_semaphore(%run_scoped3A : memref<!tpu.dma_semaphore, #tpu.memory_space<semaphore_mem>>)
      %dma_wait3A_264 = arith.constant 0 : i32
      %dma_wait3A_265 = tpu.memref_slice %arg6[%arg0, %add3A_250, %dma_wait3A_264] : memref<2x10000x144xf32, #tpu.memory_space<hbm>> -> memref<1x128x144xf32, #tpu.memory_space<hbm>>
      %dma_wait3A_266 = tpu.memref_squeeze %dma_wait3A_265 : memref<1x128x144xf32, #tpu.memory_space<hbm>> -> memref<128x144xf32, #tpu.memory_space<hbm>>
      %dma_wait3A_267 = arith.constant 0 : i32
      %dma_wait3A_268 = tpu.memref_slice %arg14[%add3A_248, %dma_wait3A_267] : memref<10000x144xf32, #tpu.memory_space<vmem_shared>> -> memref<128x144xf32, #tpu.memory_space<vmem_shared>>
      tpu.wait_dma2 semaphore(%run_scoped3A : memref<!tpu.dma_semaphore, #tpu.memory_space<semaphore_mem>>) src(%dma_wait3A_268 : memref<128x144xf32, #tpu.memory_space<vmem_shared>>) dst(%dma_wait3A_266 : memref<128x144xf32, #tpu.memory_space<hbm>>)
      tpu.yield
    }) : () -> ()
    %add3A_251 = arith.constant 384 : i32
    %add3A_252 = arith.addi %mul3A_8, %add3A_251 : i32
    %add3A_253 = arith.constant 384 : i32
    %add3A_254 = arith.addi %mul3A_8, %add3A_253 : i32
    "tpu.region"() ({
      %run_scoped3A = tpu.sem_alloc : memref<!tpu.dma_semaphore, #tpu.memory_space<semaphore_mem>>
      %dma_start3A_259 = arith.constant 0 : i32
      %dma_start3A_260 = tpu.memref_slice %arg6[%arg0, %add3A_254, %dma_start3A_259] : memref<2x10000x144xf32, #tpu.memory_space<hbm>> -> memref<1x128x144xf32, #tpu.memory_space<hbm>>
      %dma_start3A_261 = tpu.memref_squeeze %dma_start3A_260 : memref<1x128x144xf32, #tpu.memory_space<hbm>> -> memref<128x144xf32, #tpu.memory_space<hbm>>
      %dma_start3A_262 = arith.constant 0 : i32
      %dma_start3A_263 = tpu.memref_slice %arg14[%add3A_252, %dma_start3A_262] : memref<10000x144xf32, #tpu.memory_space<vmem_shared>> -> memref<128x144xf32, #tpu.memory_space<vmem_shared>>
      tpu.enqueue_dma source(%dma_start3A_263 : memref<128x144xf32, #tpu.memory_space<vmem_shared>>) target(%dma_start3A_261 : memref<128x144xf32, #tpu.memory_space<hbm>>) target_semaphore(%run_scoped3A : memref<!tpu.dma_semaphore, #tpu.memory_space<semaphore_mem>>)
      %dma_wait3A_264 = arith.constant 0 : i32
      %dma_wait3A_265 = tpu.memref_slice %arg6[%arg0, %add3A_254, %dma_wait3A_264] : memref<2x10000x144xf32, #tpu.memory_space<hbm>> -> memref<1x128x144xf32, #tpu.memory_space<hbm>>
      %dma_wait3A_266 = tpu.memref_squeeze %dma_wait3A_265 : memref<1x128x144xf32, #tpu.memory_space<hbm>> -> memref<128x144xf32, #tpu.memory_space<hbm>>
      %dma_wait3A_267 = arith.constant 0 : i32
      %dma_wait3A_268 = tpu.memref_slice %arg14[%add3A_252, %dma_wait3A_267] : memref<10000x144xf32, #tpu.memory_space<vmem_shared>> -> memref<128x144xf32, #tpu.memory_space<vmem_shared>>
      tpu.wait_dma2 semaphore(%run_scoped3A : memref<!tpu.dma_semaphore, #tpu.memory_space<semaphore_mem>>) src(%dma_wait3A_268 : memref<128x144xf32, #tpu.memory_space<vmem_shared>>) dst(%dma_wait3A_266 : memref<128x144xf32, #tpu.memory_space<hbm>>)
      tpu.yield
    }) : () -> ()
    %add3A_255 = arith.constant 512 : i32
    %add3A_256 = arith.addi %mul3A_8, %add3A_255 : i32
    %add3A_257 = arith.constant 512 : i32
    %add3A_258 = arith.addi %mul3A_8, %add3A_257 : i32
    "tpu.region"() ({
      %run_scoped3A = tpu.sem_alloc : memref<!tpu.dma_semaphore, #tpu.memory_space<semaphore_mem>>
      %dma_start3A_259 = arith.constant 0 : i32
      %dma_start3A_260 = tpu.memref_slice %arg6[%arg0, %add3A_258, %dma_start3A_259] : memref<2x10000x144xf32, #tpu.memory_space<hbm>> -> memref<1x113x144xf32, #tpu.memory_space<hbm>>
      %dma_start3A_261 = tpu.memref_squeeze %dma_start3A_260 : memref<1x113x144xf32, #tpu.memory_space<hbm>> -> memref<113x144xf32, #tpu.memory_space<hbm>>
      %dma_start3A_262 = arith.constant 0 : i32
      %dma_start3A_263 = tpu.memref_slice %arg14[%add3A_256, %dma_start3A_262] : memref<10000x144xf32, #tpu.memory_space<vmem_shared>> -> memref<113x144xf32, #tpu.memory_space<vmem_shared>>
      tpu.enqueue_dma source(%dma_start3A_263 : memref<113x144xf32, #tpu.memory_space<vmem_shared>>) target(%dma_start3A_261 : memref<113x144xf32, #tpu.memory_space<hbm>>) target_semaphore(%run_scoped3A : memref<!tpu.dma_semaphore, #tpu.memory_space<semaphore_mem>>)
      %dma_wait3A_264 = arith.constant 0 : i32
      %dma_wait3A_265 = tpu.memref_slice %arg6[%arg0, %add3A_258, %dma_wait3A_264] : memref<2x10000x144xf32, #tpu.memory_space<hbm>> -> memref<1x113x144xf32, #tpu.memory_space<hbm>>
      %dma_wait3A_266 = tpu.memref_squeeze %dma_wait3A_265 : memref<1x113x144xf32, #tpu.memory_space<hbm>> -> memref<113x144xf32, #tpu.memory_space<hbm>>
      %dma_wait3A_267 = arith.constant 0 : i32
      %dma_wait3A_268 = tpu.memref_slice %arg14[%add3A_256, %dma_wait3A_267] : memref<10000x144xf32, #tpu.memory_space<vmem_shared>> -> memref<113x144xf32, #tpu.memory_space<vmem_shared>>
      tpu.wait_dma2 semaphore(%run_scoped3A : memref<!tpu.dma_semaphore, #tpu.memory_space<semaphore_mem>>) src(%dma_wait3A_268 : memref<113x144xf32, #tpu.memory_space<vmem_shared>>) dst(%dma_wait3A_266 : memref<113x144xf32, #tpu.memory_space<hbm>>)
      tpu.yield
    }) : () -> ()
    return
  }
}

module attributes {stable_mosaic.version = 14 : i64} {
  func.func @_prep_body(%arg0: i32, %arg1: memref<2000x128xf32, #tpu.memory_space<vmem>>, %arg2: memref<128x128xf32, #tpu.memory_space<vmem>>, %arg3: memref<1x128xf32, #tpu.memory_space<vmem>>, %arg4: memref<128x16xf32, #tpu.memory_space<vmem>>, %arg5: memref<2000x128xf32, #tpu.memory_space<vmem>>, %arg6: memref<2000x16xf32, #tpu.memory_space<vmem>>) attributes {dimension_semantics = [#tpu.dimension_semantics<arbitrary>], iteration_bounds = array<i64: 5>, scalar_prefetch = 0 : i64, scratch_operands = 0 : i64, tpu.core_type = #tpu.core_type<tc>, window_params = [{transform_indices = @transform_0, window_bounds = array<i64: 2000, 128>}, {pipeline_mode = #tpu.pipeline_mode<synchronous>, transform_indices = @transform_1, window_bounds = array<i64: 128, 128>}, {pipeline_mode = #tpu.pipeline_mode<synchronous>, transform_indices = @transform_2, window_bounds = array<i64: 1, 128>}, {pipeline_mode = #tpu.pipeline_mode<synchronous>, transform_indices = @transform_3, window_bounds = array<i64: 128, 16>}, {transform_indices = @transform_4, window_bounds = array<i64: 2000, 128>}, {transform_indices = @transform_5, window_bounds = array<i64: 2000, 16>}]} {
    %get3A = arith.constant 0 : index
    %get3A_0 = arith.constant 0 : index
    %get3A_1 = vector.load %arg1[%get3A, %get3A_0] : memref<2000x128xf32, #tpu.memory_space<vmem>>, vector<2000x128xf32>
    %get3A_2 = arith.constant 0 : index
    %get3A_3 = arith.constant 0 : index
    %get3A_4 = vector.load %arg2[%get3A_2, %get3A_3] : memref<128x128xf32, #tpu.memory_space<vmem>>, vector<128x128xf32>
    %dot_general3A = arith.constant dense<0.000000e+00> : vector<2000x128xf32>
    %dot_general3A_5 = tpu.matmul %get3A_1, %get3A_4, %dot_general3A {dimension_numbers = #tpu.dot_dimension_numbers<[1], [1], [0], [0], [0, 0, 1, 0], [], []>, precision = #tpu.contract_precision<fp32>, transpose_lhs_hint = false} : vector<2000x128xf32>, vector<128x128xf32>, vector<2000x128xf32> -> vector<2000x128xf32>
    %get3A_6 = arith.constant 0 : index
    %get3A_7 = arith.constant 0 : index
    %get3A_8 = vector.load %arg3[%get3A_6, %get3A_7] : memref<1x128xf32, #tpu.memory_space<vmem>>, vector<1x128xf32>
    %add3A = vector.broadcast %get3A_8 : vector<1x128xf32> to vector<2000x128xf32>
    %add3A_9 = arith.addf %dot_general3A_5, %add3A : vector<2000x128xf32>
    %swap3A = arith.constant 0 : index
    %swap3A_10 = arith.constant 0 : index
    %swap3A_11 = vector.load %arg5[%swap3A, %swap3A_10] : memref<2000x128xf32, #tpu.memory_space<vmem>>, vector<2000x128xf32>
    tpu.vector_store %arg5[%swap3A, %swap3A_10], %add3A_9 {strides = array<i32>} : memref<2000x128xf32, #tpu.memory_space<vmem>>, vector<2000x128xf32>,
    %get3A_12 = arith.constant 0 : index
    %get3A_13 = arith.constant 0 : index
    %get3A_14 = vector.load %arg4[%get3A_12, %get3A_13] : memref<128x16xf32, #tpu.memory_space<vmem>>, vector<128x16xf32>
    %dot_general3A_15 = arith.constant dense<0.000000e+00> : vector<2000x16xf32>
    %dot_general3A_16 = tpu.matmul %add3A_9, %get3A_14, %dot_general3A_15 {dimension_numbers = #tpu.dot_dimension_numbers<[1], [0], [0], [1], [0, 0, 1, 1], [], []>, precision = #tpu.contract_precision<fp32>, transpose_lhs_hint = false} : vector<2000x128xf32>, vector<128x16xf32>, vector<2000x16xf32> -> vector<2000x16xf32>
    %swap3A_17 = arith.constant 0 : index
    %swap3A_18 = arith.constant 0 : index
    %swap3A_19 = vector.load %arg6[%swap3A_17, %swap3A_18] : memref<2000x16xf32, #tpu.memory_space<vmem>>, vector<2000x16xf32>
    tpu.vector_store %arg6[%swap3A_17, %swap3A_18], %dot_general3A_16 {strides = array<i32>} : memref<2000x16xf32, #tpu.memory_space<vmem>>, vector<2000x16xf32>,
    return
  }
  func.func @transform_0(%arg0: i32) -> (i32, i32) {
    %c0_i32 = arith.constant 0 : i32
    %c0_i32_0 = arith.constant 0 : i32
    return %arg0, %c0_i32 : i32, i32
  }
  func.func @transform_1(%arg0: i32) -> (i32, i32) {
    %c0_i32 = arith.constant 0 : i32
    %c0_i32_0 = arith.constant 0 : i32
    %c0_i32_1 = arith.constant 0 : i32
    return %c0_i32, %c0_i32_0 : i32, i32
  }
  func.func @transform_2(%arg0: i32) -> (i32, i32) {
    %c0_i32 = arith.constant 0 : i32
    %c0_i32_0 = arith.constant 0 : i32
    %c0_i32_1 = arith.constant 0 : i32
    return %c0_i32, %c0_i32_0 : i32, i32
  }
  func.func @transform_3(%arg0: i32) -> (i32, i32) {
    %c0_i32 = arith.constant 0 : i32
    %c0_i32_0 = arith.constant 0 : i32
    %c0_i32_1 = arith.constant 0 : i32
    return %c0_i32, %c0_i32_0 : i32, i32
  }
  func.func @transform_4(%arg0: i32) -> (i32, i32) {
    %c0_i32 = arith.constant 0 : i32
    %c0_i32_0 = arith.constant 0 : i32
    return %arg0, %c0_i32 : i32, i32
  }
  func.func @transform_5(%arg0: i32) -> (i32, i32) {
    %c0_i32 = arith.constant 0 : i32
    %c0_i32_0 = arith.constant 0 : i32
    return %arg0, %c0_i32 : i32, i32
  }
}

module attributes {stable_mosaic.version = 14 : i64} {
  func.func @_comb_body(%arg0: i32, %arg1: memref<1x2000x144xf32, #tpu.memory_space<vmem>>, %arg2: memref<1x2000x144xf32, #tpu.memory_space<vmem>>, %arg3: memref<2000x16xf32, #tpu.memory_space<vmem>>, %arg4: memref<2000x128xf32, #tpu.memory_space<vmem>>, %arg5: memref<16x4xf32, #tpu.memory_space<vmem>>, %arg6: memref<4x128xf32, #tpu.memory_space<vmem>>, %arg7: memref<144x128xf32, #tpu.memory_space<vmem>>, %arg8: memref<144x128xf32, #tpu.memory_space<vmem>>, %arg9: memref<2000x128xf32, #tpu.memory_space<vmem>>) attributes {dimension_semantics = [#tpu.dimension_semantics<arbitrary>], iteration_bounds = array<i64: 5>, scalar_prefetch = 0 : i64, scratch_operands = 0 : i64, tpu.core_type = #tpu.core_type<tc>, window_params = [{transform_indices = @transform_0, window_bounds = array<i64: 1, 2000, 144>}, {transform_indices = @transform_1, window_bounds = array<i64: 1, 2000, 144>}, {transform_indices = @transform_2, window_bounds = array<i64: 2000, 16>}, {transform_indices = @transform_3, window_bounds = array<i64: 2000, 128>}, {pipeline_mode = #tpu.pipeline_mode<synchronous>, transform_indices = @transform_4, window_bounds = array<i64: 16, 4>}, {pipeline_mode = #tpu.pipeline_mode<synchronous>, transform_indices = @transform_5, window_bounds = array<i64: 4, 128>}, {pipeline_mode = #tpu.pipeline_mode<synchronous>, transform_indices = @transform_6, window_bounds = array<i64: 144, 128>}, {pipeline_mode = #tpu.pipeline_mode<synchronous>, transform_indices = @transform_7, window_bounds = array<i64: 144, 128>}, {transform_indices = @transform_8, window_bounds = array<i64: 2000, 128>}]} {
    %get3A = arith.constant 0 : index
    %get3A_0 = arith.constant 0 : index
    %get3A_1 = arith.constant 0 : index
    %get3A_2 = vector.load %arg1[%get3A, %get3A_0, %get3A_1] : memref<1x2000x144xf32, #tpu.memory_space<vmem>>, vector<1x2000x144xf32>
    %get3A_3 = vector.shape_cast %get3A_2 : vector<1x2000x144xf32> to vector<2000x144xf32>
    %get3A_4 = arith.constant 0 : index
    %get3A_5 = arith.constant 0 : index
    %get3A_6 = arith.constant 0 : index
    %get3A_7 = vector.load %arg2[%get3A_4, %get3A_5, %get3A_6] : memref<1x2000x144xf32, #tpu.memory_space<vmem>>, vector<1x2000x144xf32>
    %get3A_8 = vector.shape_cast %get3A_7 : vector<1x2000x144xf32> to vector<2000x144xf32>
    %add3A = arith.addf %get3A_3, %get3A_8 : vector<2000x144xf32>
    %get3A_9 = arith.constant 0 : index
    %get3A_10 = arith.constant 0 : index
    %get3A_11 = vector.load %arg3[%get3A_9, %get3A_10] : memref<2000x16xf32, #tpu.memory_space<vmem>>, vector<2000x16xf32>
    %get3A_12 = arith.constant 0 : index
    %get3A_13 = arith.constant 0 : index
    %get3A_14 = vector.load %arg5[%get3A_12, %get3A_13] : memref<16x4xf32, #tpu.memory_space<vmem>>, vector<16x4xf32>
    %dot_general3A = arith.constant dense<0.000000e+00> : vector<2000x4xf32>
    %dot_general3A_15 = tpu.matmul %get3A_11, %get3A_14, %dot_general3A {dimension_numbers = #tpu.dot_dimension_numbers<[1], [0], [0], [1], [0, 0, 1, 1], [], []>, precision = #tpu.contract_precision<fp32>, transpose_lhs_hint = false} : vector<2000x16xf32>, vector<16x4xf32>, vector<2000x4xf32> -> vector<2000x4xf32>
    %ge3A = arith.constant 0.000000e+00 : f32
    %ge3A_16 = vector.broadcast %ge3A : f32 to vector<2000x4xf32>
    %ge3A_17 = arith.cmpf oge, %dot_general3A_15, %ge3A_16 : vector<2000x4xf32>
    %mul3A = arith.constant 2.000000e-01 : f32
    %mul3A_18 = vector.broadcast %mul3A : f32 to vector<2000x4xf32>
    %mul3A_19 = arith.mulf %mul3A_18, %dot_general3A_15 : vector<2000x4xf32>
    %select_n3A = arith.select %ge3A_17, %dot_general3A_15, %mul3A_19 : vector<2000x4xi1>, vector<2000x4xf32>
    %min3A = arith.constant 6.000000e+01 : f32
    %min3A_20 = vector.broadcast %min3A : f32 to vector<2000x4xf32>
    %min3A_21 = arith.minimumf %select_n3A, %min3A_20 : vector<2000x4xf32>
    %exp3A = math.exp %min3A_21 : vector<2000x4xf32>
    %get3A_22 = arith.constant 0 : index
    %get3A_23 = arith.constant 0 : index
    %get3A_24 = vector.load %arg6[%get3A_22, %get3A_23] : memref<4x128xf32, #tpu.memory_space<vmem>>, vector<4x128xf32>
    %dot_general3A_25 = arith.constant dense<0.000000e+00> : vector<2000x128xf32>
    %dot_general3A_26 = tpu.matmul %exp3A, %get3A_24, %dot_general3A_25 {dimension_numbers = #tpu.dot_dimension_numbers<[1], [0], [0], [1], [0, 0, 1, 1], [], []>, precision = #tpu.contract_precision<fp32>, transpose_lhs_hint = false} : vector<2000x4xf32>, vector<4x128xf32>, vector<2000x128xf32> -> vector<2000x128xf32>
    %get3A_27 = arith.constant 0 : index
    %get3A_28 = arith.constant 0 : index
    %get3A_29 = vector.load %arg7[%get3A_27, %get3A_28] : memref<144x128xf32, #tpu.memory_space<vmem>>, vector<144x128xf32>
    %dot_general3A_30 = arith.constant dense<0.000000e+00> : vector<2000x128xf32>
    %dot_general3A_31 = tpu.matmul %add3A, %get3A_29, %dot_general3A_30 {dimension_numbers = #tpu.dot_dimension_numbers<[1], [0], [0], [1], [0, 0, 1, 1], [], []>, precision = #tpu.contract_precision<fp32>, transpose_lhs_hint = false} : vector<2000x144xf32>, vector<144x128xf32>, vector<2000x128xf32> -> vector<2000x128xf32>
    %get3A_32 = arith.constant 0 : index
    %get3A_33 = arith.constant 0 : index
    %get3A_34 = vector.load %arg4[%get3A_32, %get3A_33] : memref<2000x128xf32, #tpu.memory_space<vmem>>, vector<2000x128xf32>
    %mul3A_35 = arith.mulf %dot_general3A_26, %get3A_34 : vector<2000x128xf32>
    %add3A_36 = arith.addf %dot_general3A_31, %mul3A_35 : vector<2000x128xf32>
    %get3A_37 = arith.constant 0 : index
    %get3A_38 = arith.constant 0 : index
    %get3A_39 = vector.load %arg8[%get3A_37, %get3A_38] : memref<144x128xf32, #tpu.memory_space<vmem>>, vector<144x128xf32>
    %dot_general3A_40 = arith.constant dense<0.000000e+00> : vector<2000x128xf32>
    %dot_general3A_41 = tpu.matmul %add3A, %get3A_39, %dot_general3A_40 {dimension_numbers = #tpu.dot_dimension_numbers<[1], [0], [0], [1], [0, 0, 1, 1], [], []>, precision = #tpu.contract_precision<fp32>, transpose_lhs_hint = false} : vector<2000x144xf32>, vector<144x128xf32>, vector<2000x128xf32> -> vector<2000x128xf32>
    %add3A_42 = arith.addf %dot_general3A_41, %dot_general3A_26 : vector<2000x128xf32>
    %add3A_43 = arith.constant 1.000000e-10 : f32
    %add3A_44 = vector.broadcast %add3A_43 : f32 to vector<2000x128xf32>
    %add3A_45 = arith.addf %add3A_42, %add3A_44 : vector<2000x128xf32>
    %div3A = arith.divf %add3A_36, %add3A_45 : vector<2000x128xf32>
    %max3A = arith.constant 0.000000e+00 : f32
    %max3A_46 = vector.broadcast %max3A : f32 to vector<2000x128xf32>
    %max3A_47 = arith.maximumf %div3A, %max3A_46 : vector<2000x128xf32>
    %swap3A = arith.constant 0 : index
    %swap3A_48 = arith.constant 0 : index
    %swap3A_49 = vector.load %arg9[%swap3A, %swap3A_48] : memref<2000x128xf32, #tpu.memory_space<vmem>>, vector<2000x128xf32>
    tpu.vector_store %arg9[%swap3A, %swap3A_48], %max3A_47 {strides = array<i32>} : memref<2000x128xf32, #tpu.memory_space<vmem>>, vector<2000x128xf32>,
    return
  }
  func.func @transform_0(%arg0: i32) -> (i32, i32, i32) {
    %c0_i32 = arith.constant 0 : i32
    %c0_i32_0 = arith.constant 0 : i32
    %c0_i32_1 = arith.constant 0 : i32
    return %c0_i32, %arg0, %c0_i32_0 : i32, i32, i32
  }
  func.func @transform_1(%arg0: i32) -> (i32, i32, i32) {
    %c1_i32 = arith.constant 1 : i32
    %c0_i32 = arith.constant 0 : i32
    %c0_i32_0 = arith.constant 0 : i32
    return %c1_i32, %arg0, %c0_i32 : i32, i32, i32
  }
  func.func @transform_2(%arg0: i32) -> (i32, i32) {
    %c0_i32 = arith.constant 0 : i32
    %c0_i32_0 = arith.constant 0 : i32
    return %arg0, %c0_i32 : i32, i32
  }
  func.func @transform_3(%arg0: i32) -> (i32, i32) {
    %c0_i32 = arith.constant 0 : i32
    %c0_i32_0 = arith.constant 0 : i32
    return %arg0, %c0_i32 : i32, i32
  }
  func.func @transform_4(%arg0: i32) -> (i32, i32) {
    %c0_i32 = arith.constant 0 : i32
    %c0_i32_0 = arith.constant 0 : i32
    %c0_i32_1 = arith.constant 0 : i32
    return %c0_i32, %c0_i32_0 : i32, i32
  }
  func.func @transform_5(%arg0: i32) -> (i32, i32) {
    %c0_i32 = arith.constant 0 : i32
    %c0_i32_0 = arith.constant 0 : i32
    %c0_i32_1 = arith.constant 0 : i32
    return %c0_i32, %c0_i32_0 : i32, i32
  }
  func.func @transform_6(%arg0: i32) -> (i32, i32) {
    %c0_i32 = arith.constant 0 : i32
    %c0_i32_0 = arith.constant 0 : i32
    %c0_i32_1 = arith.constant 0 : i32
    return %c0_i32, %c0_i32_0 : i32, i32
  }
  func.func @transform_7(%arg0: i32) -> (i32, i32) {
    %c0_i32 = arith.constant 0 : i32
    %c0_i32_0 = arith.constant 0 : i32
    %c0_i32_1 = arith.constant 0 : i32
    return %c0_i32, %c0_i32_0 : i32, i32
  }
  func.func @transform_8(%arg0: i32) -> (i32, i32) {
    %c0_i32 = arith.constant 0 : i32
    %c0_i32_0 = arith.constant 0 : i32
    return %arg0, %c0_i32 : i32, i32
  }
}

</mosaic_0001>

<sc_bundles>
// kernel: kernel.5.cloned.1.call-start
scs
__scs_entry_jumppad:
0x0: {  	(pc) =	sbr.rel $0x88, $3  }
0x1: {  	(tag) =	ssettag $0x0;
	lr =	simm.s32 $0x1  }
0x2: {  	[smem:$0x3F9B] =	sst lr;
	_ =	strace $0xD0000000  }
0x3: {  	_ = 	snop  }
0x4: {  	_ = 	snop  }
0x5: {  	_ = 	snop  }
0x6: {  	_ = 	snop  }
0x7: {  	_ = 	snop  }
__scs_overlays_trampoline_lowered:
0x8: {  	[smem:$0x3FAA] =	sst s0  }
0x9: {  	[smem:$0x3FAB] =	sst s1  }
0xa: {  	[smem:$0x3FAC] =	sst s2  }
0xb: {  	[smem:$0x3FAD] =	sst s3  }
0xc: {  	[smem:$0x3FAE] =	sst s4  }
0xd: {  	[smem:$0x3FAF] =	sst s5  }
0xe: {  	[smem:$0x3FB0] =	sst s6  }
0xf: {  	[smem:$0x3FB1] =	sst s7  }
0x10: {  	[smem:$0x3FB2] =	sst s8  }
0x11: {  	[smem:$0x3FB3] =	sst s9;
	s0 =	simm.s32 @!p0 $0x0  }
0x12: {  	s1 =	sld [smem:$0x3F99];
	s0 =	simm.s32 @p0 $0x1  }
0x13: {  	[smem:$0x3FB4] =	sst s0;
	s0 =	simm.s32 @!p1 $0x0  }
0x14: {  	s2 =	sld [smem:$0x3F98];
	s0 =	simm.s32 @p1 $0x1  }
0x15: {  	[smem:$0x3FB5] =	sst s0;
	s0 =	simm.s32 @!p2 $0x0  }
0x16: {  	s3 =	sld [smem:$0x3FDB];
	s0 =	simm.s32 @p2 $0x1  }
0x17: {  	s4 =	simm.s32 $0x1BF5;
	[smem:$0x3FB7] =	sst s0  }
0x18: {  	s0 =	sld [smem:$0x3F9A];
	_ =	swait.ge [sflag:s4], $0x0  }
0x19: {  	s7 =	sld [smem:$0x3F9B]  }
0x1a: {  	s8 =	sadd.s32 $0xFFFFE003, lr  }
0x1b: {  	s9 =	sadd.s32 $0xFFFFFEF7, lr;
	s5 =	simm.s32 $0xFFFFFFFF;
	p2 =	slt.u32 s8, $0xFFFFF086  }
0x1c: {  	p1 =	slt.u32 s9, $0xF7A;
	s5 =	simm.s32 @!p2 $0x0  }
0x1d: {  	s5 =	simm.s32 @p1 $0x1;
	p0 =	seq.s32 s7, s2  }
0x1e: {  	s7 =	smul.u32 @!p0 $0xF7A, s2;
	p2 =	seq.s32 @!p0 s5, $0x0  }
0x1f: {  	s9 =	smul.u32 $0xF7A, s1;
	s8 =	simm.s32 @!p0 $0x1BF5;
	p2 =	por !p2, p0  }
0x20: {  	[sflag:s8] =	ssyncset.s32 @!p0 $0xFFFFF086;
	s6 =	sadd.s32 @!p0 s3, s7;
	s7 =	simm.s32 @!p0 $0x108  }
0x21: {  	s3 =	sadd.s32 s3, s9;
	s6 =	sadd.s32 @!p0 $0x88, s6;
	s7 =	simm.s32 @p2 $0x1082  }
0x22: {  	[simem:s7], [sflag:s8] =	dma.local @!p0 [hbm:s6], $0xF7A  }
0x23: {  	s9 =	sor.u32 $0xD0000000, s2;
	s6 =	simm.s32 $0x108;
	_ =	swait.ge @!p0 [sflag:s8], $0x0  }
0x24: {  	s3 =	sadd.s32 $0x88, s3;
	s6 =	simm.s32 @!p1 $0x1082;
	[sflag:s4] =	ssyncset.s32 $0xFFFFF086  }
0x25: {  	[simem:s6], [sflag:s4] =	dma.local [hbm:s3], $0xF7A  }
0x26: {  	[smem:$0x3F9B] =	sst s1;
	(tag) =	ssettag s2;
	_ =	strace s9  }
0x27: {  	s1 =	sld [smem:$0x3FAB]  }
0x28: {  	s2 =	sld [smem:$0x3FAC]  }
0x29: {  	s4 =	sld [smem:$0x3FAE]  }
0x2a: {  	p0 =	seq.s32 s5, $0x0;
	s5 =	sld [smem:$0x3FAF]  }
0x2b: {  	s6 =	sld [smem:$0x3FB0]  }
0x2c: {  	s7 =	sld [smem:$0x3FB1]  }
0x2d: {  	s3 =	simm.s32 $0x108;
	s8 =	sld [smem:$0x3FB2]  }
0x2e: {  	s3 =	simm.s32 @!p0 $0x1082;
	s9 =	sld [smem:$0x3FB3]  }
0x2f: {  	lr =	sadd.s32 s0, s3;
	s0 =	sld [smem:$0x3FAA]  }
0x30: {  	s3 =	sld [smem:$0x3FAD]  }
0x31: {  	[smem:$0x3FB6] =	sst s10  }
0x32: {  	s10 =	sld [smem:$0x3FB4];
	_ =	sdelay $0x3  }
0x33: {  	p0 =	seq.s32 s10, $0x1;
	s10 =	sld [smem:$0x3FB6];
	_ =	sdelay $0x3  }
0x34: {  	[smem:$0x3FB6] =	sst s10  }
0x35: {  	s10 =	sld [smem:$0x3FB5];
	_ =	sdelay $0x3  }
0x36: {  	p1 =	seq.s32 s10, $0x1;
	s10 =	sld [smem:$0x3FB6];
	_ =	sdelay $0x3  }
0x37: {  	[smem:$0x3FB6] =	sst s10  }
0x38: {  	s10 =	sld [smem:$0x3FB7]  }
0x39: {  	_ = 	snop;
	(pc) =	sbr.ind lr, $3  }
0x3a: {  	_ = 	snop  }
0x3b: {  	_ = 	snop  }
0x3c: {  	p2 =	seq.s32 s10, $0x1;
	s10 =	sld [smem:$0x3FB6]  }
0x3d: {  	_ =	shalt  }
0x3e: {  	_ =	shalt  }
0x3f: {  	_ =	shalt  }
0x40: {  	_ =	shalt  }
0x41: {  	_ =	shalt  }
0x42: {  	_ =	shalt  }
0x43: {  	_ =	shalt  }
0x44: {  	_ =	shalt  }
0x45: {  	_ =	shalt  }
0x46: {  	_ =	shalt  }
0x47: {  	_ =	shalt  }
0x48: {  	_ =	shalt  }
0x49: {  	_ =	shalt  }
0x4a: {  	_ =	shalt  }
0x4b: {  	_ =	shalt  }
0x4c: {  	_ =	shalt  }
0x4d: {  	_ =	shalt  }
0x4e: {  	_ =	shalt  }
0x4f: {  	_ =	shalt  }
0x50: {  	_ =	shalt  }
0x51: {  	_ =	shalt  }
0x52: {  	_ =	shalt  }
0x53: {  	_ =	shalt  }
0x54: {  	_ =	shalt  }
0x55: {  	_ =	shalt  }
0x56: {  	_ =	shalt  }
0x57: {  	_ =	shalt  }
0x58: {  	_ =	shalt  }
0x59: {  	_ =	shalt  }
0x5a: {  	_ =	shalt  }
0x5b: {  	_ =	shalt  }
0x5c: {  	_ =	shalt  }
0x5d: {  	_ =	shalt  }
0x5e: {  	_ =	shalt  }
0x5f: {  	_ =	shalt  }
0x60: {  	_ =	shalt  }
0x61: {  	_ =	shalt  }
0x62: {  	_ =	shalt  }
0x63: {  	_ =	shalt  }
0x64: {  	_ =	shalt  }
0x65: {  	_ =	shalt  }
0x66: {  	_ =	shalt  }
0x67: {  	_ =	shalt  }
0x68: {  	_ =	shalt  }
0x69: {  	_ =	shalt  }
0x6a: {  	_ =	shalt  }
0x6b: {  	_ =	shalt  }
0x6c: {  	_ =	shalt  }
0x6d: {  	_ =	shalt  }
0x6e: {  	_ =	shalt  }
0x6f: {  	_ =	shalt  }
0x70: {  	_ =	shalt  }
0x71: {  	_ =	shalt  }
0x72: {  	_ =	shalt  }
0x73: {  	_ =	shalt  }
0x74: {  	_ =	shalt  }
0x75: {  	_ =	shalt  }
0x76: {  	_ =	shalt  }
0x77: {  	_ =	shalt  }
0x78: {  	_ =	shalt  }
0x79: {  	_ =	shalt  }
0x7a: {  	_ =	shalt  }
0x7b: {  	_ =	shalt  }
0x7c: {  	_ =	shalt  }
0x7d: {  	_ =	shalt  }
0x7e: {  	_ =	shalt  }
0x7f: {  	_ =	shalt  }
0x80: {  	_ =	shalt  }
0x81: {  	_ =	shalt  }
0x82: {  	_ =	shalt  }
0x83: {  	_ =	shalt  }
0x84: {  	_ =	shalt  }
0x85: {  	_ =	shalt  }
0x86: {  	_ =	shalt  }
0x87: {  	_ =	shalt  }
.Lfunc_end0:
.L_simem_size_0:
called_computation_lowered:
.L_overlay_start_0:
0x88: {  	s2 =	sld [smem:$0x3FD9]  }
0x89: {  	s3 =	sld [smem:$0x3FFE];
	_ =	sdelay $0x1  }
0x8a: {  	s1 =	srdreg.scid  }
0x8b: {  	s0 =	sand.u32 $0x1, s1  }
0x8c: {  	s17 =	sshll.u32 s0, $0xA;
	s2 =	sadd.s32 s3, s2  }
0x8d: {  	s2 =	sadd.s32 s2, s17  }
0x8e: {  	[smem:$0x3FC2] =	sst s2  }
0x8f: {  	_ = 	snop  }
0x90: {  	s2 =	sld [smem:$0x3FC7]  }
0x91: {  	s18 =	sld [smem:$0x3FD0];
	(tm) =	ssettm $0x1  }
0x92: {  	s4 =	sld [smem:$0x3FFB];
	_ =	sdelay $0x3  }
0x93: {  	_ =	strace s4  }
0x94: {  	s4 =	sld [smem:$0x3FFC];
	_ =	sdelay $0x3  }
0x95: {  	_ =	strace s4  }
0x96: {  	s4 =	sld [smem:$0x3FFD];
	_ =	sdelay $0x3  }
0x97: {  	_ =	strace s4  }
0x98: {  	_ =	strace $0x8FFFFFFF  }
0x99: {  	s19 =	sld [smem:$0x3FDB];
	_ =	sdelay $0x1  }
0x9a: {  	s5 =	simm.s32 $_scs_section_size  }
0x9b: {  	s6 =	simm.s32 $_size__tile_overlayer_lowered;
	s7 =	simm.s32 $_tile_overlayer_lowered  }
0x9c: {  	s22 =	simm.s32 $0x1BFF;
	s21 =	sshll.u32 s7, $0x1;
	s4 =	sadd.s32 s5, s19  }
0x9d: {  	s8 =	simm.s32 $0x0;
	s20 =	sshll.u32 s6, $0x1;
	s6 =	sadd.s32 s21, s4  }
0x9e: {  	[timem:s8], [sflag:s22] =	dma.local [hbm:s6], s20  }
0x9f: {  	_ =	swait.ge [sflag:s22], s20  }
0xa0: {  	s5 =	ssub.s32 $0x0, s20;
	[sflag:s22] =	ssyncset.done $0x0  }
0xa1: {  	[sflag:s22] =	ssyncadd.s32 s5;
	_ =	sdelay $0x1  }
0xa2: {  	s23 =	simm.s32 $0x1B8B  }
0xa3: {  	_ =	swait.ge [sflag:s23], $0x1  }
0xa4: {  	[sflag:s23] =	ssyncset.done $0x0  }
0xa5: {  	s25 =	simm.s32 $0x1B8E;
	s24 =	sld [smem:$0x3FFE];
	[sflag:s23] =	ssyncadd.s32 $0xFFFFFFFF  }
0xa6: {  	s26 =	simm.s32 $execute0_lowered;
	[smem:$0x3FD2] =	sst s25  }
0xa7: {  	s6 =	sshll.u32 s26, $0x1;
	_ =	strace $0x80000046;
	[dreg:$0x1] =	wrdreg $0xFFFFFFFF  }
0xa8: {  	s28 =	simm.s32 $_size_execute0_lowered;
	s4 =	sadd.s32 s4, s6;
	[dreg:$0x0] =	wrdreg $0x0  }
0xa9: {  	s6 =	sshll.u32 s28, $0x1;
	[dreg:$0x2] =	wrdreg s4  }
0xaa: {  	[dreg:$0x3] =	wrdreg s6  }
0xab: {  	[dreg:$0x4] =	wrdreg $0xC0  }
0xac: {  	_ =	task [dreg:s8], $0x5FFFF  }
0xad: {  	[dreg:$0x1] =	wrdreg $0xFFFFFFFF  }
0xae: {  	[dreg:$0x0] =	wrdreg $0x60  }
0xaf: {  	[dreg:$0x2] =	wrdreg s24  }
0xb0: {  	[dreg:$0x3] =	wrdreg s2  }
0xb1: {  	[dreg:$0x4] =	wrdreg s18  }
0xb2: {  	[dreg:$0x5] =	wrdreg $0x99800  }
0xb3: {  	[dreg:$0x6] =	wrdreg $0x9  }
0xb4: {  	_ =	task.clear_ibuf [dreg:s8], $0x7FFFF;
	_ =	strace $0x90000046  }
0xb5: {  	s29 =	simm.s32 $0x9;
	_ =	strace $0x80000048  }
0xb6: {  	_ =	swait.ge [sflag:s29], $0x1  }
0xb7: {  	[sflag:s29] =	ssyncadd.s32 $0xFFFFFFFF  }
0xb8: {  	_ =	strace $0x90000048  }
0xb9: {  	_ =	sfence  }
0xba: {  	s30 =	sld [smem:$0x0];
	_ =	sdelay $0x2  }
0xbb: {  	s31 =	sshll.u32 s1, $0xD;
	s1 =	sshrl.u32 s1, $0x2  }
0xbc: {  	s3 =	sand.u32 $0x4000, s31;
	s1 =	sadd.s32 s1, s30  }
0xbd: {  	s0 =	sor.u32 s3, s0;
	s1 =	sshll.u32 s1, $0x11  }
0xbe: {  	s0 =	sor.u32 s1, s0  }
0xbf: {  	s0 =	sadd.s32 $0x8F2B, s0  }
0xc0: {  	[sflag:s0] =	ssyncadd.remote.s32 $0x1  }
0xc1: {  	_ =	sfence.sel $0xFFFF  }
0xc2: {  	[dreg:$0x0] =	wrdreg $0xFFFFFFFF;
	(pc) =	sbr.abs _section_cstart, $3  }
0xc3: {  	[dreg:$0x1] =	wrdreg $0xFFFFFFFF  }
0xc4: {  	_ =	task.clear_ibuf [dreg:s8], $0x2FFFF;
	_ =	strace $0x9FFFFFFF  }
0xc5: {  	(tm) =	ssettm $0x7FFFFFFF  }
tec
execute0_lowered:
.L_overlay_start_1:
0x0: {  	(tag) =	ssettag $0x1  }
0x1: {  	s0 =	rddreg [dreg:$0x0]  }
0x2: {  	s1 =	rddreg [dreg:$0x1]  }
0x3: {  	s2 =	rddreg [dreg:$0x2];
	v1 =	vlaneseq.u32  }
0x4: {  	s3 =	rddreg [dreg:$0x3];
	s4 =	simm.s32 $0x0;
	s6 =	srdreg.scid;
	v0 =	vmul.u32 $0x10, v1;
	v1 =	vmul.u32 $0x90, v1  }
0x5: {  	v2 =	vimm.f32 $0.0e+00;
	vm0 =	vcmask $0x1310;
	s9 =	stileid.u32;
	s28 =	simm.s32 $0x1;
	s29 =	simm.s32 $0x2  }
0x6: {  	s30 =	simm.s32 $0x3;
	s31 =	simm.s32 $0x180;
	[smem:$0x7FF] =	sst s4;
	v3 =	vsel vm0, $0x3F800000, v2;
	v4 =	vor.u32 $0x4, v0;
	v5 =	vadd.s32 $0x80, v1  }
0x7: {  	s5 =	sadd.s32 $0x6600, s0;
	s7 =	sadd.s32 $0x1600, s0;
	s12 =	sand.u32 $0x1, s6;
	v6 =	vor.u32 $0x1, v0;
	v7 =	vor.u32 $0x5, v0;
	v8 =	vadd.s32 $0x81, v1  }
0x8: {  	s8 =	sshll.u32 s9, $0x1;
	s14 =	smul.u32 $0x15F90, s9;
	s0 =	sadd.s32 $0x1A000, s0;
	v9 =	vor.u32 $0x2, v0;
	v10 =	vor.u32 $0x6, v0;
	v11 =	vadd.s32 $0x82, v1  }
0x9: {  	_ =	strace $0x80000047;
	s6 =	ssub.s32 $0x2, s12;
	s8 =	sor.u32 s12, s8;
	v12 =	vor.u32 $0x3, v0;
	v13 =	vor.u32 $0x7, v0;
	v14 =	vadd.s32 $0x83, v1  }
0xa: {  	s21 =	sshrl.u32 s6, $0x1;
	v15 =	vor.u32 $0x100, v0;
	s15 =	sadd.s32 $0x4800, s14;
	s8 =	smul.u32 $0x2710, s8;
	v19 =	vor.u32 $0x105, v0;
	v20 =	vadd.s32 $0x981, v1  }
0xb: {  	s9 =	sadd.s32 s14, s3;
	s16 =	sadd.s32 $0x9000, s14;
	v21 =	vor.u32 $0x102, v0;
	v22 =	vor.u32 $0x106, v0;
	v23 =	vadd.s32 $0x982, v1;
	s17 =	sadd.s32 $0xD800, s14  }
0xc: {  	s18 =	sadd.s32 $0x12000, s14;
	v24 =	vor.u32 $0x103, v0;
	v25 =	vor.u32 $0x107, v0;
	v26 =	vadd.s32 $0x983, v1;
	s6 =	ssub.s32 s6, s21;
	s10 =	sadd.s32 s15, s3  }
0xd: {  	v27 =	vor.u32 $0x200, v0;
	v28 =	vor.u32 $0x204, v0;
	v29 =	vadd.s32 $0x1280, v1;
	s11 =	sadd.s32 s16, s3;
	s21 =	smul.u32 $0x15F900, s12;
	s19 =	sshrl.u32 s8, $0x3  }
0xe: {  	v30 =	vor.u32 $0x201, v0;
	v31 =	vor.u32 $0x205, v0;
	v32 =	vadd.s32 $0x1281, v1;
	s12 =	sadd.s32 s17, s3;
	s13 =	sadd.s32 s18, s3;
	s20 =	sadd.s32 $0x4E0, s19  }
0xf: {  	v33 =	vor.u32 $0x202, v0;
	v34 =	vor.u32 $0x206, v0;
	v35 =	vadd.s32 $0x1282, v1;
	s19 =	sadd.s32 s5, s19;
	s14 =	sadd.s32 s14, s21;
	s15 =	sadd.s32 s21, s15  }
0x10: {  	v36 =	vor.u32 $0x203, v0;
	v37 =	vor.u32 $0x207, v0;
	v38 =	vadd.s32 $0x1283, v1;
	s24 =	sadd.s32 s21, s16;
	s25 =	sadd.s32 s21, s17;
	s26 =	sadd.s32 s21, s18  }
0x11: {  	v39 =	vor.u32 $0x300, v0;
	v40 =	vor.u32 $0x304, v0;
	v41 =	vadd.s32 $0x1B80, v1;
	s22 =	sadd.s32 s5, s20;
	s19 =	sadd.s32 $0xA120, s19;
	s14 =	sshrl.u32 s14, $0x3  }
0x12: {  	v42 =	vor.u32 $0x301, v0;
	v43 =	vor.u32 $0x305, v0;
	v44 =	vadd.s32 $0x1B81, v1;
	s15 =	sshrl.u32 s15, $0x3;
	s16 =	sshrl.u32 s26, $0x3;
	[dreg:$0x5] =	wrdreg s22  }
0x13: {  	v45 =	vor.u32 $0x302, v0;
	v46 =	vor.u32 $0x306, v0;
	v47 =	vadd.s32 $0x1B82, v1;
	s26 =	simm.s32 $0x100;
	[dreg:$0x6] =	wrdreg s19;
	s22 =	sadd.s32 s1, s20  }
0x14: {  	v48 =	vor.u32 $0x303, v0;
	v49 =	vor.u32 $0x307, v0;
	v50 =	vadd.s32 $0x1B83, v1;
	s14 =	sadd.s32 s0, s14;
	s23 =	sadd.s32 s0, s15;
	[dreg:$0x7] =	wrdreg s22  }
0x15: {  	v51 =	vor.u32 $0x400, v0;
	v52 =	vor.u32 $0x404, v0;
	v53 =	vadd.s32 $0x2480, v1;
	s15 =	sshrl.u32 s25, $0x3;
	s21 =	sadd.s32 s0, s16;
	[dreg:$0x8] =	wrdreg s14  }
0x16: {  	v54 =	vor.u32 $0x401, v0;
	v55 =	vor.u32 $0x405, v0;
	[tilespmem:$0x1FFC0] =	vst v15;
	v15 =	vor.u32 $0x104, v0;
	s25 =	simm.s32 $0x80;
	[dreg:$0x9] =	wrdreg s23;
	s14 =	sshrl.u32 s24, $0x3  }
0x17: {  	v56 =	vadd.s32 $0x2481, v1;
	v57 =	vor.u32 $0x402, v0;
	[tilespmem:$0x1FFD0] =	vst v15;
	v15 =	vadd.s32 $0x980, v1;
	s20 =	sadd.s32 s0, s15;
	s22 =	smax.u32 s6, $0x1;
	s23 =	simm.s32 $0x5180  }
0x18: {  	v58 =	vor.u32 $0x406, v0;
	v59 =	vadd.s32 $0x2482, v1;
	[tilespmem:$0x1FFE0] =	vst v15;
	v15 =	vor.u32 $0x101, v0;
	s24 =	simm.s32 $0x4;
	s6 =	simm.s32 $0x1180;
	s14 =	sadd.s32 s0, s14  }
0x19: {  	v60 =	vor.u32 $0x403, v0;
	v61 =	vor.u32 $0x407, v0;
	v62 =	vadd.s32 $0x2483, v1;
	[tilespmem:$0x1FFF0] =	vst v15;
	s0 =	simm.s32 $0x980;
	[dreg:$0xa] =	wrdreg s14;
	s14 =	simm.s32 $0x0  }
.LBB2_1:
0x1a: {  	s15 =	simm.s32 $0x0;
	s16 =	simm.s32 $0x240  }
.LBB2_2:
0x1b: {  	p0 =	sne.s32 s16, $0x11DC0;
	[tilespmem:s15+$0x5200] =	vst v2  }
0x1c: {  	[tilespmem:s15+$0x5180] =	vst v2  }
0x1d: {  	[tilespmem:s15+$0x5190] =	vst v2  }
0x1e: {  	[tilespmem:s15+$0x51A0] =	vst v2  }
.Ltmp0:
0x1f: {  	[tilespmem:s15+$0x51B0] =	vst v2;
	(pc) =	sbr.rel @p0 .LBB2_2-.Ltmp0, $4  }
0x20: {  	[tilespmem:s15+$0x51C0] =	vst v2  }
0x21: {  	[tilespmem:s15+$0x51D0] =	vst v2  }
0x22: {  	[tilespmem:s15+$0x51E0] =	vst v2  }
0x23: {  	[tilespmem:s15+$0x51F0] =	vst v2;
	s15 =	sshra.s32 s16, $0x2;
	s16 =	sadd.s32 $0x240, s16  }
0x24: {  	[tilespmem:s15+$0x5200] =	vst v2  }
0x25: {  	[tilespmem:s15+$0x5180] =	vst v2  }
0x26: {  	[tilespmem:s15+$0x5190] =	vst v2  }
0x27: {  	[tilespmem:s15+$0x51A0] =	vst v2  }
0x28: {  	[tilespmem:s15+$0x51B0] =	vst v2  }
0x29: {  	[tilespmem:s15+$0x51C0] =	vst v2  }
0x2a: {  	[tilespmem:s15+$0x51D0] =	vst v2  }
0x2b: {  	[tilespmem:s15+$0x51E0] =	vst v2  }
0x2c: {  	[tilespmem:s15+$0x51F0] =	vst v2  }
0x2d: {  	[spmem:s9] =	stream.linear.scatter [tilespmem:s23], [sflag:$0x4], $0x4800, $0x38;
	[tilespmem:$0x1F910] =	vst v63  }
0x2e: {  	_ =	swait.ge [sflag:s24], $0x4800  }
0x2f: {  	[sflag:s24] =	ssyncset.done $0x0  }
0x30: {  	[sflag:s24] =	ssyncadd.s32 $0xFFFFB800  }
0x31: {  	[spmem:s10] =	stream.linear.scatter [tilespmem:s23], [sflag:$0x4], $0x4800, $0x38;
	[tilespmem:$0x1F910] =	vst v63  }
0x32: {  	_ =	swait.ge [sflag:s24], $0x4800  }
0x33: {  	[sflag:s24] =	ssyncset.done $0x0  }
0x34: {  	[sflag:s24] =	ssyncadd.s32 $0xFFFFB800  }
0x35: {  	[spmem:s11] =	stream.linear.scatter [tilespmem:s23], [sflag:$0x4], $0x4800, $0x38;
	[tilespmem:$0x1F910] =	vst v63  }
0x36: {  	_ =	swait.ge [sflag:s24], $0x4800  }
0x37: {  	[sflag:s24] =	ssyncset.done $0x0  }
0x38: {  	[sflag:s24] =	ssyncadd.s32 $0xFFFFB800  }
0x39: {  	[spmem:s12] =	stream.linear.scatter [tilespmem:s23], [sflag:$0x4], $0x4800, $0x38;
	[tilespmem:$0x1F910] =	vst v63  }
0x3a: {  	_ =	swait.ge [sflag:s24], $0x4800  }
0x3b: {  	[sflag:s24] =	ssyncset.done $0x0  }
0x3c: {  	[sflag:s24] =	ssyncadd.s32 $0xFFFFB800  }
0x3d: {  	[spmem:s13] =	stream.linear.scatter [tilespmem:s23], [sflag:$0x4], $0x3F90, $0x38;
	[tilespmem:$0x1F910] =	vst v63  }
0x3e: {  	_ =	swait.ge [sflag:s24], $0x3F90  }
0x3f: {  	[sflag:s24] =	ssyncset.done $0x0  }
0x40: {  	s15 =	simm.s32 $0x440;
	s16 =	simm.s32 $0x80;
	[sflag:s24] =	ssyncadd.s32 $0xFFFFC070  }
.LBB2_4:
0x41: {  	p0 =	sne.s32 s15, $0x11FC0;
	[tilespmem:s16+$0x5180] =	vst v3;
	s16 =	smov.u32 s15;
	s15 =	sadd.s32 $0x240, s15  }
.Ltmp1:
0x42: {  	(pc) =	sbr.rel @p0 .LBB2_4-.Ltmp1, $2  }
0x43: {  	_ =	sdelay $0x2  }
0x44: {  	s16 =	sshra.s32 s16, $0x2  }
0x45: {  	[tilespmem:s16+$0x5180] =	vst v3  }
0x46: {  	s15 =	simm.s32 $0x0;
	[bflag:$0x0] =	sbarrier.arrive $0xFFFF  }
.LBB2_6:
0x47: {  	s16 =	sshll.u32 s15, $0x7  }
0x48: {  	s16 =	sadd.s32 s8, s16  }
0x49: {  	s16 =	sshrl.u32 s16, $0x3  }
0x4a: {  	s17 =	sadd.s32 s5, s16  }
0x4b: {  	[tilespmem:s4], [sflag:$0x1] =	stream.linear.gather [hbm4b:s17+s4], $0x80, $0x38;
	[tilespmem:$0x1F910] =	vst v63  }
0x4c: {  	s17 =	sadd.s32 $0x9C40, s17  }
0x4d: {  	[tilespmem:s25], [sflag:$0x2] =	stream.linear.gather [hbm4b:s17+s4], $0x80, $0x38;
	[tilespmem:$0x1F910] =	vst v63  }
0x4e: {  	s16 =	sadd.s32 s1, s16  }
0x4f: {  	[tilespmem:s26], [sflag:$0x3] =	stream.linear.gather [hbm4b:s16+s4], $0x80, $0x38;
	[tilespmem:$0x1F910] =	vst v63  }
0x50: {  	_ =	swait.ge [sflag:s28], $0x80  }
0x51: {  	[sflag:s28] =	ssyncset.done $0x0  }
0x52: {  	[sflag:s28] =	ssyncadd.s32 $0xFFFFFF80  }
0x53: {  	_ =	swait.ge [sflag:s29], $0x80  }
0x54: {  	[sflag:s29] =	ssyncset.done $0x0  }
0x55: {  	[sflag:s29] =	ssyncadd.s32 $0xFFFFFF80  }
0x56: {  	_ =	swait.ge [sflag:s30], $0x80  }
0x57: {  	[sflag:s30] =	ssyncset.done $0x0  }
0x58: {  	[sflag:s30] =	ssyncadd.s32 $0xFFFFFF80  }
0x59: {  	[tilespmem:s31], [sflag:$0x1] =	stream.indirect.gather [hbm4b:s7+s25], $0x10, s4, s25, $0xb8;
	[tilespmem:$0x1F910] =	vst v63  }
0x5a: {  	_ = 	snop  }
0x5b: {  	[tilespmem:s0], [sflag:$0x2] =	stream.indirect.gather [hbm4b:s7+s25], $0x10, s25, s25, $0xb8;
	[tilespmem:$0x1F910] =	vst v63  }
0x5c: {  	_ = 	snop  }
0x5d: {  	[tilespmem:s6], [sflag:$0x3] =	stream.indirect.gather [hbm4b:s2+s25], $0x80, s4, s25, $0xb8;
	[tilespmem:$0x1F910] =	vst v63  }
0x5e: {  	_ =	swait.ge [sflag:s28], $0x800  }
0x5f: {  	[sflag:s28] =	ssyncset.done $0x0  }
0x60: {  	[sflag:s28] =	ssyncadd.s32 $0xFFFFF800  }
0x61: {  	_ =	swait.ge [sflag:s29], $0x800  }
0x62: {  	[sflag:s29] =	ssyncset.done $0x0  }
0x63: {  	[sflag:s29] =	ssyncadd.s32 $0xFFFFF800  }
0x64: {  	v63 =	vld.idx.msk [tilespmem:v0+s31+$0x0], $0xffff  }
0x65: {  	v15 =	vld.idx.msk [tilespmem:v4+s0+$0x0], $0xffff;
	_ =	sdelay $0x4  }
0x66: {  	v15 =	vadd.f32 v15, v63;
	_ =	sdelay $0x1  }
0x67: {  	v63 =	vmul.f32 $2.000000030e-01, v15  }
0x68: {  	vm0 =	vge.f32 v15, $0.0e+00  }
0x69: {  	v15 =	vsel vm0, v15, v63  }
0x6a: {  	v15 =	vmin.f32 v15, $6.000000000e+01  }
0x6b: {  	v15 =	vmul.f32 $1.442695020e+00, v15;
	_ =	sdelay $0x1  }
0x6c: {  	(erf) = vpow2.f32 v15;
	_ =	sdelay $0x4  }
0x6d: {  	v15 =	vld [tilespmem:$0x100];
	_ =	sdelay $0x3  }
0x6e: {  	v63 =	vpop (erf)  }
0x6f: {  	v63 =	vmul.f32 v63, v15;
	_ =	sdelay $0x1  }
0x70: {  	[tilespmem:v5+s23+$0x0] =	vst.idx.msk $0xffff, v63  }
0x71: {  	v63 =	vld.idx.msk [tilespmem:v6+s31+$0x0], $0xffff  }
0x72: {  	v16 =	vld.idx.msk [tilespmem:v7+s0+$0x0], $0xffff;
	_ =	sdelay $0x4  }
0x73: {  	v16 =	vadd.f32 v16, v63;
	_ =	sdelay $0x1  }
0x74: {  	v63 =	vmul.f32 $2.000000030e-01, v16  }
0x75: {  	vm9 =	vge.f32 v16, $0.0e+00  }
0x76: {  	v16 =	vsel vm9, v16, v63  }
0x77: {  	v16 =	vmin.f32 v16, $6.000000000e+01  }
0x78: {  	v16 =	vmul.f32 $1.442695020e+00, v16;
	_ =	sdelay $0x1  }
0x79: {  	(erf) = vpow2.f32 v16;
	_ =	sdelay $0x8  }
0x7a: {  	v16 =	vpop (erf)  }
0x7b: {  	v16 =	vmul.f32 v16, v15;
	_ =	sdelay $0x1  }
0x7c: {  	[tilespmem:v8+s23+$0x0] =	vst.idx.msk $0xffff, v16  }
0x7d: {  	v16 =	vld.idx.msk [tilespmem:v9+s31+$0x0], $0xffff  }
0x7e: {  	v63 =	vld.idx.msk [tilespmem:v10+s0+$0x0], $0xffff;
	_ =	sdelay $0x4  }
0x7f: {  	v16 =	vadd.f32 v63, v16;
	_ =	sdelay $0x1  }
0x80: {  	v63 =	vmul.f32 $2.000000030e-01, v16  }
0x81: {  	vm10 =	vge.f32 v16, $0.0e+00  }
0x82: {  	v16 =	vsel vm10, v16, v63  }
0x83: {  	v16 =	vmin.f32 v16, $6.000000000e+01  }
0x84: {  	v16 =	vmul.f32 $1.442695020e+00, v16;
	_ =	sdelay $0x1  }
0x85: {  	(erf) = vpow2.f32 v16;
	_ =	sdelay $0x8  }
0x86: {  	v16 =	vpop (erf)  }
0x87: {  	v16 =	vmul.f32 v16, v15;
	_ =	sdelay $0x1  }
0x88: {  	[tilespmem:v11+s23+$0x0] =	vst.idx.msk $0xffff, v16  }
0x89: {  	v16 =	vld.idx.msk [tilespmem:v12+s31+$0x0], $0xffff  }
0x8a: {  	v63 =	vld.idx.msk [tilespmem:v13+s0+$0x0], $0xffff;
	_ =	sdelay $0x4  }
0x8b: {  	v16 =	vadd.f32 v63, v16;
	_ =	sdelay $0x1  }
0x8c: {  	v63 =	vmul.f32 $2.000000030e-01, v16  }
0x8d: {  	vm11 =	vge.f32 v16, $0.0e+00  }
0x8e: {  	v16 =	vsel vm11, v16, v63  }
0x8f: {  	v16 =	vmin.f32 v16, $6.000000000e+01  }
0x90: {  	v16 =	vmul.f32 $1.442695020e+00, v16;
	_ =	sdelay $0x1  }
0x91: {  	(erf) = vpow2.f32 v16;
	_ =	sdelay $0x8  }
0x92: {  	v16 =	vpop (erf)  }
0x93: {  	v15 =	vmul.f32 v16, v15  }
0x94: {  	v16 =	vld [tilespmem:$0x1FFD0]  }
0x95: {  	[tilespmem:v14+s23+$0x0] =	vst.idx.msk $0xffff, v15;
	v15 =	vld [tilespmem:$0x1FFC0];
	_ =	sdelay $0x6  }
0x96: {  	v16 =	vld.idx.msk [tilespmem:v16+s0+$0x0], $0xffff  }
0x97: {  	v15 =	vld.idx.msk [tilespmem:v15+s31+$0x0], $0xffff;
	_ =	sdelay $0x4  }
0x98: {  	v15 =	vadd.f32 v16, v15;
	_ =	sdelay $0x1  }
0x99: {  	v16 =	vmul.f32 $2.000000030e-01, v15  }
0x9a: {  	vm12 =	vge.f32 v15, $0.0e+00  }
0x9b: {  	v15 =	vsel vm12, v15, v16  }
0x9c: {  	v15 =	vmin.f32 v15, $6.000000000e+01  }
0x9d: {  	v15 =	vmul.f32 $1.442695020e+00, v15;
	_ =	sdelay $0x1  }
0x9e: {  	(erf) = vpow2.f32 v15;
	_ =	sdelay $0x3  }
0x9f: {  	v17 =	vld [tilespmem:$0x1FFE0]  }
0xa0: {  	v15 =	vld [tilespmem:$0x110];
	_ =	sdelay $0x3  }
0xa1: {  	v16 =	vpop (erf)  }
0xa2: {  	v16 =	vmul.f32 v16, v15;
	_ =	sdelay $0x1  }
0xa3: {  	[tilespmem:v17+s23+$0x0] =	vst.idx.msk $0xffff, v16;
	v16 =	vld [tilespmem:$0x1FFF0];
	_ =	sdelay $0x6  }
0xa4: {  	v63 =	vld.idx.msk [tilespmem:v19+s0+$0x0], $0xffff  }
0xa5: {  	v16 =	vld.idx.msk [tilespmem:v16+s31+$0x0], $0xffff;
	_ =	sdelay $0x4  }
0xa6: {  	v16 =	vadd.f32 v63, v16;
	_ =	sdelay $0x1  }
0xa7: {  	v63 =	vmul.f32 $2.000000030e-01, v16  }
0xa8: {  	vm13 =	vge.f32 v16, $0.0e+00  }
0xa9: {  	v16 =	vsel vm13, v16, v63  }
0xaa: {  	v16 =	vmin.f32 v16, $6.000000000e+01  }
0xab: {  	v16 =	vmul.f32 $1.442695020e+00, v16;
	_ =	sdelay $0x1  }
0xac: {  	(erf) = vpow2.f32 v16;
	_ =	sdelay $0x8  }
0xad: {  	v16 =	vpop (erf)  }
0xae: {  	v16 =	vmul.f32 v16, v15;
	_ =	sdelay $0x1  }
0xaf: {  	[tilespmem:v20+s23+$0x0] =	vst.idx.msk $0xffff, v16  }
0xb0: {  	v16 =	vld.idx.msk [tilespmem:v21+s31+$0x0], $0xffff  }
0xb1: {  	v63 =	vld.idx.msk [tilespmem:v22+s0+$0x0], $0xffff;
	_ =	sdelay $0x4  }
0xb2: {  	v16 =	vadd.f32 v63, v16;
	_ =	sdelay $0x1  }
0xb3: {  	v63 =	vmul.f32 $2.000000030e-01, v16  }
0xb4: {  	vm14 =	vge.f32 v16, $0.0e+00  }
0xb5: {  	v16 =	vsel vm14, v16, v63  }
0xb6: {  	v16 =	vmin.f32 v16, $6.000000000e+01  }
0xb7: {  	v16 =	vmul.f32 $1.442695020e+00, v16;
	_ =	sdelay $0x1  }
0xb8: {  	(erf) = vpow2.f32 v16;
	_ =	sdelay $0x8  }
0xb9: {  	v16 =	vpop (erf)  }
0xba: {  	v16 =	vmul.f32 v16, v15;
	_ =	sdelay $0x1  }
0xbb: {  	[tilespmem:v23+s23+$0x0] =	vst.idx.msk $0xffff, v16  }
0xbc: {  	v16 =	vld.idx.msk [tilespmem:v24+s31+$0x0], $0xffff  }
0xbd: {  	v63 =	vld.idx.msk [tilespmem:v25+s0+$0x0], $0xffff;
	_ =	sdelay $0x4  }
0xbe: {  	v16 =	vadd.f32 v63, v16;
	_ =	sdelay $0x1  }
0xbf: {  	v63 =	vmul.f32 $2.000000030e-01, v16  }
0xc0: {  	vm15 =	vge.f32 v16, $0.0e+00  }
0xc1: {  	v16 =	vsel vm15, v16, v63  }
0xc2: {  	v16 =	vmin.f32 v16, $6.000000000e+01  }
0xc3: {  	v16 =	vmul.f32 $1.442695020e+00, v16;
	_ =	sdelay $0x1  }
0xc4: {  	(erf) = vpow2.f32 v16;
	_ =	sdelay $0x8  }
0xc5: {  	v16 =	vpop (erf)  }
0xc6: {  	v15 =	vmul.f32 v16, v15;
	_ =	sdelay $0x1  }
0xc7: {  	[tilespmem:v26+s23+$0x0] =	vst.idx.msk $0xffff, v15  }
0xc8: {  	v15 =	vld.idx.msk [tilespmem:v27+s31+$0x0], $0xffff  }
0xc9: {  	v16 =	vld.idx.msk [tilespmem:v28+s0+$0x0], $0xffff;
	_ =	sdelay $0x4  }
0xca: {  	v15 =	vadd.f32 v16, v15;
	_ =	sdelay $0x1  }
0xcb: {  	v16 =	vmul.f32 $2.000000030e-01, v15  }
0xcc: {  	vm4 =	vge.f32 v15, $0.0e+00  }
0xcd: {  	v15 =	vsel vm4, v15, v16  }
0xce: {  	v15 =	vmin.f32 v15, $6.000000000e+01  }
0xcf: {  	v15 =	vmul.f32 $1.442695020e+00, v15;
	_ =	sdelay $0x1  }
0xd0: {  	(erf) = vpow2.f32 v15;
	_ =	sdelay $0x4  }
0xd1: {  	v15 =	vld [tilespmem:$0x120];
	_ =	sdelay $0x3  }
0xd2: {  	v16 =	vpop (erf)  }
0xd3: {  	v16 =	vmul.f32 v16, v15;
	_ =	sdelay $0x1  }
0xd4: {  	[tilespmem:v29+s23+$0x0] =	vst.idx.msk $0xffff, v16  }
0xd5: {  	v16 =	vld.idx.msk [tilespmem:v30+s31+$0x0], $0xffff  }
0xd6: {  	v63 =	vld.idx.msk [tilespmem:v31+s0+$0x0], $0xffff;
	_ =	sdelay $0x4  }
0xd7: {  	v16 =	vadd.f32 v63, v16;
	_ =	sdelay $0x1  }
0xd8: {  	v63 =	vmul.f32 $2.000000030e-01, v16  }
0xd9: {  	vm5 =	vge.f32 v16, $0.0e+00  }
0xda: {  	v16 =	vsel vm5, v16, v63  }
0xdb: {  	v16 =	vmin.f32 v16, $6.000000000e+01  }
0xdc: {  	v16 =	vmul.f32 $1.442695020e+00, v16;
	_ =	sdelay $0x1  }
0xdd: {  	(erf) = vpow2.f32 v16;
	_ =	sdelay $0x8  }
0xde: {  	v16 =	vpop (erf)  }
0xdf: {  	v16 =	vmul.f32 v16, v15;
	_ =	sdelay $0x1  }
0xe0: {  	[tilespmem:v32+s23+$0x0] =	vst.idx.msk $0xffff, v16  }
0xe1: {  	v16 =	vld.idx.msk [tilespmem:v33+s31+$0x0], $0xffff  }
0xe2: {  	v63 =	vld.idx.msk [tilespmem:v34+s0+$0x0], $0xffff;
	_ =	sdelay $0x4  }
0xe3: {  	v16 =	vadd.f32 v63, v16;
	_ =	sdelay $0x1  }
0xe4: {  	v63 =	vmul.f32 $2.000000030e-01, v16  }
0xe5: {  	vm6 =	vge.f32 v16, $0.0e+00  }
0xe6: {  	v16 =	vsel vm6, v16, v63  }
0xe7: {  	v16 =	vmin.f32 v16, $6.000000000e+01  }
0xe8: {  	v16 =	vmul.f32 $1.442695020e+00, v16;
	_ =	sdelay $0x1  }
0xe9: {  	(erf) = vpow2.f32 v16;
	_ =	sdelay $0x8  }
0xea: {  	v16 =	vpop (erf)  }
0xeb: {  	v16 =	vmul.f32 v16, v15;
	_ =	sdelay $0x1  }
0xec: {  	[tilespmem:v35+s23+$0x0] =	vst.idx.msk $0xffff, v16  }
0xed: {  	v16 =	vld.idx.msk [tilespmem:v36+s31+$0x0], $0xffff  }
0xee: {  	v63 =	vld.idx.msk [tilespmem:v37+s0+$0x0], $0xffff;
	_ =	sdelay $0x4  }
0xef: {  	v16 =	vadd.f32 v63, v16;
	_ =	sdelay $0x1  }
0xf0: {  	v63 =	vmul.f32 $2.000000030e-01, v16  }
0xf1: {  	vm7 =	vge.f32 v16, $0.0e+00  }
0xf2: {  	v16 =	vsel vm7, v16, v63  }
0xf3: {  	v16 =	vmin.f32 v16, $6.000000000e+01  }
0xf4: {  	v16 =	vmul.f32 $1.442695020e+00, v16;
	_ =	sdelay $0x1  }
0xf5: {  	(erf) = vpow2.f32 v16;
	_ =	sdelay $0x8  }
0xf6: {  	v16 =	vpop (erf)  }
0xf7: {  	v15 =	vmul.f32 v16, v15;
	_ =	sdelay $0x1  }
0xf8: {  	[tilespmem:v38+s23+$0x0] =	vst.idx.msk $0xffff, v15  }
0xf9: {  	v15 =	vld.idx.msk [tilespmem:v39+s31+$0x0], $0xffff  }
0xfa: {  	v16 =	vld.idx.msk [tilespmem:v40+s0+$0x0], $0xffff;
	_ =	sdelay $0x4  }
0xfb: {  	v15 =	vadd.f32 v16, v15;
	_ =	sdelay $0x1  }
0xfc: {  	v16 =	vmul.f32 $2.000000030e-01, v15  }
0xfd: {  	vm8 =	vge.f32 v15, $0.0e+00  }
0xfe: {  	v15 =	vsel vm8, v15, v16  }
0xff: {  	v15 =	vmin.f32 v15, $6.000000000e+01  }
0x100: {  	v15 =	vmul.f32 $1.442695020e+00, v15;
	_ =	sdelay $0x1  }
0x101: {  	(erf) = vpow2.f32 v15;
	_ =	sdelay $0x4  }
0x102: {  	v15 =	vld [tilespmem:$0x130];
	_ =	sdelay $0x3  }
0x103: {  	v16 =	vpop (erf)  }
0x104: {  	v16 =	vmul.f32 v16, v15;
	_ =	sdelay $0x1  }
0x105: {  	[tilespmem:v41+s23+$0x0] =	vst.idx.msk $0xffff, v16  }
0x106: {  	v16 =	vld.idx.msk [tilespmem:v42+s31+$0x0], $0xffff  }
0x107: {  	v63 =	vld.idx.msk [tilespmem:v43+s0+$0x0], $0xffff;
	_ =	sdelay $0x4  }
0x108: {  	v16 =	vadd.f32 v63, v16;
	_ =	sdelay $0x1  }
0x109: {  	v63 =	vmul.f32 $2.000000030e-01, v16  }
0x10a: {  	vm9 =	vge.f32 v16, $0.0e+00  }
0x10b: {  	v16 =	vsel vm9, v16, v63  }
0x10c: {  	v16 =	vmin.f32 v16, $6.000000000e+01  }
0x10d: {  	v16 =	vmul.f32 $1.442695020e+00, v16;
	_ =	sdelay $0x1  }
0x10e: {  	(erf) = vpow2.f32 v16;
	_ =	sdelay $0x8  }
0x10f: {  	v16 =	vpop (erf)  }
0x110: {  	v16 =	vmul.f32 v16, v15;
	_ =	sdelay $0x1  }
0x111: {  	[tilespmem:v44+s23+$0x0] =	vst.idx.msk $0xffff, v16  }
0x112: {  	v16 =	vld.idx.msk [tilespmem:v45+s31+$0x0], $0xffff  }
0x113: {  	v63 =	vld.idx.msk [tilespmem:v46+s0+$0x0], $0xffff;
	_ =	sdelay $0x4  }
0x114: {  	v16 =	vadd.f32 v63, v16;
	_ =	sdelay $0x1  }
0x115: {  	v63 =	vmul.f32 $2.000000030e-01, v16  }
0x116: {  	vm10 =	vge.f32 v16, $0.0e+00  }
0x117: {  	v16 =	vsel vm10, v16, v63  }
0x118: {  	v16 =	vmin.f32 v16, $6.000000000e+01  }
0x119: {  	v16 =	vmul.f32 $1.442695020e+00, v16;
	_ =	sdelay $0x1  }
0x11a: {  	(erf) = vpow2.f32 v16;
	_ =	sdelay $0x8  }
0x11b: {  	v16 =	vpop (erf)  }
0x11c: {  	v16 =	vmul.f32 v16, v15;
	_ =	sdelay $0x1  }
0x11d: {  	[tilespmem:v47+s23+$0x0] =	vst.idx.msk $0xffff, v16  }
0x11e: {  	v16 =	vld.idx.msk [tilespmem:v48+s31+$0x0], $0xffff  }
0x11f: {  	v63 =	vld.idx.msk [tilespmem:v49+s0+$0x0], $0xffff;
	_ =	sdelay $0x4  }
0x120: {  	v16 =	vadd.f32 v63, v16;
	_ =	sdelay $0x1  }
0x121: {  	v63 =	vmul.f32 $2.000000030e-01, v16  }
0x122: {  	vm11 =	vge.f32 v16, $0.0e+00  }
0x123: {  	v16 =	vsel vm11, v16, v63  }
0x124: {  	v16 =	vmin.f32 v16, $6.000000000e+01  }
0x125: {  	v16 =	vmul.f32 $1.442695020e+00, v16;
	_ =	sdelay $0x1  }
0x126: {  	(erf) = vpow2.f32 v16;
	_ =	sdelay $0x8  }
0x127: {  	v16 =	vpop (erf)  }
0x128: {  	v15 =	vmul.f32 v16, v15;
	_ =	sdelay $0x1  }
0x129: {  	[tilespmem:v50+s23+$0x0] =	vst.idx.msk $0xffff, v15  }
0x12a: {  	v15 =	vld.idx.msk [tilespmem:v51+s31+$0x0], $0xffff  }
0x12b: {  	v16 =	vld.idx.msk [tilespmem:v52+s0+$0x0], $0xffff;
	_ =	sdelay $0x4  }
0x12c: {  	v15 =	vadd.f32 v16, v15;
	_ =	sdelay $0x1  }
0x12d: {  	v16 =	vmul.f32 $2.000000030e-01, v15  }
0x12e: {  	vm12 =	vge.f32 v15, $0.0e+00  }
0x12f: {  	v15 =	vsel vm12, v15, v16  }
0x130: {  	v15 =	vmin.f32 v15, $6.000000000e+01  }
0x131: {  	v15 =	vmul.f32 $1.442695020e+00, v15;
	_ =	sdelay $0x1  }
0x132: {  	(erf) = vpow2.f32 v15;
	_ =	sdelay $0x4  }
0x133: {  	v15 =	vld [tilespmem:$0x140];
	_ =	sdelay $0x3  }
0x134: {  	v16 =	vpop (erf)  }
0x135: {  	v16 =	vmul.f32 v16, v15;
	_ =	sdelay $0x1  }
0x136: {  	[tilespmem:v53+s23+$0x0] =	vst.idx.msk $0xffff, v16  }
0x137: {  	v16 =	vld.idx.msk [tilespmem:v54+s31+$0x0], $0xffff  }
0x138: {  	v63 =	vld.idx.msk [tilespmem:v55+s0+$0x0], $0xffff;
	_ =	sdelay $0x4  }
0x139: {  	v16 =	vadd.f32 v63, v16;
	_ =	sdelay $0x1  }
0x13a: {  	v63 =	vmul.f32 $2.000000030e-01, v16  }
0x13b: {  	vm13 =	vge.f32 v16, $0.0e+00  }
0x13c: {  	v16 =	vsel vm13, v16, v63  }
0x13d: {  	v16 =	vmin.f32 v16, $6.000000000e+01  }
0x13e: {  	v16 =	vmul.f32 $1.442695020e+00, v16;
	_ =	sdelay $0x1  }
0x13f: {  	(erf) = vpow2.f32 v16;
	_ =	sdelay $0x8  }
0x140: {  	v16 =	vpop (erf)  }
0x141: {  	v16 =	vmul.f32 v16, v15;
	_ =	sdelay $0x1  }
0x142: {  	[tilespmem:v56+s23+$0x0] =	vst.idx.msk $0xffff, v16  }
0x143: {  	v16 =	vld.idx.msk [tilespmem:v57+s31+$0x0], $0xffff  }
0x144: {  	v63 =	vld.idx.msk [tilespmem:v58+s0+$0x0], $0xffff;
	_ =	sdelay $0x4  }
0x145: {  	v16 =	vadd.f32 v63, v16;
	_ =	sdelay $0x1  }
0x146: {  	v63 =	vmul.f32 $2.000000030e-01, v16  }
0x147: {  	vm14 =	vge.f32 v16, $0.0e+00  }
0x148: {  	v16 =	vsel vm14, v16, v63  }
0x149: {  	v16 =	vmin.f32 v16, $6.000000000e+01  }
0x14a: {  	v16 =	vmul.f32 $1.442695020e+00, v16;
	_ =	sdelay $0x1  }
0x14b: {  	(erf) = vpow2.f32 v16;
	_ =	sdelay $0x8  }
0x14c: {  	v16 =	vpop (erf)  }
0x14d: {  	v16 =	vmul.f32 v16, v15;
	_ =	sdelay $0x1  }
0x14e: {  	[tilespmem:v59+s23+$0x0] =	vst.idx.msk $0xffff, v16  }
0x14f: {  	v16 =	vld.idx.msk [tilespmem:v60+s31+$0x0], $0xffff  }
0x150: {  	v63 =	vld.idx.msk [tilespmem:v61+s0+$0x0], $0xffff;
	_ =	sdelay $0x4  }
0x151: {  	v16 =	vadd.f32 v63, v16;
	_ =	sdelay $0x1  }
0x152: {  	v63 =	vmul.f32 $2.000000030e-01, v16  }
0x153: {  	vm15 =	vge.f32 v16, $0.0e+00  }
0x154: {  	v16 =	vsel vm15, v16, v63  }
0x155: {  	v16 =	vmin.f32 v16, $6.000000000e+01  }
0x156: {  	v16 =	vmul.f32 $1.442695020e+00, v16;
	_ =	sdelay $0x1  }
0x157: {  	(erf) = vpow2.f32 v16;
	_ =	sdelay $0x7  }
0x158: {  	v16 =	vor.u32 $0x500, v0  }
0x159: {  	v17 =	vor.u32 $0x504, v0;
	v63 =	vpop (erf)  }
0x15a: {  	v15 =	vmul.f32 v63, v15;
	_ =	sdelay $0x1  }
0x15b: {  	[tilespmem:v62+s23+$0x0] =	vst.idx.msk $0xffff, v15  }
0x15c: {  	v15 =	vld.idx.msk [tilespmem:v16+s31+$0x0], $0xffff  }
0x15d: {  	v16 =	vld.idx.msk [tilespmem:v17+s0+$0x0], $0xffff;
	_ =	sdelay $0x4  }
0x15e: {  	v15 =	vadd.f32 v16, v15;
	_ =	sdelay $0x1  }
0x15f: {  	v16 =	vmul.f32 $2.000000030e-01, v15  }
0x160: {  	vm4 =	vge.f32 v15, $0.0e+00  }
0x161: {  	v15 =	vsel vm4, v15, v16  }
0x162: {  	v15 =	vmin.f32 v15, $6.000000000e+01  }
0x163: {  	v15 =	vmul.f32 $1.442695020e+00, v15;
	_ =	sdelay $0x1  }
0x164: {  	(erf) = vpow2.f32 v15;
	_ =	sdelay $0x4  }
0x165: {  	v15 =	vld [tilespmem:$0x150];
	_ =	sdelay $0x1  }
0x166: {  	v16 =	vadd.s32 $0x2D80, v1  }
0x167: {  	v17 =	vor.u32 $0x501, v0  }
0x168: {  	v18 =	vor.u32 $0x505, v0;
	v63 =	vpop (erf)  }
0x169: {  	v63 =	vmul.f32 v63, v15;
	_ =	sdelay $0x1  }
0x16a: {  	[tilespmem:v16+s23+$0x0] =	vst.idx.msk $0xffff, v63  }
0x16b: {  	v16 =	vld.idx.msk [tilespmem:v17+s31+$0x0], $0xffff  }
0x16c: {  	v17 =	vld.idx.msk [tilespmem:v18+s0+$0x0], $0xffff;
	_ =	sdelay $0x4  }
0x16d: {  	v16 =	vadd.f32 v17, v16;
	_ =	sdelay $0x1  }
0x16e: {  	v17 =	vmul.f32 $2.000000030e-01, v16  }
0x16f: {  	vm5 =	vge.f32 v16, $0.0e+00  }
0x170: {  	v16 =	vsel vm5, v16, v17  }
0x171: {  	v16 =	vmin.f32 v16, $6.000000000e+01  }
0x172: {  	v16 =	vmul.f32 $1.442695020e+00, v16;
	_ =	sdelay $0x1  }
0x173: {  	(erf) = vpow2.f32 v16;
	_ =	sdelay $0x6  }
0x174: {  	v16 =	vadd.s32 $0x2D81, v1  }
0x175: {  	v17 =	vor.u32 $0x502, v0  }
0x176: {  	v63 =	vor.u32 $0x506, v0;
	v18 =	vpop (erf)  }
0x177: {  	v18 =	vmul.f32 v18, v15;
	_ =	sdelay $0x1  }
0x178: {  	[tilespmem:v16+s23+$0x0] =	vst.idx.msk $0xffff, v18  }
0x179: {  	v16 =	vld.idx.msk [tilespmem:v17+s31+$0x0], $0xffff  }
0x17a: {  	v17 =	vld.idx.msk [tilespmem:v63+s0+$0x0], $0xffff;
	_ =	sdelay $0x4  }
0x17b: {  	v16 =	vadd.f32 v17, v16;
	_ =	sdelay $0x1  }
0x17c: {  	v17 =	vmul.f32 $2.000000030e-01, v16  }
0x17d: {  	vm6 =	vge.f32 v16, $0.0e+00  }
0x17e: {  	v16 =	vsel vm6, v16, v17  }
0x17f: {  	v16 =	vmin.f32 v16, $6.000000000e+01  }
0x180: {  	v16 =	vmul.f32 $1.442695020e+00, v16;
	_ =	sdelay $0x1  }
0x181: {  	(erf) = vpow2.f32 v16;
	_ =	sdelay $0x6  }
0x182: {  	v16 =	vadd.s32 $0x2D82, v1  }
0x183: {  	v17 =	vor.u32 $0x503, v0  }
0x184: {  	v63 =	vor.u32 $0x507, v0;
	v18 =	vpop (erf)  }
0x185: {  	v18 =	vmul.f32 v18, v15;
	_ =	sdelay $0x1  }
0x186: {  	[tilespmem:v16+s23+$0x0] =	vst.idx.msk $0xffff, v18  }
0x187: {  	v16 =	vld.idx.msk [tilespmem:v17+s31+$0x0], $0xffff  }
0x188: {  	v17 =	vld.idx.msk [tilespmem:v63+s0+$0x0], $0xffff;
	_ =	sdelay $0x4  }
0x189: {  	v16 =	vadd.f32 v17, v16;
	_ =	sdelay $0x1  }
0x18a: {  	v17 =	vmul.f32 $2.000000030e-01, v16  }
0x18b: {  	vm7 =	vge.f32 v16, $0.0e+00  }
0x18c: {  	v16 =	vsel vm7, v16, v17  }
0x18d: {  	v16 =	vmin.f32 v16, $6.000000000e+01  }
0x18e: {  	v16 =	vmul.f32 $1.442695020e+00, v16;
	_ =	sdelay $0x1  }
0x18f: {  	(erf) = vpow2.f32 v16;
	_ =	sdelay $0x6  }
0x190: {  	v16 =	vadd.s32 $0x2D83, v1  }
0x191: {  	v17 =	vor.u32 $0x600, v0  }
0x192: {  	v63 =	vor.u32 $0x604, v0;
	v18 =	vpop (erf)  }
0x193: {  	v15 =	vmul.f32 v18, v15;
	_ =	sdelay $0x1  }
0x194: {  	[tilespmem:v16+s23+$0x0] =	vst.idx.msk $0xffff, v15  }
0x195: {  	v15 =	vld.idx.msk [tilespmem:v17+s31+$0x0], $0xffff  }
0x196: {  	v16 =	vld.idx.msk [tilespmem:v63+s0+$0x0], $0xffff;
	_ =	sdelay $0x4  }
0x197: {  	v15 =	vadd.f32 v16, v15;
	_ =	sdelay $0x1  }
0x198: {  	v16 =	vmul.f32 $2.000000030e-01, v15  }
0x199: {  	vm8 =	vge.f32 v15, $0.0e+00  }
0x19a: {  	v15 =	vsel vm8, v15, v16  }
0x19b: {  	v15 =	vmin.f32 v15, $6.000000000e+01  }
0x19c: {  	v15 =	vmul.f32 $1.442695020e+00, v15;
	_ =	sdelay $0x1  }
0x19d: {  	(erf) = vpow2.f32 v15;
	_ =	sdelay $0x4  }
0x19e: {  	v15 =	vld [tilespmem:$0x160];
	_ =	sdelay $0x1  }
0x19f: {  	v16 =	vadd.s32 $0x3680, v1  }
0x1a0: {  	v17 =	vor.u32 $0x601, v0  }
0x1a1: {  	v63 =	vor.u32 $0x605, v0;
	v18 =	vpop (erf)  }
0x1a2: {  	v18 =	vmul.f32 v18, v15;
	_ =	sdelay $0x1  }
0x1a3: {  	[tilespmem:v16+s23+$0x0] =	vst.idx.msk $0xffff, v18  }
0x1a4: {  	v16 =	vld.idx.msk [tilespmem:v17+s31+$0x0], $0xffff  }
0x1a5: {  	v17 =	vld.idx.msk [tilespmem:v63+s0+$0x0], $0xffff;
	_ =	sdelay $0x4  }
0x1a6: {  	v16 =	vadd.f32 v17, v16;
	_ =	sdelay $0x1  }
0x1a7: {  	v17 =	vmul.f32 $2.000000030e-01, v16  }
0x1a8: {  	vm9 =	vge.f32 v16, $0.0e+00  }
0x1a9: {  	v16 =	vsel vm9, v16, v17  }
0x1aa: {  	v16 =	vmin.f32 v16, $6.000000000e+01  }
0x1ab: {  	v16 =	vmul.f32 $1.442695020e+00, v16;
	_ =	sdelay $0x1  }
0x1ac: {  	(erf) = vpow2.f32 v16;
	_ =	sdelay $0x6  }
0x1ad: {  	v16 =	vadd.s32 $0x3681, v1  }
0x1ae: {  	v17 =	vor.u32 $0x602, v0  }
0x1af: {  	v63 =	vor.u32 $0x606, v0;
	v18 =	vpop (erf)  }
0x1b0: {  	v18 =	vmul.f32 v18, v15;
	_ =	sdelay $0x1  }
0x1b1: {  	[tilespmem:v16+s23+$0x0] =	vst.idx.msk $0xffff, v18  }
0x1b2: {  	v16 =	vld.idx.msk [tilespmem:v17+s31+$0x0], $0xffff  }
0x1b3: {  	v17 =	vld.idx.msk [tilespmem:v63+s0+$0x0], $0xffff;
	_ =	sdelay $0x4  }
0x1b4: {  	v16 =	vadd.f32 v17, v16;
	_ =	sdelay $0x1  }
0x1b5: {  	v17 =	vmul.f32 $2.000000030e-01, v16  }
0x1b6: {  	vm10 =	vge.f32 v16, $0.0e+00  }
0x1b7: {  	v16 =	vsel vm10, v16, v17  }
0x1b8: {  	v16 =	vmin.f32 v16, $6.000000000e+01  }
0x1b9: {  	v16 =	vmul.f32 $1.442695020e+00, v16;
	_ =	sdelay $0x1  }
0x1ba: {  	(erf) = vpow2.f32 v16;
	_ =	sdelay $0x6  }
0x1bb: {  	v16 =	vadd.s32 $0x3682, v1  }
0x1bc: {  	v17 =	vor.u32 $0x603, v0  }
0x1bd: {  	v63 =	vor.u32 $0x607, v0;
	v18 =	vpop (erf)  }
0x1be: {  	v18 =	vmul.f32 v18, v15;
	_ =	sdelay $0x1  }
0x1bf: {  	[tilespmem:v16+s23+$0x0] =	vst.idx.msk $0xffff, v18  }
0x1c0: {  	v16 =	vld.idx.msk [tilespmem:v17+s31+$0x0], $0xffff  }
0x1c1: {  	v17 =	vld.idx.msk [tilespmem:v63+s0+$0x0], $0xffff;
	_ =	sdelay $0x4  }
0x1c2: {  	v16 =	vadd.f32 v17, v16;
	_ =	sdelay $0x1  }
0x1c3: {  	v17 =	vmul.f32 $2.000000030e-01, v16  }
0x1c4: {  	vm11 =	vge.f32 v16, $0.0e+00  }
0x1c5: {  	v16 =	vsel vm11, v16, v17  }
0x1c6: {  	v16 =	vmin.f32 v16, $6.000000000e+01  }
0x1c7: {  	v16 =	vmul.f32 $1.442695020e+00, v16;
	_ =	sdelay $0x1  }
0x1c8: {  	(erf) = vpow2.f32 v16;
	_ =	sdelay $0x6  }
0x1c9: {  	v16 =	vadd.s32 $0x3683, v1  }
0x1ca: {  	v17 =	vor.u32 $0x700, v0  }
0x1cb: {  	v63 =	vor.u32 $0x704, v0;
	v18 =	vpop (erf)  }
0x1cc: {  	v15 =	vmul.f32 v18, v15;
	_ =	sdelay $0x1  }
0x1cd: {  	[tilespmem:v16+s23+$0x0] =	vst.idx.msk $0xffff, v15  }
0x1ce: {  	v15 =	vld.idx.msk [tilespmem:v17+s31+$0x0], $0xffff  }
0x1cf: {  	v16 =	vld.idx.msk [tilespmem:v63+s0+$0x0], $0xffff;
	_ =	sdelay $0x4  }
0x1d0: {  	v15 =	vadd.f32 v16, v15;
	_ =	sdelay $0x1  }
0x1d1: {  	v16 =	vmul.f32 $2.000000030e-01, v15  }
0x1d2: {  	vm12 =	vge.f32 v15, $0.0e+00  }
0x1d3: {  	v15 =	vsel vm12, v15, v16  }
0x1d4: {  	v15 =	vmin.f32 v15, $6.000000000e+01  }
0x1d5: {  	v15 =	vmul.f32 $1.442695020e+00, v15;
	_ =	sdelay $0x1  }
0x1d6: {  	(erf) = vpow2.f32 v15;
	_ =	sdelay $0x4  }
0x1d7: {  	v15 =	vld [tilespmem:$0x170];
	_ =	sdelay $0x1  }
0x1d8: {  	v16 =	vadd.s32 $0x3F80, v1  }
0x1d9: {  	v17 =	vor.u32 $0x701, v0  }
0x1da: {  	v63 =	vor.u32 $0x705, v0;
	v18 =	vpop (erf)  }
0x1db: {  	v18 =	vmul.f32 v18, v15;
	_ =	sdelay $0x1  }
0x1dc: {  	[tilespmem:v16+s23+$0x0] =	vst.idx.msk $0xffff, v18  }
0x1dd: {  	v16 =	vld.idx.msk [tilespmem:v17+s31+$0x0], $0xffff  }
0x1de: {  	v17 =	vld.idx.msk [tilespmem:v63+s0+$0x0], $0xffff;
	_ =	sdelay $0x4  }
0x1df: {  	v16 =	vadd.f32 v17, v16;
	_ =	sdelay $0x1  }
0x1e0: {  	v17 =	vmul.f32 $2.000000030e-01, v16  }
0x1e1: {  	vm13 =	vge.f32 v16, $0.0e+00  }
0x1e2: {  	v16 =	vsel vm13, v16, v17  }
0x1e3: {  	v16 =	vmin.f32 v16, $6.000000000e+01  }
0x1e4: {  	v16 =	vmul.f32 $1.442695020e+00, v16;
	_ =	sdelay $0x1  }
0x1e5: {  	(erf) = vpow2.f32 v16;
	_ =	sdelay $0x6  }
0x1e6: {  	v16 =	vadd.s32 $0x3F81, v1  }
0x1e7: {  	v17 =	vor.u32 $0x702, v0  }
0x1e8: {  	v63 =	vor.u32 $0x706, v0;
	v18 =	vpop (erf)  }
0x1e9: {  	v18 =	vmul.f32 v18, v15;
	_ =	sdelay $0x1  }
0x1ea: {  	[tilespmem:v16+s23+$0x0] =	vst.idx.msk $0xffff, v18  }
0x1eb: {  	v16 =	vld.idx.msk [tilespmem:v17+s31+$0x0], $0xffff  }
0x1ec: {  	v17 =	vld.idx.msk [tilespmem:v63+s0+$0x0], $0xffff;
	_ =	sdelay $0x4  }
0x1ed: {  	v16 =	vadd.f32 v17, v16;
	_ =	sdelay $0x1  }
0x1ee: {  	v17 =	vmul.f32 $2.000000030e-01, v16  }
0x1ef: {  	vm14 =	vge.f32 v16, $0.0e+00  }
0x1f0: {  	v16 =	vsel vm14, v16, v17  }
0x1f1: {  	v16 =	vmin.f32 v16, $6.000000000e+01  }
0x1f2: {  	v16 =	vmul.f32 $1.442695020e+00, v16;
	_ =	sdelay $0x1  }
0x1f3: {  	(erf) = vpow2.f32 v16;
	_ =	sdelay $0x6  }
0x1f4: {  	v16 =	vadd.s32 $0x3F82, v1  }
0x1f5: {  	v17 =	vor.u32 $0x703, v0  }
0x1f6: {  	v63 =	vor.u32 $0x707, v0;
	v18 =	vpop (erf)  }
0x1f7: {  	v18 =	vmul.f32 v18, v15;
	_ =	sdelay $0x1  }
0x1f8: {  	[tilespmem:v16+s23+$0x0] =	vst.idx.msk $0xffff, v18  }
0x1f9: {  	v16 =	vld.idx.msk [tilespmem:v17+s31+$0x0], $0xffff  }
0x1fa: {  	v17 =	vld.idx.msk [tilespmem:v63+s0+$0x0], $0xffff;
	_ =	sdelay $0x4  }
0x1fb: {  	v16 =	vadd.f32 v17, v16;
	_ =	sdelay $0x1  }
0x1fc: {  	v17 =	vmul.f32 $2.000000030e-01, v16  }
0x1fd: {  	vm15 =	vge.f32 v16, $0.0e+00  }
0x1fe: {  	v16 =	vsel vm15, v16, v17  }
0x1ff: {  	v16 =	vmin.f32 v16, $6.000000000e+01  }
0x200: {  	v16 =	vmul.f32 $1.442695020e+00, v16;
	_ =	sdelay $0x1  }
0x201: {  	(erf) = vpow2.f32 v16;
	_ =	sdelay $0x6  }
0x202: {  	v16 =	vadd.s32 $0x3F83, v1;
	_ =	sdelay $0x1  }
0x203: {  	v17 =	vpop (erf)  }
0x204: {  	v15 =	vmul.f32 v17, v15;
	_ =	sdelay $0x1  }
0x205: {  	[tilespmem:v16+s23+$0x0] =	vst.idx.msk $0xffff, v15  }
0x206: {  	_ =	swait.ge [sflag:s30], $0x4000  }
0x207: {  	[sflag:s30] =	ssyncset.done $0x0  }
0x208: {  	s16 =	simm.s32 $0x52A0;
	[sflag:s30] =	ssyncadd.s32 $0xFFFFC000  }
0x209: {  	v15 =	vld [tilespmem:s16+$0xFFFFFF60]  }
0x20a: {  	s17 =	simm.s32 $0x1280  }
0x20b: {  	v16 =	vld [tilespmem:s17+$0xFFFFFF00];
	_ =	sdelay $0x2  }
0x20c: {  	v17 =	vbroadcast v15, $0x0;
	_ =	sdelay $0x1  }
0x20d: {  	v16 =	vmul.f32 v17, v16;
	_ =	sdelay $0x1  }
0x20e: {  	[tilespmem:s16+$0xFFFFFEE0] =	vst v16  }
0x20f: {  	v16 =	vld [tilespmem:s17+$0xFFFFFF10];
	_ =	sdelay $0x4  }
0x210: {  	v16 =	vmul.f32 v16, v17;
	_ =	sdelay $0x1  }
0x211: {  	[tilespmem:s16+$0xFFFFFEF0] =	vst v16  }
0x212: {  	v16 =	vld [tilespmem:s17+$0xFFFFFF20];
	_ =	sdelay $0x2  }
0x213: {  	v17 =	vbroadcast v15, $0x1;
	_ =	sdelay $0x1  }
0x214: {  	v16 =	vmul.f32 v16, v17;
	_ =	sdelay $0x1  }
0x215: {  	[tilespmem:s16+$0xFFFFFF00] =	vst v16  }
0x216: {  	v16 =	vld [tilespmem:s17+$0xFFFFFF30];
	_ =	sdelay $0x4  }
0x217: {  	v16 =	vmul.f32 v16, v17;
	_ =	sdelay $0x1  }
0x218: {  	[tilespmem:s16+$0xFFFFFF10] =	vst v16  }
0x219: {  	v16 =	vld [tilespmem:s17+$0xFFFFFF40];
	_ =	sdelay $0x2  }
0x21a: {  	v17 =	vbroadcast v15, $0x2;
	_ =	sdelay $0x1  }
0x21b: {  	v16 =	vmul.f32 v16, v17;
	_ =	sdelay $0x1  }
0x21c: {  	[tilespmem:s16+$0xFFFFFF20] =	vst v16  }
0x21d: {  	v16 =	vld [tilespmem:s17+$0xFFFFFF50];
	_ =	sdelay $0x4  }
0x21e: {  	v16 =	vmul.f32 v16, v17;
	_ =	sdelay $0x1  }
0x21f: {  	[tilespmem:s16+$0xFFFFFF30] =	vst v16  }
0x220: {  	v16 =	vld [tilespmem:s17+$0xFFFFFF60];
	_ =	sdelay $0x2  }
0x221: {  	v15 =	vbroadcast v15, $0x3;
	_ =	sdelay $0x1  }
0x222: {  	v16 =	vmul.f32 v16, v15;
	_ =	sdelay $0x1  }
0x223: {  	[tilespmem:s16+$0xFFFFFF40] =	vst v16  }
0x224: {  	v16 =	vld [tilespmem:s17+$0xFFFFFF70];
	_ =	sdelay $0x4  }
0x225: {  	v15 =	vmul.f32 v16, v15  }
0x226: {  	v16 =	vld [tilespmem:s16+$0xFFFFFFF0]  }
0x227: {  	[tilespmem:s16+$0xFFFFFF50] =	vst v15  }
0x228: {  	v15 =	vld [tilespmem:s17+$0xFFFFFF80];
	_ =	sdelay $0x2  }
0x229: {  	v17 =	vbroadcast v16, $0x0;
	_ =	sdelay $0x1  }
0x22a: {  	v15 =	vmul.f32 v17, v15;
	_ =	sdelay $0x1  }
0x22b: {  	[tilespmem:s16+$0xFFFFFF70] =	vst v15  }
0x22c: {  	v15 =	vld [tilespmem:s17+$0xFFFFFF90];
	_ =	sdelay $0x4  }
0x22d: {  	v15 =	vmul.f32 v15, v17;
	_ =	sdelay $0x1  }
0x22e: {  	[tilespmem:s16+$0xFFFFFF80] =	vst v15  }
0x22f: {  	v15 =	vld [tilespmem:s17+$0xFFFFFFA0];
	_ =	sdelay $0x2  }
0x230: {  	v17 =	vbroadcast v16, $0x1;
	_ =	sdelay $0x1  }
0x231: {  	v15 =	vmul.f32 v15, v17;
	_ =	sdelay $0x1  }
0x232: {  	[tilespmem:s16+$0xFFFFFF90] =	vst v15  }
0x233: {  	v15 =	vld [tilespmem:s17+$0xFFFFFFB0];
	_ =	sdelay $0x4  }
0x234: {  	v15 =	vmul.f32 v15, v17;
	_ =	sdelay $0x1  }
0x235: {  	[tilespmem:s16+$0xFFFFFFA0] =	vst v15  }
0x236: {  	v15 =	vld [tilespmem:s17+$0xFFFFFFC0];
	_ =	sdelay $0x2  }
0x237: {  	v17 =	vbroadcast v16, $0x2;
	_ =	sdelay $0x1  }
0x238: {  	v15 =	vmul.f32 v15, v17;
	_ =	sdelay $0x1  }
0x239: {  	[tilespmem:s16+$0xFFFFFFB0] =	vst v15  }
0x23a: {  	v15 =	vld [tilespmem:s17+$0xFFFFFFD0];
	_ =	sdelay $0x4  }
0x23b: {  	v15 =	vmul.f32 v15, v17;
	_ =	sdelay $0x1  }
0x23c: {  	[tilespmem:s16+$0xFFFFFFC0] =	vst v15  }
0x23d: {  	v15 =	vld [tilespmem:s17+$0xFFFFFFE0];
	_ =	sdelay $0x2  }
0x23e: {  	v16 =	vbroadcast v16, $0x3;
	_ =	sdelay $0x1  }
0x23f: {  	v15 =	vmul.f32 v15, v16;
	_ =	sdelay $0x1  }
0x240: {  	[tilespmem:s16+$0xFFFFFFD0] =	vst v15  }
0x241: {  	v15 =	vld [tilespmem:s17+$0xFFFFFFF0];
	_ =	sdelay $0x4  }
0x242: {  	v15 =	vmul.f32 v15, v16  }
0x243: {  	v16 =	vld [tilespmem:s16+$0x80]  }
0x244: {  	[tilespmem:s16+$0xFFFFFFE0] =	vst v15  }
0x245: {  	v15 =	vld [tilespmem:s17+$0x0];
	_ =	sdelay $0x2  }
0x246: {  	v17 =	vbroadcast v16, $0x0;
	_ =	sdelay $0x1  }
0x247: {  	v15 =	vmul.f32 v17, v15;
	_ =	sdelay $0x1  }
0x248: {  	[tilespmem:s16+$0x0] =	vst v15  }
0x249: {  	v15 =	vld [tilespmem:s17+$0x10];
	_ =	sdelay $0x4  }
0x24a: {  	v15 =	vmul.f32 v15, v17;
	_ =	sdelay $0x1  }
0x24b: {  	[tilespmem:s16+$0x10] =	vst v15  }
0x24c: {  	v15 =	vld [tilespmem:s17+$0x20];
	_ =	sdelay $0x2  }
0x24d: {  	v17 =	vbroadcast v16, $0x1;
	_ =	sdelay $0x1  }
0x24e: {  	v15 =	vmul.f32 v15, v17;
	_ =	sdelay $0x1  }
0x24f: {  	[tilespmem:s16+$0x20] =	vst v15  }
0x250: {  	v15 =	vld [tilespmem:s17+$0x30];
	_ =	sdelay $0x4  }
0x251: {  	v15 =	vmul.f32 v15, v17;
	_ =	sdelay $0x1  }
0x252: {  	[tilespmem:s16+$0x30] =	vst v15  }
0x253: {  	v15 =	vld [tilespmem:s17+$0x40];
	_ =	sdelay $0x2  }
0x254: {  	v17 =	vbroadcast v16, $0x2;
	_ =	sdelay $0x1  }
0x255: {  	v15 =	vmul.f32 v15, v17;
	_ =	sdelay $0x1  }
0x256: {  	[tilespmem:s16+$0x40] =	vst v15  }
0x257: {  	v15 =	vld [tilespmem:s17+$0x50];
	_ =	sdelay $0x4  }
0x258: {  	v15 =	vmul.f32 v15, v17;
	_ =	sdelay $0x1  }
0x259: {  	[tilespmem:s16+$0x50] =	vst v15  }
0x25a: {  	v15 =	vld [tilespmem:s17+$0x60];
	_ =	sdelay $0x2  }
0x25b: {  	v16 =	vbroadcast v16, $0x3;
	_ =	sdelay $0x1  }
0x25c: {  	v15 =	vmul.f32 v15, v16;
	_ =	sdelay $0x1  }
0x25d: {  	[tilespmem:s16+$0x60] =	vst v15  }
0x25e: {  	v15 =	vld [tilespmem:s17+$0x70];
	_ =	sdelay $0x4  }
0x25f: {  	v15 =	vmul.f32 v15, v16  }
0x260: {  	v16 =	vld [tilespmem:s16+$0x110]  }
0x261: {  	[tilespmem:s16+$0x70] =	vst v15  }
0x262: {  	v15 =	vld [tilespmem:s17+$0x80];
	_ =	sdelay $0x2  }
0x263: {  	v17 =	vbroadcast v16, $0x0;
	_ =	sdelay $0x1  }
0x264: {  	v15 =	vmul.f32 v17, v15;
	_ =	sdelay $0x1  }
0x265: {  	[tilespmem:s16+$0x90] =	vst v15  }
0x266: {  	v15 =	vld [tilespmem:s17+$0x90];
	_ =	sdelay $0x4  }
0x267: {  	v15 =	vmul.f32 v15, v17;
	_ =	sdelay $0x1  }
0x268: {  	[tilespmem:s16+$0xA0] =	vst v15  }
0x269: {  	v15 =	vld [tilespmem:s17+$0xA0];
	_ =	sdelay $0x2  }
0x26a: {  	v17 =	vbroadcast v16, $0x1;
	_ =	sdelay $0x1  }
0x26b: {  	v15 =	vmul.f32 v15, v17;
	_ =	sdelay $0x1  }
0x26c: {  	[tilespmem:s16+$0xB0] =	vst v15  }
0x26d: {  	v15 =	vld [tilespmem:s17+$0xB0];
	_ =	sdelay $0x4  }
0x26e: {  	v15 =	vmul.f32 v15, v17;
	_ =	sdelay $0x1  }
0x26f: {  	[tilespmem:s16+$0xC0] =	vst v15  }
0x270: {  	v15 =	vld [tilespmem:s17+$0xC0];
	_ =	sdelay $0x2  }
0x271: {  	v17 =	vbroadcast v16, $0x2;
	_ =	sdelay $0x1  }
0x272: {  	v15 =	vmul.f32 v15, v17;
	_ =	sdelay $0x1  }
0x273: {  	[tilespmem:s16+$0xD0] =	vst v15  }
0x274: {  	v15 =	vld [tilespmem:s17+$0xD0];
	_ =	sdelay $0x4  }
0x275: {  	v15 =	vmul.f32 v15, v17;
	_ =	sdelay $0x1  }
0x276: {  	[tilespmem:s16+$0xE0] =	vst v15  }
0x277: {  	v15 =	vld [tilespmem:s17+$0xE0];
	_ =	sdelay $0x2  }
0x278: {  	v16 =	vbroadcast v16, $0x3;
	_ =	sdelay $0x1  }
0x279: {  	v15 =	vmul.f32 v15, v16;
	_ =	sdelay $0x1  }
0x27a: {  	[tilespmem:s16+$0xF0] =	vst v15  }
0x27b: {  	v15 =	vld [tilespmem:s17+$0xF0];
	_ =	sdelay $0x4  }
0x27c: {  	s18 =	simm.s32 $0x0;
	s19 =	simm.s32 $0x54E0;
	v63 =	vmul.f32 v15, v16  }
.LBB2_7:
0x27d: {  	v15 =	vld [tilespmem:s19+$0xFFFFFF60];
	s18 =	sadd.s32 $0x4, s18  }
0x27e: {  	s17 =	sadd.s32 $0x200, s17;
	p0 =	slt.u32 s18, $0x7C;
	[tilespmem:s16+$0x100] =	vst v63;
	s16 =	smov.u32 s19  }
0x27f: {  	v16 =	vld [tilespmem:s17+$0xFFFFFF00];
	_ =	sdelay $0x2  }
0x280: {  	v17 =	vbroadcast v15, $0x0;
	_ =	sdelay $0x1  }
0x281: {  	v16 =	vmul.f32 v17, v16;
	_ =	sdelay $0x1  }
0x282: {  	[tilespmem:s19+$0xFFFFFEE0] =	vst v16  }
0x283: {  	v16 =	vld [tilespmem:s17+$0xFFFFFF10];
	_ =	sdelay $0x4  }
0x284: {  	v16 =	vmul.f32 v16, v17;
	_ =	sdelay $0x1  }
0x285: {  	[tilespmem:s19+$0xFFFFFEF0] =	vst v16  }
0x286: {  	v16 =	vld [tilespmem:s17+$0xFFFFFF20];
	_ =	sdelay $0x2  }
0x287: {  	v17 =	vbroadcast v15, $0x1;
	_ =	sdelay $0x1  }
0x288: {  	v16 =	vmul.f32 v16, v17;
	_ =	sdelay $0x1  }
0x289: {  	[tilespmem:s19+$0xFFFFFF00] =	vst v16  }
0x28a: {  	v16 =	vld [tilespmem:s17+$0xFFFFFF30];
	_ =	sdelay $0x4  }
0x28b: {  	v16 =	vmul.f32 v16, v17;
	_ =	sdelay $0x1  }
0x28c: {  	[tilespmem:s19+$0xFFFFFF10] =	vst v16  }
0x28d: {  	v16 =	vld [tilespmem:s17+$0xFFFFFF40];
	_ =	sdelay $0x2  }
0x28e: {  	v17 =	vbroadcast v15, $0x2;
	_ =	sdelay $0x1  }
0x28f: {  	v16 =	vmul.f32 v16, v17;
	_ =	sdelay $0x1  }
0x290: {  	[tilespmem:s19+$0xFFFFFF20] =	vst v16  }
0x291: {  	v16 =	vld [tilespmem:s17+$0xFFFFFF50];
	_ =	sdelay $0x4  }
0x292: {  	v16 =	vmul.f32 v16, v17;
	_ =	sdelay $0x1  }
0x293: {  	[tilespmem:s19+$0xFFFFFF30] =	vst v16  }
0x294: {  	v16 =	vld [tilespmem:s17+$0xFFFFFF60];
	_ =	sdelay $0x2  }
0x295: {  	v15 =	vbroadcast v15, $0x3;
	_ =	sdelay $0x1  }
0x296: {  	v16 =	vmul.f32 v16, v15;
	_ =	sdelay $0x1  }
0x297: {  	[tilespmem:s19+$0xFFFFFF40] =	vst v16  }
0x298: {  	v16 =	vld [tilespmem:s17+$0xFFFFFF70];
	_ =	sdelay $0x4  }
0x299: {  	v15 =	vmul.f32 v16, v15  }
0x29a: {  	v16 =	vld [tilespmem:s19+$0xFFFFFFF0]  }
0x29b: {  	[tilespmem:s19+$0xFFFFFF50] =	vst v15  }
0x29c: {  	v15 =	vld [tilespmem:s17+$0xFFFFFF80];
	_ =	sdelay $0x2  }
0x29d: {  	v17 =	vbroadcast v16, $0x0;
	_ =	sdelay $0x1  }
0x29e: {  	v15 =	vmul.f32 v17, v15;
	_ =	sdelay $0x1  }
0x29f: {  	[tilespmem:s19+$0xFFFFFF70] =	vst v15  }
0x2a0: {  	v15 =	vld [tilespmem:s17+$0xFFFFFF90];
	_ =	sdelay $0x4  }
0x2a1: {  	v15 =	vmul.f32 v15, v17;
	_ =	sdelay $0x1  }
0x2a2: {  	[tilespmem:s19+$0xFFFFFF80] =	vst v15  }
0x2a3: {  	v15 =	vld [tilespmem:s17+$0xFFFFFFA0];
	_ =	sdelay $0x2  }
0x2a4: {  	v17 =	vbroadcast v16, $0x1;
	_ =	sdelay $0x1  }
0x2a5: {  	v15 =	vmul.f32 v15, v17;
	_ =	sdelay $0x1  }
0x2a6: {  	[tilespmem:s19+$0xFFFFFF90] =	vst v15  }
0x2a7: {  	v15 =	vld [tilespmem:s17+$0xFFFFFFB0];
	_ =	sdelay $0x4  }
0x2a8: {  	v15 =	vmul.f32 v15, v17;
	_ =	sdelay $0x1  }
0x2a9: {  	[tilespmem:s19+$0xFFFFFFA0] =	vst v15  }
0x2aa: {  	v15 =	vld [tilespmem:s17+$0xFFFFFFC0];
	_ =	sdelay $0x2  }
0x2ab: {  	v17 =	vbroadcast v16, $0x2;
	_ =	sdelay $0x1  }
0x2ac: {  	v15 =	vmul.f32 v15, v17;
	_ =	sdelay $0x1  }
0x2ad: {  	[tilespmem:s19+$0xFFFFFFB0] =	vst v15  }
0x2ae: {  	v15 =	vld [tilespmem:s17+$0xFFFFFFD0];
	_ =	sdelay $0x4  }
0x2af: {  	v15 =	vmul.f32 v15, v17;
	_ =	sdelay $0x1  }
0x2b0: {  	[tilespmem:s19+$0xFFFFFFC0] =	vst v15  }
0x2b1: {  	v15 =	vld [tilespmem:s17+$0xFFFFFFE0];
	_ =	sdelay $0x2  }
0x2b2: {  	v16 =	vbroadcast v16, $0x3;
	_ =	sdelay $0x1  }
0x2b3: {  	v15 =	vmul.f32 v15, v16;
	_ =	sdelay $0x1  }
0x2b4: {  	[tilespmem:s19+$0xFFFFFFD0] =	vst v15  }
0x2b5: {  	v15 =	vld [tilespmem:s17+$0xFFFFFFF0];
	_ =	sdelay $0x4  }
0x2b6: {  	v15 =	vmul.f32 v15, v16  }
0x2b7: {  	v16 =	vld [tilespmem:s19+$0x80]  }
0x2b8: {  	[tilespmem:s19+$0xFFFFFFE0] =	vst v15  }
0x2b9: {  	v15 =	vld [tilespmem:s17+$0x0];
	_ =	sdelay $0x2  }
0x2ba: {  	v17 =	vbroadcast v16, $0x0;
	_ =	sdelay $0x1  }
0x2bb: {  	v15 =	vmul.f32 v17, v15;
	_ =	sdelay $0x1  }
0x2bc: {  	[tilespmem:s19+$0x0] =	vst v15  }
0x2bd: {  	v15 =	vld [tilespmem:s17+$0x10];
	_ =	sdelay $0x4  }
0x2be: {  	v15 =	vmul.f32 v15, v17;
	_ =	sdelay $0x1  }
0x2bf: {  	[tilespmem:s19+$0x10] =	vst v15  }
0x2c0: {  	v15 =	vld [tilespmem:s17+$0x20];
	_ =	sdelay $0x2  }
0x2c1: {  	v17 =	vbroadcast v16, $0x1;
	_ =	sdelay $0x1  }
0x2c2: {  	v15 =	vmul.f32 v15, v17;
	_ =	sdelay $0x1  }
0x2c3: {  	[tilespmem:s19+$0x20] =	vst v15  }
0x2c4: {  	v15 =	vld [tilespmem:s17+$0x30];
	_ =	sdelay $0x4  }
0x2c5: {  	v15 =	vmul.f32 v15, v17;
	_ =	sdelay $0x1  }
0x2c6: {  	[tilespmem:s19+$0x30] =	vst v15  }
0x2c7: {  	v15 =	vld [tilespmem:s17+$0x40];
	_ =	sdelay $0x2  }
0x2c8: {  	v17 =	vbroadcast v16, $0x2;
	_ =	sdelay $0x1  }
0x2c9: {  	v15 =	vmul.f32 v15, v17;
	_ =	sdelay $0x1  }
0x2ca: {  	[tilespmem:s19+$0x40] =	vst v15  }
0x2cb: {  	v15 =	vld [tilespmem:s17+$0x50];
	_ =	sdelay $0x4  }
0x2cc: {  	v15 =	vmul.f32 v15, v17;
	_ =	sdelay $0x1  }
0x2cd: {  	[tilespmem:s19+$0x50] =	vst v15  }
0x2ce: {  	v15 =	vld [tilespmem:s17+$0x60];
	_ =	sdelay $0x2  }
0x2cf: {  	v16 =	vbroadcast v16, $0x3;
	_ =	sdelay $0x1  }
0x2d0: {  	v15 =	vmul.f32 v15, v16;
	_ =	sdelay $0x1  }
0x2d1: {  	[tilespmem:s19+$0x60] =	vst v15  }
0x2d2: {  	v15 =	vld [tilespmem:s17+$0x70];
	_ =	sdelay $0x4  }
0x2d3: {  	v15 =	vmul.f32 v15, v16  }
0x2d4: {  	v16 =	vld [tilespmem:s19+$0x110]  }
0x2d5: {  	[tilespmem:s19+$0x70] =	vst v15  }
0x2d6: {  	v15 =	vld [tilespmem:s17+$0x80];
	_ =	sdelay $0x2  }
0x2d7: {  	v17 =	vbroadcast v16, $0x0;
	_ =	sdelay $0x1  }
0x2d8: {  	v15 =	vmul.f32 v17, v15;
	_ =	sdelay $0x1  }
0x2d9: {  	[tilespmem:s19+$0x90] =	vst v15  }
0x2da: {  	v15 =	vld [tilespmem:s17+$0x90];
	_ =	sdelay $0x4  }
0x2db: {  	v15 =	vmul.f32 v15, v17;
	_ =	sdelay $0x1  }
0x2dc: {  	[tilespmem:s19+$0xA0] =	vst v15  }
0x2dd: {  	v15 =	vld [tilespmem:s17+$0xA0];
	_ =	sdelay $0x2  }
0x2de: {  	v17 =	vbroadcast v16, $0x1;
	_ =	sdelay $0x1  }
0x2df: {  	v15 =	vmul.f32 v15, v17;
	_ =	sdelay $0x1  }
0x2e0: {  	[tilespmem:s19+$0xB0] =	vst v15  }
0x2e1: {  	v15 =	vld [tilespmem:s17+$0xB0];
	_ =	sdelay $0x4  }
0x2e2: {  	v15 =	vmul.f32 v15, v17;
	_ =	sdelay $0x1  }
0x2e3: {  	[tilespmem:s19+$0xC0] =	vst v15  }
0x2e4: {  	v15 =	vld [tilespmem:s17+$0xC0];
	_ =	sdelay $0x2  }
0x2e5: {  	v17 =	vbroadcast v16, $0x2;
	_ =	sdelay $0x1  }
0x2e6: {  	v15 =	vmul.f32 v15, v17;
	_ =	sdelay $0x1  }
0x2e7: {  	[tilespmem:s19+$0xD0] =	vst v15  }
0x2e8: {  	v15 =	vld [tilespmem:s17+$0xD0];
	_ =	sdelay $0x4  }
0x2e9: {  	v15 =	vmul.f32 v15, v17;
	_ =	sdelay $0x1  }
0x2ea: {  	[tilespmem:s19+$0xE0] =	vst v15  }
0x2eb: {  	v15 =	vld [tilespmem:s17+$0xE0];
	_ =	sdelay $0x2  }
0x2ec: {  	v16 =	vbroadcast v16, $0x3;
	_ =	sdelay $0x1  }
0x2ed: {  	v15 =	vmul.f32 v15, v16;
	_ =	sdelay $0x1  }
0x2ee: {  	[tilespmem:s19+$0xF0] =	vst v15  }
0x2ef: {  	v15 =	vld [tilespmem:s17+$0xF0]  }
.Ltmp2:
0x2f0: {  	(pc) =	sbr.rel @p0 .LBB2_7-.Ltmp2, $2  }
0x2f1: {  	_ =	sdelay $0x2  }
0x2f2: {  	s19 =	sadd.s32 $0x240, s19;
	v63 =	vmul.f32 v15, v16  }
0x2f3: {  	s15 =	sadd.s32 $0x1, s15  }
0x2f4: {  	p0 =	sne.s32 s15, $0x4E  }
.Ltmp3:
0x2f5: {  	[tilespmem:s16+$0x100] =	vst v63;
	(pc) =	sbr.rel @p0 .LBB2_6-.Ltmp3, $4  }
0x2f6: {  	[spmem:s3] =	stream.indirect.scatter.add.f32 [tilespmem:s23], [sflag:$0x4], $0x90, s25, s25, $0xb8;
	[tilespmem:$0x1F910] =	vst v63  }
0x2f7: {  	_ =	swait.ge [sflag:s24], $0x4800  }
0x2f8: {  	[sflag:s24] =	ssyncset.done $0x0  }
0x2f9: {  	[sflag:s24] =	ssyncadd.s32 $0xFFFFB800  }
0x2fa: {  	s15 =	simm.s32 $0x0;
	s16 =	simm.s32 $0x240  }
.LBB2_10:
0x2fb: {  	p0 =	sne.s32 s16, $0xF9C0;
	[tilespmem:s15+$0x5B00] =	vst v2  }
0x2fc: {  	[tilespmem:s15+$0x5A80] =	vst v2  }
0x2fd: {  	[tilespmem:s15+$0x5A90] =	vst v2  }
0x2fe: {  	[tilespmem:s15+$0x5AA0] =	vst v2  }
.Ltmp4:
0x2ff: {  	[tilespmem:s15+$0x5AB0] =	vst v2;
	(pc) =	sbr.rel @p0 .LBB2_10-.Ltmp4, $4  }
0x300: {  	[tilespmem:s15+$0x5AC0] =	vst v2  }
0x301: {  	[tilespmem:s15+$0x5AD0] =	vst v2  }
0x302: {  	[tilespmem:s15+$0x5AE0] =	vst v2  }
0x303: {  	[tilespmem:s15+$0x5AF0] =	vst v2;
	s15 =	sshra.s32 s16, $0x2;
	s16 =	sadd.s32 $0x240, s16  }
0x304: {  	[tilespmem:s15+$0x5B00] =	vst v2  }
0x305: {  	[tilespmem:s15+$0x5A80] =	vst v2  }
0x306: {  	[tilespmem:s15+$0x5A90] =	vst v2  }
0x307: {  	[tilespmem:s15+$0x5AA0] =	vst v2  }
0x308: {  	[tilespmem:s15+$0x5AB0] =	vst v2  }
0x309: {  	[tilespmem:s15+$0x5AC0] =	vst v2  }
0x30a: {  	[tilespmem:s15+$0x5AD0] =	vst v2  }
0x30b: {  	[tilespmem:s15+$0x5AE0] =	vst v2  }
0x30c: {  	[tilespmem:s15+$0x5AF0] =	vst v2;
	s17 =	rddreg [dreg:$0x5]  }
0x30d: {  	[tilespmem:s4], [sflag:$0x1] =	stream.linear.gather [hbm4b:s17+s4], $0x10, $0x38;
	[tilespmem:$0x1F910] =	vst v63  }
0x30e: {  	s18 =	rddreg [dreg:$0x6]  }
0x30f: {  	[tilespmem:s25], [sflag:$0x2] =	stream.linear.gather [hbm4b:s18+s4], $0x10, $0x38;
	[tilespmem:$0x1F910] =	vst v63  }
0x310: {  	s19 =	rddreg [dreg:$0x7]  }
0x311: {  	[tilespmem:s26], [sflag:$0x3] =	stream.linear.gather [hbm4b:s19+s4], $0x10, $0x38;
	[tilespmem:$0x1F910] =	vst v63  }
0x312: {  	_ =	swait.ge [sflag:s28], $0x10  }
0x313: {  	[sflag:s28] =	ssyncset.done $0x0  }
0x314: {  	[sflag:s28] =	ssyncadd.s32 $0xFFFFFFF0  }
0x315: {  	_ =	swait.ge [sflag:s29], $0x10  }
0x316: {  	[sflag:s29] =	ssyncset.done $0x0  }
0x317: {  	[sflag:s29] =	ssyncadd.s32 $0xFFFFFFF0  }
0x318: {  	_ =	swait.ge [sflag:s30], $0x10  }
0x319: {  	[sflag:s30] =	ssyncset.done $0x0  }
0x31a: {  	[sflag:s30] =	ssyncadd.s32 $0xFFFFFFF0  }
0x31b: {  	[tilespmem:s31], [sflag:$0x1] =	stream.indirect.gather [hbm4b:s7+s25], $0x10, s4, s25, $0xb8;
	[tilespmem:$0x1F910] =	vst v63  }
0x31c: {  	_ = 	snop  }
0x31d: {  	[tilespmem:s0], [sflag:$0x2] =	stream.indirect.gather [hbm4b:s7+s25], $0x10, s25, s25, $0xb8;
	[tilespmem:$0x1F910] =	vst v63  }
0x31e: {  	_ = 	snop  }
0x31f: {  	[tilespmem:s6], [sflag:$0x3] =	stream.indirect.gather [hbm4b:s2+s25], $0x80, s4, s25, $0xb8;
	[tilespmem:$0x1F910] =	vst v63  }
0x320: {  	_ =	swait.ge [sflag:s28], $0x800  }
0x321: {  	[sflag:s28] =	ssyncset.done $0x0  }
0x322: {  	[sflag:s28] =	ssyncadd.s32 $0xFFFFF800  }
0x323: {  	_ =	swait.ge [sflag:s29], $0x800  }
0x324: {  	[sflag:s29] =	ssyncset.done $0x0  }
0x325: {  	[sflag:s29] =	ssyncadd.s32 $0xFFFFF800  }
0x326: {  	v15 =	vld.idx.msk [tilespmem:v0+s31+$0x0], $0xffff  }
0x327: {  	v16 =	vld.idx.msk [tilespmem:v4+s0+$0x0], $0xffff;
	_ =	sdelay $0x4  }
0x328: {  	v15 =	vadd.f32 v16, v15;
	_ =	sdelay $0x1  }
0x329: {  	v16 =	vmul.f32 $2.000000030e-01, v15  }
0x32a: {  	vm0 =	vge.f32 v15, $0.0e+00  }
0x32b: {  	v15 =	vsel vm0, v15, v16  }
0x32c: {  	v15 =	vmin.f32 v15, $6.000000000e+01  }
0x32d: {  	v15 =	vmul.f32 $1.442695020e+00, v15;
	_ =	sdelay $0x1  }
0x32e: {  	(erf) = vpow2.f32 v15;
	_ =	sdelay $0x4  }
0x32f: {  	v15 =	vld [tilespmem:$0x100];
	_ =	sdelay $0x3  }
0x330: {  	v16 =	vpop (erf)  }
0x331: {  	v16 =	vmul.f32 v16, v15;
	_ =	sdelay $0x1  }
0x332: {  	[tilespmem:v5+s23+$0x0] =	vst.idx.msk $0xffff, v16  }
0x333: {  	v16 =	vld.idx.msk [tilespmem:v6+s31+$0x0], $0xffff  }
0x334: {  	v17 =	vld.idx.msk [tilespmem:v7+s0+$0x0], $0xffff;
	_ =	sdelay $0x4  }
0x335: {  	v16 =	vadd.f32 v17, v16;
	_ =	sdelay $0x1  }
0x336: {  	v17 =	vmul.f32 $2.000000030e-01, v16  }
0x337: {  	vm13 =	vge.f32 v16, $0.0e+00  }
0x338: {  	v16 =	vsel vm13, v16, v17  }
0x339: {  	v16 =	vmin.f32 v16, $6.000000000e+01  }
0x33a: {  	v16 =	vmul.f32 $1.442695020e+00, v16;
	_ =	sdelay $0x1  }
0x33b: {  	(erf) = vpow2.f32 v16;
	_ =	sdelay $0x8  }
0x33c: {  	v16 =	vpop (erf)  }
0x33d: {  	v16 =	vmul.f32 v16, v15;
	_ =	sdelay $0x1  }
0x33e: {  	[tilespmem:v8+s23+$0x0] =	vst.idx.msk $0xffff, v16  }
0x33f: {  	v16 =	vld.idx.msk [tilespmem:v9+s31+$0x0], $0xffff  }
0x340: {  	v17 =	vld.idx.msk [tilespmem:v10+s0+$0x0], $0xffff;
	_ =	sdelay $0x4  }
0x341: {  	v16 =	vadd.f32 v17, v16;
	_ =	sdelay $0x1  }
0x342: {  	v17 =	vmul.f32 $2.000000030e-01, v16  }
0x343: {  	vm14 =	vge.f32 v16, $0.0e+00  }
0x344: {  	v16 =	vsel vm14, v16, v17  }
0x345: {  	v16 =	vmin.f32 v16, $6.000000000e+01  }
0x346: {  	v16 =	vmul.f32 $1.442695020e+00, v16;
	_ =	sdelay $0x1  }
0x347: {  	(erf) = vpow2.f32 v16;
	_ =	sdelay $0x8  }
0x348: {  	v16 =	vpop (erf)  }
0x349: {  	v16 =	vmul.f32 v16, v15;
	_ =	sdelay $0x1  }
0x34a: {  	[tilespmem:v11+s23+$0x0] =	vst.idx.msk $0xffff, v16  }
0x34b: {  	v16 =	vld.idx.msk [tilespmem:v12+s31+$0x0], $0xffff  }
0x34c: {  	v17 =	vld.idx.msk [tilespmem:v13+s0+$0x0], $0xffff;
	_ =	sdelay $0x4  }
0x34d: {  	v16 =	vadd.f32 v17, v16;
	_ =	sdelay $0x1  }
0x34e: {  	v17 =	vmul.f32 $2.000000030e-01, v16  }
0x34f: {  	vm15 =	vge.f32 v16, $0.0e+00  }
0x350: {  	v16 =	vsel vm15, v16, v17  }
0x351: {  	v16 =	vmin.f32 v16, $6.000000000e+01  }
0x352: {  	v16 =	vmul.f32 $1.442695020e+00, v16;
	_ =	sdelay $0x1  }
0x353: {  	(erf) = vpow2.f32 v16;
	_ =	sdelay $0x8  }
0x354: {  	v16 =	vpop (erf)  }
0x355: {  	v15 =	vmul.f32 v16, v15;
	_ =	sdelay $0x1  }
0x356: {  	[tilespmem:v14+s23+$0x0] =	vst.idx.msk $0xffff, v15  }
0x357: {  	_ =	swait.ge [sflag:s30], $0x4000  }
0x358: {  	[sflag:s30] =	ssyncset.done $0x0  }
0x359: {  	s15 =	simm.s32 $0x52A0;
	[sflag:s30] =	ssyncadd.s32 $0xFFFFC000  }
0x35a: {  	v15 =	vld [tilespmem:s15+$0xFFFFFF60]  }
0x35b: {  	s16 =	simm.s32 $0x1280  }
0x35c: {  	v16 =	vld [tilespmem:s16+$0xFFFFFF00];
	_ =	sdelay $0x2  }
0x35d: {  	v17 =	vbroadcast v15, $0x0;
	_ =	sdelay $0x1  }
0x35e: {  	v16 =	vmul.f32 v17, v16;
	_ =	sdelay $0x1  }
0x35f: {  	[tilespmem:s15+$0xFFFFFEE0] =	vst v16  }
0x360: {  	v16 =	vld [tilespmem:s16+$0xFFFFFF10];
	_ =	sdelay $0x4  }
0x361: {  	v16 =	vmul.f32 v16, v17;
	_ =	sdelay $0x1  }
0x362: {  	[tilespmem:s15+$0xFFFFFEF0] =	vst v16  }
0x363: {  	v16 =	vld [tilespmem:s16+$0xFFFFFF20];
	_ =	sdelay $0x2  }
0x364: {  	v17 =	vbroadcast v15, $0x1;
	_ =	sdelay $0x1  }
0x365: {  	v16 =	vmul.f32 v16, v17;
	_ =	sdelay $0x1  }
0x366: {  	[tilespmem:s15+$0xFFFFFF00] =	vst v16  }
0x367: {  	v16 =	vld [tilespmem:s16+$0xFFFFFF30];
	_ =	sdelay $0x4  }
0x368: {  	v16 =	vmul.f32 v16, v17;
	_ =	sdelay $0x1  }
0x369: {  	[tilespmem:s15+$0xFFFFFF10] =	vst v16  }
0x36a: {  	v16 =	vld [tilespmem:s16+$0xFFFFFF40];
	_ =	sdelay $0x2  }
0x36b: {  	v17 =	vbroadcast v15, $0x2;
	_ =	sdelay $0x1  }
0x36c: {  	v16 =	vmul.f32 v16, v17;
	_ =	sdelay $0x1  }
0x36d: {  	[tilespmem:s15+$0xFFFFFF20] =	vst v16  }
0x36e: {  	v16 =	vld [tilespmem:s16+$0xFFFFFF50];
	_ =	sdelay $0x4  }
0x36f: {  	v16 =	vmul.f32 v16, v17;
	_ =	sdelay $0x1  }
0x370: {  	[tilespmem:s15+$0xFFFFFF30] =	vst v16  }
0x371: {  	v16 =	vld [tilespmem:s16+$0xFFFFFF60];
	_ =	sdelay $0x2  }
0x372: {  	v15 =	vbroadcast v15, $0x3;
	_ =	sdelay $0x1  }
0x373: {  	v16 =	vmul.f32 v16, v15;
	_ =	sdelay $0x1  }
0x374: {  	[tilespmem:s15+$0xFFFFFF40] =	vst v16  }
0x375: {  	v16 =	vld [tilespmem:s16+$0xFFFFFF70];
	_ =	sdelay $0x4  }
0x376: {  	v15 =	vmul.f32 v16, v15  }
0x377: {  	v16 =	vld [tilespmem:s15+$0xFFFFFFF0]  }
0x378: {  	[tilespmem:s15+$0xFFFFFF50] =	vst v15  }
0x379: {  	v15 =	vld [tilespmem:s16+$0xFFFFFF80];
	_ =	sdelay $0x2  }
0x37a: {  	v17 =	vbroadcast v16, $0x0;
	_ =	sdelay $0x1  }
0x37b: {  	v15 =	vmul.f32 v17, v15;
	_ =	sdelay $0x1  }
0x37c: {  	[tilespmem:s15+$0xFFFFFF70] =	vst v15  }
0x37d: {  	v15 =	vld [tilespmem:s16+$0xFFFFFF90];
	_ =	sdelay $0x4  }
0x37e: {  	v15 =	vmul.f32 v15, v17;
	_ =	sdelay $0x1  }
0x37f: {  	[tilespmem:s15+$0xFFFFFF80] =	vst v15  }
0x380: {  	v15 =	vld [tilespmem:s16+$0xFFFFFFA0];
	_ =	sdelay $0x2  }
0x381: {  	v17 =	vbroadcast v16, $0x1;
	_ =	sdelay $0x1  }
0x382: {  	v15 =	vmul.f32 v15, v17;
	_ =	sdelay $0x1  }
0x383: {  	[tilespmem:s15+$0xFFFFFF90] =	vst v15  }
0x384: {  	v15 =	vld [tilespmem:s16+$0xFFFFFFB0];
	_ =	sdelay $0x4  }
0x385: {  	v15 =	vmul.f32 v15, v17;
	_ =	sdelay $0x1  }
0x386: {  	[tilespmem:s15+$0xFFFFFFA0] =	vst v15  }
0x387: {  	v15 =	vld [tilespmem:s16+$0xFFFFFFC0];
	_ =	sdelay $0x2  }
0x388: {  	v17 =	vbroadcast v16, $0x2;
	_ =	sdelay $0x1  }
0x389: {  	v15 =	vmul.f32 v15, v17;
	_ =	sdelay $0x1  }
0x38a: {  	[tilespmem:s15+$0xFFFFFFB0] =	vst v15  }
0x38b: {  	v15 =	vld [tilespmem:s16+$0xFFFFFFD0];
	_ =	sdelay $0x4  }
0x38c: {  	v15 =	vmul.f32 v15, v17;
	_ =	sdelay $0x1  }
0x38d: {  	[tilespmem:s15+$0xFFFFFFC0] =	vst v15  }
0x38e: {  	v15 =	vld [tilespmem:s16+$0xFFFFFFE0];
	_ =	sdelay $0x2  }
0x38f: {  	v16 =	vbroadcast v16, $0x3;
	_ =	sdelay $0x1  }
0x390: {  	v15 =	vmul.f32 v15, v16;
	_ =	sdelay $0x1  }
0x391: {  	[tilespmem:s15+$0xFFFFFFD0] =	vst v15  }
0x392: {  	v15 =	vld [tilespmem:s16+$0xFFFFFFF0];
	_ =	sdelay $0x4  }
0x393: {  	v15 =	vmul.f32 v15, v16  }
0x394: {  	v16 =	vld [tilespmem:s15+$0x80]  }
0x395: {  	[tilespmem:s15+$0xFFFFFFE0] =	vst v15  }
0x396: {  	v15 =	vld [tilespmem:s16+$0x0];
	_ =	sdelay $0x2  }
0x397: {  	v17 =	vbroadcast v16, $0x0;
	_ =	sdelay $0x1  }
0x398: {  	v15 =	vmul.f32 v17, v15;
	_ =	sdelay $0x1  }
0x399: {  	[tilespmem:s15+$0x0] =	vst v15  }
0x39a: {  	v15 =	vld [tilespmem:s16+$0x10];
	_ =	sdelay $0x4  }
0x39b: {  	v15 =	vmul.f32 v15, v17;
	_ =	sdelay $0x1  }
0x39c: {  	[tilespmem:s15+$0x10] =	vst v15  }
0x39d: {  	v15 =	vld [tilespmem:s16+$0x20];
	_ =	sdelay $0x2  }
0x39e: {  	v17 =	vbroadcast v16, $0x1;
	_ =	sdelay $0x1  }
0x39f: {  	v15 =	vmul.f32 v15, v17;
	_ =	sdelay $0x1  }
0x3a0: {  	[tilespmem:s15+$0x20] =	vst v15  }
0x3a1: {  	v15 =	vld [tilespmem:s16+$0x30];
	_ =	sdelay $0x4  }
0x3a2: {  	v15 =	vmul.f32 v15, v17;
	_ =	sdelay $0x1  }
0x3a3: {  	[tilespmem:s15+$0x30] =	vst v15  }
0x3a4: {  	v15 =	vld [tilespmem:s16+$0x40];
	_ =	sdelay $0x2  }
0x3a5: {  	v17 =	vbroadcast v16, $0x2;
	_ =	sdelay $0x1  }
0x3a6: {  	v15 =	vmul.f32 v15, v17;
	_ =	sdelay $0x1  }
0x3a7: {  	[tilespmem:s15+$0x40] =	vst v15  }
0x3a8: {  	v15 =	vld [tilespmem:s16+$0x50];
	_ =	sdelay $0x4  }
0x3a9: {  	v15 =	vmul.f32 v15, v17;
	_ =	sdelay $0x1  }
0x3aa: {  	[tilespmem:s15+$0x50] =	vst v15  }
0x3ab: {  	v15 =	vld [tilespmem:s16+$0x60];
	_ =	sdelay $0x2  }
0x3ac: {  	v16 =	vbroadcast v16, $0x3;
	_ =	sdelay $0x1  }
0x3ad: {  	v15 =	vmul.f32 v15, v16;
	_ =	sdelay $0x1  }
0x3ae: {  	[tilespmem:s15+$0x60] =	vst v15  }
0x3af: {  	v15 =	vld [tilespmem:s16+$0x70];
	_ =	sdelay $0x4  }
0x3b0: {  	v15 =	vmul.f32 v15, v16  }
0x3b1: {  	v16 =	vld [tilespmem:s15+$0x110]  }
0x3b2: {  	[tilespmem:s15+$0x70] =	vst v15  }
0x3b3: {  	v15 =	vld [tilespmem:s16+$0x80];
	_ =	sdelay $0x2  }
0x3b4: {  	v17 =	vbroadcast v16, $0x0;
	_ =	sdelay $0x1  }
0x3b5: {  	v15 =	vmul.f32 v17, v15;
	_ =	sdelay $0x1  }
0x3b6: {  	[tilespmem:s15+$0x90] =	vst v15  }
0x3b7: {  	v15 =	vld [tilespmem:s16+$0x90];
	_ =	sdelay $0x4  }
0x3b8: {  	v15 =	vmul.f32 v15, v17;
	_ =	sdelay $0x1  }
0x3b9: {  	[tilespmem:s15+$0xA0] =	vst v15  }
0x3ba: {  	v15 =	vld [tilespmem:s16+$0xA0];
	_ =	sdelay $0x2  }
0x3bb: {  	v17 =	vbroadcast v16, $0x1;
	_ =	sdelay $0x1  }
0x3bc: {  	v15 =	vmul.f32 v15, v17;
	_ =	sdelay $0x1  }
0x3bd: {  	[tilespmem:s15+$0xB0] =	vst v15  }
0x3be: {  	v15 =	vld [tilespmem:s16+$0xB0];
	_ =	sdelay $0x4  }
0x3bf: {  	v15 =	vmul.f32 v15, v17;
	_ =	sdelay $0x1  }
0x3c0: {  	[tilespmem:s15+$0xC0] =	vst v15  }
0x3c1: {  	v15 =	vld [tilespmem:s16+$0xC0];
	_ =	sdelay $0x2  }
0x3c2: {  	v17 =	vbroadcast v16, $0x2;
	_ =	sdelay $0x1  }
0x3c3: {  	v15 =	vmul.f32 v15, v17;
	_ =	sdelay $0x1  }
0x3c4: {  	[tilespmem:s15+$0xD0] =	vst v15  }
0x3c5: {  	v15 =	vld [tilespmem:s16+$0xD0];
	_ =	sdelay $0x4  }
0x3c6: {  	v15 =	vmul.f32 v15, v17;
	_ =	sdelay $0x1  }
0x3c7: {  	[tilespmem:s15+$0xE0] =	vst v15  }
0x3c8: {  	v15 =	vld [tilespmem:s16+$0xE0];
	_ =	sdelay $0x2  }
0x3c9: {  	v16 =	vbroadcast v16, $0x3;
	_ =	sdelay $0x1  }
0x3ca: {  	v15 =	vmul.f32 v15, v16;
	_ =	sdelay $0x1  }
0x3cb: {  	[tilespmem:s15+$0xF0] =	vst v15  }
0x3cc: {  	v15 =	vld [tilespmem:s16+$0xF0];
	_ =	sdelay $0x4  }
0x3cd: {  	s17 =	simm.s32 $0x0;
	s18 =	simm.s32 $0x54E0;
	v63 =	vmul.f32 v15, v16  }
.LBB2_12:
0x3ce: {  	v15 =	vld [tilespmem:s18+$0xFFFFFF60];
	s17 =	sadd.s32 $0x4, s17  }
0x3cf: {  	s16 =	sadd.s32 $0x200, s16;
	p0 =	slt.u32 s17, $0xC;
	[tilespmem:s15+$0x100] =	vst v63;
	s15 =	smov.u32 s18  }
0x3d0: {  	v16 =	vld [tilespmem:s16+$0xFFFFFF00];
	_ =	sdelay $0x2  }
0x3d1: {  	v17 =	vbroadcast v15, $0x0;
	_ =	sdelay $0x1  }
0x3d2: {  	v16 =	vmul.f32 v17, v16;
	_ =	sdelay $0x1  }
0x3d3: {  	[tilespmem:s18+$0xFFFFFEE0] =	vst v16  }
0x3d4: {  	v16 =	vld [tilespmem:s16+$0xFFFFFF10];
	_ =	sdelay $0x4  }
0x3d5: {  	v16 =	vmul.f32 v16, v17;
	_ =	sdelay $0x1  }
0x3d6: {  	[tilespmem:s18+$0xFFFFFEF0] =	vst v16  }
0x3d7: {  	v16 =	vld [tilespmem:s16+$0xFFFFFF20];
	_ =	sdelay $0x2  }
0x3d8: {  	v17 =	vbroadcast v15, $0x1;
	_ =	sdelay $0x1  }
0x3d9: {  	v16 =	vmul.f32 v16, v17;
	_ =	sdelay $0x1  }
0x3da: {  	[tilespmem:s18+$0xFFFFFF00] =	vst v16  }
0x3db: {  	v16 =	vld [tilespmem:s16+$0xFFFFFF30];
	_ =	sdelay $0x4  }
0x3dc: {  	v16 =	vmul.f32 v16, v17;
	_ =	sdelay $0x1  }
0x3dd: {  	[tilespmem:s18+$0xFFFFFF10] =	vst v16  }
0x3de: {  	v16 =	vld [tilespmem:s16+$0xFFFFFF40];
	_ =	sdelay $0x2  }
0x3df: {  	v17 =	vbroadcast v15, $0x2;
	_ =	sdelay $0x1  }
0x3e0: {  	v16 =	vmul.f32 v16, v17;
	_ =	sdelay $0x1  }
0x3e1: {  	[tilespmem:s18+$0xFFFFFF20] =	vst v16  }
0x3e2: {  	v16 =	vld [tilespmem:s16+$0xFFFFFF50];
	_ =	sdelay $0x4  }
0x3e3: {  	v16 =	vmul.f32 v16, v17;
	_ =	sdelay $0x1  }
0x3e4: {  	[tilespmem:s18+$0xFFFFFF30] =	vst v16  }
0x3e5: {  	v16 =	vld [tilespmem:s16+$0xFFFFFF60];
	_ =	sdelay $0x2  }
0x3e6: {  	v15 =	vbroadcast v15, $0x3;
	_ =	sdelay $0x1  }
0x3e7: {  	v16 =	vmul.f32 v16, v15;
	_ =	sdelay $0x1  }
0x3e8: {  	[tilespmem:s18+$0xFFFFFF40] =	vst v16  }
0x3e9: {  	v16 =	vld [tilespmem:s16+$0xFFFFFF70];
	_ =	sdelay $0x4  }
0x3ea: {  	v15 =	vmul.f32 v16, v15  }
0x3eb: {  	v16 =	vld [tilespmem:s18+$0xFFFFFFF0]  }
0x3ec: {  	[tilespmem:s18+$0xFFFFFF50] =	vst v15  }
0x3ed: {  	v15 =	vld [tilespmem:s16+$0xFFFFFF80];
	_ =	sdelay $0x2  }
0x3ee: {  	v17 =	vbroadcast v16, $0x0;
	_ =	sdelay $0x1  }
0x3ef: {  	v15 =	vmul.f32 v17, v15;
	_ =	sdelay $0x1  }
0x3f0: {  	[tilespmem:s18+$0xFFFFFF70] =	vst v15  }
0x3f1: {  	v15 =	vld [tilespmem:s16+$0xFFFFFF90];
	_ =	sdelay $0x4  }
0x3f2: {  	v15 =	vmul.f32 v15, v17;
	_ =	sdelay $0x1  }
0x3f3: {  	[tilespmem:s18+$0xFFFFFF80] =	vst v15  }
0x3f4: {  	v15 =	vld [tilespmem:s16+$0xFFFFFFA0];
	_ =	sdelay $0x2  }
0x3f5: {  	v17 =	vbroadcast v16, $0x1;
	_ =	sdelay $0x1  }
0x3f6: {  	v15 =	vmul.f32 v15, v17;
	_ =	sdelay $0x1  }
0x3f7: {  	[tilespmem:s18+$0xFFFFFF90] =	vst v15  }
0x3f8: {  	v15 =	vld [tilespmem:s16+$0xFFFFFFB0];
	_ =	sdelay $0x4  }
0x3f9: {  	v15 =	vmul.f32 v15, v17;
	_ =	sdelay $0x1  }
0x3fa: {  	[tilespmem:s18+$0xFFFFFFA0] =	vst v15  }
0x3fb: {  	v15 =	vld [tilespmem:s16+$0xFFFFFFC0];
	_ =	sdelay $0x2  }
0x3fc: {  	v17 =	vbroadcast v16, $0x2;
	_ =	sdelay $0x1  }
0x3fd: {  	v15 =	vmul.f32 v15, v17;
	_ =	sdelay $0x1  }
0x3fe: {  	[tilespmem:s18+$0xFFFFFFB0] =	vst v15  }
0x3ff: {  	v15 =	vld [tilespmem:s16+$0xFFFFFFD0];
	_ =	sdelay $0x4  }
0x400: {  	v15 =	vmul.f32 v15, v17;
	_ =	sdelay $0x1  }
0x401: {  	[tilespmem:s18+$0xFFFFFFC0] =	vst v15  }
0x402: {  	v15 =	vld [tilespmem:s16+$0xFFFFFFE0];
	_ =	sdelay $0x2  }
0x403: {  	v16 =	vbroadcast v16, $0x3;
	_ =	sdelay $0x1  }
0x404: {  	v15 =	vmul.f32 v15, v16;
	_ =	sdelay $0x1  }
0x405: {  	[tilespmem:s18+$0xFFFFFFD0] =	vst v15  }
0x406: {  	v15 =	vld [tilespmem:s16+$0xFFFFFFF0];
	_ =	sdelay $0x4  }
0x407: {  	v15 =	vmul.f32 v15, v16  }
0x408: {  	v16 =	vld [tilespmem:s18+$0x80]  }
0x409: {  	[tilespmem:s18+$0xFFFFFFE0] =	vst v15  }
0x40a: {  	v15 =	vld [tilespmem:s16+$0x0];
	_ =	sdelay $0x2  }
0x40b: {  	v17 =	vbroadcast v16, $0x0;
	_ =	sdelay $0x1  }
0x40c: {  	v15 =	vmul.f32 v17, v15;
	_ =	sdelay $0x1  }
0x40d: {  	[tilespmem:s18+$0x0] =	vst v15  }
0x40e: {  	v15 =	vld [tilespmem:s16+$0x10];
	_ =	sdelay $0x4  }
0x40f: {  	v15 =	vmul.f32 v15, v17;
	_ =	sdelay $0x1  }
0x410: {  	[tilespmem:s18+$0x10] =	vst v15  }
0x411: {  	v15 =	vld [tilespmem:s16+$0x20];
	_ =	sdelay $0x2  }
0x412: {  	v17 =	vbroadcast v16, $0x1;
	_ =	sdelay $0x1  }
0x413: {  	v15 =	vmul.f32 v15, v17;
	_ =	sdelay $0x1  }
0x414: {  	[tilespmem:s18+$0x20] =	vst v15  }
0x415: {  	v15 =	vld [tilespmem:s16+$0x30];
	_ =	sdelay $0x4  }
0x416: {  	v15 =	vmul.f32 v15, v17;
	_ =	sdelay $0x1  }
0x417: {  	[tilespmem:s18+$0x30] =	vst v15  }
0x418: {  	v15 =	vld [tilespmem:s16+$0x40];
	_ =	sdelay $0x2  }
0x419: {  	v17 =	vbroadcast v16, $0x2;
	_ =	sdelay $0x1  }
0x41a: {  	v15 =	vmul.f32 v15, v17;
	_ =	sdelay $0x1  }
0x41b: {  	[tilespmem:s18+$0x40] =	vst v15  }
0x41c: {  	v15 =	vld [tilespmem:s16+$0x50];
	_ =	sdelay $0x4  }
0x41d: {  	v15 =	vmul.f32 v15, v17;
	_ =	sdelay $0x1  }
0x41e: {  	[tilespmem:s18+$0x50] =	vst v15  }
0x41f: {  	v15 =	vld [tilespmem:s16+$0x60];
	_ =	sdelay $0x2  }
0x420: {  	v16 =	vbroadcast v16, $0x3;
	_ =	sdelay $0x1  }
0x421: {  	v15 =	vmul.f32 v15, v16;
	_ =	sdelay $0x1  }
0x422: {  	[tilespmem:s18+$0x60] =	vst v15  }
0x423: {  	v15 =	vld [tilespmem:s16+$0x70];
	_ =	sdelay $0x4  }
0x424: {  	v15 =	vmul.f32 v15, v16  }
0x425: {  	v16 =	vld [tilespmem:s18+$0x110]  }
0x426: {  	[tilespmem:s18+$0x70] =	vst v15  }
0x427: {  	v15 =	vld [tilespmem:s16+$0x80];
	_ =	sdelay $0x2  }
0x428: {  	v17 =	vbroadcast v16, $0x0;
	_ =	sdelay $0x1  }
0x429: {  	v15 =	vmul.f32 v17, v15;
	_ =	sdelay $0x1  }
0x42a: {  	[tilespmem:s18+$0x90] =	vst v15  }
0x42b: {  	v15 =	vld [tilespmem:s16+$0x90];
	_ =	sdelay $0x4  }
0x42c: {  	v15 =	vmul.f32 v15, v17;
	_ =	sdelay $0x1  }
0x42d: {  	[tilespmem:s18+$0xA0] =	vst v15  }
0x42e: {  	v15 =	vld [tilespmem:s16+$0xA0];
	_ =	sdelay $0x2  }
0x42f: {  	v17 =	vbroadcast v16, $0x1;
	_ =	sdelay $0x1  }
0x430: {  	v15 =	vmul.f32 v15, v17;
	_ =	sdelay $0x1  }
0x431: {  	[tilespmem:s18+$0xB0] =	vst v15  }
0x432: {  	v15 =	vld [tilespmem:s16+$0xB0];
	_ =	sdelay $0x4  }
0x433: {  	v15 =	vmul.f32 v15, v17;
	_ =	sdelay $0x1  }
0x434: {  	[tilespmem:s18+$0xC0] =	vst v15  }
0x435: {  	v15 =	vld [tilespmem:s16+$0xC0];
	_ =	sdelay $0x2  }
0x436: {  	v17 =	vbroadcast v16, $0x2;
	_ =	sdelay $0x1  }
0x437: {  	v15 =	vmul.f32 v15, v17;
	_ =	sdelay $0x1  }
0x438: {  	[tilespmem:s18+$0xD0] =	vst v15  }
0x439: {  	v15 =	vld [tilespmem:s16+$0xD0];
	_ =	sdelay $0x4  }
0x43a: {  	v15 =	vmul.f32 v15, v17;
	_ =	sdelay $0x1  }
0x43b: {  	[tilespmem:s18+$0xE0] =	vst v15  }
0x43c: {  	v15 =	vld [tilespmem:s16+$0xE0];
	_ =	sdelay $0x2  }
0x43d: {  	v16 =	vbroadcast v16, $0x3;
	_ =	sdelay $0x1  }
0x43e: {  	v15 =	vmul.f32 v15, v16;
	_ =	sdelay $0x1  }
0x43f: {  	[tilespmem:s18+$0xF0] =	vst v15  }
0x440: {  	v15 =	vld [tilespmem:s16+$0xF0]  }
.Ltmp5:
0x441: {  	(pc) =	sbr.rel @p0 .LBB2_12-.Ltmp5, $2  }
0x442: {  	_ =	sdelay $0x2  }
0x443: {  	s18 =	sadd.s32 $0x240, s18;
	v63 =	vmul.f32 v15, v16  }
0x444: {  	_ = 	snop  }
0x445: {  	[tilespmem:s15+$0x100] =	vst v63  }
0x446: {  	[spmem:s3] =	stream.indirect.scatter.add.f32 [tilespmem:s23], [sflag:$0x4], $0x90, s25, s25, $0xb8;
	[tilespmem:$0x1F910] =	vst v63  }
0x447: {  	_ =	swait.ge [sflag:s24], $0x4800  }
0x448: {  	[sflag:s24] =	ssyncset.done $0x0  }
0x449: {  	s17 =	stileid.u32;
	[sflag:s24] =	ssyncadd.s32 $0xFFFFB800  }
0x44a: {  	s15 =	sshll.u32 s17, $0x6;
	[bflag:$0x0] =	sbarrier.arrive $0xFFFF  }
0x44b: {  	s16 =	sshrl.u32 s9, $0x3;
	s15 =	sor.u32 $0x1C04, s15;
	s17 =	rddreg [dreg:$0x8]  }
0x44c: {  	[hbm:s17], [sflag:s15] =	dma.local [spmem:s16], $0x900  }
0x44d: {  	_ =	swait.ge [sflag:s24], $0x900  }
0x44e: {  	[sflag:s24] =	ssyncset.done $0x0  }
0x44f: {  	s18 =	sshrl.u32 s10, $0x3;
	s19 =	rddreg [dreg:$0x9];
	[sflag:s24] =	ssyncadd.s32 $0xFFFFF700  }
0x450: {  	[hbm:s19], [sflag:s15] =	dma.local [spmem:s18], $0x900  }
0x451: {  	_ =	swait.ge [sflag:s24], $0x900  }
0x452: {  	[sflag:s24] =	ssyncset.done $0x0  }
0x453: {  	s18 =	sshrl.u32 s11, $0x3;
	s19 =	rddreg [dreg:$0xa];
	[sflag:s24] =	ssyncadd.s32 $0xFFFFF700  }
0x454: {  	[hbm:s19], [sflag:s15] =	dma.local [spmem:s18], $0x900  }
0x455: {  	_ =	swait.ge [sflag:s24], $0x900  }
0x456: {  	[sflag:s24] =	ssyncset.done $0x0  }
0x457: {  	s18 =	sshrl.u32 s12, $0x3;
	[sflag:s24] =	ssyncadd.s32 $0xFFFFF700  }
0x458: {  	[hbm:s20], [sflag:s15] =	dma.local [spmem:s18], $0x900  }
0x459: {  	s14 =	sadd.s32 $0x1, s14;
	_ =	swait.ge [sflag:s24], $0x900  }
0x45a: {  	p0 =	sne.s32 s14, s22;
	[sflag:s24] =	ssyncset.done $0x0  }
.Ltmp6:
0x45b: {  	s19 =	sshrl.u32 s13, $0x3;
	[sflag:s24] =	ssyncadd.s32 $0xFFFFF700;
	(pc) =	sbr.rel @p0 .LBB2_1-.Ltmp6, $4  }
0x45c: {  	[hbm:s21], [sflag:s15] =	dma.local [spmem:s19], $0x7F2  }
0x45d: {  	_ =	swait.ge [sflag:s24], $0x7F2  }
0x45e: {  	[sflag:s24] =	ssyncset.done $0x0  }
0x45f: {  	[sflag:s24] =	ssyncadd.s32 $0xFFFFF80E  }
0x460: {  	_ =	sfence.sel $0x180000  }
0x461: {  	[bflag:$0x0] =	sbarrier.arrive $0xFFFF  }
0x462: {  	_ =	strace $0x90000047  }
0x463: {  	s0 =	stileid.u32;
	[bflag:$0x2] =	sbarrier.arrive $0xFFFF  }
0x464: {  	p0 =	sne.s32 s0, $0x0;
	s0 =	rddreg [dreg:$0x4]  }
0x465: {  	s0 =	sadd.s32 @!p0 $0x100000, s0  }
0x466: {  	[sflag:s0] =	ssyncadd.tile.s32 @!p0 $0x1;
	_ =	shalt  }
.Lfunc_end2:
_tile_overlayer_lowered:
.L_overlay_start_2:
0x467: {  	(tag) =	ssettag $0x2  }
0x468: {  	s0 =	rddreg [dreg:$0x0];
	s2 =	stileid.u32  }
0x469: {  	s1 =	rddreg [dreg:$0x1];
	p0 =	sne.s32 s2, $0x0  }
0x46a: {  	s3 =	rddreg [dreg:$0x2];
	[bflag:$0x3] =	sbarrier.arrive $0xFFFF;
	s2 =	simm.s32 @!p0 $0x1C04  }
0x46b: {  	[timem:s3], [sflag:s2] =	dma.local @!p0 [hbm:s0], s1  }
0x46c: {  	s0 =	simm.s32 @!p0 $0x4  }
0x46d: {  	_ =	swait.ge @!p0 [sflag:s0], s1  }
0x46e: {  	s1 =	ssub.s32 @!p0 $0x0, s1;
	[sflag:s0] =	ssyncset.done @!p0 $0x0  }
0x46f: {  	[sflag:s0] =	ssyncadd.s32 @!p0 s1  }
0x470: {  	[bflag:$0x3] =	sbarrier.arrive $0xFFFF  }
0x471: {  	_ =	shalt  }

</sc_bundles>
